<compile_context>
chip_gen: v7x
topology: tpu7x:2x2x1
jax: 0.10.2.dev20260603
libtpu: 0.0.44.dev20260713+nightly
codegen_flags: <defaults>
</compile_context>

<pallas_src>
import functools

import jax
import jax.numpy as jnp
from jax import lax
from jax.experimental import pallas as pl
from jax.experimental.pallas import tpu as pltpu
from jax.experimental.pallas import tpu_sc as plsc

T = 2048
D = 1024
F = 4096
E = 8
BM = 256
NB = T * 2 // BM + E
NPAD = NB * BM
NW = 32
TPW = T // NW
CH = 16
CHUNK = 256


def _router_body(x_ref, rw_ref, p0_ref, p1_ref, g0_ref, g1_ref, ba_ref):
    x = x_ref[...]
    rw = rw_ref[...]
    logits = lax.dot_general(x, rw, (((1,), (1,)), ((), ())),
                             preferred_element_type=jnp.float32)
    iota = lax.broadcasted_iota(jnp.int32, logits.shape, 1)
    m1 = jnp.max(logits, axis=1, keepdims=True)
    i1 = jnp.min(jnp.where(logits == m1, iota, E), axis=1, keepdims=True)
    oh0 = (iota == i1)
    l2 = jnp.where(oh0, -jnp.inf, logits)
    m2 = jnp.max(l2, axis=1, keepdims=True)
    i2 = jnp.min(jnp.where(l2 == m2, iota, E), axis=1, keepdims=True)
    oh1 = (iota == i2)
    g1 = 1.0 / (1.0 + jnp.exp(m2 - m1))
    g0_ref[...] = jnp.broadcast_to(g1, (T, 16))
    g1_ref[...] = jnp.broadcast_to(1.0 - g1, (T, 16))

    oh0f = oh0.astype(jnp.float32)
    oh1f = oh1.astype(jnp.float32)
    oh = oh0f + oh1f

    r = lax.broadcasted_iota(jnp.int32, (CHUNK, CHUNK), 0)
    c = lax.broadcasted_iota(jnp.int32, (CHUNK, CHUNK), 1)
    tri = (r >= c).astype(jnp.float32)
    nch = T // CHUNK
    incs = []
    for ci in range(nch):
        oh_c = lax.slice(oh, (ci * CHUNK, 0), ((ci + 1) * CHUNK, E))
        incs.append(lax.dot_general(tri, oh_c, (((1,), (0,)), ((), ())),
                                    preferred_element_type=jnp.float32))
    tot = jnp.concatenate(
        [lax.slice(inc, (CHUNK - 1, 0), (CHUNK, E)) for inc in incs], axis=0)
    r8 = lax.broadcasted_iota(jnp.int32, (nch, nch), 0)
    c8 = lax.broadcasted_iota(jnp.int32, (nch, nch), 1)
    strict8 = (r8 < c8).astype(jnp.float32)
    chunk_excl = lax.dot_general(strict8, tot, (((0,), (0,)), ((), ())),
                                 preferred_element_type=jnp.float32)
    counts = jnp.sum(tot, axis=0, keepdims=True)

    nblk = jnp.floor((counts + (BM - 1)) * (1.0 / BM))
    rE = lax.broadcasted_iota(jnp.int32, (E, E), 0)
    cE = lax.broadcasted_iota(jnp.int32, (E, E), 1)
    strictE = (rE < cE).astype(jnp.float32)
    blk_off = lax.dot_general(nblk, strictE, (((1,), (0,)), ((), ())),
                              preferred_element_type=jnp.float32)
    padded_off = blk_off * BM

    for ci in range(nch):
        oh_c = lax.slice(oh, (ci * CHUNK, 0), ((ci + 1) * CHUNK, E))
        oh0_c = lax.slice(oh0f, (ci * CHUNK, 0), ((ci + 1) * CHUNK, E))
        oh1_c = lax.slice(oh1f, (ci * CHUNK, 0), ((ci + 1) * CHUNK, E))
        excl_c = lax.slice(chunk_excl, (ci, 0), (ci + 1, E))
        before = incs[ci] - oh_c + excl_c + padded_off
        p0 = jnp.sum(before * oh0_c, axis=1, keepdims=True)
        p1 = jnp.sum((before + oh0_c) * oh1_c, axis=1, keepdims=True)
        sl = pl.ds(ci * CHUNK, CHUNK)
        p0_ref[sl, :] = p0.astype(jnp.int32)
        p1_ref[sl, :] = p1.astype(jnp.int32)

    blk_offT = lax.dot_general(jnp.eye(E, dtype=jnp.float32), blk_off,
                               (((1,), (1,)), ((), ())),
                               preferred_element_type=jnp.float32)
    biota = lax.broadcasted_iota(jnp.int32, (E, NB), 1).astype(jnp.float32)
    ge = (biota >= blk_offT).astype(jnp.float32)
    be = jnp.sum(ge, axis=0, keepdims=True) - 1.0
    total = jnp.sum(nblk, axis=1, keepdims=True)
    trow = jnp.broadcast_to(total, (1, NB))
    ba_ref[...] = jnp.concatenate([be, trow], axis=0).astype(jnp.int32)


def _router(flat, router_w):
    return pl.pallas_call(
        _router_body,
        out_shape=(jax.ShapeDtypeStruct((T, 1), jnp.int32),
                   jax.ShapeDtypeStruct((T, 1), jnp.int32),
                   jax.ShapeDtypeStruct((T, 16), jnp.float32),
                   jax.ShapeDtypeStruct((T, 16), jnp.float32),
                   jax.ShapeDtypeStruct((2, NB), jnp.int32)),
    )(flat, router_w)


def _sc_mesh():
    return plsc.VectorSubcoreMesh(core_axis_name="c", subcore_axis_name="s")


def _dispatch(flat, pos0, pos1):
    @functools.partial(
        pl.kernel,
        mesh=_sc_mesh(),
        out_type=jax.ShapeDtypeStruct((NPAD, D), jnp.float32),
        scratch_types=[
            pltpu.VMEM((TPW,), jnp.int32),
            pltpu.VMEM((TPW,), jnp.int32),
            pltpu.VMEM((TPW, D), jnp.float32),
            pltpu.SemaphoreType.DMA,
        ],
    )
    def k(flat_hbm, p0_hbm, p1_hbm, xg_hbm, i0_v, i1_v, rows_v, sem):
        wid = lax.axis_index("s") * 2 + lax.axis_index("c")
        base = wid * TPW
        sl = pl.ds(base, TPW)
        pltpu.sync_copy(p0_hbm.at[sl], i0_v)
        pltpu.sync_copy(p1_hbm.at[sl], i1_v)
        pltpu.sync_copy(flat_hbm.at[sl], rows_v)
        a = pltpu.async_copy(rows_v, xg_hbm.at[i0_v], sem)
        b = pltpu.async_copy(rows_v, xg_hbm.at[i1_v], sem)
        a.wait()
        b.wait()

    return k(flat, pos0, pos1)


BF = 1024
NF = F // BF


def _moe_body(ba_ref, xg_ref, w1_ref, w3_ref, w2_ref, y_ref, acc_ref):
    f = pl.program_id(0)
    b = pl.program_id(1)
    sl = pl.ds(b * BM, BM)

    xb = xg_ref[...]
    a = lax.dot_general(xb, w1_ref[0], (((1,), (1,)), ((), ())),
                        preferred_element_type=jnp.float32)
    c = lax.dot_general(xb, w3_ref[0], (((1,), (1,)), ((), ())),
                        preferred_element_type=jnp.float32)
    h = (a * jax.nn.sigmoid(a)) * c
    p = lax.dot_general(h, w2_ref[0], (((1,), (1,)), ((), ())),
                        preferred_element_type=jnp.float32)

    @pl.when(f == 0)
    def _():
        acc_ref[sl, :] = p

    @pl.when(f > 0)
    def _():
        acc_ref[sl, :] += p

    @pl.when(f == NF - 1)
    def _():
        y_ref[...] = acc_ref[sl, :]


def _moe_outer(ba_ref, xg_hbm, w1_hbm, w3_hbm, w2_hbm, y_hbm, acc_ref):
    def inner(xg_ref, w1_ref, w3_ref, w2_ref, y_ref):
        _moe_body(ba_ref, xg_ref, w1_ref, w3_ref, w2_ref, y_ref, acc_ref)

    total_blocks = ba_ref[1, 0]
    look = pl.Buffered(buffer_count=3, use_lookahead=True)
    pipe = pltpu.emit_pipeline(
        inner,
        grid=(NF, total_blocks),
        in_specs=[
            pl.BlockSpec((BM, D), lambda f, b: (b, 0)),
            pl.BlockSpec((1, BF, D), lambda f, b: (ba_ref[0, b], f, 0),
                         pipeline_mode=look),
            pl.BlockSpec((1, BF, D), lambda f, b: (ba_ref[0, b], f, 0),
                         pipeline_mode=look),
            pl.BlockSpec((1, D, BF), lambda f, b: (ba_ref[0, b], 0, f),
                         pipeline_mode=pl.Buffered(buffer_count=2,
                                                   use_lookahead=True)),
        ],
        out_specs=[pl.BlockSpec(
            (BM, D), lambda f, b: (jnp.where(f == NF - 1, b, 0), 0))],
    )
    pipe(xg_hbm, w1_hbm, w3_hbm, w2_hbm, y_hbm)


def _moe(be_act, xg, w1, w3, w2):
    return pl.pallas_call(
        _moe_outer,
        in_specs=[
            pl.BlockSpec(memory_space=pltpu.SMEM),
            pl.BlockSpec(memory_space=pl.ANY),
            pl.BlockSpec(memory_space=pl.ANY),
            pl.BlockSpec(memory_space=pl.ANY),
            pl.BlockSpec(memory_space=pl.ANY),
        ],
        out_specs=pl.BlockSpec(memory_space=pl.ANY),
        scratch_shapes=[pltpu.VMEM((NPAD, D), jnp.float32)],
        out_shape=jax.ShapeDtypeStruct((NPAD, D), jnp.float32),
        compiler_params=pltpu.CompilerParams(
            vmem_limit_bytes=128 * 1024 * 1024),
    )(be_act, xg, w1, w3, w2)


def _combine(y, pos0, pos1, g0, g1):
    @functools.partial(
        pl.kernel,
        mesh=_sc_mesh(),
        out_type=jax.ShapeDtypeStruct((T, D), jnp.float32),
        scratch_types=[
            pltpu.VMEM((TPW,), jnp.int32),
            pltpu.VMEM((TPW,), jnp.int32),
            pltpu.VMEM((TPW, 16), jnp.float32),
            pltpu.VMEM((TPW, 16), jnp.float32),
            pltpu.VMEM((2, CH, D), jnp.float32),
            pltpu.VMEM((2, CH, D), jnp.float32),
            pltpu.VMEM((CH, D), jnp.float32),
            pltpu.SemaphoreType.DMA,
            pltpu.SemaphoreType.DMA,
        ],
    )
    def k(y_hbm, p0_hbm, p1_hbm, g0_hbm, g1_hbm, out_hbm,
          i0_v, i1_v, g0_v, g1_v, re_v, ro_v, out_v, sem0, sem1):
        wid = lax.axis_index("s") * 2 + lax.axis_index("c")
        base = wid * TPW
        wsl = pl.ds(base, TPW)
        pltpu.sync_copy(p0_hbm.at[wsl], i0_v)
        pltpu.sync_copy(p1_hbm.at[wsl], i1_v)
        pltpu.sync_copy(g0_hbm.at[wsl], g0_v)
        pltpu.sync_copy(g1_hbm.at[wsl], g1_v)
        nch = TPW // CH
        sems = (sem0, sem1)

        def issue(c):
            slot = c % 2
            csl = pl.ds(c * CH, CH)
            a = pltpu.async_copy(y_hbm.at[i0_v.at[csl]], re_v.at[slot],
                                 sems[slot])
            b = pltpu.async_copy(y_hbm.at[i1_v.at[csl]], ro_v.at[slot],
                                 sems[slot])
            return a, b

        pending = {0: issue(0)}
        for c in range(nch):
            slot = c % 2
            a, b = pending.pop(c)
            a.wait()
            b.wait()
            if c + 1 < nch:
                pending[c + 1] = issue(c + 1)

            @plsc.parallel_loop(0, CH * (D // 16), unroll=8)
            def _(n):
                t = lax.shift_right_logical(n, 6)
                s = pl.ds((n & (D // 16 - 1)) * 16, 16)
                out_v[t, s] = (g0_v[c * CH + t, :] * re_v[slot, t, s]
                               + g1_v[c * CH + t, :] * ro_v[slot, t, s])
            pltpu.sync_copy(out_v, out_hbm.at[pl.ds(base + c * CH, CH)])

    return k(y, pos0, pos1, g0, g1)


def kernel(x, router_w, w1, w2, w3):
    flat = x.reshape(T, D)
    p0, p1, g0, g1, be_act = _router(flat, router_w)
    p0 = p0.reshape(T)
    p1 = p1.reshape(T)
    xg = _dispatch(flat, p0, p1)
    y = _moe(be_act, xg, w1, w3, w2)
    out = _combine(y, p0, p1, g0, g1)
    return out.reshape(x.shape)

# --- scband reference (transcript-rebuilt; emitter-appended) ---
"""Pipeline reference for scband-mo-e-30906584662317 (READ-ONLY COPY).

The authoritative reference and input builder live on the scoring server;
editing this copy changes nothing except your own understanding.
"""

import jax, jax.numpy as jnp
import numpy as np

B, T, D_MODEL = 1, 2048, 1024
D_FF = 4096
E = 8
TOP_K = 2


def setup_inputs(seed: int = 0) -> dict:
    key = jax.random.key(seed)
    ks = jax.random.split(key, 5)
    x = jax.random.normal(ks[0], (B, T, D_MODEL), dtype=jnp.float32)
    router_w = jax.random.normal(ks[1], (E, D_MODEL), dtype=jnp.float32) * 0.02
    w1 = jax.random.normal(ks[2], (E, D_FF, D_MODEL), dtype=jnp.float32) * 0.02
    w2 = jax.random.normal(ks[3], (E, D_MODEL, D_FF), dtype=jnp.float32) * 0.02
    w3 = jax.random.normal(ks[4], (E, D_FF, D_MODEL), dtype=jnp.float32) * 0.02
    return {"x": x, "router_w": router_w, "w1": w1, "w2": w2, "w3": w3}


def reference(x, router_w, w1, w2, w3):
    Bx, Tx, C = x.shape
    flat = x.reshape(-1, C)
    logits = flat @ router_w.T
    weights = jax.nn.softmax(logits, axis=-1)
    weights, indices = jax.lax.top_k(weights, TOP_K)
    weights = weights / jnp.sum(weights, axis=-1, keepdims=True)
    out = jnp.zeros_like(flat)
    for i in range(E):
        mask = indices == i
        gate = jnp.sum(weights * mask.astype(weights.dtype), axis=-1)
        h = jax.nn.silu(flat @ w1[i].T) * (flat @ w3[i].T)
        yi = h @ w2[i].T
        out = out + yi * gate[:, None]
    return out.reshape(Bx, Tx, C)

if __name__ == "__main__":
    import jax
    _d = setup_inputs()
    print(jax.jit(kernel)(*tuple(_d.values())))

</pallas_src>

<mosaic_0001>
#map = affine_map<(d0, d1) -> (0, 0)>
#map1 = affine_map<(d0, d1) -> (0)>
module attributes {stable_mosaic.version = 14 : i64} {
  func.func @k(%arg0: i32, %arg1: i32, %arg2: memref<2048x1024xf32, #tpu.memory_space<hbm>>, %arg3: memref<2048xi32, #tpu.memory_space<hbm>>, %arg4: memref<2048xi32, #tpu.memory_space<hbm>>, %arg5: memref<6144x1024xf32, #tpu.memory_space<hbm>>, %arg6: memref<64xi32, #tpu.memory_space<vmem>>, %arg7: memref<64xi32, #tpu.memory_space<vmem>>, %arg8: memref<64x1024xf32, #tpu.memory_space<vmem>>, %arg9: memref<!tpu.dma_semaphore, #tpu.memory_space<semaphore_mem>>) attributes {dimension_semantics = [#tpu.dimension_semantics<core_parallel>, #tpu.dimension_semantics<subcore_parallel>], iteration_bounds = array<i64: 2, 16>, scalar_prefetch = 0 : i64, scratch_operands = 4 : i64, tpu.core_type = #tpu.core_type<sc_vector_subcore>, window_params = [{transform_indices = #map}, {transform_indices = #map1}, {transform_indices = #map1}, {transform_indices = #map}]} {
    %mul3A = arith.constant 2 : i32
    %mul3A_0 = arith.muli %arg1, %mul3A : i32
    %add3A = arith.addi %mul3A_0, %arg0 : i32
    %mul3A_1 = arith.constant 64 : i32
    %mul3A_2 = arith.muli %add3A, %mul3A_1 : i32
    "tpu.region"() ({
      %run_scoped3A = tpu.sem_alloc : memref<!tpu.dma_semaphore, #tpu.memory_space<semaphore_mem>>
      %dma_start3A_13 = tpu.memref_slice %arg3[%mul3A_2] : memref<2048xi32, #tpu.memory_space<hbm>> -> memref<64xi32, #tpu.memory_space<hbm>>
      %dma_start3A_14 = tpu.memref_slice %arg3[%mul3A_2] : memref<2048xi32, #tpu.memory_space<hbm>> -> memref<64xi32, #tpu.memory_space<hbm>>
      tpu.enqueue_dma source(%dma_start3A_14 : memref<64xi32, #tpu.memory_space<hbm>>) target(%arg6 : memref<64xi32, #tpu.memory_space<vmem>>) target_semaphore(%run_scoped3A : memref<!tpu.dma_semaphore, #tpu.memory_space<semaphore_mem>>)
      %dma_wait3A_15 = tpu.memref_slice %arg3[%mul3A_2] : memref<2048xi32, #tpu.memory_space<hbm>> -> memref<64xi32, #tpu.memory_space<hbm>>
      %dma_wait3A_16 = tpu.memref_slice %arg3[%mul3A_2] : memref<2048xi32, #tpu.memory_space<hbm>> -> memref<64xi32, #tpu.memory_space<hbm>>
      tpu.wait_dma2 semaphore(%run_scoped3A : memref<!tpu.dma_semaphore, #tpu.memory_space<semaphore_mem>>) src(%dma_wait3A_16 : memref<64xi32, #tpu.memory_space<hbm>>) dst(%arg6 : memref<64xi32, #tpu.memory_space<vmem>>)
      tpu.yield
    }) : () -> ()
    "tpu.region"() ({
      %run_scoped3A = tpu.sem_alloc : memref<!tpu.dma_semaphore, #tpu.memory_space<semaphore_mem>>
      %dma_start3A_13 = tpu.memref_slice %arg4[%mul3A_2] : memref<2048xi32, #tpu.memory_space<hbm>> -> memref<64xi32, #tpu.memory_space<hbm>>
      %dma_start3A_14 = tpu.memref_slice %arg4[%mul3A_2] : memref<2048xi32, #tpu.memory_space<hbm>> -> memref<64xi32, #tpu.memory_space<hbm>>
      tpu.enqueue_dma source(%dma_start3A_14 : memref<64xi32, #tpu.memory_space<hbm>>) target(%arg7 : memref<64xi32, #tpu.memory_space<vmem>>) target_semaphore(%run_scoped3A : memref<!tpu.dma_semaphore, #tpu.memory_space<semaphore_mem>>)
      %dma_wait3A_15 = tpu.memref_slice %arg4[%mul3A_2] : memref<2048xi32, #tpu.memory_space<hbm>> -> memref<64xi32, #tpu.memory_space<hbm>>
      %dma_wait3A_16 = tpu.memref_slice %arg4[%mul3A_2] : memref<2048xi32, #tpu.memory_space<hbm>> -> memref<64xi32, #tpu.memory_space<hbm>>
      tpu.wait_dma2 semaphore(%run_scoped3A : memref<!tpu.dma_semaphore, #tpu.memory_space<semaphore_mem>>) src(%dma_wait3A_16 : memref<64xi32, #tpu.memory_space<hbm>>) dst(%arg7 : memref<64xi32, #tpu.memory_space<vmem>>)
      tpu.yield
    }) : () -> ()
    "tpu.region"() ({
      %run_scoped3A = tpu.sem_alloc : memref<!tpu.dma_semaphore, #tpu.memory_space<semaphore_mem>>
      %dma_start3A_13 = arith.constant 0 : i32
      %dma_start3A_14 = tpu.memref_slice %arg2[%mul3A_2, %dma_start3A_13] : memref<2048x1024xf32, #tpu.memory_space<hbm>> -> memref<64x1024xf32, #tpu.memory_space<hbm>>
      %dma_start3A_15 = arith.constant 0 : i32
      %dma_start3A_16 = tpu.memref_slice %arg2[%mul3A_2, %dma_start3A_15] : memref<2048x1024xf32, #tpu.memory_space<hbm>> -> memref<64x1024xf32, #tpu.memory_space<hbm>>
      tpu.enqueue_dma source(%dma_start3A_16 : memref<64x1024xf32, #tpu.memory_space<hbm>>) target(%arg8 : memref<64x1024xf32, #tpu.memory_space<vmem>>) target_semaphore(%run_scoped3A : memref<!tpu.dma_semaphore, #tpu.memory_space<semaphore_mem>>)
      %dma_wait3A_17 = arith.constant 0 : i32
      %dma_wait3A_18 = tpu.memref_slice %arg2[%mul3A_2, %dma_wait3A_17] : memref<2048x1024xf32, #tpu.memory_space<hbm>> -> memref<64x1024xf32, #tpu.memory_space<hbm>>
      %dma_wait3A_19 = arith.constant 0 : i32
      %dma_wait3A_20 = tpu.memref_slice %arg2[%mul3A_2, %dma_wait3A_19] : memref<2048x1024xf32, #tpu.memory_space<hbm>> -> memref<64x1024xf32, #tpu.memory_space<hbm>>
      tpu.wait_dma2 semaphore(%run_scoped3A : memref<!tpu.dma_semaphore, #tpu.memory_space<semaphore_mem>>) src(%dma_wait3A_20 : memref<64x1024xf32, #tpu.memory_space<hbm>>) dst(%arg8 : memref<64x1024xf32, #tpu.memory_space<vmem>>)
      tpu.yield
    }) : () -> ()
    %dma_start3A = arith.constant 0 : i32
    %dma_start3A_3 = arith.constant 0 : i32
    %dma_start3A_4 = tpu.memref_slice %arg5[%dma_start3A, %dma_start3A_3] : memref<6144x1024xf32, #tpu.memory_space<hbm>> -> memref<6144x1024xf32, #tpu.memory_space<hbm>>
    tpu.enqueue_indirect_dma source(%arg8 : memref<64x1024xf32, #tpu.memory_space<vmem>>) target(%dma_start3A_4 : memref<6144x1024xf32, #tpu.memory_space<hbm>>) offsets(%arg6 : memref<64xi32, #tpu.memory_space<vmem>>) semaphore(%arg9 : memref<!tpu.dma_semaphore, #tpu.memory_space<semaphore_mem>>)
    %dma_start3A_5 = arith.constant 0 : i32
    %dma_start3A_6 = arith.constant 0 : i32
    %dma_start3A_7 = tpu.memref_slice %arg5[%dma_start3A_5, %dma_start3A_6] : memref<6144x1024xf32, #tpu.memory_space<hbm>> -> memref<6144x1024xf32, #tpu.memory_space<hbm>>
    tpu.enqueue_indirect_dma source(%arg8 : memref<64x1024xf32, #tpu.memory_space<vmem>>) target(%dma_start3A_7 : memref<6144x1024xf32, #tpu.memory_space<hbm>>) offsets(%arg7 : memref<64xi32, #tpu.memory_space<vmem>>) semaphore(%arg9 : memref<!tpu.dma_semaphore, #tpu.memory_space<semaphore_mem>>)
    %dma_wait3A = arith.constant 0 : i32
    %dma_wait3A_8 = arith.constant 0 : i32
    %dma_wait3A_9 = tpu.memref_slice %arg5[%dma_wait3A, %dma_wait3A_8] : memref<6144x1024xf32, #tpu.memory_space<hbm>> -> memref<6144x1024xf32, #tpu.memory_space<hbm>>
    tpu.wait_indirect_dma semaphore(%arg9 : memref<!tpu.dma_semaphore, #tpu.memory_space<semaphore_mem>>) src(%arg8 : memref<64x1024xf32, #tpu.memory_space<vmem>>) dst(%dma_wait3A_9 : memref<6144x1024xf32, #tpu.memory_space<hbm>>)
    %dma_wait3A_10 = arith.constant 0 : i32
    %dma_wait3A_11 = arith.constant 0 : i32
    %dma_wait3A_12 = tpu.memref_slice %arg5[%dma_wait3A_10, %dma_wait3A_11] : memref<6144x1024xf32, #tpu.memory_space<hbm>> -> memref<6144x1024xf32, #tpu.memory_space<hbm>>
    tpu.wait_indirect_dma semaphore(%arg9 : memref<!tpu.dma_semaphore, #tpu.memory_space<semaphore_mem>>) src(%arg8 : memref<64x1024xf32, #tpu.memory_space<vmem>>) dst(%dma_wait3A_12 : memref<6144x1024xf32, #tpu.memory_space<hbm>>)
    return
  }
}

#map = affine_map<(d0, d1) -> (0, 0)>
#map1 = affine_map<(d0, d1) -> (0)>
module attributes {stable_mosaic.version = 14 : i64} {
  func.func @k(%arg0: i32, %arg1: i32, %arg2: memref<6144x1024xf32, #tpu.memory_space<hbm>>, %arg3: memref<2048xi32, #tpu.memory_space<hbm>>, %arg4: memref<2048xi32, #tpu.memory_space<hbm>>, %arg5: memref<2048x16xf32, #tpu.memory_space<hbm>>, %arg6: memref<2048x16xf32, #tpu.memory_space<hbm>>, %arg7: memref<2048x1024xf32, #tpu.memory_space<hbm>>, %arg8: memref<64xi32, #tpu.memory_space<vmem>>, %arg9: memref<64xi32, #tpu.memory_space<vmem>>, %arg10: memref<64x16xf32, #tpu.memory_space<vmem>>, %arg11: memref<64x16xf32, #tpu.memory_space<vmem>>, %arg12: memref<2x16x1024xf32, #tpu.memory_space<vmem>>, %arg13: memref<2x16x1024xf32, #tpu.memory_space<vmem>>, %arg14: memref<16x1024xf32, #tpu.memory_space<vmem>>, %arg15: memref<!tpu.dma_semaphore, #tpu.memory_space<semaphore_mem>>, %arg16: memref<!tpu.dma_semaphore, #tpu.memory_space<semaphore_mem>>) attributes {dimension_semantics = [#tpu.dimension_semantics<core_parallel>, #tpu.dimension_semantics<subcore_parallel>], iteration_bounds = array<i64: 2, 16>, scalar_prefetch = 0 : i64, scratch_operands = 9 : i64, tpu.core_type = #tpu.core_type<sc_vector_subcore>, window_params = [{transform_indices = #map}, {transform_indices = #map1}, {transform_indices = #map1}, {transform_indices = #map}, {transform_indices = #map}, {transform_indices = #map}]} {
    %mul3A = arith.constant 2 : i32
    %mul3A_0 = arith.muli %arg1, %mul3A : i32
    %add3A = arith.addi %mul3A_0, %arg0 : i32
    %mul3A_1 = arith.constant 64 : i32
    %mul3A_2 = arith.muli %add3A, %mul3A_1 : i32
    "tpu.region"() ({
      %run_scoped3A = tpu.sem_alloc : memref<!tpu.dma_semaphore, #tpu.memory_space<semaphore_mem>>
      %dma_start3A_180 = tpu.memref_slice %arg3[%mul3A_2] : memref<2048xi32, #tpu.memory_space<hbm>> -> memref<64xi32, #tpu.memory_space<hbm>>
      %dma_start3A_181 = tpu.memref_slice %arg3[%mul3A_2] : memref<2048xi32, #tpu.memory_space<hbm>> -> memref<64xi32, #tpu.memory_space<hbm>>
      tpu.enqueue_dma source(%dma_start3A_181 : memref<64xi32, #tpu.memory_space<hbm>>) target(%arg8 : memref<64xi32, #tpu.memory_space<vmem>>) target_semaphore(%run_scoped3A : memref<!tpu.dma_semaphore, #tpu.memory_space<semaphore_mem>>)
      %dma_wait3A_182 = tpu.memref_slice %arg3[%mul3A_2] : memref<2048xi32, #tpu.memory_space<hbm>> -> memref<64xi32, #tpu.memory_space<hbm>>
      %dma_wait3A_183 = tpu.memref_slice %arg3[%mul3A_2] : memref<2048xi32, #tpu.memory_space<hbm>> -> memref<64xi32, #tpu.memory_space<hbm>>
      tpu.wait_dma2 semaphore(%run_scoped3A : memref<!tpu.dma_semaphore, #tpu.memory_space<semaphore_mem>>) src(%dma_wait3A_183 : memref<64xi32, #tpu.memory_space<hbm>>) dst(%arg8 : memref<64xi32, #tpu.memory_space<vmem>>)
      tpu.yield
    }) : () -> ()
    "tpu.region"() ({
      %run_scoped3A = tpu.sem_alloc : memref<!tpu.dma_semaphore, #tpu.memory_space<semaphore_mem>>
      %dma_start3A_180 = tpu.memref_slice %arg4[%mul3A_2] : memref<2048xi32, #tpu.memory_space<hbm>> -> memref<64xi32, #tpu.memory_space<hbm>>
      %dma_start3A_181 = tpu.memref_slice %arg4[%mul3A_2] : memref<2048xi32, #tpu.memory_space<hbm>> -> memref<64xi32, #tpu.memory_space<hbm>>
      tpu.enqueue_dma source(%dma_start3A_181 : memref<64xi32, #tpu.memory_space<hbm>>) target(%arg9 : memref<64xi32, #tpu.memory_space<vmem>>) target_semaphore(%run_scoped3A : memref<!tpu.dma_semaphore, #tpu.memory_space<semaphore_mem>>)
      %dma_wait3A_182 = tpu.memref_slice %arg4[%mul3A_2] : memref<2048xi32, #tpu.memory_space<hbm>> -> memref<64xi32, #tpu.memory_space<hbm>>
      %dma_wait3A_183 = tpu.memref_slice %arg4[%mul3A_2] : memref<2048xi32, #tpu.memory_space<hbm>> -> memref<64xi32, #tpu.memory_space<hbm>>
      tpu.wait_dma2 semaphore(%run_scoped3A : memref<!tpu.dma_semaphore, #tpu.memory_space<semaphore_mem>>) src(%dma_wait3A_183 : memref<64xi32, #tpu.memory_space<hbm>>) dst(%arg9 : memref<64xi32, #tpu.memory_space<vmem>>)
      tpu.yield
    }) : () -> ()
    "tpu.region"() ({
      %run_scoped3A = tpu.sem_alloc : memref<!tpu.dma_semaphore, #tpu.memory_space<semaphore_mem>>
      %dma_start3A_180 = arith.constant 0 : i32
      %dma_start3A_181 = tpu.memref_slice %arg5[%mul3A_2, %dma_start3A_180] : memref<2048x16xf32, #tpu.memory_space<hbm>> -> memref<64x16xf32, #tpu.memory_space<hbm>>
      %dma_start3A_182 = arith.constant 0 : i32
      %dma_start3A_183 = tpu.memref_slice %arg5[%mul3A_2, %dma_start3A_182] : memref<2048x16xf32, #tpu.memory_space<hbm>> -> memref<64x16xf32, #tpu.memory_space<hbm>>
      tpu.enqueue_dma source(%dma_start3A_183 : memref<64x16xf32, #tpu.memory_space<hbm>>) target(%arg10 : memref<64x16xf32, #tpu.memory_space<vmem>>) target_semaphore(%run_scoped3A : memref<!tpu.dma_semaphore, #tpu.memory_space<semaphore_mem>>)
      %dma_wait3A_184 = arith.constant 0 : i32
      %dma_wait3A_185 = tpu.memref_slice %arg5[%mul3A_2, %dma_wait3A_184] : memref<2048x16xf32, #tpu.memory_space<hbm>> -> memref<64x16xf32, #tpu.memory_space<hbm>>
      %dma_wait3A_186 = arith.constant 0 : i32
      %dma_wait3A_187 = tpu.memref_slice %arg5[%mul3A_2, %dma_wait3A_186] : memref<2048x16xf32, #tpu.memory_space<hbm>> -> memref<64x16xf32, #tpu.memory_space<hbm>>
      tpu.wait_dma2 semaphore(%run_scoped3A : memref<!tpu.dma_semaphore, #tpu.memory_space<semaphore_mem>>) src(%dma_wait3A_187 : memref<64x16xf32, #tpu.memory_space<hbm>>) dst(%arg10 : memref<64x16xf32, #tpu.memory_space<vmem>>)
      tpu.yield
    }) : () -> ()
    "tpu.region"() ({
      %run_scoped3A = tpu.sem_alloc : memref<!tpu.dma_semaphore, #tpu.memory_space<semaphore_mem>>
      %dma_start3A_180 = arith.constant 0 : i32
      %dma_start3A_181 = tpu.memref_slice %arg6[%mul3A_2, %dma_start3A_180] : memref<2048x16xf32, #tpu.memory_space<hbm>> -> memref<64x16xf32, #tpu.memory_space<hbm>>
      %dma_start3A_182 = arith.constant 0 : i32
      %dma_start3A_183 = tpu.memref_slice %arg6[%mul3A_2, %dma_start3A_182] : memref<2048x16xf32, #tpu.memory_space<hbm>> -> memref<64x16xf32, #tpu.memory_space<hbm>>
      tpu.enqueue_dma source(%dma_start3A_183 : memref<64x16xf32, #tpu.memory_space<hbm>>) target(%arg11 : memref<64x16xf32, #tpu.memory_space<vmem>>) target_semaphore(%run_scoped3A : memref<!tpu.dma_semaphore, #tpu.memory_space<semaphore_mem>>)
      %dma_wait3A_184 = arith.constant 0 : i32
      %dma_wait3A_185 = tpu.memref_slice %arg6[%mul3A_2, %dma_wait3A_184] : memref<2048x16xf32, #tpu.memory_space<hbm>> -> memref<64x16xf32, #tpu.memory_space<hbm>>
      %dma_wait3A_186 = arith.constant 0 : i32
      %dma_wait3A_187 = tpu.memref_slice %arg6[%mul3A_2, %dma_wait3A_186] : memref<2048x16xf32, #tpu.memory_space<hbm>> -> memref<64x16xf32, #tpu.memory_space<hbm>>
      tpu.wait_dma2 semaphore(%run_scoped3A : memref<!tpu.dma_semaphore, #tpu.memory_space<semaphore_mem>>) src(%dma_wait3A_187 : memref<64x16xf32, #tpu.memory_space<hbm>>) dst(%arg11 : memref<64x16xf32, #tpu.memory_space<vmem>>)
      tpu.yield
    }) : () -> ()
    %dma_start3A = arith.constant 0 : i32
    %dma_start3A_3 = arith.constant 0 : i32
    %dma_start3A_4 = arith.constant 0 : i32
    %dma_start3A_5 = tpu.memref_slice %arg12[%dma_start3A, %dma_start3A_3, %dma_start3A_4] : memref<2x16x1024xf32, #tpu.memory_space<vmem>> -> memref<1x16x1024xf32, #tpu.memory_space<vmem>>
    %dma_start3A_6 = tpu.memref_squeeze %dma_start3A_5 : memref<1x16x1024xf32, #tpu.memory_space<vmem>> -> memref<16x1024xf32, #tpu.memory_space<vmem>>
    %dma_start3A_7 = arith.constant 0 : i32
    %dma_start3A_8 = tpu.memref_slice %arg8[%dma_start3A_7] : memref<64xi32, #tpu.memory_space<vmem>> -> memref<16xi32, #tpu.memory_space<vmem>>
    %dma_start3A_9 = arith.constant 0 : i32
    %dma_start3A_10 = arith.constant 0 : i32
    %dma_start3A_11 = tpu.memref_slice %arg2[%dma_start3A_9, %dma_start3A_10] : memref<6144x1024xf32, #tpu.memory_space<hbm>> -> memref<6144x1024xf32, #tpu.memory_space<hbm>>
    tpu.enqueue_indirect_dma source(%dma_start3A_11 : memref<6144x1024xf32, #tpu.memory_space<hbm>>) target(%dma_start3A_6 : memref<16x1024xf32, #tpu.memory_space<vmem>>) offsets(%dma_start3A_8 : memref<16xi32, #tpu.memory_space<vmem>>) semaphore(%arg15 : memref<!tpu.dma_semaphore, #tpu.memory_space<semaphore_mem>>)
    %dma_start3A_12 = arith.constant 0 : i32
    %dma_start3A_13 = arith.constant 0 : i32
    %dma_start3A_14 = arith.constant 0 : i32
    %dma_start3A_15 = tpu.memref_slice %arg13[%dma_start3A_12, %dma_start3A_13, %dma_start3A_14] : memref<2x16x1024xf32, #tpu.memory_space<vmem>> -> memref<1x16x1024xf32, #tpu.memory_space<vmem>>
    %dma_start3A_16 = tpu.memref_squeeze %dma_start3A_15 : memref<1x16x1024xf32, #tpu.memory_space<vmem>> -> memref<16x1024xf32, #tpu.memory_space<vmem>>
    %dma_start3A_17 = arith.constant 0 : i32
    %dma_start3A_18 = tpu.memref_slice %arg9[%dma_start3A_17] : memref<64xi32, #tpu.memory_space<vmem>> -> memref<16xi32, #tpu.memory_space<vmem>>
    %dma_start3A_19 = arith.constant 0 : i32
    %dma_start3A_20 = arith.constant 0 : i32
    %dma_start3A_21 = tpu.memref_slice %arg2[%dma_start3A_19, %dma_start3A_20] : memref<6144x1024xf32, #tpu.memory_space<hbm>> -> memref<6144x1024xf32, #tpu.memory_space<hbm>>
    tpu.enqueue_indirect_dma source(%dma_start3A_21 : memref<6144x1024xf32, #tpu.memory_space<hbm>>) target(%dma_start3A_16 : memref<16x1024xf32, #tpu.memory_space<vmem>>) offsets(%dma_start3A_18 : memref<16xi32, #tpu.memory_space<vmem>>) semaphore(%arg15 : memref<!tpu.dma_semaphore, #tpu.memory_space<semaphore_mem>>)
    %dma_wait3A = arith.constant 0 : i32
    %dma_wait3A_22 = arith.constant 0 : i32
    %dma_wait3A_23 = arith.constant 0 : i32
    %dma_wait3A_24 = tpu.memref_slice %arg12[%dma_wait3A, %dma_wait3A_22, %dma_wait3A_23] : memref<2x16x1024xf32, #tpu.memory_space<vmem>> -> memref<1x16x1024xf32, #tpu.memory_space<vmem>>
    %dma_wait3A_25 = tpu.memref_squeeze %dma_wait3A_24 : memref<1x16x1024xf32, #tpu.memory_space<vmem>> -> memref<16x1024xf32, #tpu.memory_space<vmem>>
    %dma_wait3A_26 = arith.constant 0 : i32
    %dma_wait3A_27 = tpu.memref_slice %arg8[%dma_wait3A_26] : memref<64xi32, #tpu.memory_space<vmem>> -> memref<16xi32, #tpu.memory_space<vmem>>
    %dma_wait3A_28 = arith.constant 0 : i32
    %dma_wait3A_29 = arith.constant 0 : i32
    %dma_wait3A_30 = tpu.memref_slice %arg2[%dma_wait3A_28, %dma_wait3A_29] : memref<6144x1024xf32, #tpu.memory_space<hbm>> -> memref<6144x1024xf32, #tpu.memory_space<hbm>>
    tpu.wait_indirect_dma semaphore(%arg15 : memref<!tpu.dma_semaphore, #tpu.memory_space<semaphore_mem>>) src(%dma_wait3A_30 : memref<6144x1024xf32, #tpu.memory_space<hbm>>) dst(%dma_wait3A_25 : memref<16x1024xf32, #tpu.memory_space<vmem>>)
    %dma_wait3A_31 = arith.constant 0 : i32
    %dma_wait3A_32 = arith.constant 0 : i32
    %dma_wait3A_33 = arith.constant 0 : i32
    %dma_wait3A_34 = tpu.memref_slice %arg13[%dma_wait3A_31, %dma_wait3A_32, %dma_wait3A_33] : memref<2x16x1024xf32, #tpu.memory_space<vmem>> -> memref<1x16x1024xf32, #tpu.memory_space<vmem>>
    %dma_wait3A_35 = tpu.memref_squeeze %dma_wait3A_34 : memref<1x16x1024xf32, #tpu.memory_space<vmem>> -> memref<16x1024xf32, #tpu.memory_space<vmem>>
    %dma_wait3A_36 = arith.constant 0 : i32
    %dma_wait3A_37 = tpu.memref_slice %arg9[%dma_wait3A_36] : memref<64xi32, #tpu.memory_space<vmem>> -> memref<16xi32, #tpu.memory_space<vmem>>
    %dma_wait3A_38 = arith.constant 0 : i32
    %dma_wait3A_39 = arith.constant 0 : i32
    %dma_wait3A_40 = tpu.memref_slice %arg2[%dma_wait3A_38, %dma_wait3A_39] : memref<6144x1024xf32, #tpu.memory_space<hbm>> -> memref<6144x1024xf32, #tpu.memory_space<hbm>>
    tpu.wait_indirect_dma semaphore(%arg15 : memref<!tpu.dma_semaphore, #tpu.memory_space<semaphore_mem>>) src(%dma_wait3A_40 : memref<6144x1024xf32, #tpu.memory_space<hbm>>) dst(%dma_wait3A_35 : memref<16x1024xf32, #tpu.memory_space<vmem>>)
    %dma_start3A_41 = arith.constant 1 : i32
    %dma_start3A_42 = arith.constant 0 : i32
    %dma_start3A_43 = arith.constant 0 : i32
    %dma_start3A_44 = tpu.memref_slice %arg12[%dma_start3A_41, %dma_start3A_42, %dma_start3A_43] : memref<2x16x1024xf32, #tpu.memory_space<vmem>> -> memref<1x16x1024xf32, #tpu.memory_space<vmem>>
    %dma_start3A_45 = tpu.memref_squeeze %dma_start3A_44 : memref<1x16x1024xf32, #tpu.memory_space<vmem>> -> memref<16x1024xf32, #tpu.memory_space<vmem>>
    %dma_start3A_46 = arith.constant 16 : i32
    %dma_start3A_47 = tpu.memref_slice %arg8[%dma_start3A_46] : memref<64xi32, #tpu.memory_space<vmem>> -> memref<16xi32, #tpu.memory_space<vmem>>
    %dma_start3A_48 = arith.constant 0 : i32
    %dma_start3A_49 = arith.constant 0 : i32
    %dma_start3A_50 = tpu.memref_slice %arg2[%dma_start3A_48, %dma_start3A_49] : memref<6144x1024xf32, #tpu.memory_space<hbm>> -> memref<6144x1024xf32, #tpu.memory_space<hbm>>
    tpu.enqueue_indirect_dma source(%dma_start3A_50 : memref<6144x1024xf32, #tpu.memory_space<hbm>>) target(%dma_start3A_45 : memref<16x1024xf32, #tpu.memory_space<vmem>>) offsets(%dma_start3A_47 : memref<16xi32, #tpu.memory_space<vmem>>) semaphore(%arg16 : memref<!tpu.dma_semaphore, #tpu.memory_space<semaphore_mem>>)
    %dma_start3A_51 = arith.constant 1 : i32
    %dma_start3A_52 = arith.constant 0 : i32
    %dma_start3A_53 = arith.constant 0 : i32
    %dma_start3A_54 = tpu.memref_slice %arg13[%dma_start3A_51, %dma_start3A_52, %dma_start3A_53] : memref<2x16x1024xf32, #tpu.memory_space<vmem>> -> memref<1x16x1024xf32, #tpu.memory_space<vmem>>
    %dma_start3A_55 = tpu.memref_squeeze %dma_start3A_54 : memref<1x16x1024xf32, #tpu.memory_space<vmem>> -> memref<16x1024xf32, #tpu.memory_space<vmem>>
    %dma_start3A_56 = arith.constant 16 : i32
    %dma_start3A_57 = tpu.memref_slice %arg9[%dma_start3A_56] : memref<64xi32, #tpu.memory_space<vmem>> -> memref<16xi32, #tpu.memory_space<vmem>>
    %dma_start3A_58 = arith.constant 0 : i32
    %dma_start3A_59 = arith.constant 0 : i32
    %dma_start3A_60 = tpu.memref_slice %arg2[%dma_start3A_58, %dma_start3A_59] : memref<6144x1024xf32, #tpu.memory_space<hbm>> -> memref<6144x1024xf32, #tpu.memory_space<hbm>>
    tpu.enqueue_indirect_dma source(%dma_start3A_60 : memref<6144x1024xf32, #tpu.memory_space<hbm>>) target(%dma_start3A_55 : memref<16x1024xf32, #tpu.memory_space<vmem>>) offsets(%dma_start3A_57 : memref<16xi32, #tpu.memory_space<vmem>>) semaphore(%arg16 : memref<!tpu.dma_semaphore, #tpu.memory_space<semaphore_mem>>)
    %parallel_loop3A = arith.constant 0 : i32
    %parallel_loop3A_61 = arith.constant 1024 : i32
    %parallel_loop3A_62 = arith.constant 1 : i32
    scf.for %parallel_loop3A_180 = %parallel_loop3A to %parallel_loop3A_61 step %parallel_loop3A_62  : i32 {
      %parallel_loop3A_181 = arith.constant 6 : i32
      %parallel_loop3A_182 = arith.shrui %parallel_loop3A_180, %parallel_loop3A_181 : i32
      %parallel_loop3A_183 = arith.constant 63 : i32
      %parallel_loop3A_184 = arith.andi %parallel_loop3A_180, %parallel_loop3A_183 : i32
      %parallel_loop3A_185 = arith.constant 16 : i32
      %parallel_loop3A_186 = arith.muli %parallel_loop3A_184, %parallel_loop3A_185 : i32
      %parallel_loop3A_187 = arith.constant 0 : i32
      %parallel_loop3A_188 = arith.addi %parallel_loop3A_187, %parallel_loop3A_182 : i32
      %parallel_loop3A_189 = arith.index_cast %parallel_loop3A_188 : i32 to index
      %parallel_loop3A_190 = arith.constant 0 : index
      %parallel_loop3A_191 = tpu.vector_load %arg10[%parallel_loop3A_189, %parallel_loop3A_190] {strides = array<i32>} : memref<64x16xf32, #tpu.memory_space<vmem>>, vector<1x16xf32>,
      %parallel_loop3A_192 = vector.shape_cast %parallel_loop3A_191 : vector<1x16xf32> to vector<16xf32>
      %parallel_loop3A_193 = arith.constant 0 : i32
      %parallel_loop3A_194 = arith.index_cast %parallel_loop3A_193 : i32 to index
      %parallel_loop3A_195 = arith.index_cast %parallel_loop3A_182 : i32 to index
      %parallel_loop3A_196 = arith.index_cast %parallel_loop3A_186 : i32 to index
      %parallel_loop3A_197 = tpu.vector_load %arg12[%parallel_loop3A_194, %parallel_loop3A_195, %parallel_loop3A_196] {strides = array<i32>} : memref<2x16x1024xf32, #tpu.memory_space<vmem>>, vector<1x1x16xf32>,
      %parallel_loop3A_198 = vector.shape_cast %parallel_loop3A_197 : vector<1x1x16xf32> to vector<16xf32>
      %parallel_loop3A_199 = arith.mulf %parallel_loop3A_192, %parallel_loop3A_198 : vector<16xf32>
      %parallel_loop3A_200 = arith.constant 0 : i32
      %parallel_loop3A_201 = arith.addi %parallel_loop3A_200, %parallel_loop3A_182 : i32
      %parallel_loop3A_202 = arith.index_cast %parallel_loop3A_201 : i32 to index
      %parallel_loop3A_203 = arith.constant 0 : index
      %parallel_loop3A_204 = tpu.vector_load %arg11[%parallel_loop3A_202, %parallel_loop3A_203] {strides = array<i32>} : memref<64x16xf32, #tpu.memory_space<vmem>>, vector<1x16xf32>,
      %parallel_loop3A_205 = vector.shape_cast %parallel_loop3A_204 : vector<1x16xf32> to vector<16xf32>
      %parallel_loop3A_206 = arith.constant 0 : i32
      %parallel_loop3A_207 = arith.index_cast %parallel_loop3A_206 : i32 to index
      %parallel_loop3A_208 = arith.index_cast %parallel_loop3A_182 : i32 to index
      %parallel_loop3A_209 = arith.index_cast %parallel_loop3A_186 : i32 to index
      %parallel_loop3A_210 = tpu.vector_load %arg13[%parallel_loop3A_207, %parallel_loop3A_208, %parallel_loop3A_209] {strides = array<i32>} : memref<2x16x1024xf32, #tpu.memory_space<vmem>>, vector<1x1x16xf32>,
      %parallel_loop3A_211 = vector.shape_cast %parallel_loop3A_210 : vector<1x1x16xf32> to vector<16xf32>
      %parallel_loop3A_212 = arith.mulf %parallel_loop3A_205, %parallel_loop3A_211 : vector<16xf32>
      %parallel_loop3A_213 = arith.addf %parallel_loop3A_199, %parallel_loop3A_212 : vector<16xf32>
      %parallel_loop3A_214 = arith.index_cast %parallel_loop3A_182 : i32 to index
      %parallel_loop3A_215 = arith.index_cast %parallel_loop3A_186 : i32 to index
      %parallel_loop3A_216 = tpu.vector_load %arg14[%parallel_loop3A_214, %parallel_loop3A_215] {strides = array<i32>} : memref<16x1024xf32, #tpu.memory_space<vmem>>, vector<1x16xf32>,
      %parallel_loop3A_217 = vector.shape_cast %parallel_loop3A_216 : vector<1x16xf32> to vector<16xf32>
      %parallel_loop3A_218 = vector.shape_cast %parallel_loop3A_213 : vector<16xf32> to vector<1x16xf32>
      tpu.vector_store %arg14[%parallel_loop3A_214, %parallel_loop3A_215], %parallel_loop3A_218 {strides = array<i32>} : memref<16x1024xf32, #tpu.memory_space<vmem>>, vector<1x16xf32>,
    } {sc.loop_unroll_factor = 8 : i64, sc.parallel_access}
    %add3A_63 = arith.constant 0 : i32
    %add3A_64 = arith.addi %mul3A_2, %add3A_63 : i32
    "tpu.region"() ({
      %run_scoped3A = tpu.sem_alloc : memref<!tpu.dma_semaphore, #tpu.memory_space<semaphore_mem>>
      %dma_start3A_180 = arith.constant 0 : i32
      %dma_start3A_181 = tpu.memref_slice %arg7[%add3A_64, %dma_start3A_180] : memref<2048x1024xf32, #tpu.memory_space<hbm>> -> memref<16x1024xf32, #tpu.memory_space<hbm>>
      %dma_start3A_182 = arith.constant 0 : i32
      %dma_start3A_183 = tpu.memref_slice %arg7[%add3A_64, %dma_start3A_182] : memref<2048x1024xf32, #tpu.memory_space<hbm>> -> memref<16x1024xf32, #tpu.memory_space<hbm>>
      tpu.enqueue_dma source(%arg14 : memref<16x1024xf32, #tpu.memory_space<vmem>>) target(%dma_start3A_183 : memref<16x1024xf32, #tpu.memory_space<hbm>>) target_semaphore(%run_scoped3A : memref<!tpu.dma_semaphore, #tpu.memory_space<semaphore_mem>>)
      %dma_wait3A_184 = arith.constant 0 : i32
      %dma_wait3A_185 = tpu.memref_slice %arg7[%add3A_64, %dma_wait3A_184] : memref<2048x1024xf32, #tpu.memory_space<hbm>> -> memref<16x1024xf32, #tpu.memory_space<hbm>>
      %dma_wait3A_186 = arith.constant 0 : i32
      %dma_wait3A_187 = tpu.memref_slice %arg7[%add3A_64, %dma_wait3A_186] : memref<2048x1024xf32, #tpu.memory_space<hbm>> -> memref<16x1024xf32, #tpu.memory_space<hbm>>
      tpu.wait_dma2 semaphore(%run_scoped3A : memref<!tpu.dma_semaphore, #tpu.memory_space<semaphore_mem>>) src(%arg14 : memref<16x1024xf32, #tpu.memory_space<vmem>>) dst(%dma_wait3A_187 : memref<16x1024xf32, #tpu.memory_space<hbm>>)
      tpu.yield
    }) : () -> ()
    %dma_wait3A_65 = arith.constant 1 : i32
    %dma_wait3A_66 = arith.constant 0 : i32
    %dma_wait3A_67 = arith.constant 0 : i32
    %dma_wait3A_68 = tpu.memref_slice %arg12[%dma_wait3A_65, %dma_wait3A_66, %dma_wait3A_67] : memref<2x16x1024xf32, #tpu.memory_space<vmem>> -> memref<1x16x1024xf32, #tpu.memory_space<vmem>>
    %dma_wait3A_69 = tpu.memref_squeeze %dma_wait3A_68 : memref<1x16x1024xf32, #tpu.memory_space<vmem>> -> memref<16x1024xf32, #tpu.memory_space<vmem>>
    %dma_wait3A_70 = arith.constant 16 : i32
    %dma_wait3A_71 = tpu.memref_slice %arg8[%dma_wait3A_70] : memref<64xi32, #tpu.memory_space<vmem>> -> memref<16xi32, #tpu.memory_space<vmem>>
    %dma_wait3A_72 = arith.constant 0 : i32
    %dma_wait3A_73 = arith.constant 0 : i32
    %dma_wait3A_74 = tpu.memref_slice %arg2[%dma_wait3A_72, %dma_wait3A_73] : memref<6144x1024xf32, #tpu.memory_space<hbm>> -> memref<6144x1024xf32, #tpu.memory_space<hbm>>
    tpu.wait_indirect_dma semaphore(%arg16 : memref<!tpu.dma_semaphore, #tpu.memory_space<semaphore_mem>>) src(%dma_wait3A_74 : memref<6144x1024xf32, #tpu.memory_space<hbm>>) dst(%dma_wait3A_69 : memref<16x1024xf32, #tpu.memory_space<vmem>>)
    %dma_wait3A_75 = arith.constant 1 : i32
    %dma_wait3A_76 = arith.constant 0 : i32
    %dma_wait3A_77 = arith.constant 0 : i32
    %dma_wait3A_78 = tpu.memref_slice %arg13[%dma_wait3A_75, %dma_wait3A_76, %dma_wait3A_77] : memref<2x16x1024xf32, #tpu.memory_space<vmem>> -> memref<1x16x1024xf32, #tpu.memory_space<vmem>>
    %dma_wait3A_79 = tpu.memref_squeeze %dma_wait3A_78 : memref<1x16x1024xf32, #tpu.memory_space<vmem>> -> memref<16x1024xf32, #tpu.memory_space<vmem>>
    %dma_wait3A_80 = arith.constant 16 : i32
    %dma_wait3A_81 = tpu.memref_slice %arg9[%dma_wait3A_80] : memref<64xi32, #tpu.memory_space<vmem>> -> memref<16xi32, #tpu.memory_space<vmem>>
    %dma_wait3A_82 = arith.constant 0 : i32
    %dma_wait3A_83 = arith.constant 0 : i32
    %dma_wait3A_84 = tpu.memref_slice %arg2[%dma_wait3A_82, %dma_wait3A_83] : memref<6144x1024xf32, #tpu.memory_space<hbm>> -> memref<6144x1024xf32, #tpu.memory_space<hbm>>
    tpu.wait_indirect_dma semaphore(%arg16 : memref<!tpu.dma_semaphore, #tpu.memory_space<semaphore_mem>>) src(%dma_wait3A_84 : memref<6144x1024xf32, #tpu.memory_space<hbm>>) dst(%dma_wait3A_79 : memref<16x1024xf32, #tpu.memory_space<vmem>>)
    %dma_start3A_85 = arith.constant 0 : i32
    %dma_start3A_86 = arith.constant 0 : i32
    %dma_start3A_87 = arith.constant 0 : i32
    %dma_start3A_88 = tpu.memref_slice %arg12[%dma_start3A_85, %dma_start3A_86, %dma_start3A_87] : memref<2x16x1024xf32, #tpu.memory_space<vmem>> -> memref<1x16x1024xf32, #tpu.memory_space<vmem>>
    %dma_start3A_89 = tpu.memref_squeeze %dma_start3A_88 : memref<1x16x1024xf32, #tpu.memory_space<vmem>> -> memref<16x1024xf32, #tpu.memory_space<vmem>>
    %dma_start3A_90 = arith.constant 32 : i32
    %dma_start3A_91 = tpu.memref_slice %arg8[%dma_start3A_90] : memref<64xi32, #tpu.memory_space<vmem>> -> memref<16xi32, #tpu.memory_space<vmem>>
    %dma_start3A_92 = arith.constant 0 : i32
    %dma_start3A_93 = arith.constant 0 : i32
    %dma_start3A_94 = tpu.memref_slice %arg2[%dma_start3A_92, %dma_start3A_93] : memref<6144x1024xf32, #tpu.memory_space<hbm>> -> memref<6144x1024xf32, #tpu.memory_space<hbm>>
    tpu.enqueue_indirect_dma source(%dma_start3A_94 : memref<6144x1024xf32, #tpu.memory_space<hbm>>) target(%dma_start3A_89 : memref<16x1024xf32, #tpu.memory_space<vmem>>) offsets(%dma_start3A_91 : memref<16xi32, #tpu.memory_space<vmem>>) semaphore(%arg15 : memref<!tpu.dma_semaphore, #tpu.memory_space<semaphore_mem>>)
    %dma_start3A_95 = arith.constant 0 : i32
    %dma_start3A_96 = arith.constant 0 : i32
    %dma_start3A_97 = arith.constant 0 : i32
    %dma_start3A_98 = tpu.memref_slice %arg13[%dma_start3A_95, %dma_start3A_96, %dma_start3A_97] : memref<2x16x1024xf32, #tpu.memory_space<vmem>> -> memref<1x16x1024xf32, #tpu.memory_space<vmem>>
    %dma_start3A_99 = tpu.memref_squeeze %dma_start3A_98 : memref<1x16x1024xf32, #tpu.memory_space<vmem>> -> memref<16x1024xf32, #tpu.memory_space<vmem>>
    %dma_start3A_100 = arith.constant 32 : i32
    %dma_start3A_101 = tpu.memref_slice %arg9[%dma_start3A_100] : memref<64xi32, #tpu.memory_space<vmem>> -> memref<16xi32, #tpu.memory_space<vmem>>
    %dma_start3A_102 = arith.constant 0 : i32
    %dma_start3A_103 = arith.constant 0 : i32
    %dma_start3A_104 = tpu.memref_slice %arg2[%dma_start3A_102, %dma_start3A_103] : memref<6144x1024xf32, #tpu.memory_space<hbm>> -> memref<6144x1024xf32, #tpu.memory_space<hbm>>
    tpu.enqueue_indirect_dma source(%dma_start3A_104 : memref<6144x1024xf32, #tpu.memory_space<hbm>>) target(%dma_start3A_99 : memref<16x1024xf32, #tpu.memory_space<vmem>>) offsets(%dma_start3A_101 : memref<16xi32, #tpu.memory_space<vmem>>) semaphore(%arg15 : memref<!tpu.dma_semaphore, #tpu.memory_space<semaphore_mem>>)
    %parallel_loop3A_105 = arith.constant 0 : i32
    %parallel_loop3A_106 = arith.constant 1024 : i32
    %parallel_loop3A_107 = arith.constant 1 : i32
    scf.for %parallel_loop3A_180 = %parallel_loop3A_105 to %parallel_loop3A_106 step %parallel_loop3A_107  : i32 {
      %parallel_loop3A_181 = arith.constant 6 : i32
      %parallel_loop3A_182 = arith.shrui %parallel_loop3A_180, %parallel_loop3A_181 : i32
      %parallel_loop3A_183 = arith.constant 63 : i32
      %parallel_loop3A_184 = arith.andi %parallel_loop3A_180, %parallel_loop3A_183 : i32
      %parallel_loop3A_185 = arith.constant 16 : i32
      %parallel_loop3A_186 = arith.muli %parallel_loop3A_184, %parallel_loop3A_185 : i32
      %parallel_loop3A_187 = arith.constant 16 : i32
      %parallel_loop3A_188 = arith.addi %parallel_loop3A_187, %parallel_loop3A_182 : i32
      %parallel_loop3A_189 = arith.index_cast %parallel_loop3A_188 : i32 to index
      %parallel_loop3A_190 = arith.constant 0 : index
      %parallel_loop3A_191 = tpu.vector_load %arg10[%parallel_loop3A_189, %parallel_loop3A_190] {strides = array<i32>} : memref<64x16xf32, #tpu.memory_space<vmem>>, vector<1x16xf32>,
      %parallel_loop3A_192 = vector.shape_cast %parallel_loop3A_191 : vector<1x16xf32> to vector<16xf32>
      %parallel_loop3A_193 = arith.constant 1 : i32
      %parallel_loop3A_194 = arith.index_cast %parallel_loop3A_193 : i32 to index
      %parallel_loop3A_195 = arith.index_cast %parallel_loop3A_182 : i32 to index
      %parallel_loop3A_196 = arith.index_cast %parallel_loop3A_186 : i32 to index
      %parallel_loop3A_197 = tpu.vector_load %arg12[%parallel_loop3A_194, %parallel_loop3A_195, %parallel_loop3A_196] {strides = array<i32>} : memref<2x16x1024xf32, #tpu.memory_space<vmem>>, vector<1x1x16xf32>,
      %parallel_loop3A_198 = vector.shape_cast %parallel_loop3A_197 : vector<1x1x16xf32> to vector<16xf32>
      %parallel_loop3A_199 = arith.mulf %parallel_loop3A_192, %parallel_loop3A_198 : vector<16xf32>
      %parallel_loop3A_200 = arith.constant 16 : i32
      %parallel_loop3A_201 = arith.addi %parallel_loop3A_200, %parallel_loop3A_182 : i32
      %parallel_loop3A_202 = arith.index_cast %parallel_loop3A_201 : i32 to index
      %parallel_loop3A_203 = arith.constant 0 : index
      %parallel_loop3A_204 = tpu.vector_load %arg11[%parallel_loop3A_202, %parallel_loop3A_203] {strides = array<i32>} : memref<64x16xf32, #tpu.memory_space<vmem>>, vector<1x16xf32>,
      %parallel_loop3A_205 = vector.shape_cast %parallel_loop3A_204 : vector<1x16xf32> to vector<16xf32>
      %parallel_loop3A_206 = arith.constant 1 : i32
      %parallel_loop3A_207 = arith.index_cast %parallel_loop3A_206 : i32 to index
      %parallel_loop3A_208 = arith.index_cast %parallel_loop3A_182 : i32 to index
      %parallel_loop3A_209 = arith.index_cast %parallel_loop3A_186 : i32 to index
      %parallel_loop3A_210 = tpu.vector_load %arg13[%parallel_loop3A_207, %parallel_loop3A_208, %parallel_loop3A_209] {strides = array<i32>} : memref<2x16x1024xf32, #tpu.memory_space<vmem>>, vector<1x1x16xf32>,
      %parallel_loop3A_211 = vector.shape_cast %parallel_loop3A_210 : vector<1x1x16xf32> to vector<16xf32>
      %parallel_loop3A_212 = arith.mulf %parallel_loop3A_205, %parallel_loop3A_211 : vector<16xf32>
      %parallel_loop3A_213 = arith.addf %parallel_loop3A_199, %parallel_loop3A_212 : vector<16xf32>
      %parallel_loop3A_214 = arith.index_cast %parallel_loop3A_182 : i32 to index
      %parallel_loop3A_215 = arith.index_cast %parallel_loop3A_186 : i32 to index
      %parallel_loop3A_216 = tpu.vector_load %arg14[%parallel_loop3A_214, %parallel_loop3A_215] {strides = array<i32>} : memref<16x1024xf32, #tpu.memory_space<vmem>>, vector<1x16xf32>,
      %parallel_loop3A_217 = vector.shape_cast %parallel_loop3A_216 : vector<1x16xf32> to vector<16xf32>
      %parallel_loop3A_218 = vector.shape_cast %parallel_loop3A_213 : vector<16xf32> to vector<1x16xf32>
      tpu.vector_store %arg14[%parallel_loop3A_214, %parallel_loop3A_215], %parallel_loop3A_218 {strides = array<i32>} : memref<16x1024xf32, #tpu.memory_space<vmem>>, vector<1x16xf32>,
    } {sc.loop_unroll_factor = 8 : i64, sc.parallel_access}
    %add3A_108 = arith.constant 16 : i32
    %add3A_109 = arith.addi %mul3A_2, %add3A_108 : i32
    "tpu.region"() ({
      %run_scoped3A = tpu.sem_alloc : memref<!tpu.dma_semaphore, #tpu.memory_space<semaphore_mem>>
      %dma_start3A_180 = arith.constant 0 : i32
      %dma_start3A_181 = tpu.memref_slice %arg7[%add3A_109, %dma_start3A_180] : memref<2048x1024xf32, #tpu.memory_space<hbm>> -> memref<16x1024xf32, #tpu.memory_space<hbm>>
      %dma_start3A_182 = arith.constant 0 : i32
      %dma_start3A_183 = tpu.memref_slice %arg7[%add3A_109, %dma_start3A_182] : memref<2048x1024xf32, #tpu.memory_space<hbm>> -> memref<16x1024xf32, #tpu.memory_space<hbm>>
      tpu.enqueue_dma source(%arg14 : memref<16x1024xf32, #tpu.memory_space<vmem>>) target(%dma_start3A_183 : memref<16x1024xf32, #tpu.memory_space<hbm>>) target_semaphore(%run_scoped3A : memref<!tpu.dma_semaphore, #tpu.memory_space<semaphore_mem>>)
      %dma_wait3A_184 = arith.constant 0 : i32
      %dma_wait3A_185 = tpu.memref_slice %arg7[%add3A_109, %dma_wait3A_184] : memref<2048x1024xf32, #tpu.memory_space<hbm>> -> memref<16x1024xf32, #tpu.memory_space<hbm>>
      %dma_wait3A_186 = arith.constant 0 : i32
      %dma_wait3A_187 = tpu.memref_slice %arg7[%add3A_109, %dma_wait3A_186] : memref<2048x1024xf32, #tpu.memory_space<hbm>> -> memref<16x1024xf32, #tpu.memory_space<hbm>>
      tpu.wait_dma2 semaphore(%run_scoped3A : memref<!tpu.dma_semaphore, #tpu.memory_space<semaphore_mem>>) src(%arg14 : memref<16x1024xf32, #tpu.memory_space<vmem>>) dst(%dma_wait3A_187 : memref<16x1024xf32, #tpu.memory_space<hbm>>)
      tpu.yield
    }) : () -> ()
    %dma_wait3A_110 = arith.constant 0 : i32
    %dma_wait3A_111 = arith.constant 0 : i32
    %dma_wait3A_112 = arith.constant 0 : i32
    %dma_wait3A_113 = tpu.memref_slice %arg12[%dma_wait3A_110, %dma_wait3A_111, %dma_wait3A_112] : memref<2x16x1024xf32, #tpu.memory_space<vmem>> -> memref<1x16x1024xf32, #tpu.memory_space<vmem>>
    %dma_wait3A_114 = tpu.memref_squeeze %dma_wait3A_113 : memref<1x16x1024xf32, #tpu.memory_space<vmem>> -> memref<16x1024xf32, #tpu.memory_space<vmem>>
    %dma_wait3A_115 = arith.constant 32 : i32
    %dma_wait3A_116 = tpu.memref_slice %arg8[%dma_wait3A_115] : memref<64xi32, #tpu.memory_space<vmem>> -> memref<16xi32, #tpu.memory_space<vmem>>
    %dma_wait3A_117 = arith.constant 0 : i32
    %dma_wait3A_118 = arith.constant 0 : i32
    %dma_wait3A_119 = tpu.memref_slice %arg2[%dma_wait3A_117, %dma_wait3A_118] : memref<6144x1024xf32, #tpu.memory_space<hbm>> -> memref<6144x1024xf32, #tpu.memory_space<hbm>>
    tpu.wait_indirect_dma semaphore(%arg15 : memref<!tpu.dma_semaphore, #tpu.memory_space<semaphore_mem>>) src(%dma_wait3A_119 : memref<6144x1024xf32, #tpu.memory_space<hbm>>) dst(%dma_wait3A_114 : memref<16x1024xf32, #tpu.memory_space<vmem>>)
    %dma_wait3A_120 = arith.constant 0 : i32
    %dma_wait3A_121 = arith.constant 0 : i32
    %dma_wait3A_122 = arith.constant 0 : i32
    %dma_wait3A_123 = tpu.memref_slice %arg13[%dma_wait3A_120, %dma_wait3A_121, %dma_wait3A_122] : memref<2x16x1024xf32, #tpu.memory_space<vmem>> -> memref<1x16x1024xf32, #tpu.memory_space<vmem>>
    %dma_wait3A_124 = tpu.memref_squeeze %dma_wait3A_123 : memref<1x16x1024xf32, #tpu.memory_space<vmem>> -> memref<16x1024xf32, #tpu.memory_space<vmem>>
    %dma_wait3A_125 = arith.constant 32 : i32
    %dma_wait3A_126 = tpu.memref_slice %arg9[%dma_wait3A_125] : memref<64xi32, #tpu.memory_space<vmem>> -> memref<16xi32, #tpu.memory_space<vmem>>
    %dma_wait3A_127 = arith.constant 0 : i32
    %dma_wait3A_128 = arith.constant 0 : i32
    %dma_wait3A_129 = tpu.memref_slice %arg2[%dma_wait3A_127, %dma_wait3A_128] : memref<6144x1024xf32, #tpu.memory_space<hbm>> -> memref<6144x1024xf32, #tpu.memory_space<hbm>>
    tpu.wait_indirect_dma semaphore(%arg15 : memref<!tpu.dma_semaphore, #tpu.memory_space<semaphore_mem>>) src(%dma_wait3A_129 : memref<6144x1024xf32, #tpu.memory_space<hbm>>) dst(%dma_wait3A_124 : memref<16x1024xf32, #tpu.memory_space<vmem>>)
    %dma_start3A_130 = arith.constant 1 : i32
    %dma_start3A_131 = arith.constant 0 : i32
    %dma_start3A_132 = arith.constant 0 : i32
    %dma_start3A_133 = tpu.memref_slice %arg12[%dma_start3A_130, %dma_start3A_131, %dma_start3A_132] : memref<2x16x1024xf32, #tpu.memory_space<vmem>> -> memref<1x16x1024xf32, #tpu.memory_space<vmem>>
    %dma_start3A_134 = tpu.memref_squeeze %dma_start3A_133 : memref<1x16x1024xf32, #tpu.memory_space<vmem>> -> memref<16x1024xf32, #tpu.memory_space<vmem>>
    %dma_start3A_135 = arith.constant 48 : i32
    %dma_start3A_136 = tpu.memref_slice %arg8[%dma_start3A_135] : memref<64xi32, #tpu.memory_space<vmem>> -> memref<16xi32, #tpu.memory_space<vmem>>
    %dma_start3A_137 = arith.constant 0 : i32
    %dma_start3A_138 = arith.constant 0 : i32
    %dma_start3A_139 = tpu.memref_slice %arg2[%dma_start3A_137, %dma_start3A_138] : memref<6144x1024xf32, #tpu.memory_space<hbm>> -> memref<6144x1024xf32, #tpu.memory_space<hbm>>
    tpu.enqueue_indirect_dma source(%dma_start3A_139 : memref<6144x1024xf32, #tpu.memory_space<hbm>>) target(%dma_start3A_134 : memref<16x1024xf32, #tpu.memory_space<vmem>>) offsets(%dma_start3A_136 : memref<16xi32, #tpu.memory_space<vmem>>) semaphore(%arg16 : memref<!tpu.dma_semaphore, #tpu.memory_space<semaphore_mem>>)
    %dma_start3A_140 = arith.constant 1 : i32
    %dma_start3A_141 = arith.constant 0 : i32
    %dma_start3A_142 = arith.constant 0 : i32
    %dma_start3A_143 = tpu.memref_slice %arg13[%dma_start3A_140, %dma_start3A_141, %dma_start3A_142] : memref<2x16x1024xf32, #tpu.memory_space<vmem>> -> memref<1x16x1024xf32, #tpu.memory_space<vmem>>
    %dma_start3A_144 = tpu.memref_squeeze %dma_start3A_143 : memref<1x16x1024xf32, #tpu.memory_space<vmem>> -> memref<16x1024xf32, #tpu.memory_space<vmem>>
    %dma_start3A_145 = arith.constant 48 : i32
    %dma_start3A_146 = tpu.memref_slice %arg9[%dma_start3A_145] : memref<64xi32, #tpu.memory_space<vmem>> -> memref<16xi32, #tpu.memory_space<vmem>>
    %dma_start3A_147 = arith.constant 0 : i32
    %dma_start3A_148 = arith.constant 0 : i32
    %dma_start3A_149 = tpu.memref_slice %arg2[%dma_start3A_147, %dma_start3A_148] : memref<6144x1024xf32, #tpu.memory_space<hbm>> -> memref<6144x1024xf32, #tpu.memory_space<hbm>>
    tpu.enqueue_indirect_dma source(%dma_start3A_149 : memref<6144x1024xf32, #tpu.memory_space<hbm>>) target(%dma_start3A_144 : memref<16x1024xf32, #tpu.memory_space<vmem>>) offsets(%dma_start3A_146 : memref<16xi32, #tpu.memory_space<vmem>>) semaphore(%arg16 : memref<!tpu.dma_semaphore, #tpu.memory_space<semaphore_mem>>)
    %parallel_loop3A_150 = arith.constant 0 : i32
    %parallel_loop3A_151 = arith.constant 1024 : i32
    %parallel_loop3A_152 = arith.constant 1 : i32
    scf.for %parallel_loop3A_180 = %parallel_loop3A_150 to %parallel_loop3A_151 step %parallel_loop3A_152  : i32 {
      %parallel_loop3A_181 = arith.constant 6 : i32
      %parallel_loop3A_182 = arith.shrui %parallel_loop3A_180, %parallel_loop3A_181 : i32
      %parallel_loop3A_183 = arith.constant 63 : i32
      %parallel_loop3A_184 = arith.andi %parallel_loop3A_180, %parallel_loop3A_183 : i32
      %parallel_loop3A_185 = arith.constant 16 : i32
      %parallel_loop3A_186 = arith.muli %parallel_loop3A_184, %parallel_loop3A_185 : i32
      %parallel_loop3A_187 = arith.constant 32 : i32
      %parallel_loop3A_188 = arith.addi %parallel_loop3A_187, %parallel_loop3A_182 : i32
      %parallel_loop3A_189 = arith.index_cast %parallel_loop3A_188 : i32 to index
      %parallel_loop3A_190 = arith.constant 0 : index
      %parallel_loop3A_191 = tpu.vector_load %arg10[%parallel_loop3A_189, %parallel_loop3A_190] {strides = array<i32>} : memref<64x16xf32, #tpu.memory_space<vmem>>, vector<1x16xf32>,
      %parallel_loop3A_192 = vector.shape_cast %parallel_loop3A_191 : vector<1x16xf32> to vector<16xf32>
      %parallel_loop3A_193 = arith.constant 0 : i32
      %parallel_loop3A_194 = arith.index_cast %parallel_loop3A_193 : i32 to index
      %parallel_loop3A_195 = arith.index_cast %parallel_loop3A_182 : i32 to index
      %parallel_loop3A_196 = arith.index_cast %parallel_loop3A_186 : i32 to index
      %parallel_loop3A_197 = tpu.vector_load %arg12[%parallel_loop3A_194, %parallel_loop3A_195, %parallel_loop3A_196] {strides = array<i32>} : memref<2x16x1024xf32, #tpu.memory_space<vmem>>, vector<1x1x16xf32>,
      %parallel_loop3A_198 = vector.shape_cast %parallel_loop3A_197 : vector<1x1x16xf32> to vector<16xf32>
      %parallel_loop3A_199 = arith.mulf %parallel_loop3A_192, %parallel_loop3A_198 : vector<16xf32>
      %parallel_loop3A_200 = arith.constant 32 : i32
      %parallel_loop3A_201 = arith.addi %parallel_loop3A_200, %parallel_loop3A_182 : i32
      %parallel_loop3A_202 = arith.index_cast %parallel_loop3A_201 : i32 to index
      %parallel_loop3A_203 = arith.constant 0 : index
      %parallel_loop3A_204 = tpu.vector_load %arg11[%parallel_loop3A_202, %parallel_loop3A_203] {strides = array<i32>} : memref<64x16xf32, #tpu.memory_space<vmem>>, vector<1x16xf32>,
      %parallel_loop3A_205 = vector.shape_cast %parallel_loop3A_204 : vector<1x16xf32> to vector<16xf32>
      %parallel_loop3A_206 = arith.constant 0 : i32
      %parallel_loop3A_207 = arith.index_cast %parallel_loop3A_206 : i32 to index
      %parallel_loop3A_208 = arith.index_cast %parallel_loop3A_182 : i32 to index
      %parallel_loop3A_209 = arith.index_cast %parallel_loop3A_186 : i32 to index
      %parallel_loop3A_210 = tpu.vector_load %arg13[%parallel_loop3A_207, %parallel_loop3A_208, %parallel_loop3A_209] {strides = array<i32>} : memref<2x16x1024xf32, #tpu.memory_space<vmem>>, vector<1x1x16xf32>,
      %parallel_loop3A_211 = vector.shape_cast %parallel_loop3A_210 : vector<1x1x16xf32> to vector<16xf32>
      %parallel_loop3A_212 = arith.mulf %parallel_loop3A_205, %parallel_loop3A_211 : vector<16xf32>
      %parallel_loop3A_213 = arith.addf %parallel_loop3A_199, %parallel_loop3A_212 : vector<16xf32>
      %parallel_loop3A_214 = arith.index_cast %parallel_loop3A_182 : i32 to index
      %parallel_loop3A_215 = arith.index_cast %parallel_loop3A_186 : i32 to index
      %parallel_loop3A_216 = tpu.vector_load %arg14[%parallel_loop3A_214, %parallel_loop3A_215] {strides = array<i32>} : memref<16x1024xf32, #tpu.memory_space<vmem>>, vector<1x16xf32>,
      %parallel_loop3A_217 = vector.shape_cast %parallel_loop3A_216 : vector<1x16xf32> to vector<16xf32>
      %parallel_loop3A_218 = vector.shape_cast %parallel_loop3A_213 : vector<16xf32> to vector<1x16xf32>
      tpu.vector_store %arg14[%parallel_loop3A_214, %parallel_loop3A_215], %parallel_loop3A_218 {strides = array<i32>} : memref<16x1024xf32, #tpu.memory_space<vmem>>, vector<1x16xf32>,
    } {sc.loop_unroll_factor = 8 : i64, sc.parallel_access}
    %add3A_153 = arith.constant 32 : i32
    %add3A_154 = arith.addi %mul3A_2, %add3A_153 : i32
    "tpu.region"() ({
      %run_scoped3A = tpu.sem_alloc : memref<!tpu.dma_semaphore, #tpu.memory_space<semaphore_mem>>
      %dma_start3A_180 = arith.constant 0 : i32
      %dma_start3A_181 = tpu.memref_slice %arg7[%add3A_154, %dma_start3A_180] : memref<2048x1024xf32, #tpu.memory_space<hbm>> -> memref<16x1024xf32, #tpu.memory_space<hbm>>
      %dma_start3A_182 = arith.constant 0 : i32
      %dma_start3A_183 = tpu.memref_slice %arg7[%add3A_154, %dma_start3A_182] : memref<2048x1024xf32, #tpu.memory_space<hbm>> -> memref<16x1024xf32, #tpu.memory_space<hbm>>
      tpu.enqueue_dma source(%arg14 : memref<16x1024xf32, #tpu.memory_space<vmem>>) target(%dma_start3A_183 : memref<16x1024xf32, #tpu.memory_space<hbm>>) target_semaphore(%run_scoped3A : memref<!tpu.dma_semaphore, #tpu.memory_space<semaphore_mem>>)
      %dma_wait3A_184 = arith.constant 0 : i32
      %dma_wait3A_185 = tpu.memref_slice %arg7[%add3A_154, %dma_wait3A_184] : memref<2048x1024xf32, #tpu.memory_space<hbm>> -> memref<16x1024xf32, #tpu.memory_space<hbm>>
      %dma_wait3A_186 = arith.constant 0 : i32
      %dma_wait3A_187 = tpu.memref_slice %arg7[%add3A_154, %dma_wait3A_186] : memref<2048x1024xf32, #tpu.memory_space<hbm>> -> memref<16x1024xf32, #tpu.memory_space<hbm>>
      tpu.wait_dma2 semaphore(%run_scoped3A : memref<!tpu.dma_semaphore, #tpu.memory_space<semaphore_mem>>) src(%arg14 : memref<16x1024xf32, #tpu.memory_space<vmem>>) dst(%dma_wait3A_187 : memref<16x1024xf32, #tpu.memory_space<hbm>>)
      tpu.yield
    }) : () -> ()
    %dma_wait3A_155 = arith.constant 1 : i32
    %dma_wait3A_156 = arith.constant 0 : i32
    %dma_wait3A_157 = arith.constant 0 : i32
    %dma_wait3A_158 = tpu.memref_slice %arg12[%dma_wait3A_155, %dma_wait3A_156, %dma_wait3A_157] : memref<2x16x1024xf32, #tpu.memory_space<vmem>> -> memref<1x16x1024xf32, #tpu.memory_space<vmem>>
    %dma_wait3A_159 = tpu.memref_squeeze %dma_wait3A_158 : memref<1x16x1024xf32, #tpu.memory_space<vmem>> -> memref<16x1024xf32, #tpu.memory_space<vmem>>
    %dma_wait3A_160 = arith.constant 48 : i32
    %dma_wait3A_161 = tpu.memref_slice %arg8[%dma_wait3A_160] : memref<64xi32, #tpu.memory_space<vmem>> -> memref<16xi32, #tpu.memory_space<vmem>>
    %dma_wait3A_162 = arith.constant 0 : i32
    %dma_wait3A_163 = arith.constant 0 : i32
    %dma_wait3A_164 = tpu.memref_slice %arg2[%dma_wait3A_162, %dma_wait3A_163] : memref<6144x1024xf32, #tpu.memory_space<hbm>> -> memref<6144x1024xf32, #tpu.memory_space<hbm>>
    tpu.wait_indirect_dma semaphore(%arg16 : memref<!tpu.dma_semaphore, #tpu.memory_space<semaphore_mem>>) src(%dma_wait3A_164 : memref<6144x1024xf32, #tpu.memory_space<hbm>>) dst(%dma_wait3A_159 : memref<16x1024xf32, #tpu.memory_space<vmem>>)
    %dma_wait3A_165 = arith.constant 1 : i32
    %dma_wait3A_166 = arith.constant 0 : i32
    %dma_wait3A_167 = arith.constant 0 : i32
    %dma_wait3A_168 = tpu.memref_slice %arg13[%dma_wait3A_165, %dma_wait3A_166, %dma_wait3A_167] : memref<2x16x1024xf32, #tpu.memory_space<vmem>> -> memref<1x16x1024xf32, #tpu.memory_space<vmem>>
    %dma_wait3A_169 = tpu.memref_squeeze %dma_wait3A_168 : memref<1x16x1024xf32, #tpu.memory_space<vmem>> -> memref<16x1024xf32, #tpu.memory_space<vmem>>
    %dma_wait3A_170 = arith.constant 48 : i32
    %dma_wait3A_171 = tpu.memref_slice %arg9[%dma_wait3A_170] : memref<64xi32, #tpu.memory_space<vmem>> -> memref<16xi32, #tpu.memory_space<vmem>>
    %dma_wait3A_172 = arith.constant 0 : i32
    %dma_wait3A_173 = arith.constant 0 : i32
    %dma_wait3A_174 = tpu.memref_slice %arg2[%dma_wait3A_172, %dma_wait3A_173] : memref<6144x1024xf32, #tpu.memory_space<hbm>> -> memref<6144x1024xf32, #tpu.memory_space<hbm>>
    tpu.wait_indirect_dma semaphore(%arg16 : memref<!tpu.dma_semaphore, #tpu.memory_space<semaphore_mem>>) src(%dma_wait3A_174 : memref<6144x1024xf32, #tpu.memory_space<hbm>>) dst(%dma_wait3A_169 : memref<16x1024xf32, #tpu.memory_space<vmem>>)
    %parallel_loop3A_175 = arith.constant 0 : i32
    %parallel_loop3A_176 = arith.constant 1024 : i32
    %parallel_loop3A_177 = arith.constant 1 : i32
    scf.for %parallel_loop3A_180 = %parallel_loop3A_175 to %parallel_loop3A_176 step %parallel_loop3A_177  : i32 {
      %parallel_loop3A_181 = arith.constant 6 : i32
      %parallel_loop3A_182 = arith.shrui %parallel_loop3A_180, %parallel_loop3A_181 : i32
      %parallel_loop3A_183 = arith.constant 63 : i32
      %parallel_loop3A_184 = arith.andi %parallel_loop3A_180, %parallel_loop3A_183 : i32
      %parallel_loop3A_185 = arith.constant 16 : i32
      %parallel_loop3A_186 = arith.muli %parallel_loop3A_184, %parallel_loop3A_185 : i32
      %parallel_loop3A_187 = arith.constant 48 : i32
      %parallel_loop3A_188 = arith.addi %parallel_loop3A_187, %parallel_loop3A_182 : i32
      %parallel_loop3A_189 = arith.index_cast %parallel_loop3A_188 : i32 to index
      %parallel_loop3A_190 = arith.constant 0 : index
      %parallel_loop3A_191 = tpu.vector_load %arg10[%parallel_loop3A_189, %parallel_loop3A_190] {strides = array<i32>} : memref<64x16xf32, #tpu.memory_space<vmem>>, vector<1x16xf32>,
      %parallel_loop3A_192 = vector.shape_cast %parallel_loop3A_191 : vector<1x16xf32> to vector<16xf32>
      %parallel_loop3A_193 = arith.constant 1 : i32
      %parallel_loop3A_194 = arith.index_cast %parallel_loop3A_193 : i32 to index
      %parallel_loop3A_195 = arith.index_cast %parallel_loop3A_182 : i32 to index
      %parallel_loop3A_196 = arith.index_cast %parallel_loop3A_186 : i32 to index
      %parallel_loop3A_197 = tpu.vector_load %arg12[%parallel_loop3A_194, %parallel_loop3A_195, %parallel_loop3A_196] {strides = array<i32>} : memref<2x16x1024xf32, #tpu.memory_space<vmem>>, vector<1x1x16xf32>,
      %parallel_loop3A_198 = vector.shape_cast %parallel_loop3A_197 : vector<1x1x16xf32> to vector<16xf32>
      %parallel_loop3A_199 = arith.mulf %parallel_loop3A_192, %parallel_loop3A_198 : vector<16xf32>
      %parallel_loop3A_200 = arith.constant 48 : i32
      %parallel_loop3A_201 = arith.addi %parallel_loop3A_200, %parallel_loop3A_182 : i32
      %parallel_loop3A_202 = arith.index_cast %parallel_loop3A_201 : i32 to index
      %parallel_loop3A_203 = arith.constant 0 : index
      %parallel_loop3A_204 = tpu.vector_load %arg11[%parallel_loop3A_202, %parallel_loop3A_203] {strides = array<i32>} : memref<64x16xf32, #tpu.memory_space<vmem>>, vector<1x16xf32>,
      %parallel_loop3A_205 = vector.shape_cast %parallel_loop3A_204 : vector<1x16xf32> to vector<16xf32>
      %parallel_loop3A_206 = arith.constant 1 : i32
      %parallel_loop3A_207 = arith.index_cast %parallel_loop3A_206 : i32 to index
      %parallel_loop3A_208 = arith.index_cast %parallel_loop3A_182 : i32 to index
      %parallel_loop3A_209 = arith.index_cast %parallel_loop3A_186 : i32 to index
      %parallel_loop3A_210 = tpu.vector_load %arg13[%parallel_loop3A_207, %parallel_loop3A_208, %parallel_loop3A_209] {strides = array<i32>} : memref<2x16x1024xf32, #tpu.memory_space<vmem>>, vector<1x1x16xf32>,
      %parallel_loop3A_211 = vector.shape_cast %parallel_loop3A_210 : vector<1x1x16xf32> to vector<16xf32>
      %parallel_loop3A_212 = arith.mulf %parallel_loop3A_205, %parallel_loop3A_211 : vector<16xf32>
      %parallel_loop3A_213 = arith.addf %parallel_loop3A_199, %parallel_loop3A_212 : vector<16xf32>
      %parallel_loop3A_214 = arith.index_cast %parallel_loop3A_182 : i32 to index
      %parallel_loop3A_215 = arith.index_cast %parallel_loop3A_186 : i32 to index
      %parallel_loop3A_216 = tpu.vector_load %arg14[%parallel_loop3A_214, %parallel_loop3A_215] {strides = array<i32>} : memref<16x1024xf32, #tpu.memory_space<vmem>>, vector<1x16xf32>,
      %parallel_loop3A_217 = vector.shape_cast %parallel_loop3A_216 : vector<1x16xf32> to vector<16xf32>
      %parallel_loop3A_218 = vector.shape_cast %parallel_loop3A_213 : vector<16xf32> to vector<1x16xf32>
      tpu.vector_store %arg14[%parallel_loop3A_214, %parallel_loop3A_215], %parallel_loop3A_218 {strides = array<i32>} : memref<16x1024xf32, #tpu.memory_space<vmem>>, vector<1x16xf32>,
    } {sc.loop_unroll_factor = 8 : i64, sc.parallel_access}
    %add3A_178 = arith.constant 48 : i32
    %add3A_179 = arith.addi %mul3A_2, %add3A_178 : i32
    "tpu.region"() ({
      %run_scoped3A = tpu.sem_alloc : memref<!tpu.dma_semaphore, #tpu.memory_space<semaphore_mem>>
      %dma_start3A_180 = arith.constant 0 : i32
      %dma_start3A_181 = tpu.memref_slice %arg7[%add3A_179, %dma_start3A_180] : memref<2048x1024xf32, #tpu.memory_space<hbm>> -> memref<16x1024xf32, #tpu.memory_space<hbm>>
      %dma_start3A_182 = arith.constant 0 : i32
      %dma_start3A_183 = tpu.memref_slice %arg7[%add3A_179, %dma_start3A_182] : memref<2048x1024xf32, #tpu.memory_space<hbm>> -> memref<16x1024xf32, #tpu.memory_space<hbm>>
      tpu.enqueue_dma source(%arg14 : memref<16x1024xf32, #tpu.memory_space<vmem>>) target(%dma_start3A_183 : memref<16x1024xf32, #tpu.memory_space<hbm>>) target_semaphore(%run_scoped3A : memref<!tpu.dma_semaphore, #tpu.memory_space<semaphore_mem>>)
      %dma_wait3A_184 = arith.constant 0 : i32
      %dma_wait3A_185 = tpu.memref_slice %arg7[%add3A_179, %dma_wait3A_184] : memref<2048x1024xf32, #tpu.memory_space<hbm>> -> memref<16x1024xf32, #tpu.memory_space<hbm>>
      %dma_wait3A_186 = arith.constant 0 : i32
      %dma_wait3A_187 = tpu.memref_slice %arg7[%add3A_179, %dma_wait3A_186] : memref<2048x1024xf32, #tpu.memory_space<hbm>> -> memref<16x1024xf32, #tpu.memory_space<hbm>>
      tpu.wait_dma2 semaphore(%run_scoped3A : memref<!tpu.dma_semaphore, #tpu.memory_space<semaphore_mem>>) src(%arg14 : memref<16x1024xf32, #tpu.memory_space<vmem>>) dst(%dma_wait3A_187 : memref<16x1024xf32, #tpu.memory_space<hbm>>)
      tpu.yield
    }) : () -> ()
    return
  }
}

module attributes {stable_mosaic.version = 14 : i64} {
  func.func @_router_body(%arg0: memref<2048x1024xf32, #tpu.memory_space<vmem>>, %arg1: memref<8x1024xf32, #tpu.memory_space<vmem>>, %arg2: memref<2048x1xi32, #tpu.memory_space<vmem>>, %arg3: memref<2048x1xi32, #tpu.memory_space<vmem>>, %arg4: memref<2048x16xf32, #tpu.memory_space<vmem>>, %arg5: memref<2048x16xf32, #tpu.memory_space<vmem>>, %arg6: memref<2x24xi32, #tpu.memory_space<vmem>>) attributes {dimension_semantics = [], scalar_prefetch = 0 : i64, scratch_operands = 0 : i64, tpu.core_type = #tpu.core_type<tc>} {
    %get3A = arith.constant 0 : index
    %get3A_0 = arith.constant 0 : index
    %get3A_1 = vector.load %arg0[%get3A, %get3A_0] : memref<2048x1024xf32, #tpu.memory_space<vmem>>, vector<2048x1024xf32>
    %get3A_2 = arith.constant 0 : index
    %get3A_3 = arith.constant 0 : index
    %get3A_4 = vector.load %arg1[%get3A_2, %get3A_3] : memref<8x1024xf32, #tpu.memory_space<vmem>>, vector<8x1024xf32>
    %dot_general3A = arith.constant dense<0.000000e+00> : vector<2048x8xf32>
    %dot_general3A_5 = tpu.matmul %get3A_1, %get3A_4, %dot_general3A {dimension_numbers = #tpu.dot_dimension_numbers<[1], [1], [0], [0], [0, 0, 1, 0], [], []>, transpose_lhs_hint = false} : vector<2048x1024xf32>, vector<8x1024xf32>, vector<2048x8xf32> -> vector<2048x8xf32>
    %iota3A = tpu.iota {dimensions = array<i32: 1>} : vector<2048x8xi32>
    %reduce_max3A = arith.constant dense<0xFF800000> : vector<2048xf32>
    %reduce_max3A_6 = vector.multi_reduction <maximumf>, %dot_general3A_5, %reduce_max3A [1] : vector<2048x8xf32> to vector<2048xf32>
    %broadcast_in_dim3A = vector.shape_cast %reduce_max3A_6 : vector<2048xf32> to vector<2048x1xf32>
    %eq3A = vector.broadcast %broadcast_in_dim3A : vector<2048x1xf32> to vector<2048x8xf32>
    %eq3A_7 = arith.cmpf oeq, %dot_general3A_5, %eq3A : vector<2048x8xf32>
    %jit3A = arith.constant 8 : i32
    %broadcast_in_dim3A_8 = vector.broadcast %jit3A : i32 to vector<2048x8xi32>
    %select_n3A = arith.select %eq3A_7, %iota3A, %broadcast_in_dim3A_8 : vector<2048x8xi1>, vector<2048x8xi32>
    %reduce_min3A = arith.constant dense<2147483647> : vector<2048xi32>
    %reduce_min3A_9 = vector.multi_reduction <minsi>, %select_n3A, %reduce_min3A [1] : vector<2048x8xi32> to vector<2048xi32>
    %broadcast_in_dim3A_10 = vector.shape_cast %reduce_min3A_9 : vector<2048xi32> to vector<2048x1xi32>
    %eq3A_11 = vector.broadcast %broadcast_in_dim3A_10 : vector<2048x1xi32> to vector<2048x8xi32>
    %eq3A_12 = arith.cmpi eq, %iota3A, %eq3A_11 : vector<2048x8xi32>
    %jit3A_13 = arith.constant 0xFF800000 : f32
    %broadcast_in_dim3A_14 = vector.broadcast %jit3A_13 : f32 to vector<2048x8xf32>
    %select_n3A_15 = arith.select %eq3A_12, %broadcast_in_dim3A_14, %dot_general3A_5 : vector<2048x8xi1>, vector<2048x8xf32>
    %reduce_max3A_16 = arith.constant dense<0xFF800000> : vector<2048xf32>
    %reduce_max3A_17 = vector.multi_reduction <maximumf>, %select_n3A_15, %reduce_max3A_16 [1] : vector<2048x8xf32> to vector<2048xf32>
    %broadcast_in_dim3A_18 = vector.shape_cast %reduce_max3A_17 : vector<2048xf32> to vector<2048x1xf32>
    %eq3A_19 = vector.broadcast %broadcast_in_dim3A_18 : vector<2048x1xf32> to vector<2048x8xf32>
    %eq3A_20 = arith.cmpf oeq, %select_n3A_15, %eq3A_19 : vector<2048x8xf32>
    %jit3A_21 = arith.constant 8 : i32
    %broadcast_in_dim3A_22 = vector.broadcast %jit3A_21 : i32 to vector<2048x8xi32>
    %select_n3A_23 = arith.select %eq3A_20, %iota3A, %broadcast_in_dim3A_22 : vector<2048x8xi1>, vector<2048x8xi32>
    %reduce_min3A_24 = arith.constant dense<2147483647> : vector<2048xi32>
    %reduce_min3A_25 = vector.multi_reduction <minsi>, %select_n3A_23, %reduce_min3A_24 [1] : vector<2048x8xi32> to vector<2048xi32>
    %broadcast_in_dim3A_26 = vector.shape_cast %reduce_min3A_25 : vector<2048xi32> to vector<2048x1xi32>
    %eq3A_27 = vector.broadcast %broadcast_in_dim3A_26 : vector<2048x1xi32> to vector<2048x8xi32>
    %eq3A_28 = arith.cmpi eq, %iota3A, %eq3A_27 : vector<2048x8xi32>
    %sub3A = arith.subf %broadcast_in_dim3A_18, %broadcast_in_dim3A : vector<2048x1xf32>
    %exp3A = math.exp %sub3A : vector<2048x1xf32>
    %add3A = arith.constant 1.000000e+00 : f32
    %add3A_29 = vector.broadcast %add3A : f32 to vector<2048x1xf32>
    %add3A_30 = arith.addf %add3A_29, %exp3A : vector<2048x1xf32>
    %div3A = arith.constant 1.000000e+00 : f32
    %div3A_31 = vector.broadcast %div3A : f32 to vector<2048x1xf32>
    %div3A_32 = arith.divf %div3A_31, %add3A_30 : vector<2048x1xf32>
    %broadcast_in_dim3A_33 = vector.shape_cast %div3A_32 : vector<2048x1xf32> to vector<2048x1xf32>
    %broadcast_in_dim3A_34 = vector.broadcast %broadcast_in_dim3A_33 : vector<2048x1xf32> to vector<2048x16xf32>
    %swap3A = arith.constant 0 : index
    %swap3A_35 = arith.constant 0 : index
    %swap3A_36 = vector.load %arg4[%swap3A, %swap3A_35] : memref<2048x16xf32, #tpu.memory_space<vmem>>, vector<2048x16xf32>
    tpu.vector_store %arg4[%swap3A, %swap3A_35], %broadcast_in_dim3A_34 {strides = array<i32>} : memref<2048x16xf32, #tpu.memory_space<vmem>>, vector<2048x16xf32>,
    %sub3A_37 = arith.constant 1.000000e+00 : f32
    %sub3A_38 = vector.broadcast %sub3A_37 : f32 to vector<2048x1xf32>
    %sub3A_39 = arith.subf %sub3A_38, %div3A_32 : vector<2048x1xf32>
    %broadcast_in_dim3A_40 = vector.shape_cast %sub3A_39 : vector<2048x1xf32> to vector<2048x1xf32>
    %broadcast_in_dim3A_41 = vector.broadcast %broadcast_in_dim3A_40 : vector<2048x1xf32> to vector<2048x16xf32>
    %swap3A_42 = arith.constant 0 : index
    %swap3A_43 = arith.constant 0 : index
    %swap3A_44 = vector.load %arg5[%swap3A_42, %swap3A_43] : memref<2048x16xf32, #tpu.memory_space<vmem>>, vector<2048x16xf32>
    tpu.vector_store %arg5[%swap3A_42, %swap3A_43], %broadcast_in_dim3A_41 {strides = array<i32>} : memref<2048x16xf32, #tpu.memory_space<vmem>>, vector<2048x16xf32>,
    %convert_element_type3A = arith.extui %eq3A_12 : vector<2048x8xi1> to vector<2048x8xi32>
    %convert_element_type3A_45 = arith.sitofp %convert_element_type3A : vector<2048x8xi32> to vector<2048x8xf32>
    %convert_element_type3A_46 = arith.extui %eq3A_28 : vector<2048x8xi1> to vector<2048x8xi32>
    %convert_element_type3A_47 = arith.sitofp %convert_element_type3A_46 : vector<2048x8xi32> to vector<2048x8xf32>
    %add3A_48 = arith.addf %convert_element_type3A_45, %convert_element_type3A_47 : vector<2048x8xf32>
    %iota3A_49 = tpu.iota {dimensions = array<i32: 0>} : vector<256x256xi32>
    %iota3A_50 = tpu.iota {dimensions = array<i32: 1>} : vector<256x256xi32>
    %ge3A = arith.cmpi sge, %iota3A_49, %iota3A_50 : vector<256x256xi32>
    %convert_element_type3A_51 = arith.extui %ge3A : vector<256x256xi1> to vector<256x256xi32>
    %convert_element_type3A_52 = arith.sitofp %convert_element_type3A_51 : vector<256x256xi32> to vector<256x256xf32>
    %slice3A = vector.extract_strided_slice %add3A_48 {offsets = [0, 0], sizes = [256, 8], strides = [1, 1]} : vector<2048x8xf32> to vector<256x8xf32>
    %dot_general3A_53 = arith.constant dense<0.000000e+00> : vector<256x8xf32>
    %dot_general3A_54 = tpu.matmul %convert_element_type3A_52, %slice3A, %dot_general3A_53 {dimension_numbers = #tpu.dot_dimension_numbers<[1], [0], [0], [1], [0, 0, 1, 1], [], []>, transpose_lhs_hint = false} : vector<256x256xf32>, vector<256x8xf32>, vector<256x8xf32> -> vector<256x8xf32>
    %slice3A_55 = vector.extract_strided_slice %add3A_48 {offsets = [256, 0], sizes = [256, 8], strides = [1, 1]} : vector<2048x8xf32> to vector<256x8xf32>
    %dot_general3A_56 = arith.constant dense<0.000000e+00> : vector<256x8xf32>
    %dot_general3A_57 = tpu.matmul %convert_element_type3A_52, %slice3A_55, %dot_general3A_56 {dimension_numbers = #tpu.dot_dimension_numbers<[1], [0], [0], [1], [0, 0, 1, 1], [], []>, transpose_lhs_hint = false} : vector<256x256xf32>, vector<256x8xf32>, vector<256x8xf32> -> vector<256x8xf32>
    %slice3A_58 = vector.extract_strided_slice %add3A_48 {offsets = [512, 0], sizes = [256, 8], strides = [1, 1]} : vector<2048x8xf32> to vector<256x8xf32>
    %dot_general3A_59 = arith.constant dense<0.000000e+00> : vector<256x8xf32>
    %dot_general3A_60 = tpu.matmul %convert_element_type3A_52, %slice3A_58, %dot_general3A_59 {dimension_numbers = #tpu.dot_dimension_numbers<[1], [0], [0], [1], [0, 0, 1, 1], [], []>, transpose_lhs_hint = false} : vector<256x256xf32>, vector<256x8xf32>, vector<256x8xf32> -> vector<256x8xf32>
    %slice3A_61 = vector.extract_strided_slice %add3A_48 {offsets = [768, 0], sizes = [256, 8], strides = [1, 1]} : vector<2048x8xf32> to vector<256x8xf32>
    %dot_general3A_62 = arith.constant dense<0.000000e+00> : vector<256x8xf32>
    %dot_general3A_63 = tpu.matmul %convert_element_type3A_52, %slice3A_61, %dot_general3A_62 {dimension_numbers = #tpu.dot_dimension_numbers<[1], [0], [0], [1], [0, 0, 1, 1], [], []>, transpose_lhs_hint = false} : vector<256x256xf32>, vector<256x8xf32>, vector<256x8xf32> -> vector<256x8xf32>
    %slice3A_64 = vector.extract_strided_slice %add3A_48 {offsets = [1024, 0], sizes = [256, 8], strides = [1, 1]} : vector<2048x8xf32> to vector<256x8xf32>
    %dot_general3A_65 = arith.constant dense<0.000000e+00> : vector<256x8xf32>
    %dot_general3A_66 = tpu.matmul %convert_element_type3A_52, %slice3A_64, %dot_general3A_65 {dimension_numbers = #tpu.dot_dimension_numbers<[1], [0], [0], [1], [0, 0, 1, 1], [], []>, transpose_lhs_hint = false} : vector<256x256xf32>, vector<256x8xf32>, vector<256x8xf32> -> vector<256x8xf32>
    %slice3A_67 = vector.extract_strided_slice %add3A_48 {offsets = [1280, 0], sizes = [256, 8], strides = [1, 1]} : vector<2048x8xf32> to vector<256x8xf32>
    %dot_general3A_68 = arith.constant dense<0.000000e+00> : vector<256x8xf32>
    %dot_general3A_69 = tpu.matmul %convert_element_type3A_52, %slice3A_67, %dot_general3A_68 {dimension_numbers = #tpu.dot_dimension_numbers<[1], [0], [0], [1], [0, 0, 1, 1], [], []>, transpose_lhs_hint = false} : vector<256x256xf32>, vector<256x8xf32>, vector<256x8xf32> -> vector<256x8xf32>
    %slice3A_70 = vector.extract_strided_slice %add3A_48 {offsets = [1536, 0], sizes = [256, 8], strides = [1, 1]} : vector<2048x8xf32> to vector<256x8xf32>
    %dot_general3A_71 = arith.constant dense<0.000000e+00> : vector<256x8xf32>
    %dot_general3A_72 = tpu.matmul %convert_element_type3A_52, %slice3A_70, %dot_general3A_71 {dimension_numbers = #tpu.dot_dimension_numbers<[1], [0], [0], [1], [0, 0, 1, 1], [], []>, transpose_lhs_hint = false} : vector<256x256xf32>, vector<256x8xf32>, vector<256x8xf32> -> vector<256x8xf32>
    %slice3A_73 = vector.extract_strided_slice %add3A_48 {offsets = [1792, 0], sizes = [256, 8], strides = [1, 1]} : vector<2048x8xf32> to vector<256x8xf32>
    %dot_general3A_74 = arith.constant dense<0.000000e+00> : vector<256x8xf32>
    %dot_general3A_75 = tpu.matmul %convert_element_type3A_52, %slice3A_73, %dot_general3A_74 {dimension_numbers = #tpu.dot_dimension_numbers<[1], [0], [0], [1], [0, 0, 1, 1], [], []>, transpose_lhs_hint = false} : vector<256x256xf32>, vector<256x8xf32>, vector<256x8xf32> -> vector<256x8xf32>
    %slice3A_76 = vector.extract_strided_slice %dot_general3A_54 {offsets = [255, 0], sizes = [1, 8], strides = [1, 1]} : vector<256x8xf32> to vector<1x8xf32>
    %slice3A_77 = vector.extract_strided_slice %dot_general3A_57 {offsets = [255, 0], sizes = [1, 8], strides = [1, 1]} : vector<256x8xf32> to vector<1x8xf32>
    %slice3A_78 = vector.extract_strided_slice %dot_general3A_60 {offsets = [255, 0], sizes = [1, 8], strides = [1, 1]} : vector<256x8xf32> to vector<1x8xf32>
    %slice3A_79 = vector.extract_strided_slice %dot_general3A_63 {offsets = [255, 0], sizes = [1, 8], strides = [1, 1]} : vector<256x8xf32> to vector<1x8xf32>
    %slice3A_80 = vector.extract_strided_slice %dot_general3A_66 {offsets = [255, 0], sizes = [1, 8], strides = [1, 1]} : vector<256x8xf32> to vector<1x8xf32>
    %slice3A_81 = vector.extract_strided_slice %dot_general3A_69 {offsets = [255, 0], sizes = [1, 8], strides = [1, 1]} : vector<256x8xf32> to vector<1x8xf32>
    %slice3A_82 = vector.extract_strided_slice %dot_general3A_72 {offsets = [255, 0], sizes = [1, 8], strides = [1, 1]} : vector<256x8xf32> to vector<1x8xf32>
    %slice3A_83 = vector.extract_strided_slice %dot_general3A_75 {offsets = [255, 0], sizes = [1, 8], strides = [1, 1]} : vector<256x8xf32> to vector<1x8xf32>
    %concatenate3A = tpu.concatenate %slice3A_76, %slice3A_77, %slice3A_78, %slice3A_79, %slice3A_80, %slice3A_81, %slice3A_82, %slice3A_83 in 0 : vector<1x8xf32>, vector<1x8xf32>, vector<1x8xf32>, vector<1x8xf32>, vector<1x8xf32>, vector<1x8xf32>, vector<1x8xf32>, vector<1x8xf32> -> vector<8x8xf32>
    %iota3A_84 = tpu.iota {dimensions = array<i32: 0>} : vector<8x8xi32>
    %iota3A_85 = tpu.iota {dimensions = array<i32: 1>} : vector<8x8xi32>
    %lt3A = arith.cmpi slt, %iota3A_84, %iota3A_85 : vector<8x8xi32>
    %convert_element_type3A_86 = arith.extui %lt3A : vector<8x8xi1> to vector<8x8xi32>
    %convert_element_type3A_87 = arith.sitofp %convert_element_type3A_86 : vector<8x8xi32> to vector<8x8xf32>
    %dot_general3A_88 = arith.constant dense<0.000000e+00> : vector<8x8xf32>
    %dot_general3A_89 = tpu.matmul %convert_element_type3A_87, %concatenate3A, %dot_general3A_88 {dimension_numbers = #tpu.dot_dimension_numbers<[0], [0], [1], [1], [0, 1, 1, 1], [], []>, transpose_lhs_hint = false} : vector<8x8xf32>, vector<8x8xf32>, vector<8x8xf32> -> vector<8x8xf32>
    %reduce_sum3A = arith.constant dense<0.000000e+00> : vector<8xf32>
    %reduce_sum3A_90 = vector.multi_reduction <add>, %concatenate3A, %reduce_sum3A [0] : vector<8x8xf32> to vector<8xf32>
    %broadcast_in_dim3A_91 = vector.shape_cast %reduce_sum3A_90 : vector<8xf32> to vector<1x8xf32>
    %add3A_92 = arith.constant 2.550000e+02 : f32
    %add3A_93 = vector.broadcast %add3A_92 : f32 to vector<1x8xf32>
    %add3A_94 = arith.addf %broadcast_in_dim3A_91, %add3A_93 : vector<1x8xf32>
    %mul3A = arith.constant 3.906250e-03 : f32
    %mul3A_95 = vector.broadcast %mul3A : f32 to vector<1x8xf32>
    %mul3A_96 = arith.mulf %add3A_94, %mul3A_95 : vector<1x8xf32>
    %floor3A = math.floor %mul3A_96 : vector<1x8xf32>
    %iota3A_97 = tpu.iota {dimensions = array<i32: 0>} : vector<8x8xi32>
    %iota3A_98 = tpu.iota {dimensions = array<i32: 1>} : vector<8x8xi32>
    %lt3A_99 = arith.cmpi slt, %iota3A_97, %iota3A_98 : vector<8x8xi32>
    %convert_element_type3A_100 = arith.extui %lt3A_99 : vector<8x8xi1> to vector<8x8xi32>
    %convert_element_type3A_101 = arith.sitofp %convert_element_type3A_100 : vector<8x8xi32> to vector<8x8xf32>
    %dot_general3A_102 = arith.constant dense<0.000000e+00> : vector<1x8xf32>
    %dot_general3A_103 = tpu.matmul %floor3A, %convert_element_type3A_101, %dot_general3A_102 {dimension_numbers = #tpu.dot_dimension_numbers<[1], [0], [0], [1], [0, 0, 1, 1], [], []>, transpose_lhs_hint = false} : vector<1x8xf32>, vector<8x8xf32>, vector<1x8xf32> -> vector<1x8xf32>
    %mul3A_104 = arith.constant 2.560000e+02 : f32
    %mul3A_105 = vector.broadcast %mul3A_104 : f32 to vector<1x8xf32>
    %mul3A_106 = arith.mulf %dot_general3A_103, %mul3A_105 : vector<1x8xf32>
    %slice3A_107 = vector.extract_strided_slice %add3A_48 {offsets = [0, 0], sizes = [256, 8], strides = [1, 1]} : vector<2048x8xf32> to vector<256x8xf32>
    %slice3A_108 = vector.extract_strided_slice %convert_element_type3A_45 {offsets = [0, 0], sizes = [256, 8], strides = [1, 1]} : vector<2048x8xf32> to vector<256x8xf32>
    %slice3A_109 = vector.extract_strided_slice %convert_element_type3A_47 {offsets = [0, 0], sizes = [256, 8], strides = [1, 1]} : vector<2048x8xf32> to vector<256x8xf32>
    %slice3A_110 = vector.extract_strided_slice %dot_general3A_89 {offsets = [0, 0], sizes = [1, 8], strides = [1, 1]} : vector<8x8xf32> to vector<1x8xf32>
    %sub3A_111 = arith.subf %dot_general3A_54, %slice3A_107 : vector<256x8xf32>
    %add3A_112 = vector.broadcast %slice3A_110 : vector<1x8xf32> to vector<256x8xf32>
    %add3A_113 = arith.addf %sub3A_111, %add3A_112 : vector<256x8xf32>
    %add3A_114 = vector.broadcast %mul3A_106 : vector<1x8xf32> to vector<256x8xf32>
    %add3A_115 = arith.addf %add3A_113, %add3A_114 : vector<256x8xf32>
    %mul3A_116 = arith.mulf %add3A_115, %slice3A_108 : vector<256x8xf32>
    %reduce_sum3A_117 = arith.constant dense<0.000000e+00> : vector<256xf32>
    %reduce_sum3A_118 = vector.multi_reduction <add>, %mul3A_116, %reduce_sum3A_117 [1] : vector<256x8xf32> to vector<256xf32>
    %broadcast_in_dim3A_119 = vector.shape_cast %reduce_sum3A_118 : vector<256xf32> to vector<256x1xf32>
    %add3A_120 = arith.addf %add3A_115, %slice3A_108 : vector<256x8xf32>
    %mul3A_121 = arith.mulf %add3A_120, %slice3A_109 : vector<256x8xf32>
    %reduce_sum3A_122 = arith.constant dense<0.000000e+00> : vector<256xf32>
    %reduce_sum3A_123 = vector.multi_reduction <add>, %mul3A_121, %reduce_sum3A_122 [1] : vector<256x8xf32> to vector<256xf32>
    %broadcast_in_dim3A_124 = vector.shape_cast %reduce_sum3A_123 : vector<256xf32> to vector<256x1xf32>
    %convert_element_type3A_125 = arith.fptosi %broadcast_in_dim3A_119 : vector<256x1xf32> to vector<256x1xi32>
    %swap3A_126 = arith.constant 0 : index
    %swap3A_127 = arith.constant 0 : index
    %swap3A_128 = vector.load %arg2[%swap3A_126, %swap3A_127] : memref<2048x1xi32, #tpu.memory_space<vmem>>, vector<256x1xi32>
    tpu.vector_store %arg2[%swap3A_126, %swap3A_127], %convert_element_type3A_125 {strides = array<i32>} : memref<2048x1xi32, #tpu.memory_space<vmem>>, vector<256x1xi32>,
    %convert_element_type3A_129 = arith.fptosi %broadcast_in_dim3A_124 : vector<256x1xf32> to vector<256x1xi32>
    %swap3A_130 = arith.constant 0 : index
    %swap3A_131 = arith.constant 0 : index
    %swap3A_132 = vector.load %arg3[%swap3A_130, %swap3A_131] : memref<2048x1xi32, #tpu.memory_space<vmem>>, vector<256x1xi32>
    tpu.vector_store %arg3[%swap3A_130, %swap3A_131], %convert_element_type3A_129 {strides = array<i32>} : memref<2048x1xi32, #tpu.memory_space<vmem>>, vector<256x1xi32>,
    %slice3A_133 = vector.extract_strided_slice %add3A_48 {offsets = [256, 0], sizes = [256, 8], strides = [1, 1]} : vector<2048x8xf32> to vector<256x8xf32>
    %slice3A_134 = vector.extract_strided_slice %convert_element_type3A_45 {offsets = [256, 0], sizes = [256, 8], strides = [1, 1]} : vector<2048x8xf32> to vector<256x8xf32>
    %slice3A_135 = vector.extract_strided_slice %convert_element_type3A_47 {offsets = [256, 0], sizes = [256, 8], strides = [1, 1]} : vector<2048x8xf32> to vector<256x8xf32>
    %slice3A_136 = vector.extract_strided_slice %dot_general3A_89 {offsets = [1, 0], sizes = [1, 8], strides = [1, 1]} : vector<8x8xf32> to vector<1x8xf32>
    %sub3A_137 = arith.subf %dot_general3A_57, %slice3A_133 : vector<256x8xf32>
    %add3A_138 = vector.broadcast %slice3A_136 : vector<1x8xf32> to vector<256x8xf32>
    %add3A_139 = arith.addf %sub3A_137, %add3A_138 : vector<256x8xf32>
    %add3A_140 = vector.broadcast %mul3A_106 : vector<1x8xf32> to vector<256x8xf32>
    %add3A_141 = arith.addf %add3A_139, %add3A_140 : vector<256x8xf32>
    %mul3A_142 = arith.mulf %add3A_141, %slice3A_134 : vector<256x8xf32>
    %reduce_sum3A_143 = arith.constant dense<0.000000e+00> : vector<256xf32>
    %reduce_sum3A_144 = vector.multi_reduction <add>, %mul3A_142, %reduce_sum3A_143 [1] : vector<256x8xf32> to vector<256xf32>
    %broadcast_in_dim3A_145 = vector.shape_cast %reduce_sum3A_144 : vector<256xf32> to vector<256x1xf32>
    %add3A_146 = arith.addf %add3A_141, %slice3A_134 : vector<256x8xf32>
    %mul3A_147 = arith.mulf %add3A_146, %slice3A_135 : vector<256x8xf32>
    %reduce_sum3A_148 = arith.constant dense<0.000000e+00> : vector<256xf32>
    %reduce_sum3A_149 = vector.multi_reduction <add>, %mul3A_147, %reduce_sum3A_148 [1] : vector<256x8xf32> to vector<256xf32>
    %broadcast_in_dim3A_150 = vector.shape_cast %reduce_sum3A_149 : vector<256xf32> to vector<256x1xf32>
    %convert_element_type3A_151 = arith.fptosi %broadcast_in_dim3A_145 : vector<256x1xf32> to vector<256x1xi32>
    %swap3A_152 = arith.constant 256 : index
    %swap3A_153 = arith.constant 0 : index
    %swap3A_154 = vector.load %arg2[%swap3A_152, %swap3A_153] : memref<2048x1xi32, #tpu.memory_space<vmem>>, vector<256x1xi32>
    tpu.vector_store %arg2[%swap3A_152, %swap3A_153], %convert_element_type3A_151 {strides = array<i32>} : memref<2048x1xi32, #tpu.memory_space<vmem>>, vector<256x1xi32>,
    %convert_element_type3A_155 = arith.fptosi %broadcast_in_dim3A_150 : vector<256x1xf32> to vector<256x1xi32>
    %swap3A_156 = arith.constant 256 : index
    %swap3A_157 = arith.constant 0 : index
    %swap3A_158 = vector.load %arg3[%swap3A_156, %swap3A_157] : memref<2048x1xi32, #tpu.memory_space<vmem>>, vector<256x1xi32>
    tpu.vector_store %arg3[%swap3A_156, %swap3A_157], %convert_element_type3A_155 {strides = array<i32>} : memref<2048x1xi32, #tpu.memory_space<vmem>>, vector<256x1xi32>,
    %slice3A_159 = vector.extract_strided_slice %add3A_48 {offsets = [512, 0], sizes = [256, 8], strides = [1, 1]} : vector<2048x8xf32> to vector<256x8xf32>
    %slice3A_160 = vector.extract_strided_slice %convert_element_type3A_45 {offsets = [512, 0], sizes = [256, 8], strides = [1, 1]} : vector<2048x8xf32> to vector<256x8xf32>
    %slice3A_161 = vector.extract_strided_slice %convert_element_type3A_47 {offsets = [512, 0], sizes = [256, 8], strides = [1, 1]} : vector<2048x8xf32> to vector<256x8xf32>
    %slice3A_162 = vector.extract_strided_slice %dot_general3A_89 {offsets = [2, 0], sizes = [1, 8], strides = [1, 1]} : vector<8x8xf32> to vector<1x8xf32>
    %sub3A_163 = arith.subf %dot_general3A_60, %slice3A_159 : vector<256x8xf32>
    %add3A_164 = vector.broadcast %slice3A_162 : vector<1x8xf32> to vector<256x8xf32>
    %add3A_165 = arith.addf %sub3A_163, %add3A_164 : vector<256x8xf32>
    %add3A_166 = vector.broadcast %mul3A_106 : vector<1x8xf32> to vector<256x8xf32>
    %add3A_167 = arith.addf %add3A_165, %add3A_166 : vector<256x8xf32>
    %mul3A_168 = arith.mulf %add3A_167, %slice3A_160 : vector<256x8xf32>
    %reduce_sum3A_169 = arith.constant dense<0.000000e+00> : vector<256xf32>
    %reduce_sum3A_170 = vector.multi_reduction <add>, %mul3A_168, %reduce_sum3A_169 [1] : vector<256x8xf32> to vector<256xf32>
    %broadcast_in_dim3A_171 = vector.shape_cast %reduce_sum3A_170 : vector<256xf32> to vector<256x1xf32>
    %add3A_172 = arith.addf %add3A_167, %slice3A_160 : vector<256x8xf32>
    %mul3A_173 = arith.mulf %add3A_172, %slice3A_161 : vector<256x8xf32>
    %reduce_sum3A_174 = arith.constant dense<0.000000e+00> : vector<256xf32>
    %reduce_sum3A_175 = vector.multi_reduction <add>, %mul3A_173, %reduce_sum3A_174 [1] : vector<256x8xf32> to vector<256xf32>
    %broadcast_in_dim3A_176 = vector.shape_cast %reduce_sum3A_175 : vector<256xf32> to vector<256x1xf32>
    %convert_element_type3A_177 = arith.fptosi %broadcast_in_dim3A_171 : vector<256x1xf32> to vector<256x1xi32>
    %swap3A_178 = arith.constant 512 : index
    %swap3A_179 = arith.constant 0 : index
    %swap3A_180 = vector.load %arg2[%swap3A_178, %swap3A_179] : memref<2048x1xi32, #tpu.memory_space<vmem>>, vector<256x1xi32>
    tpu.vector_store %arg2[%swap3A_178, %swap3A_179], %convert_element_type3A_177 {strides = array<i32>} : memref<2048x1xi32, #tpu.memory_space<vmem>>, vector<256x1xi32>,
    %convert_element_type3A_181 = arith.fptosi %broadcast_in_dim3A_176 : vector<256x1xf32> to vector<256x1xi32>
    %swap3A_182 = arith.constant 512 : index
    %swap3A_183 = arith.constant 0 : index
    %swap3A_184 = vector.load %arg3[%swap3A_182, %swap3A_183] : memref<2048x1xi32, #tpu.memory_space<vmem>>, vector<256x1xi32>
    tpu.vector_store %arg3[%swap3A_182, %swap3A_183], %convert_element_type3A_181 {strides = array<i32>} : memref<2048x1xi32, #tpu.memory_space<vmem>>, vector<256x1xi32>,
    %slice3A_185 = vector.extract_strided_slice %add3A_48 {offsets = [768, 0], sizes = [256, 8], strides = [1, 1]} : vector<2048x8xf32> to vector<256x8xf32>
    %slice3A_186 = vector.extract_strided_slice %convert_element_type3A_45 {offsets = [768, 0], sizes = [256, 8], strides = [1, 1]} : vector<2048x8xf32> to vector<256x8xf32>
    %slice3A_187 = vector.extract_strided_slice %convert_element_type3A_47 {offsets = [768, 0], sizes = [256, 8], strides = [1, 1]} : vector<2048x8xf32> to vector<256x8xf32>
    %slice3A_188 = vector.extract_strided_slice %dot_general3A_89 {offsets = [3, 0], sizes = [1, 8], strides = [1, 1]} : vector<8x8xf32> to vector<1x8xf32>
    %sub3A_189 = arith.subf %dot_general3A_63, %slice3A_185 : vector<256x8xf32>
    %add3A_190 = vector.broadcast %slice3A_188 : vector<1x8xf32> to vector<256x8xf32>
    %add3A_191 = arith.addf %sub3A_189, %add3A_190 : vector<256x8xf32>
    %add3A_192 = vector.broadcast %mul3A_106 : vector<1x8xf32> to vector<256x8xf32>
    %add3A_193 = arith.addf %add3A_191, %add3A_192 : vector<256x8xf32>
    %mul3A_194 = arith.mulf %add3A_193, %slice3A_186 : vector<256x8xf32>
    %reduce_sum3A_195 = arith.constant dense<0.000000e+00> : vector<256xf32>
    %reduce_sum3A_196 = vector.multi_reduction <add>, %mul3A_194, %reduce_sum3A_195 [1] : vector<256x8xf32> to vector<256xf32>
    %broadcast_in_dim3A_197 = vector.shape_cast %reduce_sum3A_196 : vector<256xf32> to vector<256x1xf32>
    %add3A_198 = arith.addf %add3A_193, %slice3A_186 : vector<256x8xf32>
    %mul3A_199 = arith.mulf %add3A_198, %slice3A_187 : vector<256x8xf32>
    %reduce_sum3A_200 = arith.constant dense<0.000000e+00> : vector<256xf32>
    %reduce_sum3A_201 = vector.multi_reduction <add>, %mul3A_199, %reduce_sum3A_200 [1] : vector<256x8xf32> to vector<256xf32>
    %broadcast_in_dim3A_202 = vector.shape_cast %reduce_sum3A_201 : vector<256xf32> to vector<256x1xf32>
    %convert_element_type3A_203 = arith.fptosi %broadcast_in_dim3A_197 : vector<256x1xf32> to vector<256x1xi32>
    %swap3A_204 = arith.constant 768 : index
    %swap3A_205 = arith.constant 0 : index
    %swap3A_206 = vector.load %arg2[%swap3A_204, %swap3A_205] : memref<2048x1xi32, #tpu.memory_space<vmem>>, vector<256x1xi32>
    tpu.vector_store %arg2[%swap3A_204, %swap3A_205], %convert_element_type3A_203 {strides = array<i32>} : memref<2048x1xi32, #tpu.memory_space<vmem>>, vector<256x1xi32>,
    %convert_element_type3A_207 = arith.fptosi %broadcast_in_dim3A_202 : vector<256x1xf32> to vector<256x1xi32>
    %swap3A_208 = arith.constant 768 : index
    %swap3A_209 = arith.constant 0 : index
    %swap3A_210 = vector.load %arg3[%swap3A_208, %swap3A_209] : memref<2048x1xi32, #tpu.memory_space<vmem>>, vector<256x1xi32>
    tpu.vector_store %arg3[%swap3A_208, %swap3A_209], %convert_element_type3A_207 {strides = array<i32>} : memref<2048x1xi32, #tpu.memory_space<vmem>>, vector<256x1xi32>,
    %slice3A_211 = vector.extract_strided_slice %add3A_48 {offsets = [1024, 0], sizes = [256, 8], strides = [1, 1]} : vector<2048x8xf32> to vector<256x8xf32>
    %slice3A_212 = vector.extract_strided_slice %convert_element_type3A_45 {offsets = [1024, 0], sizes = [256, 8], strides = [1, 1]} : vector<2048x8xf32> to vector<256x8xf32>
    %slice3A_213 = vector.extract_strided_slice %convert_element_type3A_47 {offsets = [1024, 0], sizes = [256, 8], strides = [1, 1]} : vector<2048x8xf32> to vector<256x8xf32>
    %slice3A_214 = vector.extract_strided_slice %dot_general3A_89 {offsets = [4, 0], sizes = [1, 8], strides = [1, 1]} : vector<8x8xf32> to vector<1x8xf32>
    %sub3A_215 = arith.subf %dot_general3A_66, %slice3A_211 : vector<256x8xf32>
    %add3A_216 = vector.broadcast %slice3A_214 : vector<1x8xf32> to vector<256x8xf32>
    %add3A_217 = arith.addf %sub3A_215, %add3A_216 : vector<256x8xf32>
    %add3A_218 = vector.broadcast %mul3A_106 : vector<1x8xf32> to vector<256x8xf32>
    %add3A_219 = arith.addf %add3A_217, %add3A_218 : vector<256x8xf32>
    %mul3A_220 = arith.mulf %add3A_219, %slice3A_212 : vector<256x8xf32>
    %reduce_sum3A_221 = arith.constant dense<0.000000e+00> : vector<256xf32>
    %reduce_sum3A_222 = vector.multi_reduction <add>, %mul3A_220, %reduce_sum3A_221 [1] : vector<256x8xf32> to vector<256xf32>
    %broadcast_in_dim3A_223 = vector.shape_cast %reduce_sum3A_222 : vector<256xf32> to vector<256x1xf32>
    %add3A_224 = arith.addf %add3A_219, %slice3A_212 : vector<256x8xf32>
    %mul3A_225 = arith.mulf %add3A_224, %slice3A_213 : vector<256x8xf32>
    %reduce_sum3A_226 = arith.constant dense<0.000000e+00> : vector<256xf32>
    %reduce_sum3A_227 = vector.multi_reduction <add>, %mul3A_225, %reduce_sum3A_226 [1] : vector<256x8xf32> to vector<256xf32>
    %broadcast_in_dim3A_228 = vector.shape_cast %reduce_sum3A_227 : vector<256xf32> to vector<256x1xf32>
    %convert_element_type3A_229 = arith.fptosi %broadcast_in_dim3A_223 : vector<256x1xf32> to vector<256x1xi32>
    %swap3A_230 = arith.constant 1024 : index
    %swap3A_231 = arith.constant 0 : index
    %swap3A_232 = vector.load %arg2[%swap3A_230, %swap3A_231] : memref<2048x1xi32, #tpu.memory_space<vmem>>, vector<256x1xi32>
    tpu.vector_store %arg2[%swap3A_230, %swap3A_231], %convert_element_type3A_229 {strides = array<i32>} : memref<2048x1xi32, #tpu.memory_space<vmem>>, vector<256x1xi32>,
    %convert_element_type3A_233 = arith.fptosi %broadcast_in_dim3A_228 : vector<256x1xf32> to vector<256x1xi32>
    %swap3A_234 = arith.constant 1024 : index
    %swap3A_235 = arith.constant 0 : index
    %swap3A_236 = vector.load %arg3[%swap3A_234, %swap3A_235] : memref<2048x1xi32, #tpu.memory_space<vmem>>, vector<256x1xi32>
    tpu.vector_store %arg3[%swap3A_234, %swap3A_235], %convert_element_type3A_233 {strides = array<i32>} : memref<2048x1xi32, #tpu.memory_space<vmem>>, vector<256x1xi32>,
    %slice3A_237 = vector.extract_strided_slice %add3A_48 {offsets = [1280, 0], sizes = [256, 8], strides = [1, 1]} : vector<2048x8xf32> to vector<256x8xf32>
    %slice3A_238 = vector.extract_strided_slice %convert_element_type3A_45 {offsets = [1280, 0], sizes = [256, 8], strides = [1, 1]} : vector<2048x8xf32> to vector<256x8xf32>
    %slice3A_239 = vector.extract_strided_slice %convert_element_type3A_47 {offsets = [1280, 0], sizes = [256, 8], strides = [1, 1]} : vector<2048x8xf32> to vector<256x8xf32>
    %slice3A_240 = vector.extract_strided_slice %dot_general3A_89 {offsets = [5, 0], sizes = [1, 8], strides = [1, 1]} : vector<8x8xf32> to vector<1x8xf32>
    %sub3A_241 = arith.subf %dot_general3A_69, %slice3A_237 : vector<256x8xf32>
    %add3A_242 = vector.broadcast %slice3A_240 : vector<1x8xf32> to vector<256x8xf32>
    %add3A_243 = arith.addf %sub3A_241, %add3A_242 : vector<256x8xf32>
    %add3A_244 = vector.broadcast %mul3A_106 : vector<1x8xf32> to vector<256x8xf32>
    %add3A_245 = arith.addf %add3A_243, %add3A_244 : vector<256x8xf32>
    %mul3A_246 = arith.mulf %add3A_245, %slice3A_238 : vector<256x8xf32>
    %reduce_sum3A_247 = arith.constant dense<0.000000e+00> : vector<256xf32>
    %reduce_sum3A_248 = vector.multi_reduction <add>, %mul3A_246, %reduce_sum3A_247 [1] : vector<256x8xf32> to vector<256xf32>
    %broadcast_in_dim3A_249 = vector.shape_cast %reduce_sum3A_248 : vector<256xf32> to vector<256x1xf32>
    %add3A_250 = arith.addf %add3A_245, %slice3A_238 : vector<256x8xf32>
    %mul3A_251 = arith.mulf %add3A_250, %slice3A_239 : vector<256x8xf32>
    %reduce_sum3A_252 = arith.constant dense<0.000000e+00> : vector<256xf32>
    %reduce_sum3A_253 = vector.multi_reduction <add>, %mul3A_251, %reduce_sum3A_252 [1] : vector<256x8xf32> to vector<256xf32>
    %broadcast_in_dim3A_254 = vector.shape_cast %reduce_sum3A_253 : vector<256xf32> to vector<256x1xf32>
    %convert_element_type3A_255 = arith.fptosi %broadcast_in_dim3A_249 : vector<256x1xf32> to vector<256x1xi32>
    %swap3A_256 = arith.constant 1280 : index
    %swap3A_257 = arith.constant 0 : index
    %swap3A_258 = vector.load %arg2[%swap3A_256, %swap3A_257] : memref<2048x1xi32, #tpu.memory_space<vmem>>, vector<256x1xi32>
    tpu.vector_store %arg2[%swap3A_256, %swap3A_257], %convert_element_type3A_255 {strides = array<i32>} : memref<2048x1xi32, #tpu.memory_space<vmem>>, vector<256x1xi32>,
    %convert_element_type3A_259 = arith.fptosi %broadcast_in_dim3A_254 : vector<256x1xf32> to vector<256x1xi32>
    %swap3A_260 = arith.constant 1280 : index
    %swap3A_261 = arith.constant 0 : index
    %swap3A_262 = vector.load %arg3[%swap3A_260, %swap3A_261] : memref<2048x1xi32, #tpu.memory_space<vmem>>, vector<256x1xi32>
    tpu.vector_store %arg3[%swap3A_260, %swap3A_261], %convert_element_type3A_259 {strides = array<i32>} : memref<2048x1xi32, #tpu.memory_space<vmem>>, vector<256x1xi32>,
    %slice3A_263 = vector.extract_strided_slice %add3A_48 {offsets = [1536, 0], sizes = [256, 8], strides = [1, 1]} : vector<2048x8xf32> to vector<256x8xf32>
    %slice3A_264 = vector.extract_strided_slice %convert_element_type3A_45 {offsets = [1536, 0], sizes = [256, 8], strides = [1, 1]} : vector<2048x8xf32> to vector<256x8xf32>
    %slice3A_265 = vector.extract_strided_slice %convert_element_type3A_47 {offsets = [1536, 0], sizes = [256, 8], strides = [1, 1]} : vector<2048x8xf32> to vector<256x8xf32>
    %slice3A_266 = vector.extract_strided_slice %dot_general3A_89 {offsets = [6, 0], sizes = [1, 8], strides = [1, 1]} : vector<8x8xf32> to vector<1x8xf32>
    %sub3A_267 = arith.subf %dot_general3A_72, %slice3A_263 : vector<256x8xf32>
    %add3A_268 = vector.broadcast %slice3A_266 : vector<1x8xf32> to vector<256x8xf32>
    %add3A_269 = arith.addf %sub3A_267, %add3A_268 : vector<256x8xf32>
    %add3A_270 = vector.broadcast %mul3A_106 : vector<1x8xf32> to vector<256x8xf32>
    %add3A_271 = arith.addf %add3A_269, %add3A_270 : vector<256x8xf32>
    %mul3A_272 = arith.mulf %add3A_271, %slice3A_264 : vector<256x8xf32>
    %reduce_sum3A_273 = arith.constant dense<0.000000e+00> : vector<256xf32>
    %reduce_sum3A_274 = vector.multi_reduction <add>, %mul3A_272, %reduce_sum3A_273 [1] : vector<256x8xf32> to vector<256xf32>
    %broadcast_in_dim3A_275 = vector.shape_cast %reduce_sum3A_274 : vector<256xf32> to vector<256x1xf32>
    %add3A_276 = arith.addf %add3A_271, %slice3A_264 : vector<256x8xf32>
    %mul3A_277 = arith.mulf %add3A_276, %slice3A_265 : vector<256x8xf32>
    %reduce_sum3A_278 = arith.constant dense<0.000000e+00> : vector<256xf32>
    %reduce_sum3A_279 = vector.multi_reduction <add>, %mul3A_277, %reduce_sum3A_278 [1] : vector<256x8xf32> to vector<256xf32>
    %broadcast_in_dim3A_280 = vector.shape_cast %reduce_sum3A_279 : vector<256xf32> to vector<256x1xf32>
    %convert_element_type3A_281 = arith.fptosi %broadcast_in_dim3A_275 : vector<256x1xf32> to vector<256x1xi32>
    %swap3A_282 = arith.constant 1536 : index
    %swap3A_283 = arith.constant 0 : index
    %swap3A_284 = vector.load %arg2[%swap3A_282, %swap3A_283] : memref<2048x1xi32, #tpu.memory_space<vmem>>, vector<256x1xi32>
    tpu.vector_store %arg2[%swap3A_282, %swap3A_283], %convert_element_type3A_281 {strides = array<i32>} : memref<2048x1xi32, #tpu.memory_space<vmem>>, vector<256x1xi32>,
    %convert_element_type3A_285 = arith.fptosi %broadcast_in_dim3A_280 : vector<256x1xf32> to vector<256x1xi32>
    %swap3A_286 = arith.constant 1536 : index
    %swap3A_287 = arith.constant 0 : index
    %swap3A_288 = vector.load %arg3[%swap3A_286, %swap3A_287] : memref<2048x1xi32, #tpu.memory_space<vmem>>, vector<256x1xi32>
    tpu.vector_store %arg3[%swap3A_286, %swap3A_287], %convert_element_type3A_285 {strides = array<i32>} : memref<2048x1xi32, #tpu.memory_space<vmem>>, vector<256x1xi32>,
    %slice3A_289 = vector.extract_strided_slice %add3A_48 {offsets = [1792, 0], sizes = [256, 8], strides = [1, 1]} : vector<2048x8xf32> to vector<256x8xf32>
    %slice3A_290 = vector.extract_strided_slice %convert_element_type3A_45 {offsets = [1792, 0], sizes = [256, 8], strides = [1, 1]} : vector<2048x8xf32> to vector<256x8xf32>
    %slice3A_291 = vector.extract_strided_slice %convert_element_type3A_47 {offsets = [1792, 0], sizes = [256, 8], strides = [1, 1]} : vector<2048x8xf32> to vector<256x8xf32>
    %slice3A_292 = vector.extract_strided_slice %dot_general3A_89 {offsets = [7, 0], sizes = [1, 8], strides = [1, 1]} : vector<8x8xf32> to vector<1x8xf32>
    %sub3A_293 = arith.subf %dot_general3A_75, %slice3A_289 : vector<256x8xf32>
    %add3A_294 = vector.broadcast %slice3A_292 : vector<1x8xf32> to vector<256x8xf32>
    %add3A_295 = arith.addf %sub3A_293, %add3A_294 : vector<256x8xf32>
    %add3A_296 = vector.broadcast %mul3A_106 : vector<1x8xf32> to vector<256x8xf32>
    %add3A_297 = arith.addf %add3A_295, %add3A_296 : vector<256x8xf32>
    %mul3A_298 = arith.mulf %add3A_297, %slice3A_290 : vector<256x8xf32>
    %reduce_sum3A_299 = arith.constant dense<0.000000e+00> : vector<256xf32>
    %reduce_sum3A_300 = vector.multi_reduction <add>, %mul3A_298, %reduce_sum3A_299 [1] : vector<256x8xf32> to vector<256xf32>
    %broadcast_in_dim3A_301 = vector.shape_cast %reduce_sum3A_300 : vector<256xf32> to vector<256x1xf32>
    %add3A_302 = arith.addf %add3A_297, %slice3A_290 : vector<256x8xf32>
    %mul3A_303 = arith.mulf %add3A_302, %slice3A_291 : vector<256x8xf32>
    %reduce_sum3A_304 = arith.constant dense<0.000000e+00> : vector<256xf32>
    %reduce_sum3A_305 = vector.multi_reduction <add>, %mul3A_303, %reduce_sum3A_304 [1] : vector<256x8xf32> to vector<256xf32>
    %broadcast_in_dim3A_306 = vector.shape_cast %reduce_sum3A_305 : vector<256xf32> to vector<256x1xf32>
    %convert_element_type3A_307 = arith.fptosi %broadcast_in_dim3A_301 : vector<256x1xf32> to vector<256x1xi32>
    %swap3A_308 = arith.constant 1792 : index
    %swap3A_309 = arith.constant 0 : index
    %swap3A_310 = vector.load %arg2[%swap3A_308, %swap3A_309] : memref<2048x1xi32, #tpu.memory_space<vmem>>, vector<256x1xi32>
    tpu.vector_store %arg2[%swap3A_308, %swap3A_309], %convert_element_type3A_307 {strides = array<i32>} : memref<2048x1xi32, #tpu.memory_space<vmem>>, vector<256x1xi32>,
    %convert_element_type3A_311 = arith.fptosi %broadcast_in_dim3A_306 : vector<256x1xf32> to vector<256x1xi32>
    %swap3A_312 = arith.constant 1792 : index
    %swap3A_313 = arith.constant 0 : index
    %swap3A_314 = vector.load %arg3[%swap3A_312, %swap3A_313] : memref<2048x1xi32, #tpu.memory_space<vmem>>, vector<256x1xi32>
    tpu.vector_store %arg3[%swap3A_312, %swap3A_313], %convert_element_type3A_311 {strides = array<i32>} : memref<2048x1xi32, #tpu.memory_space<vmem>>, vector<256x1xi32>,
    %iota3A_315 = tpu.iota {dimensions = array<i32: 0>} : vector<8x8xi32>
    %iota3A_316 = tpu.iota {dimensions = array<i32: 1>} : vector<8x8xi32>
    %add3A_317 = arith.constant 0 : i32
    %add3A_318 = vector.broadcast %add3A_317 : i32 to vector<8x8xi32>
    %add3A_319 = arith.addi %iota3A_315, %add3A_318 : vector<8x8xi32>
    %eq3A_320 = arith.cmpi eq, %add3A_319, %iota3A_316 : vector<8x8xi32>
    %convert_element_type3A_321 = arith.extui %eq3A_320 : vector<8x8xi1> to vector<8x8xi32>
    %convert_element_type3A_322 = arith.sitofp %convert_element_type3A_321 : vector<8x8xi32> to vector<8x8xf32>
    %dot_general3A_323 = arith.constant dense<0.000000e+00> : vector<8x1xf32>
    %dot_general3A_324 = tpu.matmul %convert_element_type3A_322, %dot_general3A_103, %dot_general3A_323 {dimension_numbers = #tpu.dot_dimension_numbers<[1], [1], [0], [0], [0, 0, 1, 0], [], []>, transpose_lhs_hint = false} : vector<8x8xf32>, vector<1x8xf32>, vector<8x1xf32> -> vector<8x1xf32>
    %iota3A_325 = tpu.iota {dimensions = array<i32: 1>} : vector<8x24xi32>
    %convert_element_type3A_326 = arith.sitofp %iota3A_325 : vector<8x24xi32> to vector<8x24xf32>
    %ge3A_327 = vector.broadcast %dot_general3A_324 : vector<8x1xf32> to vector<8x24xf32>
    %ge3A_328 = arith.cmpf oge, %convert_element_type3A_326, %ge3A_327 : vector<8x24xf32>
    %convert_element_type3A_329 = arith.extui %ge3A_328 : vector<8x24xi1> to vector<8x24xi32>
    %convert_element_type3A_330 = arith.sitofp %convert_element_type3A_329 : vector<8x24xi32> to vector<8x24xf32>
    %reduce_sum3A_331 = arith.constant dense<0.000000e+00> : vector<24xf32>
    %reduce_sum3A_332 = vector.multi_reduction <add>, %convert_element_type3A_330, %reduce_sum3A_331 [0] : vector<8x24xf32> to vector<24xf32>
    %broadcast_in_dim3A_333 = vector.shape_cast %reduce_sum3A_332 : vector<24xf32> to vector<1x24xf32>
    %sub3A_334 = arith.constant 1.000000e+00 : f32
    %sub3A_335 = vector.broadcast %sub3A_334 : f32 to vector<1x24xf32>
    %sub3A_336 = arith.subf %broadcast_in_dim3A_333, %sub3A_335 : vector<1x24xf32>
    %reduce_sum3A_337 = arith.constant dense<0.000000e+00> : vector<1xf32>
    %reduce_sum3A_338 = vector.multi_reduction <add>, %floor3A, %reduce_sum3A_337 [1] : vector<1x8xf32> to vector<1xf32>
    %broadcast_in_dim3A_339 = vector.shape_cast %reduce_sum3A_338 : vector<1xf32> to vector<1x1xf32>
    %broadcast_in_dim3A_340 = vector.shape_cast %broadcast_in_dim3A_339 : vector<1x1xf32> to vector<1x1xf32>
    %broadcast_in_dim3A_341 = vector.broadcast %broadcast_in_dim3A_340 : vector<1x1xf32> to vector<1x24xf32>
    %concatenate3A_342 = tpu.concatenate %sub3A_336, %broadcast_in_dim3A_341 in 0 : vector<1x24xf32>, vector<1x24xf32> -> vector<2x24xf32>
    %convert_element_type3A_343 = arith.fptosi %concatenate3A_342 : vector<2x24xf32> to vector<2x24xi32>
    %swap3A_344 = arith.constant 0 : index
    %swap3A_345 = arith.constant 0 : index
    %swap3A_346 = vector.load %arg6[%swap3A_344, %swap3A_345] : memref<2x24xi32, #tpu.memory_space<vmem>>, vector<2x24xi32>
    tpu.vector_store %arg6[%swap3A_344, %swap3A_345], %convert_element_type3A_343 {strides = array<i32>} : memref<2x24xi32, #tpu.memory_space<vmem>>, vector<2x24xi32>,
    return
  }
}

module attributes {stable_mosaic.version = 14 : i64} {
  func.func @_moe_outer(%arg0: memref<2x24xi32, #tpu.memory_space<smem>>, %arg1: memref<6144x1024xf32, #tpu.memory_space<any>>, %arg2: memref<8x4096x1024xf32, #tpu.memory_space<any>>, %arg3: memref<8x4096x1024xf32, #tpu.memory_space<any>>, %arg4: memref<8x1024x4096xf32, #tpu.memory_space<any>>, %arg5: memref<6144x1024xf32, #tpu.memory_space<any>>, %arg6: memref<6144x1024xf32, #tpu.memory_space<vmem>>) attributes {dimension_semantics = [], scalar_prefetch = 0 : i64, scratch_operands = 1 : i64, tpu.core_type = #tpu.core_type<tc>} {
    %get3A = arith.constant 1 : index
    %get3A_0 = arith.constant 0 : index
    %get3A_1 = memref.load %arg0[%get3A, %get3A_0] : memref<2x24xi32, #tpu.memory_space<smem>>
    %mul3A = arith.constant 4 : i32
    %mul3A_2 = arith.muli %mul3A, %get3A_1 : i32
    "tpu.region"() ({
      %run_scoped3A = memref.alloca() : memref<2x256x1024xf32, #tpu.memory_space<vmem>>
      %run_scoped3A_3 = tpu.sem_alloc : memref<2x!tpu.dma_semaphore, #tpu.memory_space<semaphore_mem>>
      %run_scoped3A_4 = memref.alloca() : memref<3x1x1024x1024xf32, #tpu.memory_space<vmem>>
      %run_scoped3A_5 = tpu.sem_alloc : memref<3x!tpu.dma_semaphore, #tpu.memory_space<semaphore_mem>>
      %run_scoped3A_6 = memref.alloca() : memref<3x1x1024x1024xf32, #tpu.memory_space<vmem>>
      %run_scoped3A_7 = tpu.sem_alloc : memref<3x!tpu.dma_semaphore, #tpu.memory_space<semaphore_mem>>
      %run_scoped3A_8 = memref.alloca() : memref<2x1x1024x1024xf32, #tpu.memory_space<vmem>>
      %run_scoped3A_9 = tpu.sem_alloc : memref<2x!tpu.dma_semaphore, #tpu.memory_space<semaphore_mem>>
      %run_scoped3A_10 = memref.alloca() : memref<2x256x1024xf32, #tpu.memory_space<vmem>>
      %run_scoped3A_11 = tpu.sem_alloc : memref<2x!tpu.dma_semaphore, #tpu.memory_space<semaphore_mem>>
      %gt3A = arith.constant 0 : i32
      %gt3A_12 = arith.cmpi sgt, %mul3A_2, %gt3A : i32
      %convert_element_type3A = arith.extui %gt3A_12 : i1 to i32
      %cond3A = arith.constant 0 : i32
      %cond3A_13 = arith.cmpi ne, %convert_element_type3A, %cond3A : i32
      scf.if %cond3A_13 {
        %mul3A_14 = arith.constant 4 : i32
        %mul3A_15 = arith.muli %mul3A_14, %get3A_1 : i32
        %sub3A = arith.constant 1 : i32
        %sub3A_16 = arith.subi %mul3A_15, %sub3A : i32
        %eq3A = arith.constant 0 : i32
        %eq3A_17 = arith.cmpi eq, %sub3A_16, %eq3A : i32
        %select_n3A = arith.constant true
        %select_n3A_18 = arith.constant 0 : i32
        %select_n3A_19 = arith.constant -1 : i32
        %select_n3A_20 = arith.select %select_n3A, %select_n3A_19, %select_n3A_18 : i32
        %eq3A_21 = arith.constant -1 : i32
        %eq3A_22 = arith.cmpi eq, %select_n3A_20, %eq3A_21 : i32
        %sub3A_23 = arith.constant 1 : i32
        %sub3A_24 = arith.subi %get3A_1, %sub3A_23 : i32
        %select_n3A_25 = arith.select %eq3A_22, %sub3A_24, %select_n3A_20 : i32
        %select_n3A_26 = arith.constant 0 : i32
        %select_n3A_27 = arith.constant -1 : i32
        %select_n3A_28 = arith.select %eq3A_22, %select_n3A_27, %select_n3A_26 : i32
        %eq3A_29 = arith.constant -1 : i32
        %eq3A_30 = arith.cmpi eq, %select_n3A_28, %eq3A_29 : i32
        %select_n3A_31 = arith.constant 3 : i32
        %select_n3A_32 = arith.select %eq3A_30, %select_n3A_31, %select_n3A_28 : i32
        %add3A = arith.constant 0 : i32
        %add3A_33 = arith.addi %select_n3A_32, %add3A : i32
        %add3A_34 = arith.constant 0 : i32
        %add3A_35 = arith.addi %select_n3A_25, %add3A_34 : i32
        %select_n3A_36 = arith.constant true
        %select_n3A_37 = arith.constant 0 : i32
        %select_n3A_38 = arith.constant 1 : i32
        %select_n3A_39 = arith.select %select_n3A_36, %select_n3A_38, %select_n3A_37 : i32
        %eq3A_40 = arith.cmpi eq, %select_n3A_39, %get3A_1 : i32
        %select_n3A_41 = arith.constant 0 : i32
        %select_n3A_42 = arith.select %eq3A_40, %select_n3A_41, %select_n3A_39 : i32
        %select_n3A_43 = arith.constant 0 : i32
        %select_n3A_44 = arith.constant 1 : i32
        %select_n3A_45 = arith.select %eq3A_40, %select_n3A_44, %select_n3A_43 : i32
        %eq3A_46 = arith.constant 4 : i32
        %eq3A_47 = arith.cmpi eq, %select_n3A_45, %eq3A_46 : i32
        %select_n3A_48 = arith.constant 0 : i32
        %select_n3A_49 = arith.select %eq3A_47, %select_n3A_48, %select_n3A_45 : i32
        %add3A_50 = arith.constant 0 : i32
        %add3A_51 = arith.addi %select_n3A_49, %add3A_50 : i32
        %add3A_52 = arith.constant 0 : i32
        %add3A_53 = arith.addi %select_n3A_42, %add3A_52 : i32
        %add3A_54 = arith.constant 1 : i32
        %add3A_55 = arith.addi %select_n3A_42, %add3A_54 : i32
        %select_n3A_56 = arith.constant true
        %select_n3A_57 = arith.select %select_n3A_56, %add3A_55, %select_n3A_42 : i32
        %eq3A_58 = arith.cmpi eq, %select_n3A_57, %get3A_1 : i32
        %select_n3A_59 = arith.constant 0 : i32
        %select_n3A_60 = arith.select %eq3A_58, %select_n3A_59, %select_n3A_57 : i32
        %add3A_61 = arith.constant 1 : i32
        %add3A_62 = arith.addi %select_n3A_49, %add3A_61 : i32
        %select_n3A_63 = arith.select %eq3A_58, %add3A_62, %select_n3A_49 : i32
        %eq3A_64 = arith.constant 4 : i32
        %eq3A_65 = arith.cmpi eq, %select_n3A_63, %eq3A_64 : i32
        %select_n3A_66 = arith.constant 0 : i32
        %select_n3A_67 = arith.select %eq3A_65, %select_n3A_66, %select_n3A_63 : i32
        %add3A_68 = arith.constant 0 : i32
        %add3A_69 = arith.addi %select_n3A_67, %add3A_68 : i32
        %add3A_70 = arith.constant 0 : i32
        %add3A_71 = arith.addi %select_n3A_60, %add3A_70 : i32
        %add3A_72 = arith.constant 1 : i32
        %add3A_73 = arith.addi %select_n3A_60, %add3A_72 : i32
        %select_n3A_74 = arith.constant true
        %select_n3A_75 = arith.select %select_n3A_74, %add3A_73, %select_n3A_60 : i32
        %eq3A_76 = arith.cmpi eq, %select_n3A_75, %get3A_1 : i32
        %select_n3A_77 = arith.constant 0 : i32
        %select_n3A_78 = arith.select %eq3A_76, %select_n3A_77, %select_n3A_75 : i32
        %add3A_79 = arith.constant 1 : i32
        %add3A_80 = arith.addi %select_n3A_67, %add3A_79 : i32
        %select_n3A_81 = arith.select %eq3A_76, %add3A_80, %select_n3A_67 : i32
        %eq3A_82 = arith.constant 4 : i32
        %eq3A_83 = arith.cmpi eq, %select_n3A_81, %eq3A_82 : i32
        %select_n3A_84 = arith.constant 0 : i32
        %select_n3A_85 = arith.select %eq3A_83, %select_n3A_84, %select_n3A_81 : i32
        %add3A_86 = arith.constant 0 : i32
        %add3A_87 = arith.addi %select_n3A_85, %add3A_86 : i32
        %add3A_88 = arith.constant 0 : i32
        %add3A_89 = arith.addi %select_n3A_78, %add3A_88 : i32
        "tpu.trace_start"() <{level = 10 : i32, message = "ep_initialize_0"}> : () -> ()
        %rem3A = arith.constant 0 : i32
        %rem3A_90 = arith.constant 2 : i32
        %rem3A_91 = arith.remui %rem3A, %rem3A_90 : i32
        %dma_start3A = tpu.memref_slice %run_scoped3A_3[%rem3A_91] : memref<2x!tpu.dma_semaphore, #tpu.memory_space<semaphore_mem>> -> memref<1x!tpu.dma_semaphore, #tpu.memory_space<semaphore_mem>>
        %dma_start3A_92 = tpu.memref_squeeze %dma_start3A : memref<1x!tpu.dma_semaphore, #tpu.memory_space<semaphore_mem>> -> memref<!tpu.dma_semaphore, #tpu.memory_space<semaphore_mem>>
        %dma_start3A_93 = arith.constant 0 : i32
        %dma_start3A_94 = arith.constant 0 : i32
        %dma_start3A_95 = tpu.memref_slice %run_scoped3A[%rem3A_91, %dma_start3A_93, %dma_start3A_94] : memref<2x256x1024xf32, #tpu.memory_space<vmem>> -> memref<1x256x1024xf32, #tpu.memory_space<vmem>>
        %dma_start3A_96 = tpu.memref_squeeze %dma_start3A_95 : memref<1x256x1024xf32, #tpu.memory_space<vmem>> -> memref<256x1024xf32, #tpu.memory_space<vmem>>
        %dma_start3A_97 = arith.constant 0 : i32
        %dma_start3A_98 = arith.constant 0 : i32
        %dma_start3A_99 = tpu.memref_slice %arg1[%dma_start3A_97, %dma_start3A_98] : memref<6144x1024xf32, #tpu.memory_space<any>> -> memref<256x1024xf32, #tpu.memory_space<any>>
        tpu.enqueue_dma source(%dma_start3A_99 : memref<256x1024xf32, #tpu.memory_space<any>>) target(%dma_start3A_96 : memref<256x1024xf32, #tpu.memory_space<vmem>>) target_semaphore(%dma_start3A_92 : memref<!tpu.dma_semaphore, #tpu.memory_space<semaphore_mem>>)
        %add3A_100 = arith.constant 0 : i32
        %add3A_101 = arith.constant 1 : i32
        %add3A_102 = arith.addi %add3A_100, %add3A_101 : i32
        %select_n3A_103 = arith.constant true
        %select_n3A_104 = arith.constant 0 : i32
        %select_n3A_105 = arith.select %select_n3A_103, %add3A_102, %select_n3A_104 : i32
        %add3A_106 = arith.constant 0 : i32
        %add3A_107 = arith.constant 0 : i32
        %add3A_108 = arith.addi %add3A_106, %add3A_107 : i32
        %add3A_109 = arith.constant 0 : i32
        %add3A_110 = arith.constant 0 : i32
        %add3A_111 = arith.addi %add3A_109, %add3A_110 : i32
        %rem3A_112 = arith.constant 0 : i32
        %rem3A_113 = arith.constant 3 : i32
        %rem3A_114 = arith.remui %rem3A_112, %rem3A_113 : i32
        %get3A_115 = arith.constant 0 : index
        %get3A_116 = arith.index_cast %add3A_111 : i32 to index
        %get3A_117 = memref.load %arg0[%get3A_115, %get3A_116] : memref<2x24xi32, #tpu.memory_space<smem>>
        %mul3A_118 = arith.constant 1 : i32
        %mul3A_119 = arith.muli %mul3A_118, %get3A_117 : i32
        %mul3A_120 = arith.constant 1024 : i32
        %mul3A_121 = arith.muli %mul3A_120, %add3A_108 : i32
        %dma_start3A_122 = tpu.memref_slice %run_scoped3A_5[%rem3A_114] : memref<3x!tpu.dma_semaphore, #tpu.memory_space<semaphore_mem>> -> memref<1x!tpu.dma_semaphore, #tpu.memory_space<semaphore_mem>>
        %dma_start3A_123 = tpu.memref_squeeze %dma_start3A_122 : memref<1x!tpu.dma_semaphore, #tpu.memory_space<semaphore_mem>> -> memref<!tpu.dma_semaphore, #tpu.memory_space<semaphore_mem>>
        %dma_start3A_124 = arith.constant 0 : i32
        %dma_start3A_125 = arith.constant 0 : i32
        %dma_start3A_126 = arith.constant 0 : i32
        %dma_start3A_127 = tpu.memref_slice %run_scoped3A_4[%rem3A_114, %dma_start3A_124, %dma_start3A_125, %dma_start3A_126] : memref<3x1x1024x1024xf32, #tpu.memory_space<vmem>> -> memref<1x1x1024x1024xf32, #tpu.memory_space<vmem>>
        %dma_start3A_128 = tpu.memref_squeeze %dma_start3A_127 : memref<1x1x1024x1024xf32, #tpu.memory_space<vmem>> -> memref<1x1024x1024xf32, #tpu.memory_space<vmem>>
        %dma_start3A_129 = arith.constant 0 : i32
        %dma_start3A_130 = tpu.memref_slice %arg2[%mul3A_119, %mul3A_121, %dma_start3A_129] : memref<8x4096x1024xf32, #tpu.memory_space<any>> -> memref<1x1024x1024xf32, #tpu.memory_space<any>>
        tpu.enqueue_dma source(%dma_start3A_130 : memref<1x1024x1024xf32, #tpu.memory_space<any>>) target(%dma_start3A_128 : memref<1x1024x1024xf32, #tpu.memory_space<vmem>>) target_semaphore(%dma_start3A_123 : memref<!tpu.dma_semaphore, #tpu.memory_space<semaphore_mem>>)
        %add3A_131 = arith.constant 0 : i32
        %add3A_132 = arith.constant 1 : i32
        %add3A_133 = arith.addi %add3A_131, %add3A_132 : i32
        %select_n3A_134 = arith.constant true
        %select_n3A_135 = arith.constant 0 : i32
        %select_n3A_136 = arith.select %select_n3A_134, %add3A_133, %select_n3A_135 : i32
        %add3A_137 = arith.constant 0 : i32
        %add3A_138 = arith.constant 0 : i32
        %add3A_139 = arith.addi %add3A_137, %add3A_138 : i32
        %add3A_140 = arith.constant 0 : i32
        %add3A_141 = arith.constant 0 : i32
        %add3A_142 = arith.addi %add3A_140, %add3A_141 : i32
        %rem3A_143 = arith.constant 0 : i32
        %rem3A_144 = arith.constant 3 : i32
        %rem3A_145 = arith.remui %rem3A_143, %rem3A_144 : i32
        %get3A_146 = arith.constant 0 : index
        %get3A_147 = arith.index_cast %add3A_142 : i32 to index
        %get3A_148 = memref.load %arg0[%get3A_146, %get3A_147] : memref<2x24xi32, #tpu.memory_space<smem>>
        %mul3A_149 = arith.constant 1 : i32
        %mul3A_150 = arith.muli %mul3A_149, %get3A_148 : i32
        %mul3A_151 = arith.constant 1024 : i32
        %mul3A_152 = arith.muli %mul3A_151, %add3A_139 : i32
        %dma_start3A_153 = tpu.memref_slice %run_scoped3A_7[%rem3A_145] : memref<3x!tpu.dma_semaphore, #tpu.memory_space<semaphore_mem>> -> memref<1x!tpu.dma_semaphore, #tpu.memory_space<semaphore_mem>>
        %dma_start3A_154 = tpu.memref_squeeze %dma_start3A_153 : memref<1x!tpu.dma_semaphore, #tpu.memory_space<semaphore_mem>> -> memref<!tpu.dma_semaphore, #tpu.memory_space<semaphore_mem>>
        %dma_start3A_155 = arith.constant 0 : i32
        %dma_start3A_156 = arith.constant 0 : i32
        %dma_start3A_157 = arith.constant 0 : i32
        %dma_start3A_158 = tpu.memref_slice %run_scoped3A_6[%rem3A_145, %dma_start3A_155, %dma_start3A_156, %dma_start3A_157] : memref<3x1x1024x1024xf32, #tpu.memory_space<vmem>> -> memref<1x1x1024x1024xf32, #tpu.memory_space<vmem>>
        %dma_start3A_159 = tpu.memref_squeeze %dma_start3A_158 : memref<1x1x1024x1024xf32, #tpu.memory_space<vmem>> -> memref<1x1024x1024xf32, #tpu.memory_space<vmem>>
        %dma_start3A_160 = arith.constant 0 : i32
        %dma_start3A_161 = tpu.memref_slice %arg3[%mul3A_150, %mul3A_152, %dma_start3A_160] : memref<8x4096x1024xf32, #tpu.memory_space<any>> -> memref<1x1024x1024xf32, #tpu.memory_space<any>>
        tpu.enqueue_dma source(%dma_start3A_161 : memref<1x1024x1024xf32, #tpu.memory_space<any>>) target(%dma_start3A_159 : memref<1x1024x1024xf32, #tpu.memory_space<vmem>>) target_semaphore(%dma_start3A_154 : memref<!tpu.dma_semaphore, #tpu.memory_space<semaphore_mem>>)
        %add3A_162 = arith.constant 0 : i32
        %add3A_163 = arith.constant 1 : i32
        %add3A_164 = arith.addi %add3A_162, %add3A_163 : i32
        %select_n3A_165 = arith.constant true
        %select_n3A_166 = arith.constant 0 : i32
        %select_n3A_167 = arith.select %select_n3A_165, %add3A_164, %select_n3A_166 : i32
        %add3A_168 = arith.constant 0 : i32
        %add3A_169 = arith.constant 0 : i32
        %add3A_170 = arith.addi %add3A_168, %add3A_169 : i32
        %add3A_171 = arith.constant 0 : i32
        %add3A_172 = arith.constant 0 : i32
        %add3A_173 = arith.addi %add3A_171, %add3A_172 : i32
        %rem3A_174 = arith.constant 0 : i32
        %rem3A_175 = arith.constant 2 : i32
        %rem3A_176 = arith.remui %rem3A_174, %rem3A_175 : i32
        %get3A_177 = arith.constant 0 : index
        %get3A_178 = arith.index_cast %add3A_173 : i32 to index
        %get3A_179 = memref.load %arg0[%get3A_177, %get3A_178] : memref<2x24xi32, #tpu.memory_space<smem>>
        %mul3A_180 = arith.constant 1 : i32
        %mul3A_181 = arith.muli %mul3A_180, %get3A_179 : i32
        %mul3A_182 = arith.constant 1024 : i32
        %mul3A_183 = arith.muli %mul3A_182, %add3A_170 : i32
        %dma_start3A_184 = tpu.memref_slice %run_scoped3A_9[%rem3A_176] : memref<2x!tpu.dma_semaphore, #tpu.memory_space<semaphore_mem>> -> memref<1x!tpu.dma_semaphore, #tpu.memory_space<semaphore_mem>>
        %dma_start3A_185 = tpu.memref_squeeze %dma_start3A_184 : memref<1x!tpu.dma_semaphore, #tpu.memory_space<semaphore_mem>> -> memref<!tpu.dma_semaphore, #tpu.memory_space<semaphore_mem>>
        %dma_start3A_186 = arith.constant 0 : i32
        %dma_start3A_187 = arith.constant 0 : i32
        %dma_start3A_188 = arith.constant 0 : i32
        %dma_start3A_189 = tpu.memref_slice %run_scoped3A_8[%rem3A_176, %dma_start3A_186, %dma_start3A_187, %dma_start3A_188] : memref<2x1x1024x1024xf32, #tpu.memory_space<vmem>> -> memref<1x1x1024x1024xf32, #tpu.memory_space<vmem>>
        %dma_start3A_190 = tpu.memref_squeeze %dma_start3A_189 : memref<1x1x1024x1024xf32, #tpu.memory_space<vmem>> -> memref<1x1024x1024xf32, #tpu.memory_space<vmem>>
        %dma_start3A_191 = arith.constant 0 : i32
        %dma_start3A_192 = tpu.memref_slice %arg4[%mul3A_181, %dma_start3A_191, %mul3A_183] : memref<8x1024x4096xf32, #tpu.memory_space<any>> -> memref<1x1024x1024xf32, #tpu.memory_space<any>>
        tpu.enqueue_dma source(%dma_start3A_192 : memref<1x1024x1024xf32, #tpu.memory_space<any>>) target(%dma_start3A_190 : memref<1x1024x1024xf32, #tpu.memory_space<vmem>>) target_semaphore(%dma_start3A_185 : memref<!tpu.dma_semaphore, #tpu.memory_space<semaphore_mem>>)
        %add3A_193 = arith.constant 0 : i32
        %add3A_194 = arith.constant 1 : i32
        %add3A_195 = arith.addi %add3A_193, %add3A_194 : i32
        %select_n3A_196 = arith.constant true
        %select_n3A_197 = arith.constant 0 : i32
        %select_n3A_198 = arith.select %select_n3A_196, %add3A_195, %select_n3A_197 : i32
        "tpu.trace_stop"() : () -> ()
        "tpu.trace_start"() <{level = 10 : i32, message = "ep_initialize_1"}> : () -> ()
        %add3A_199 = arith.constant 0 : i32
        %add3A_200 = arith.constant 3 : i32
        %add3A_201 = arith.addi %add3A_199, %add3A_200 : i32
        %add3A_202 = arith.constant 1 : i32
        %add3A_203 = arith.addi %select_n3A_136, %add3A_202 : i32
        %lt3A = arith.cmpi ult, %add3A_201, %add3A_203 : i32
        %select_n3A_204 = arith.select %lt3A, %add3A_201, %add3A_203 : i32
        %add3A_205 = arith.constant 0 : i32
        %add3A_206 = arith.constant 1 : i32
        %add3A_207 = arith.addi %add3A_205, %add3A_206 : i32
        %select_n3A_208 = arith.constant true
        %select_n3A_209 = arith.constant 0 : i32
        %select_n3A_210 = arith.select %select_n3A_208, %add3A_207, %select_n3A_209 : i32
        %eq3A_211 = arith.cmpi eq, %select_n3A_210, %get3A_1 : i32
        %select_n3A_212 = arith.constant 0 : i32
        %select_n3A_213 = arith.select %eq3A_211, %select_n3A_212, %select_n3A_210 : i32
        %add3A_214 = arith.constant 0 : i32
        %add3A_215 = arith.constant 1 : i32
        %add3A_216 = arith.addi %add3A_214, %add3A_215 : i32
        %select_n3A_217 = arith.constant 0 : i32
        %select_n3A_218 = arith.select %eq3A_211, %add3A_216, %select_n3A_217 : i32
        %select_n3A_219 = arith.constant false
        %select_n3A_220 = arith.constant 0 : i32
        %select_n3A_221 = arith.select %select_n3A_219, %select_n3A_220, %select_n3A_218 : i32
        %while3A = arith.constant 0 : i32
        %while3A_222 = arith.constant 0 : i32
        %while3A_223:5 = scf.while (%while3A_390 = %while3A, %while3A_391 = %while3A_222, %while3A_392 = %select_n3A_221, %while3A_393 = %select_n3A_213, %while3A_394 = %select_n3A_136) : (i32, i32, i32, i32, i32) -> (i32, i32, i32, i32, i32) {
          %lt3A_395 = arith.cmpi ult, %while3A_394, %select_n3A_204 : i32
          %lt3A_396 = arith.constant 4 : i32
          %lt3A_397 = arith.cmpi slt, %while3A_392, %lt3A_396 : i32
          %lt3A_398 = arith.cmpi slt, %while3A_393, %get3A_1 : i32
          %and3A = arith.constant true
          %and3A_399 = arith.andi %and3A, %lt3A_397 : i1
          %and3A_400 = arith.andi %and3A_399, %lt3A_398 : i1
          %and3A_401 = arith.constant true
          %and3A_402 = arith.andi %and3A_401, %lt3A_395 : i1
          %and3A_403 = arith.andi %and3A_402, %and3A_400 : i1
          scf.condition(%and3A_403) %while3A_390, %while3A_391, %while3A_392, %while3A_393, %while3A_394 : i32, i32, i32, i32, i32
        } do {
        ^bb0(%while3A_390: i32, %while3A_391: i32, %while3A_392: i32, %while3A_393: i32, %while3A_394: i32):
          %add3A_395 = arith.constant 0 : i32
          %add3A_396 = arith.addi %while3A_390, %add3A_395 : i32
          %add3A_397 = arith.constant 0 : i32
          %add3A_398 = arith.addi %while3A_391, %add3A_397 : i32
          %add3A_399 = arith.constant 0 : i32
          %add3A_400 = arith.addi %while3A_392, %add3A_399 : i32
          %add3A_401 = arith.constant 0 : i32
          %add3A_402 = arith.addi %while3A_393, %add3A_401 : i32
          %get3A_403 = arith.constant 0 : index
          %get3A_404 = arith.index_cast %add3A_398 : i32 to index
          %get3A_405 = memref.load %arg0[%get3A_403, %get3A_404] : memref<2x24xi32, #tpu.memory_space<smem>>
          %get3A_406 = arith.constant 0 : index
          %get3A_407 = arith.index_cast %add3A_402 : i32 to index
          %get3A_408 = memref.load %arg0[%get3A_406, %get3A_407] : memref<2x24xi32, #tpu.memory_space<smem>>
          %ne3A = arith.cmpi ne, %get3A_405, %get3A_408 : i32
          %ne3A_409 = arith.cmpi ne, %add3A_396, %add3A_400 : i32
          %or3A = arith.constant false
          %or3A_410 = arith.ori %or3A, %ne3A : i1
          %or3A_411 = arith.ori %or3A_410, %ne3A_409 : i1
          %or3A_412 = arith.constant false
          %or3A_413 = arith.ori %or3A_411, %or3A_412 : i1
          %convert_element_type3A_414 = arith.extui %or3A_413 : i1 to i32
          %cond3A_415 = arith.constant 0 : i32
          %cond3A_416 = arith.cmpi ne, %convert_element_type3A_414, %cond3A_415 : i32
          scf.if %cond3A_416 {
            %rem3A_432 = arith.constant 3 : i32
            %rem3A_433 = arith.remui %while3A_394, %rem3A_432 : i32
            %get3A_434 = arith.constant 0 : index
            %get3A_435 = arith.index_cast %add3A_402 : i32 to index
            %get3A_436 = memref.load %arg0[%get3A_434, %get3A_435] : memref<2x24xi32, #tpu.memory_space<smem>>
            %mul3A_437 = arith.constant 1 : i32
            %mul3A_438 = arith.muli %mul3A_437, %get3A_436 : i32
            %mul3A_439 = arith.constant 1024 : i32
            %mul3A_440 = arith.muli %mul3A_439, %add3A_400 : i32
            %dma_start3A_441 = tpu.memref_slice %run_scoped3A_5[%rem3A_433] : memref<3x!tpu.dma_semaphore, #tpu.memory_space<semaphore_mem>> -> memref<1x!tpu.dma_semaphore, #tpu.memory_space<semaphore_mem>>
            %dma_start3A_442 = tpu.memref_squeeze %dma_start3A_441 : memref<1x!tpu.dma_semaphore, #tpu.memory_space<semaphore_mem>> -> memref<!tpu.dma_semaphore, #tpu.memory_space<semaphore_mem>>
            %dma_start3A_443 = arith.constant 0 : i32
            %dma_start3A_444 = arith.constant 0 : i32
            %dma_start3A_445 = arith.constant 0 : i32
            %dma_start3A_446 = tpu.memref_slice %run_scoped3A_4[%rem3A_433, %dma_start3A_443, %dma_start3A_444, %dma_start3A_445] : memref<3x1x1024x1024xf32, #tpu.memory_space<vmem>> -> memref<1x1x1024x1024xf32, #tpu.memory_space<vmem>>
            %dma_start3A_447 = tpu.memref_squeeze %dma_start3A_446 : memref<1x1x1024x1024xf32, #tpu.memory_space<vmem>> -> memref<1x1024x1024xf32, #tpu.memory_space<vmem>>
            %dma_start3A_448 = arith.constant 0 : i32
            %dma_start3A_449 = tpu.memref_slice %arg2[%mul3A_438, %mul3A_440, %dma_start3A_448] : memref<8x4096x1024xf32, #tpu.memory_space<any>> -> memref<1x1024x1024xf32, #tpu.memory_space<any>>
            tpu.enqueue_dma source(%dma_start3A_449 : memref<1x1024x1024xf32, #tpu.memory_space<any>>) target(%dma_start3A_447 : memref<1x1024x1024xf32, #tpu.memory_space<vmem>>) target_semaphore(%dma_start3A_442 : memref<!tpu.dma_semaphore, #tpu.memory_space<semaphore_mem>>)
          } else {
          }
          %convert_element_type3A_417 = arith.extui %or3A_413 : i1 to i32
          %add3A_418 = arith.addi %while3A_394, %convert_element_type3A_417 : i32
          %add3A_419 = arith.constant 1 : i32
          %add3A_420 = arith.addi %while3A_393, %add3A_419 : i32
          %select_n3A_421 = arith.constant true
          %select_n3A_422 = arith.select %select_n3A_421, %add3A_420, %while3A_393 : i32
          %eq3A_423 = arith.cmpi eq, %select_n3A_422, %get3A_1 : i32
          %select_n3A_424 = arith.constant 0 : i32
          %select_n3A_425 = arith.select %eq3A_423, %select_n3A_424, %select_n3A_422 : i32
          %add3A_426 = arith.constant 1 : i32
          %add3A_427 = arith.addi %while3A_392, %add3A_426 : i32
          %select_n3A_428 = arith.select %eq3A_423, %add3A_427, %while3A_392 : i32
          %select_n3A_429 = arith.constant false
          %select_n3A_430 = arith.constant 0 : i32
          %select_n3A_431 = arith.select %select_n3A_429, %select_n3A_430, %select_n3A_428 : i32
          scf.yield %while3A_392, %while3A_393, %select_n3A_431, %select_n3A_425, %add3A_418 : i32, i32, i32, i32, i32
        }
        %add3A_224 = arith.constant 0 : i32
        %add3A_225 = arith.constant 3 : i32
        %add3A_226 = arith.addi %add3A_224, %add3A_225 : i32
        %add3A_227 = arith.constant 1 : i32
        %add3A_228 = arith.addi %select_n3A_167, %add3A_227 : i32
        %lt3A_229 = arith.cmpi ult, %add3A_226, %add3A_228 : i32
        %select_n3A_230 = arith.select %lt3A_229, %add3A_226, %add3A_228 : i32
        %add3A_231 = arith.constant 0 : i32
        %add3A_232 = arith.constant 1 : i32
        %add3A_233 = arith.addi %add3A_231, %add3A_232 : i32
        %select_n3A_234 = arith.constant true
        %select_n3A_235 = arith.constant 0 : i32
        %select_n3A_236 = arith.select %select_n3A_234, %add3A_233, %select_n3A_235 : i32
        %eq3A_237 = arith.cmpi eq, %select_n3A_236, %get3A_1 : i32
        %select_n3A_238 = arith.constant 0 : i32
        %select_n3A_239 = arith.select %eq3A_237, %select_n3A_238, %select_n3A_236 : i32
        %add3A_240 = arith.constant 0 : i32
        %add3A_241 = arith.constant 1 : i32
        %add3A_242 = arith.addi %add3A_240, %add3A_241 : i32
        %select_n3A_243 = arith.constant 0 : i32
        %select_n3A_244 = arith.select %eq3A_237, %add3A_242, %select_n3A_243 : i32
        %select_n3A_245 = arith.constant false
        %select_n3A_246 = arith.constant 0 : i32
        %select_n3A_247 = arith.select %select_n3A_245, %select_n3A_246, %select_n3A_244 : i32
        %while3A_248 = arith.constant 0 : i32
        %while3A_249 = arith.constant 0 : i32
        %while3A_250:5 = scf.while (%while3A_390 = %while3A_248, %while3A_391 = %while3A_249, %while3A_392 = %select_n3A_247, %while3A_393 = %select_n3A_239, %while3A_394 = %select_n3A_167) : (i32, i32, i32, i32, i32) -> (i32, i32, i32, i32, i32) {
          %lt3A_395 = arith.cmpi ult, %while3A_394, %select_n3A_230 : i32
          %lt3A_396 = arith.constant 4 : i32
          %lt3A_397 = arith.cmpi slt, %while3A_392, %lt3A_396 : i32
          %lt3A_398 = arith.cmpi slt, %while3A_393, %get3A_1 : i32
          %and3A = arith.constant true
          %and3A_399 = arith.andi %and3A, %lt3A_397 : i1
          %and3A_400 = arith.andi %and3A_399, %lt3A_398 : i1
          %and3A_401 = arith.constant true
          %and3A_402 = arith.andi %and3A_401, %lt3A_395 : i1
          %and3A_403 = arith.andi %and3A_402, %and3A_400 : i1
          scf.condition(%and3A_403) %while3A_390, %while3A_391, %while3A_392, %while3A_393, %while3A_394 : i32, i32, i32, i32, i32
        } do {
        ^bb0(%while3A_390: i32, %while3A_391: i32, %while3A_392: i32, %while3A_393: i32, %while3A_394: i32):
          %add3A_395 = arith.constant 0 : i32
          %add3A_396 = arith.addi %while3A_390, %add3A_395 : i32
          %add3A_397 = arith.constant 0 : i32
          %add3A_398 = arith.addi %while3A_391, %add3A_397 : i32
          %add3A_399 = arith.constant 0 : i32
          %add3A_400 = arith.addi %while3A_392, %add3A_399 : i32
          %add3A_401 = arith.constant 0 : i32
          %add3A_402 = arith.addi %while3A_393, %add3A_401 : i32
          %get3A_403 = arith.constant 0 : index
          %get3A_404 = arith.index_cast %add3A_398 : i32 to index
          %get3A_405 = memref.load %arg0[%get3A_403, %get3A_404] : memref<2x24xi32, #tpu.memory_space<smem>>
          %get3A_406 = arith.constant 0 : index
          %get3A_407 = arith.index_cast %add3A_402 : i32 to index
          %get3A_408 = memref.load %arg0[%get3A_406, %get3A_407] : memref<2x24xi32, #tpu.memory_space<smem>>
          %ne3A = arith.cmpi ne, %get3A_405, %get3A_408 : i32
          %ne3A_409 = arith.cmpi ne, %add3A_396, %add3A_400 : i32
          %or3A = arith.constant false
          %or3A_410 = arith.ori %or3A, %ne3A : i1
          %or3A_411 = arith.ori %or3A_410, %ne3A_409 : i1
          %or3A_412 = arith.constant false
          %or3A_413 = arith.ori %or3A_411, %or3A_412 : i1
          %convert_element_type3A_414 = arith.extui %or3A_413 : i1 to i32
          %cond3A_415 = arith.constant 0 : i32
          %cond3A_416 = arith.cmpi ne, %convert_element_type3A_414, %cond3A_415 : i32
          scf.if %cond3A_416 {
            %rem3A_432 = arith.constant 3 : i32
            %rem3A_433 = arith.remui %while3A_394, %rem3A_432 : i32
            %get3A_434 = arith.constant 0 : index
            %get3A_435 = arith.index_cast %add3A_402 : i32 to index
            %get3A_436 = memref.load %arg0[%get3A_434, %get3A_435] : memref<2x24xi32, #tpu.memory_space<smem>>
            %mul3A_437 = arith.constant 1 : i32
            %mul3A_438 = arith.muli %mul3A_437, %get3A_436 : i32
            %mul3A_439 = arith.constant 1024 : i32
            %mul3A_440 = arith.muli %mul3A_439, %add3A_400 : i32
            %dma_start3A_441 = tpu.memref_slice %run_scoped3A_7[%rem3A_433] : memref<3x!tpu.dma_semaphore, #tpu.memory_space<semaphore_mem>> -> memref<1x!tpu.dma_semaphore, #tpu.memory_space<semaphore_mem>>
            %dma_start3A_442 = tpu.memref_squeeze %dma_start3A_441 : memref<1x!tpu.dma_semaphore, #tpu.memory_space<semaphore_mem>> -> memref<!tpu.dma_semaphore, #tpu.memory_space<semaphore_mem>>
            %dma_start3A_443 = arith.constant 0 : i32
            %dma_start3A_444 = arith.constant 0 : i32
            %dma_start3A_445 = arith.constant 0 : i32
            %dma_start3A_446 = tpu.memref_slice %run_scoped3A_6[%rem3A_433, %dma_start3A_443, %dma_start3A_444, %dma_start3A_445] : memref<3x1x1024x1024xf32, #tpu.memory_space<vmem>> -> memref<1x1x1024x1024xf32, #tpu.memory_space<vmem>>
            %dma_start3A_447 = tpu.memref_squeeze %dma_start3A_446 : memref<1x1x1024x1024xf32, #tpu.memory_space<vmem>> -> memref<1x1024x1024xf32, #tpu.memory_space<vmem>>
            %dma_start3A_448 = arith.constant 0 : i32
            %dma_start3A_449 = tpu.memref_slice %arg3[%mul3A_438, %mul3A_440, %dma_start3A_448] : memref<8x4096x1024xf32, #tpu.memory_space<any>> -> memref<1x1024x1024xf32, #tpu.memory_space<any>>
            tpu.enqueue_dma source(%dma_start3A_449 : memref<1x1024x1024xf32, #tpu.memory_space<any>>) target(%dma_start3A_447 : memref<1x1024x1024xf32, #tpu.memory_space<vmem>>) target_semaphore(%dma_start3A_442 : memref<!tpu.dma_semaphore, #tpu.memory_space<semaphore_mem>>)
          } else {
          }
          %convert_element_type3A_417 = arith.extui %or3A_413 : i1 to i32
          %add3A_418 = arith.addi %while3A_394, %convert_element_type3A_417 : i32
          %add3A_419 = arith.constant 1 : i32
          %add3A_420 = arith.addi %while3A_393, %add3A_419 : i32
          %select_n3A_421 = arith.constant true
          %select_n3A_422 = arith.select %select_n3A_421, %add3A_420, %while3A_393 : i32
          %eq3A_423 = arith.cmpi eq, %select_n3A_422, %get3A_1 : i32
          %select_n3A_424 = arith.constant 0 : i32
          %select_n3A_425 = arith.select %eq3A_423, %select_n3A_424, %select_n3A_422 : i32
          %add3A_426 = arith.constant 1 : i32
          %add3A_427 = arith.addi %while3A_392, %add3A_426 : i32
          %select_n3A_428 = arith.select %eq3A_423, %add3A_427, %while3A_392 : i32
          %select_n3A_429 = arith.constant false
          %select_n3A_430 = arith.constant 0 : i32
          %select_n3A_431 = arith.select %select_n3A_429, %select_n3A_430, %select_n3A_428 : i32
          scf.yield %while3A_392, %while3A_393, %select_n3A_431, %select_n3A_425, %add3A_418 : i32, i32, i32, i32, i32
        }
        %while3A_251 = arith.constant 0 : i32
        %while3A_252 = arith.constant 0 : i32
        %while3A_253 = arith.constant 0 : i32
        %while3A_254 = arith.constant 0 : i32
        %while3A_255 = arith.constant 0 : i32
        %while3A_256 = arith.constant 0 : i32
        %while3A_257 = arith.constant 0 : i32
        %while3A_258 = arith.constant 0 : i32
        %while3A_259 = arith.constant 0 : i32
        %while3A_260 = arith.constant 0 : i32
        %while3A_261 = arith.constant 0 : i32
        "tpu.trace_stop"() : () -> ()
        %while3A_262 = arith.subi %mul3A_2, %while3A_251 : i32
        %while3A_263 = arith.addi %while3A_251, %while3A_262 : i32
        %while3A_264 = arith.constant 1 : i32
        %while3A_265 = arith.divsi %while3A_262, %while3A_264 : i32
        %while3A_266 = arith.muli %while3A_265, %while3A_264 : i32
        %while3A_267 = arith.addi %while3A_251, %while3A_266 : i32
        %while3A_268 = arith.constant 1 : i32
        %while3A_269:18 = scf.for %while3A_390 = %while3A_251 to %while3A_267 step %while3A_268 iter_args(%while3A_391 = %select_n3A_105, %while3A_392 = %while3A_252, %while3A_393 = %while3A_223#4, %while3A_394 = %while3A_253, %while3A_395 = %while3A_223#0, %while3A_396 = %while3A_223#1, %while3A_397 = %while3A_250#4, %while3A_398 = %while3A_254, %while3A_399 = %while3A_250#0, %while3A_400 = %while3A_250#1, %while3A_401 = %select_n3A_198, %while3A_402 = %while3A_255, %while3A_403 = %while3A_256, %while3A_404 = %while3A_257, %while3A_405 = %while3A_258, %while3A_406 = %while3A_259, %while3A_407 = %while3A_260, %while3A_408 = %while3A_261) -> (i32, i32, i32, i32, i32, i32, i32, i32, i32, i32, i32, i32, i32, i32, i32, i32, i32, i32)  : i32 {
          %mul3A_409 = arith.constant 4 : i32
          %mul3A_410 = arith.muli %mul3A_409, %get3A_1 : i32
          %eq3A_411 = arith.constant 0 : i32
          %eq3A_412 = arith.cmpi eq, %while3A_390, %eq3A_411 : i32
          %sub3A_413 = arith.constant 1 : i32
          %sub3A_414 = arith.subi %mul3A_410, %sub3A_413 : i32
          %eq3A_415 = arith.cmpi eq, %while3A_390, %sub3A_414 : i32
          %add3A_416 = arith.constant 0 : i32
          %add3A_417 = arith.addi %while3A_407, %add3A_416 : i32
          %add3A_418 = arith.constant 0 : i32
          %add3A_419 = arith.addi %while3A_408, %add3A_418 : i32
          %sub3A_420 = arith.constant 1 : i32
          %sub3A_421 = arith.subi %while3A_408, %sub3A_420 : i32
          %select_n3A_422 = arith.constant true
          %select_n3A_423 = arith.select %select_n3A_422, %sub3A_421, %while3A_408 : i32
          %eq3A_424 = arith.constant -1 : i32
          %eq3A_425 = arith.cmpi eq, %select_n3A_423, %eq3A_424 : i32
          %sub3A_426 = arith.constant 1 : i32
          %sub3A_427 = arith.subi %get3A_1, %sub3A_426 : i32
          %select_n3A_428 = arith.select %eq3A_425, %sub3A_427, %select_n3A_423 : i32
          %sub3A_429 = arith.constant 1 : i32
          %sub3A_430 = arith.subi %while3A_407, %sub3A_429 : i32
          %select_n3A_431 = arith.select %eq3A_425, %sub3A_430, %while3A_407 : i32
          %eq3A_432 = arith.constant -1 : i32
          %eq3A_433 = arith.cmpi eq, %select_n3A_431, %eq3A_432 : i32
          %select_n3A_434 = arith.constant 3 : i32
          %select_n3A_435 = arith.select %eq3A_433, %select_n3A_434, %select_n3A_431 : i32
          %add3A_436 = arith.constant 0 : i32
          %add3A_437 = arith.addi %select_n3A_435, %add3A_436 : i32
          %add3A_438 = arith.constant 0 : i32
          %add3A_439 = arith.addi %select_n3A_428, %add3A_438 : i32
          %add3A_440 = arith.constant 1 : i32
          %add3A_441 = arith.addi %while3A_408, %add3A_440 : i32
          %select_n3A_442 = arith.constant true
          %select_n3A_443 = arith.select %select_n3A_442, %add3A_441, %while3A_408 : i32
          %eq3A_444 = arith.cmpi eq, %select_n3A_443, %get3A_1 : i32
          %select_n3A_445 = arith.constant 0 : i32
          %select_n3A_446 = arith.select %eq3A_444, %select_n3A_445, %select_n3A_443 : i32
          %add3A_447 = arith.constant 1 : i32
          %add3A_448 = arith.addi %while3A_407, %add3A_447 : i32
          %select_n3A_449 = arith.select %eq3A_444, %add3A_448, %while3A_407 : i32
          %eq3A_450 = arith.constant 4 : i32
          %eq3A_451 = arith.cmpi eq, %select_n3A_449, %eq3A_450 : i32
          %select_n3A_452 = arith.constant 0 : i32
          %select_n3A_453 = arith.select %eq3A_451, %select_n3A_452, %select_n3A_449 : i32
          %add3A_454 = arith.constant 0 : i32
          %add3A_455 = arith.addi %select_n3A_453, %add3A_454 : i32
          %add3A_456 = arith.constant 0 : i32
          %add3A_457 = arith.addi %select_n3A_446, %add3A_456 : i32
          %add3A_458 = arith.constant 1 : i32
          %add3A_459 = arith.addi %select_n3A_446, %add3A_458 : i32
          %select_n3A_460 = arith.constant true
          %select_n3A_461 = arith.select %select_n3A_460, %add3A_459, %select_n3A_446 : i32
          %eq3A_462 = arith.cmpi eq, %select_n3A_461, %get3A_1 : i32
          %select_n3A_463 = arith.constant 0 : i32
          %select_n3A_464 = arith.select %eq3A_462, %select_n3A_463, %select_n3A_461 : i32
          %add3A_465 = arith.constant 1 : i32
          %add3A_466 = arith.addi %select_n3A_453, %add3A_465 : i32
          %select_n3A_467 = arith.select %eq3A_462, %add3A_466, %select_n3A_453 : i32
          %eq3A_468 = arith.constant 4 : i32
          %eq3A_469 = arith.cmpi eq, %select_n3A_467, %eq3A_468 : i32
          %select_n3A_470 = arith.constant 0 : i32
          %select_n3A_471 = arith.select %eq3A_469, %select_n3A_470, %select_n3A_467 : i32
          %add3A_472 = arith.constant 0 : i32
          %add3A_473 = arith.addi %select_n3A_471, %add3A_472 : i32
          %add3A_474 = arith.constant 0 : i32
          %add3A_475 = arith.addi %select_n3A_464, %add3A_474 : i32
          %add3A_476 = arith.constant 1 : i32
          %add3A_477 = arith.addi %select_n3A_464, %add3A_476 : i32
          %select_n3A_478 = arith.constant true
          %select_n3A_479 = arith.select %select_n3A_478, %add3A_477, %select_n3A_464 : i32
          %eq3A_480 = arith.cmpi eq, %select_n3A_479, %get3A_1 : i32
          %select_n3A_481 = arith.constant 0 : i32
          %select_n3A_482 = arith.select %eq3A_480, %select_n3A_481, %select_n3A_479 : i32
          %add3A_483 = arith.constant 1 : i32
          %add3A_484 = arith.addi %select_n3A_471, %add3A_483 : i32
          %select_n3A_485 = arith.select %eq3A_480, %add3A_484, %select_n3A_471 : i32
          %eq3A_486 = arith.constant 4 : i32
          %eq3A_487 = arith.cmpi eq, %select_n3A_485, %eq3A_486 : i32
          %select_n3A_488 = arith.constant 0 : i32
          %select_n3A_489 = arith.select %eq3A_487, %select_n3A_488, %select_n3A_485 : i32
          %add3A_490 = arith.constant 0 : i32
          %add3A_491 = arith.addi %select_n3A_489, %add3A_490 : i32
          %add3A_492 = arith.constant 0 : i32
          %add3A_493 = arith.addi %select_n3A_482, %add3A_492 : i32
          %ne3A = arith.cmpi ne, %add3A_419, %add3A_457 : i32
          %or3A = arith.constant false
          %or3A_494 = arith.ori %or3A, %ne3A : i1
          %or3A_495 = arith.constant false
          %or3A_496 = arith.ori %or3A_494, %or3A_495 : i1
          %sub3A_497 = arith.constant 2 : i32
          %sub3A_498 = arith.subi %mul3A_410, %sub3A_497 : i32
          %add3A_499 = arith.constant 1 : i32
          %add3A_500 = arith.addi %sub3A_498, %add3A_499 : i32
          %ge3A = arith.cmpi sge, %while3A_390, %add3A_500 : i32
          %not3A = arith.constant true
          %not3A_501 = arith.xori %ge3A, %not3A : i1
          %and3A = arith.andi %or3A_496, %not3A_501 : i1
          %convert_element_type3A_502 = arith.extui %and3A : i1 to i32
          %cond3A_503 = arith.constant 0 : i32
          %cond3A_504 = arith.cmpi ne, %convert_element_type3A_502, %cond3A_503 : i32
          scf.if %cond3A_504 {
            "tpu.trace_start"() <{level = 10 : i32, message = "ep_copy_in"}> : () -> ()
            %rem3A_1056 = arith.constant 2 : i32
            %rem3A_1057 = arith.remui %while3A_391, %rem3A_1056 : i32
            %mul3A_1058 = arith.constant 256 : i32
            %mul3A_1059 = arith.muli %mul3A_1058, %add3A_457 : i32
            %dma_start3A_1060 = tpu.memref_slice %run_scoped3A_3[%rem3A_1057] : memref<2x!tpu.dma_semaphore, #tpu.memory_space<semaphore_mem>> -> memref<1x!tpu.dma_semaphore, #tpu.memory_space<semaphore_mem>>
            %dma_start3A_1061 = tpu.memref_squeeze %dma_start3A_1060 : memref<1x!tpu.dma_semaphore, #tpu.memory_space<semaphore_mem>> -> memref<!tpu.dma_semaphore, #tpu.memory_space<semaphore_mem>>
            %dma_start3A_1062 = arith.constant 0 : i32
            %dma_start3A_1063 = arith.constant 0 : i32
            %dma_start3A_1064 = tpu.memref_slice %run_scoped3A[%rem3A_1057, %dma_start3A_1062, %dma_start3A_1063] : memref<2x256x1024xf32, #tpu.memory_space<vmem>> -> memref<1x256x1024xf32, #tpu.memory_space<vmem>>
            %dma_start3A_1065 = tpu.memref_squeeze %dma_start3A_1064 : memref<1x256x1024xf32, #tpu.memory_space<vmem>> -> memref<256x1024xf32, #tpu.memory_space<vmem>>
            %dma_start3A_1066 = arith.constant 0 : i32
            %dma_start3A_1067 = tpu.memref_slice %arg1[%mul3A_1059, %dma_start3A_1066] : memref<6144x1024xf32, #tpu.memory_space<any>> -> memref<256x1024xf32, #tpu.memory_space<any>>
            tpu.enqueue_dma source(%dma_start3A_1067 : memref<256x1024xf32, #tpu.memory_space<any>>) target(%dma_start3A_1065 : memref<256x1024xf32, #tpu.memory_space<vmem>>) target_semaphore(%dma_start3A_1061 : memref<!tpu.dma_semaphore, #tpu.memory_space<semaphore_mem>>)
            "tpu.trace_stop"() : () -> ()
          } else {
          }
          %and3A_505 = arith.constant true
          %and3A_506 = arith.andi %and3A, %and3A_505 : i1
          %add3A_507 = arith.constant 1 : i32
          %add3A_508 = arith.addi %while3A_391, %add3A_507 : i32
          %select_n3A_509 = arith.select %and3A_506, %add3A_508, %while3A_391 : i32
          %get3A_510 = arith.constant 0 : index
          %get3A_511 = arith.index_cast %add3A_457 : i32 to index
          %get3A_512 = memref.load %arg0[%get3A_510, %get3A_511] : memref<2x24xi32, #tpu.memory_space<smem>>
          %get3A_513 = arith.constant 0 : index
          %get3A_514 = arith.index_cast %add3A_475 : i32 to index
          %get3A_515 = memref.load %arg0[%get3A_513, %get3A_514] : memref<2x24xi32, #tpu.memory_space<smem>>
          %ne3A_516 = arith.cmpi ne, %get3A_512, %get3A_515 : i32
          %ne3A_517 = arith.cmpi ne, %add3A_455, %add3A_473 : i32
          %or3A_518 = arith.constant false
          %or3A_519 = arith.ori %or3A_518, %ne3A_516 : i1
          %or3A_520 = arith.ori %or3A_519, %ne3A_517 : i1
          %or3A_521 = arith.constant false
          %or3A_522 = arith.ori %or3A_520, %or3A_521 : i1
          %sub3A_523 = arith.constant 3 : i32
          %sub3A_524 = arith.subi %mul3A_410, %sub3A_523 : i32
          %add3A_525 = arith.constant 1 : i32
          %add3A_526 = arith.addi %sub3A_524, %add3A_525 : i32
          %ge3A_527 = arith.cmpi sge, %while3A_390, %add3A_526 : i32
          %not3A_528 = arith.constant true
          %not3A_529 = arith.xori %ge3A_527, %not3A_528 : i1
          %and3A_530 = arith.andi %or3A_522, %not3A_529 : i1
          %add3A_531 = arith.constant 3 : i32
          %add3A_532 = arith.addi %while3A_394, %add3A_531 : i32
          %add3A_533 = arith.constant 1 : i32
          %add3A_534 = arith.addi %while3A_396, %add3A_533 : i32
          %select_n3A_535 = arith.constant true
          %select_n3A_536 = arith.select %select_n3A_535, %add3A_534, %while3A_396 : i32
          %eq3A_537 = arith.cmpi eq, %select_n3A_536, %get3A_1 : i32
          %select_n3A_538 = arith.constant 0 : i32
          %select_n3A_539 = arith.select %eq3A_537, %select_n3A_538, %select_n3A_536 : i32
          %add3A_540 = arith.constant 1 : i32
          %add3A_541 = arith.addi %while3A_395, %add3A_540 : i32
          %select_n3A_542 = arith.select %eq3A_537, %add3A_541, %while3A_395 : i32
          %select_n3A_543 = arith.constant false
          %select_n3A_544 = arith.constant 0 : i32
          %select_n3A_545 = arith.select %select_n3A_543, %select_n3A_544, %select_n3A_542 : i32
          %while3A_546:5 = scf.while (%while3A_1056 = %while3A_395, %while3A_1057 = %while3A_396, %while3A_1058 = %select_n3A_545, %while3A_1059 = %select_n3A_539, %while3A_1060 = %while3A_393) : (i32, i32, i32, i32, i32) -> (i32, i32, i32, i32, i32) {
            %lt3A_1061 = arith.cmpi ult, %while3A_1060, %add3A_532 : i32
            %lt3A_1062 = arith.constant 4 : i32
            %lt3A_1063 = arith.cmpi slt, %while3A_1058, %lt3A_1062 : i32
            %lt3A_1064 = arith.cmpi slt, %while3A_1059, %get3A_1 : i32
            %and3A_1065 = arith.constant true
            %and3A_1066 = arith.andi %and3A_1065, %lt3A_1063 : i1
            %and3A_1067 = arith.andi %and3A_1066, %lt3A_1064 : i1
            %and3A_1068 = arith.constant true
            %and3A_1069 = arith.andi %and3A_1068, %lt3A_1061 : i1
            %and3A_1070 = arith.andi %and3A_1069, %and3A_1067 : i1
            scf.condition(%and3A_1070) %while3A_1056, %while3A_1057, %while3A_1058, %while3A_1059, %while3A_1060 : i32, i32, i32, i32, i32
          } do {
          ^bb0(%while3A_1056: i32, %while3A_1057: i32, %while3A_1058: i32, %while3A_1059: i32, %while3A_1060: i32):
            %add3A_1061 = arith.constant 0 : i32
            %add3A_1062 = arith.addi %while3A_1056, %add3A_1061 : i32
            %add3A_1063 = arith.constant 0 : i32
            %add3A_1064 = arith.addi %while3A_1057, %add3A_1063 : i32
            %add3A_1065 = arith.constant 0 : i32
            %add3A_1066 = arith.addi %while3A_1058, %add3A_1065 : i32
            %add3A_1067 = arith.constant 0 : i32
            %add3A_1068 = arith.addi %while3A_1059, %add3A_1067 : i32
            %get3A_1069 = arith.constant 0 : index
            %get3A_1070 = arith.index_cast %add3A_1064 : i32 to index
            %get3A_1071 = memref.load %arg0[%get3A_1069, %get3A_1070] : memref<2x24xi32, #tpu.memory_space<smem>>
            %get3A_1072 = arith.constant 0 : index
            %get3A_1073 = arith.index_cast %add3A_1068 : i32 to index
            %get3A_1074 = memref.load %arg0[%get3A_1072, %get3A_1073] : memref<2x24xi32, #tpu.memory_space<smem>>
            %ne3A_1075 = arith.cmpi ne, %get3A_1071, %get3A_1074 : i32
            %ne3A_1076 = arith.cmpi ne, %add3A_1062, %add3A_1066 : i32
            %or3A_1077 = arith.constant false
            %or3A_1078 = arith.ori %or3A_1077, %ne3A_1075 : i1
            %or3A_1079 = arith.ori %or3A_1078, %ne3A_1076 : i1
            %or3A_1080 = arith.constant false
            %or3A_1081 = arith.ori %or3A_1079, %or3A_1080 : i1
            %convert_element_type3A_1082 = arith.extui %or3A_1081 : i1 to i32
            %cond3A_1083 = arith.constant 0 : i32
            %cond3A_1084 = arith.cmpi ne, %convert_element_type3A_1082, %cond3A_1083 : i32
            scf.if %cond3A_1084 {
              %rem3A_1100 = arith.constant 3 : i32
              %rem3A_1101 = arith.remui %while3A_1060, %rem3A_1100 : i32
              %get3A_1102 = arith.constant 0 : index
              %get3A_1103 = arith.index_cast %add3A_1068 : i32 to index
              %get3A_1104 = memref.load %arg0[%get3A_1102, %get3A_1103] : memref<2x24xi32, #tpu.memory_space<smem>>
              %mul3A_1105 = arith.constant 1 : i32
              %mul3A_1106 = arith.muli %mul3A_1105, %get3A_1104 : i32
              %mul3A_1107 = arith.constant 1024 : i32
              %mul3A_1108 = arith.muli %mul3A_1107, %add3A_1066 : i32
              %dma_start3A_1109 = tpu.memref_slice %run_scoped3A_5[%rem3A_1101] : memref<3x!tpu.dma_semaphore, #tpu.memory_space<semaphore_mem>> -> memref<1x!tpu.dma_semaphore, #tpu.memory_space<semaphore_mem>>
              %dma_start3A_1110 = tpu.memref_squeeze %dma_start3A_1109 : memref<1x!tpu.dma_semaphore, #tpu.memory_space<semaphore_mem>> -> memref<!tpu.dma_semaphore, #tpu.memory_space<semaphore_mem>>
              %dma_start3A_1111 = arith.constant 0 : i32
              %dma_start3A_1112 = arith.constant 0 : i32
              %dma_start3A_1113 = arith.constant 0 : i32
              %dma_start3A_1114 = tpu.memref_slice %run_scoped3A_4[%rem3A_1101, %dma_start3A_1111, %dma_start3A_1112, %dma_start3A_1113] : memref<3x1x1024x1024xf32, #tpu.memory_space<vmem>> -> memref<1x1x1024x1024xf32, #tpu.memory_space<vmem>>
              %dma_start3A_1115 = tpu.memref_squeeze %dma_start3A_1114 : memref<1x1x1024x1024xf32, #tpu.memory_space<vmem>> -> memref<1x1024x1024xf32, #tpu.memory_space<vmem>>
              %dma_start3A_1116 = arith.constant 0 : i32
              %dma_start3A_1117 = tpu.memref_slice %arg2[%mul3A_1106, %mul3A_1108, %dma_start3A_1116] : memref<8x4096x1024xf32, #tpu.memory_space<any>> -> memref<1x1024x1024xf32, #tpu.memory_space<any>>
              tpu.enqueue_dma source(%dma_start3A_1117 : memref<1x1024x1024xf32, #tpu.memory_space<any>>) target(%dma_start3A_1115 : memref<1x1024x1024xf32, #tpu.memory_space<vmem>>) target_semaphore(%dma_start3A_1110 : memref<!tpu.dma_semaphore, #tpu.memory_space<semaphore_mem>>)
            } else {
            }
            %convert_element_type3A_1085 = arith.extui %or3A_1081 : i1 to i32
            %add3A_1086 = arith.addi %while3A_1060, %convert_element_type3A_1085 : i32
            %add3A_1087 = arith.constant 1 : i32
            %add3A_1088 = arith.addi %while3A_1059, %add3A_1087 : i32
            %select_n3A_1089 = arith.constant true
            %select_n3A_1090 = arith.select %select_n3A_1089, %add3A_1088, %while3A_1059 : i32
            %eq3A_1091 = arith.cmpi eq, %select_n3A_1090, %get3A_1 : i32
            %select_n3A_1092 = arith.constant 0 : i32
            %select_n3A_1093 = arith.select %eq3A_1091, %select_n3A_1092, %select_n3A_1090 : i32
            %add3A_1094 = arith.constant 1 : i32
            %add3A_1095 = arith.addi %while3A_1058, %add3A_1094 : i32
            %select_n3A_1096 = arith.select %eq3A_1091, %add3A_1095, %while3A_1058 : i32
            %select_n3A_1097 = arith.constant false
            %select_n3A_1098 = arith.constant 0 : i32
            %select_n3A_1099 = arith.select %select_n3A_1097, %select_n3A_1098, %select_n3A_1096 : i32
            scf.yield %while3A_1058, %while3A_1059, %select_n3A_1099, %select_n3A_1093, %add3A_1086 : i32, i32, i32, i32, i32
          }
          %get3A_547 = arith.constant 0 : index
          %get3A_548 = arith.index_cast %add3A_457 : i32 to index
          %get3A_549 = memref.load %arg0[%get3A_547, %get3A_548] : memref<2x24xi32, #tpu.memory_space<smem>>
          %get3A_550 = arith.constant 0 : index
          %get3A_551 = arith.index_cast %add3A_475 : i32 to index
          %get3A_552 = memref.load %arg0[%get3A_550, %get3A_551] : memref<2x24xi32, #tpu.memory_space<smem>>
          %ne3A_553 = arith.cmpi ne, %get3A_549, %get3A_552 : i32
          %ne3A_554 = arith.cmpi ne, %add3A_455, %add3A_473 : i32
          %or3A_555 = arith.constant false
          %or3A_556 = arith.ori %or3A_555, %ne3A_553 : i1
          %or3A_557 = arith.ori %or3A_556, %ne3A_554 : i1
          %or3A_558 = arith.constant false
          %or3A_559 = arith.ori %or3A_557, %or3A_558 : i1
          %sub3A_560 = arith.constant 3 : i32
          %sub3A_561 = arith.subi %mul3A_410, %sub3A_560 : i32
          %add3A_562 = arith.constant 1 : i32
          %add3A_563 = arith.addi %sub3A_561, %add3A_562 : i32
          %ge3A_564 = arith.cmpi sge, %while3A_390, %add3A_563 : i32
          %not3A_565 = arith.constant true
          %not3A_566 = arith.xori %ge3A_564, %not3A_565 : i1
          %and3A_567 = arith.andi %or3A_559, %not3A_566 : i1
          %add3A_568 = arith.constant 3 : i32
          %add3A_569 = arith.addi %while3A_398, %add3A_568 : i32
          %add3A_570 = arith.constant 1 : i32
          %add3A_571 = arith.addi %while3A_400, %add3A_570 : i32
          %select_n3A_572 = arith.constant true
          %select_n3A_573 = arith.select %select_n3A_572, %add3A_571, %while3A_400 : i32
          %eq3A_574 = arith.cmpi eq, %select_n3A_573, %get3A_1 : i32
          %select_n3A_575 = arith.constant 0 : i32
          %select_n3A_576 = arith.select %eq3A_574, %select_n3A_575, %select_n3A_573 : i32
          %add3A_577 = arith.constant 1 : i32
          %add3A_578 = arith.addi %while3A_399, %add3A_577 : i32
          %select_n3A_579 = arith.select %eq3A_574, %add3A_578, %while3A_399 : i32
          %select_n3A_580 = arith.constant false
          %select_n3A_581 = arith.constant 0 : i32
          %select_n3A_582 = arith.select %select_n3A_580, %select_n3A_581, %select_n3A_579 : i32
          %while3A_583:5 = scf.while (%while3A_1056 = %while3A_399, %while3A_1057 = %while3A_400, %while3A_1058 = %select_n3A_582, %while3A_1059 = %select_n3A_576, %while3A_1060 = %while3A_397) : (i32, i32, i32, i32, i32) -> (i32, i32, i32, i32, i32) {
            %lt3A_1061 = arith.cmpi ult, %while3A_1060, %add3A_569 : i32
            %lt3A_1062 = arith.constant 4 : i32
            %lt3A_1063 = arith.cmpi slt, %while3A_1058, %lt3A_1062 : i32
            %lt3A_1064 = arith.cmpi slt, %while3A_1059, %get3A_1 : i32
            %and3A_1065 = arith.constant true
            %and3A_1066 = arith.andi %and3A_1065, %lt3A_1063 : i1
            %and3A_1067 = arith.andi %and3A_1066, %lt3A_1064 : i1
            %and3A_1068 = arith.constant true
            %and3A_1069 = arith.andi %and3A_1068, %lt3A_1061 : i1
            %and3A_1070 = arith.andi %and3A_1069, %and3A_1067 : i1
            scf.condition(%and3A_1070) %while3A_1056, %while3A_1057, %while3A_1058, %while3A_1059, %while3A_1060 : i32, i32, i32, i32, i32
          } do {
          ^bb0(%while3A_1056: i32, %while3A_1057: i32, %while3A_1058: i32, %while3A_1059: i32, %while3A_1060: i32):
            %add3A_1061 = arith.constant 0 : i32
            %add3A_1062 = arith.addi %while3A_1056, %add3A_1061 : i32
            %add3A_1063 = arith.constant 0 : i32
            %add3A_1064 = arith.addi %while3A_1057, %add3A_1063 : i32
            %add3A_1065 = arith.constant 0 : i32
            %add3A_1066 = arith.addi %while3A_1058, %add3A_1065 : i32
            %add3A_1067 = arith.constant 0 : i32
            %add3A_1068 = arith.addi %while3A_1059, %add3A_1067 : i32
            %get3A_1069 = arith.constant 0 : index
            %get3A_1070 = arith.index_cast %add3A_1064 : i32 to index
            %get3A_1071 = memref.load %arg0[%get3A_1069, %get3A_1070] : memref<2x24xi32, #tpu.memory_space<smem>>
            %get3A_1072 = arith.constant 0 : index
            %get3A_1073 = arith.index_cast %add3A_1068 : i32 to index
            %get3A_1074 = memref.load %arg0[%get3A_1072, %get3A_1073] : memref<2x24xi32, #tpu.memory_space<smem>>
            %ne3A_1075 = arith.cmpi ne, %get3A_1071, %get3A_1074 : i32
            %ne3A_1076 = arith.cmpi ne, %add3A_1062, %add3A_1066 : i32
            %or3A_1077 = arith.constant false
            %or3A_1078 = arith.ori %or3A_1077, %ne3A_1075 : i1
            %or3A_1079 = arith.ori %or3A_1078, %ne3A_1076 : i1
            %or3A_1080 = arith.constant false
            %or3A_1081 = arith.ori %or3A_1079, %or3A_1080 : i1
            %convert_element_type3A_1082 = arith.extui %or3A_1081 : i1 to i32
            %cond3A_1083 = arith.constant 0 : i32
            %cond3A_1084 = arith.cmpi ne, %convert_element_type3A_1082, %cond3A_1083 : i32
            scf.if %cond3A_1084 {
              %rem3A_1100 = arith.constant 3 : i32
              %rem3A_1101 = arith.remui %while3A_1060, %rem3A_1100 : i32
              %get3A_1102 = arith.constant 0 : index
              %get3A_1103 = arith.index_cast %add3A_1068 : i32 to index
              %get3A_1104 = memref.load %arg0[%get3A_1102, %get3A_1103] : memref<2x24xi32, #tpu.memory_space<smem>>
              %mul3A_1105 = arith.constant 1 : i32
              %mul3A_1106 = arith.muli %mul3A_1105, %get3A_1104 : i32
              %mul3A_1107 = arith.constant 1024 : i32
              %mul3A_1108 = arith.muli %mul3A_1107, %add3A_1066 : i32
              %dma_start3A_1109 = tpu.memref_slice %run_scoped3A_7[%rem3A_1101] : memref<3x!tpu.dma_semaphore, #tpu.memory_space<semaphore_mem>> -> memref<1x!tpu.dma_semaphore, #tpu.memory_space<semaphore_mem>>
              %dma_start3A_1110 = tpu.memref_squeeze %dma_start3A_1109 : memref<1x!tpu.dma_semaphore, #tpu.memory_space<semaphore_mem>> -> memref<!tpu.dma_semaphore, #tpu.memory_space<semaphore_mem>>
              %dma_start3A_1111 = arith.constant 0 : i32
              %dma_start3A_1112 = arith.constant 0 : i32
              %dma_start3A_1113 = arith.constant 0 : i32
              %dma_start3A_1114 = tpu.memref_slice %run_scoped3A_6[%rem3A_1101, %dma_start3A_1111, %dma_start3A_1112, %dma_start3A_1113] : memref<3x1x1024x1024xf32, #tpu.memory_space<vmem>> -> memref<1x1x1024x1024xf32, #tpu.memory_space<vmem>>
              %dma_start3A_1115 = tpu.memref_squeeze %dma_start3A_1114 : memref<1x1x1024x1024xf32, #tpu.memory_space<vmem>> -> memref<1x1024x1024xf32, #tpu.memory_space<vmem>>
              %dma_start3A_1116 = arith.constant 0 : i32
              %dma_start3A_1117 = tpu.memref_slice %arg3[%mul3A_1106, %mul3A_1108, %dma_start3A_1116] : memref<8x4096x1024xf32, #tpu.memory_space<any>> -> memref<1x1024x1024xf32, #tpu.memory_space<any>>
              tpu.enqueue_dma source(%dma_start3A_1117 : memref<1x1024x1024xf32, #tpu.memory_space<any>>) target(%dma_start3A_1115 : memref<1x1024x1024xf32, #tpu.memory_space<vmem>>) target_semaphore(%dma_start3A_1110 : memref<!tpu.dma_semaphore, #tpu.memory_space<semaphore_mem>>)
            } else {
            }
            %convert_element_type3A_1085 = arith.extui %or3A_1081 : i1 to i32
            %add3A_1086 = arith.addi %while3A_1060, %convert_element_type3A_1085 : i32
            %add3A_1087 = arith.constant 1 : i32
            %add3A_1088 = arith.addi %while3A_1059, %add3A_1087 : i32
            %select_n3A_1089 = arith.constant true
            %select_n3A_1090 = arith.select %select_n3A_1089, %add3A_1088, %while3A_1059 : i32
            %eq3A_1091 = arith.cmpi eq, %select_n3A_1090, %get3A_1 : i32
            %select_n3A_1092 = arith.constant 0 : i32
            %select_n3A_1093 = arith.select %eq3A_1091, %select_n3A_1092, %select_n3A_1090 : i32
            %add3A_1094 = arith.constant 1 : i32
            %add3A_1095 = arith.addi %while3A_1058, %add3A_1094 : i32
            %select_n3A_1096 = arith.select %eq3A_1091, %add3A_1095, %while3A_1058 : i32
            %select_n3A_1097 = arith.constant false
            %select_n3A_1098 = arith.constant 0 : i32
            %select_n3A_1099 = arith.select %select_n3A_1097, %select_n3A_1098, %select_n3A_1096 : i32
            scf.yield %while3A_1058, %while3A_1059, %select_n3A_1099, %select_n3A_1093, %add3A_1086 : i32, i32, i32, i32, i32
          }
          %get3A_584 = arith.constant 0 : index
          %get3A_585 = arith.index_cast %add3A_419 : i32 to index
          %get3A_586 = memref.load %arg0[%get3A_584, %get3A_585] : memref<2x24xi32, #tpu.memory_space<smem>>
          %get3A_587 = arith.constant 0 : index
          %get3A_588 = arith.index_cast %add3A_457 : i32 to index
          %get3A_589 = memref.load %arg0[%get3A_587, %get3A_588] : memref<2x24xi32, #tpu.memory_space<smem>>
          %ne3A_590 = arith.cmpi ne, %get3A_586, %get3A_589 : i32
          %ne3A_591 = arith.cmpi ne, %add3A_417, %add3A_455 : i32
          %or3A_592 = arith.constant false
          %or3A_593 = arith.ori %or3A_592, %ne3A_590 : i1
          %or3A_594 = arith.constant false
          %or3A_595 = arith.ori %or3A_593, %or3A_594 : i1
          %or3A_596 = arith.ori %or3A_595, %ne3A_591 : i1
          %sub3A_597 = arith.constant 2 : i32
          %sub3A_598 = arith.subi %mul3A_410, %sub3A_597 : i32
          %add3A_599 = arith.constant 1 : i32
          %add3A_600 = arith.addi %sub3A_598, %add3A_599 : i32
          %ge3A_601 = arith.cmpi sge, %while3A_390, %add3A_600 : i32
          %not3A_602 = arith.constant true
          %not3A_603 = arith.xori %ge3A_601, %not3A_602 : i1
          %and3A_604 = arith.andi %or3A_596, %not3A_603 : i1
          %add3A_605 = arith.constant 2 : i32
          %add3A_606 = arith.addi %while3A_402, %add3A_605 : i32
          %add3A_607 = arith.constant 1 : i32
          %add3A_608 = arith.addi %while3A_404, %add3A_607 : i32
          %select_n3A_609 = arith.constant true
          %select_n3A_610 = arith.select %select_n3A_609, %add3A_608, %while3A_404 : i32
          %eq3A_611 = arith.cmpi eq, %select_n3A_610, %get3A_1 : i32
          %select_n3A_612 = arith.constant 0 : i32
          %select_n3A_613 = arith.select %eq3A_611, %select_n3A_612, %select_n3A_610 : i32
          %add3A_614 = arith.constant 1 : i32
          %add3A_615 = arith.addi %while3A_403, %add3A_614 : i32
          %select_n3A_616 = arith.select %eq3A_611, %add3A_615, %while3A_403 : i32
          %select_n3A_617 = arith.constant false
          %select_n3A_618 = arith.constant 0 : i32
          %select_n3A_619 = arith.select %select_n3A_617, %select_n3A_618, %select_n3A_616 : i32
          %while3A_620:5 = scf.while (%while3A_1056 = %while3A_403, %while3A_1057 = %while3A_404, %while3A_1058 = %select_n3A_619, %while3A_1059 = %select_n3A_613, %while3A_1060 = %while3A_401) : (i32, i32, i32, i32, i32) -> (i32, i32, i32, i32, i32) {
            %lt3A_1061 = arith.cmpi ult, %while3A_1060, %add3A_606 : i32
            %lt3A_1062 = arith.constant 4 : i32
            %lt3A_1063 = arith.cmpi slt, %while3A_1058, %lt3A_1062 : i32
            %lt3A_1064 = arith.cmpi slt, %while3A_1059, %get3A_1 : i32
            %and3A_1065 = arith.constant true
            %and3A_1066 = arith.andi %and3A_1065, %lt3A_1063 : i1
            %and3A_1067 = arith.andi %and3A_1066, %lt3A_1064 : i1
            %and3A_1068 = arith.constant true
            %and3A_1069 = arith.andi %and3A_1068, %lt3A_1061 : i1
            %and3A_1070 = arith.andi %and3A_1069, %and3A_1067 : i1
            scf.condition(%and3A_1070) %while3A_1056, %while3A_1057, %while3A_1058, %while3A_1059, %while3A_1060 : i32, i32, i32, i32, i32
          } do {
          ^bb0(%while3A_1056: i32, %while3A_1057: i32, %while3A_1058: i32, %while3A_1059: i32, %while3A_1060: i32):
            %add3A_1061 = arith.constant 0 : i32
            %add3A_1062 = arith.addi %while3A_1056, %add3A_1061 : i32
            %add3A_1063 = arith.constant 0 : i32
            %add3A_1064 = arith.addi %while3A_1057, %add3A_1063 : i32
            %add3A_1065 = arith.constant 0 : i32
            %add3A_1066 = arith.addi %while3A_1058, %add3A_1065 : i32
            %add3A_1067 = arith.constant 0 : i32
            %add3A_1068 = arith.addi %while3A_1059, %add3A_1067 : i32
            %get3A_1069 = arith.constant 0 : index
            %get3A_1070 = arith.index_cast %add3A_1064 : i32 to index
            %get3A_1071 = memref.load %arg0[%get3A_1069, %get3A_1070] : memref<2x24xi32, #tpu.memory_space<smem>>
            %get3A_1072 = arith.constant 0 : index
            %get3A_1073 = arith.index_cast %add3A_1068 : i32 to index
            %get3A_1074 = memref.load %arg0[%get3A_1072, %get3A_1073] : memref<2x24xi32, #tpu.memory_space<smem>>
            %ne3A_1075 = arith.cmpi ne, %get3A_1071, %get3A_1074 : i32
            %ne3A_1076 = arith.cmpi ne, %add3A_1062, %add3A_1066 : i32
            %or3A_1077 = arith.constant false
            %or3A_1078 = arith.ori %or3A_1077, %ne3A_1075 : i1
            %or3A_1079 = arith.constant false
            %or3A_1080 = arith.ori %or3A_1078, %or3A_1079 : i1
            %or3A_1081 = arith.ori %or3A_1080, %ne3A_1076 : i1
            %convert_element_type3A_1082 = arith.extui %or3A_1081 : i1 to i32
            %cond3A_1083 = arith.constant 0 : i32
            %cond3A_1084 = arith.cmpi ne, %convert_element_type3A_1082, %cond3A_1083 : i32
            scf.if %cond3A_1084 {
              %rem3A_1100 = arith.constant 2 : i32
              %rem3A_1101 = arith.remui %while3A_1060, %rem3A_1100 : i32
              %get3A_1102 = arith.constant 0 : index
              %get3A_1103 = arith.index_cast %add3A_1068 : i32 to index
              %get3A_1104 = memref.load %arg0[%get3A_1102, %get3A_1103] : memref<2x24xi32, #tpu.memory_space<smem>>
              %mul3A_1105 = arith.constant 1 : i32
              %mul3A_1106 = arith.muli %mul3A_1105, %get3A_1104 : i32
              %mul3A_1107 = arith.constant 1024 : i32
              %mul3A_1108 = arith.muli %mul3A_1107, %add3A_1066 : i32
              %dma_start3A_1109 = tpu.memref_slice %run_scoped3A_9[%rem3A_1101] : memref<2x!tpu.dma_semaphore, #tpu.memory_space<semaphore_mem>> -> memref<1x!tpu.dma_semaphore, #tpu.memory_space<semaphore_mem>>
              %dma_start3A_1110 = tpu.memref_squeeze %dma_start3A_1109 : memref<1x!tpu.dma_semaphore, #tpu.memory_space<semaphore_mem>> -> memref<!tpu.dma_semaphore, #tpu.memory_space<semaphore_mem>>
              %dma_start3A_1111 = arith.constant 0 : i32
              %dma_start3A_1112 = arith.constant 0 : i32
              %dma_start3A_1113 = arith.constant 0 : i32
              %dma_start3A_1114 = tpu.memref_slice %run_scoped3A_8[%rem3A_1101, %dma_start3A_1111, %dma_start3A_1112, %dma_start3A_1113] : memref<2x1x1024x1024xf32, #tpu.memory_space<vmem>> -> memref<1x1x1024x1024xf32, #tpu.memory_space<vmem>>
              %dma_start3A_1115 = tpu.memref_squeeze %dma_start3A_1114 : memref<1x1x1024x1024xf32, #tpu.memory_space<vmem>> -> memref<1x1024x1024xf32, #tpu.memory_space<vmem>>
              %dma_start3A_1116 = arith.constant 0 : i32
              %dma_start3A_1117 = tpu.memref_slice %arg4[%mul3A_1106, %dma_start3A_1116, %mul3A_1108] : memref<8x1024x4096xf32, #tpu.memory_space<any>> -> memref<1x1024x1024xf32, #tpu.memory_space<any>>
              tpu.enqueue_dma source(%dma_start3A_1117 : memref<1x1024x1024xf32, #tpu.memory_space<any>>) target(%dma_start3A_1115 : memref<1x1024x1024xf32, #tpu.memory_space<vmem>>) target_semaphore(%dma_start3A_1110 : memref<!tpu.dma_semaphore, #tpu.memory_space<semaphore_mem>>)
            } else {
            }
            %convert_element_type3A_1085 = arith.extui %or3A_1081 : i1 to i32
            %add3A_1086 = arith.addi %while3A_1060, %convert_element_type3A_1085 : i32
            %add3A_1087 = arith.constant 1 : i32
            %add3A_1088 = arith.addi %while3A_1059, %add3A_1087 : i32
            %select_n3A_1089 = arith.constant true
            %select_n3A_1090 = arith.select %select_n3A_1089, %add3A_1088, %while3A_1059 : i32
            %eq3A_1091 = arith.cmpi eq, %select_n3A_1090, %get3A_1 : i32
            %select_n3A_1092 = arith.constant 0 : i32
            %select_n3A_1093 = arith.select %eq3A_1091, %select_n3A_1092, %select_n3A_1090 : i32
            %add3A_1094 = arith.constant 1 : i32
            %add3A_1095 = arith.addi %while3A_1058, %add3A_1094 : i32
            %select_n3A_1096 = arith.select %eq3A_1091, %add3A_1095, %while3A_1058 : i32
            %select_n3A_1097 = arith.constant false
            %select_n3A_1098 = arith.constant 0 : i32
            %select_n3A_1099 = arith.select %select_n3A_1097, %select_n3A_1098, %select_n3A_1096 : i32
            scf.yield %while3A_1058, %while3A_1059, %select_n3A_1099, %select_n3A_1093, %add3A_1086 : i32, i32, i32, i32, i32
          }
          %eq3A_621 = arith.constant 3 : i32
          %eq3A_622 = arith.cmpi eq, %add3A_417, %eq3A_621 : i32
          %jit3A = arith.constant 0 : i32
          %select_n3A_623 = arith.select %eq3A_622, %add3A_419, %jit3A : i32
          %eq3A_624 = arith.constant 3 : i32
          %eq3A_625 = arith.cmpi eq, %add3A_455, %eq3A_624 : i32
          %jit3A_626 = arith.constant 0 : i32
          %select_n3A_627 = arith.select %eq3A_625, %add3A_457, %jit3A_626 : i32
          %ne3A_628 = arith.cmpi ne, %select_n3A_623, %select_n3A_627 : i32
          %or3A_629 = arith.constant false
          %or3A_630 = arith.ori %or3A_629, %ne3A_628 : i1
          %or3A_631 = arith.constant false
          %or3A_632 = arith.ori %or3A_630, %or3A_631 : i1
          %sub3A_633 = arith.constant 2 : i32
          %sub3A_634 = arith.subi %mul3A_410, %sub3A_633 : i32
          %add3A_635 = arith.constant 1 : i32
          %add3A_636 = arith.addi %sub3A_634, %add3A_635 : i32
          %ge3A_637 = arith.cmpi sge, %while3A_390, %add3A_636 : i32
          %not3A_638 = arith.constant true
          %not3A_639 = arith.xori %ge3A_637, %not3A_638 : i1
          %and3A_640 = arith.andi %or3A_632, %not3A_639 : i1
          %ne3A_641 = arith.cmpi ne, %add3A_419, %add3A_439 : i32
          %or3A_642 = arith.constant false
          %or3A_643 = arith.ori %or3A_642, %ne3A_641 : i1
          %or3A_644 = arith.constant false
          %or3A_645 = arith.ori %or3A_643, %or3A_644 : i1
          %or3A_646 = arith.ori %or3A_645, %eq3A_412 : i1
          %convert_element_type3A_647 = arith.extui %or3A_646 : i1 to i32
          %cond3A_648 = arith.constant 0 : i32
          %cond3A_649 = arith.cmpi ne, %convert_element_type3A_647, %cond3A_648 : i32
          scf.if %cond3A_649 {
            "tpu.trace_start"() <{level = 10 : i32, message = "ep_wait_in"}> : () -> ()
            %mul3A_1056 = arith.constant 256 : i32
            %mul3A_1057 = arith.muli %mul3A_1056, %add3A_419 : i32
            %rem3A_1058 = arith.constant 2 : i32
            %rem3A_1059 = arith.remui %while3A_392, %rem3A_1058 : i32
            %dma_wait3A = tpu.memref_slice %run_scoped3A_3[%rem3A_1059] : memref<2x!tpu.dma_semaphore, #tpu.memory_space<semaphore_mem>> -> memref<1x!tpu.dma_semaphore, #tpu.memory_space<semaphore_mem>>
            %dma_wait3A_1060 = tpu.memref_squeeze %dma_wait3A : memref<1x!tpu.dma_semaphore, #tpu.memory_space<semaphore_mem>> -> memref<!tpu.dma_semaphore, #tpu.memory_space<semaphore_mem>>
            %dma_wait3A_1061 = arith.constant 0 : i32
            %dma_wait3A_1062 = arith.constant 0 : i32
            %dma_wait3A_1063 = tpu.memref_slice %run_scoped3A[%rem3A_1059, %dma_wait3A_1061, %dma_wait3A_1062] : memref<2x256x1024xf32, #tpu.memory_space<vmem>> -> memref<1x256x1024xf32, #tpu.memory_space<vmem>>
            %dma_wait3A_1064 = tpu.memref_squeeze %dma_wait3A_1063 : memref<1x256x1024xf32, #tpu.memory_space<vmem>> -> memref<256x1024xf32, #tpu.memory_space<vmem>>
            %dma_wait3A_1065 = arith.constant 0 : i32
            %dma_wait3A_1066 = tpu.memref_slice %arg1[%mul3A_1057, %dma_wait3A_1065] : memref<6144x1024xf32, #tpu.memory_space<any>> -> memref<256x1024xf32, #tpu.memory_space<any>>
            tpu.wait_dma2 semaphore(%dma_wait3A_1060 : memref<!tpu.dma_semaphore, #tpu.memory_space<semaphore_mem>>) src(%dma_wait3A_1066 : memref<256x1024xf32, #tpu.memory_space<any>>) dst(%dma_wait3A_1064 : memref<256x1024xf32, #tpu.memory_space<vmem>>)
            "tpu.trace_stop"() : () -> ()
          } else {
          }
          %get3A_650 = arith.constant 0 : index
          %get3A_651 = arith.index_cast %add3A_419 : i32 to index
          %get3A_652 = memref.load %arg0[%get3A_650, %get3A_651] : memref<2x24xi32, #tpu.memory_space<smem>>
          %get3A_653 = arith.constant 0 : index
          %get3A_654 = arith.index_cast %add3A_439 : i32 to index
          %get3A_655 = memref.load %arg0[%get3A_653, %get3A_654] : memref<2x24xi32, #tpu.memory_space<smem>>
          %ne3A_656 = arith.cmpi ne, %get3A_652, %get3A_655 : i32
          %ne3A_657 = arith.cmpi ne, %add3A_417, %add3A_437 : i32
          %or3A_658 = arith.constant false
          %or3A_659 = arith.ori %or3A_658, %ne3A_656 : i1
          %or3A_660 = arith.ori %or3A_659, %ne3A_657 : i1
          %or3A_661 = arith.constant false
          %or3A_662 = arith.ori %or3A_660, %or3A_661 : i1
          %or3A_663 = arith.ori %or3A_662, %eq3A_412 : i1
          %convert_element_type3A_664 = arith.extui %or3A_663 : i1 to i32
          %cond3A_665 = arith.constant 0 : i32
          %cond3A_666 = arith.cmpi ne, %convert_element_type3A_664, %cond3A_665 : i32
          scf.if %cond3A_666 {
            "tpu.trace_start"() <{level = 10 : i32, message = "ep_wait_in"}> : () -> ()
            %get3A_1056 = arith.constant 0 : index
            %get3A_1057 = arith.index_cast %add3A_419 : i32 to index
            %get3A_1058 = memref.load %arg0[%get3A_1056, %get3A_1057] : memref<2x24xi32, #tpu.memory_space<smem>>
            %mul3A_1059 = arith.constant 1 : i32
            %mul3A_1060 = arith.muli %mul3A_1059, %get3A_1058 : i32
            %mul3A_1061 = arith.constant 1024 : i32
            %mul3A_1062 = arith.muli %mul3A_1061, %add3A_417 : i32
            %rem3A_1063 = arith.constant 3 : i32
            %rem3A_1064 = arith.remui %while3A_394, %rem3A_1063 : i32
            %dma_wait3A = tpu.memref_slice %run_scoped3A_5[%rem3A_1064] : memref<3x!tpu.dma_semaphore, #tpu.memory_space<semaphore_mem>> -> memref<1x!tpu.dma_semaphore, #tpu.memory_space<semaphore_mem>>
            %dma_wait3A_1065 = tpu.memref_squeeze %dma_wait3A : memref<1x!tpu.dma_semaphore, #tpu.memory_space<semaphore_mem>> -> memref<!tpu.dma_semaphore, #tpu.memory_space<semaphore_mem>>
            %dma_wait3A_1066 = arith.constant 0 : i32
            %dma_wait3A_1067 = arith.constant 0 : i32
            %dma_wait3A_1068 = arith.constant 0 : i32
            %dma_wait3A_1069 = tpu.memref_slice %run_scoped3A_4[%rem3A_1064, %dma_wait3A_1066, %dma_wait3A_1067, %dma_wait3A_1068] : memref<3x1x1024x1024xf32, #tpu.memory_space<vmem>> -> memref<1x1x1024x1024xf32, #tpu.memory_space<vmem>>
            %dma_wait3A_1070 = tpu.memref_squeeze %dma_wait3A_1069 : memref<1x1x1024x1024xf32, #tpu.memory_space<vmem>> -> memref<1x1024x1024xf32, #tpu.memory_space<vmem>>
            %dma_wait3A_1071 = arith.constant 0 : i32
            %dma_wait3A_1072 = tpu.memref_slice %arg2[%mul3A_1060, %mul3A_1062, %dma_wait3A_1071] : memref<8x4096x1024xf32, #tpu.memory_space<any>> -> memref<1x1024x1024xf32, #tpu.memory_space<any>>
            tpu.wait_dma2 semaphore(%dma_wait3A_1065 : memref<!tpu.dma_semaphore, #tpu.memory_space<semaphore_mem>>) src(%dma_wait3A_1072 : memref<1x1024x1024xf32, #tpu.memory_space<any>>) dst(%dma_wait3A_1070 : memref<1x1024x1024xf32, #tpu.memory_space<vmem>>)
            "tpu.trace_stop"() : () -> ()
          } else {
          }
          %get3A_667 = arith.constant 0 : index
          %get3A_668 = arith.index_cast %add3A_419 : i32 to index
          %get3A_669 = memref.load %arg0[%get3A_667, %get3A_668] : memref<2x24xi32, #tpu.memory_space<smem>>
          %get3A_670 = arith.constant 0 : index
          %get3A_671 = arith.index_cast %add3A_439 : i32 to index
          %get3A_672 = memref.load %arg0[%get3A_670, %get3A_671] : memref<2x24xi32, #tpu.memory_space<smem>>
          %ne3A_673 = arith.cmpi ne, %get3A_669, %get3A_672 : i32
          %ne3A_674 = arith.cmpi ne, %add3A_417, %add3A_437 : i32
          %or3A_675 = arith.constant false
          %or3A_676 = arith.ori %or3A_675, %ne3A_673 : i1
          %or3A_677 = arith.ori %or3A_676, %ne3A_674 : i1
          %or3A_678 = arith.constant false
          %or3A_679 = arith.ori %or3A_677, %or3A_678 : i1
          %or3A_680 = arith.ori %or3A_679, %eq3A_412 : i1
          %convert_element_type3A_681 = arith.extui %or3A_680 : i1 to i32
          %cond3A_682 = arith.constant 0 : i32
          %cond3A_683 = arith.cmpi ne, %convert_element_type3A_681, %cond3A_682 : i32
          scf.if %cond3A_683 {
            "tpu.trace_start"() <{level = 10 : i32, message = "ep_wait_in"}> : () -> ()
            %get3A_1056 = arith.constant 0 : index
            %get3A_1057 = arith.index_cast %add3A_419 : i32 to index
            %get3A_1058 = memref.load %arg0[%get3A_1056, %get3A_1057] : memref<2x24xi32, #tpu.memory_space<smem>>
            %mul3A_1059 = arith.constant 1 : i32
            %mul3A_1060 = arith.muli %mul3A_1059, %get3A_1058 : i32
            %mul3A_1061 = arith.constant 1024 : i32
            %mul3A_1062 = arith.muli %mul3A_1061, %add3A_417 : i32
            %rem3A_1063 = arith.constant 3 : i32
            %rem3A_1064 = arith.remui %while3A_398, %rem3A_1063 : i32
            %dma_wait3A = tpu.memref_slice %run_scoped3A_7[%rem3A_1064] : memref<3x!tpu.dma_semaphore, #tpu.memory_space<semaphore_mem>> -> memref<1x!tpu.dma_semaphore, #tpu.memory_space<semaphore_mem>>
            %dma_wait3A_1065 = tpu.memref_squeeze %dma_wait3A : memref<1x!tpu.dma_semaphore, #tpu.memory_space<semaphore_mem>> -> memref<!tpu.dma_semaphore, #tpu.memory_space<semaphore_mem>>
            %dma_wait3A_1066 = arith.constant 0 : i32
            %dma_wait3A_1067 = arith.constant 0 : i32
            %dma_wait3A_1068 = arith.constant 0 : i32
            %dma_wait3A_1069 = tpu.memref_slice %run_scoped3A_6[%rem3A_1064, %dma_wait3A_1066, %dma_wait3A_1067, %dma_wait3A_1068] : memref<3x1x1024x1024xf32, #tpu.memory_space<vmem>> -> memref<1x1x1024x1024xf32, #tpu.memory_space<vmem>>
            %dma_wait3A_1070 = tpu.memref_squeeze %dma_wait3A_1069 : memref<1x1x1024x1024xf32, #tpu.memory_space<vmem>> -> memref<1x1024x1024xf32, #tpu.memory_space<vmem>>
            %dma_wait3A_1071 = arith.constant 0 : i32
            %dma_wait3A_1072 = tpu.memref_slice %arg3[%mul3A_1060, %mul3A_1062, %dma_wait3A_1071] : memref<8x4096x1024xf32, #tpu.memory_space<any>> -> memref<1x1024x1024xf32, #tpu.memory_space<any>>
            tpu.wait_dma2 semaphore(%dma_wait3A_1065 : memref<!tpu.dma_semaphore, #tpu.memory_space<semaphore_mem>>) src(%dma_wait3A_1072 : memref<1x1024x1024xf32, #tpu.memory_space<any>>) dst(%dma_wait3A_1070 : memref<1x1024x1024xf32, #tpu.memory_space<vmem>>)
            "tpu.trace_stop"() : () -> ()
          } else {
          }
          %get3A_684 = arith.constant 0 : index
          %get3A_685 = arith.index_cast %add3A_419 : i32 to index
          %get3A_686 = memref.load %arg0[%get3A_684, %get3A_685] : memref<2x24xi32, #tpu.memory_space<smem>>
          %get3A_687 = arith.constant 0 : index
          %get3A_688 = arith.index_cast %add3A_439 : i32 to index
          %get3A_689 = memref.load %arg0[%get3A_687, %get3A_688] : memref<2x24xi32, #tpu.memory_space<smem>>
          %ne3A_690 = arith.cmpi ne, %get3A_686, %get3A_689 : i32
          %ne3A_691 = arith.cmpi ne, %add3A_417, %add3A_437 : i32
          %or3A_692 = arith.constant false
          %or3A_693 = arith.ori %or3A_692, %ne3A_690 : i1
          %or3A_694 = arith.constant false
          %or3A_695 = arith.ori %or3A_693, %or3A_694 : i1
          %or3A_696 = arith.ori %or3A_695, %ne3A_691 : i1
          %or3A_697 = arith.ori %or3A_696, %eq3A_412 : i1
          %convert_element_type3A_698 = arith.extui %or3A_697 : i1 to i32
          %cond3A_699 = arith.constant 0 : i32
          %cond3A_700 = arith.cmpi ne, %convert_element_type3A_698, %cond3A_699 : i32
          scf.if %cond3A_700 {
            "tpu.trace_start"() <{level = 10 : i32, message = "ep_wait_in"}> : () -> ()
            %get3A_1056 = arith.constant 0 : index
            %get3A_1057 = arith.index_cast %add3A_419 : i32 to index
            %get3A_1058 = memref.load %arg0[%get3A_1056, %get3A_1057] : memref<2x24xi32, #tpu.memory_space<smem>>
            %mul3A_1059 = arith.constant 1 : i32
            %mul3A_1060 = arith.muli %mul3A_1059, %get3A_1058 : i32
            %mul3A_1061 = arith.constant 1024 : i32
            %mul3A_1062 = arith.muli %mul3A_1061, %add3A_417 : i32
            %rem3A_1063 = arith.constant 2 : i32
            %rem3A_1064 = arith.remui %while3A_402, %rem3A_1063 : i32
            %dma_wait3A = tpu.memref_slice %run_scoped3A_9[%rem3A_1064] : memref<2x!tpu.dma_semaphore, #tpu.memory_space<semaphore_mem>> -> memref<1x!tpu.dma_semaphore, #tpu.memory_space<semaphore_mem>>
            %dma_wait3A_1065 = tpu.memref_squeeze %dma_wait3A : memref<1x!tpu.dma_semaphore, #tpu.memory_space<semaphore_mem>> -> memref<!tpu.dma_semaphore, #tpu.memory_space<semaphore_mem>>
            %dma_wait3A_1066 = arith.constant 0 : i32
            %dma_wait3A_1067 = arith.constant 0 : i32
            %dma_wait3A_1068 = arith.constant 0 : i32
            %dma_wait3A_1069 = tpu.memref_slice %run_scoped3A_8[%rem3A_1064, %dma_wait3A_1066, %dma_wait3A_1067, %dma_wait3A_1068] : memref<2x1x1024x1024xf32, #tpu.memory_space<vmem>> -> memref<1x1x1024x1024xf32, #tpu.memory_space<vmem>>
            %dma_wait3A_1070 = tpu.memref_squeeze %dma_wait3A_1069 : memref<1x1x1024x1024xf32, #tpu.memory_space<vmem>> -> memref<1x1024x1024xf32, #tpu.memory_space<vmem>>
            %dma_wait3A_1071 = arith.constant 0 : i32
            %dma_wait3A_1072 = tpu.memref_slice %arg4[%mul3A_1060, %dma_wait3A_1071, %mul3A_1062] : memref<8x1024x4096xf32, #tpu.memory_space<any>> -> memref<1x1024x1024xf32, #tpu.memory_space<any>>
            tpu.wait_dma2 semaphore(%dma_wait3A_1065 : memref<!tpu.dma_semaphore, #tpu.memory_space<semaphore_mem>>) src(%dma_wait3A_1072 : memref<1x1024x1024xf32, #tpu.memory_space<any>>) dst(%dma_wait3A_1070 : memref<1x1024x1024xf32, #tpu.memory_space<vmem>>)
            "tpu.trace_stop"() : () -> ()
          } else {
          }
          %eq3A_701 = arith.constant 3 : i32
          %eq3A_702 = arith.cmpi eq, %add3A_417, %eq3A_701 : i32
          %jit3A_703 = arith.constant 0 : i32
          %select_n3A_704 = arith.select %eq3A_702, %add3A_419, %jit3A_703 : i32
          %eq3A_705 = arith.constant 3 : i32
          %eq3A_706 = arith.cmpi eq, %add3A_437, %eq3A_705 : i32
          %jit3A_707 = arith.constant 0 : i32
          %select_n3A_708 = arith.select %eq3A_706, %add3A_439, %jit3A_707 : i32
          %ne3A_709 = arith.cmpi ne, %select_n3A_704, %select_n3A_708 : i32
          %or3A_710 = arith.constant false
          %or3A_711 = arith.ori %or3A_710, %ne3A_709 : i1
          %or3A_712 = arith.constant false
          %or3A_713 = arith.ori %or3A_711, %or3A_712 : i1
          %or3A_714 = arith.ori %or3A_713, %eq3A_412 : i1
          %convert_element_type3A_715 = arith.extui %or3A_714 : i1 to i32
          %cond3A_716 = arith.constant 0 : i32
          %cond3A_717 = arith.cmpi ne, %convert_element_type3A_715, %cond3A_716 : i32
          scf.if %cond3A_717 {
          } else {
          }
          %rem3A_718 = arith.constant 2 : i32
          %rem3A_719 = arith.remui %while3A_392, %rem3A_718 : i32
          %rem3A_720 = arith.constant 3 : i32
          %rem3A_721 = arith.remui %while3A_394, %rem3A_720 : i32
          %rem3A_722 = arith.constant 3 : i32
          %rem3A_723 = arith.remui %while3A_398, %rem3A_722 : i32
          %rem3A_724 = arith.constant 2 : i32
          %rem3A_725 = arith.remui %while3A_402, %rem3A_724 : i32
          %rem3A_726 = arith.constant 2 : i32
          %rem3A_727 = arith.remui %while3A_405, %rem3A_726 : i32
          "tpu.trace_start"() <{level = 10 : i32, message = "ep_run_kernel"}> : () -> ()
          %mul3A_728 = arith.constant 256 : i32
          %mul3A_729 = arith.muli %add3A_419, %mul3A_728 : i32
          %get3A_730 = arith.index_cast %rem3A_719 : i32 to index
          %get3A_731 = arith.constant 0 : index
          %get3A_732 = arith.constant 0 : index
          %get3A_733 = vector.load %run_scoped3A[%get3A_730, %get3A_731, %get3A_732] : memref<2x256x1024xf32, #tpu.memory_space<vmem>>, vector<1x256x1024xf32>
          %get3A_734 = vector.shape_cast %get3A_733 : vector<1x256x1024xf32> to vector<256x1024xf32>
          %get3A_735 = arith.constant 0 : i32
          %get3A_736 = arith.constant 0 : i32
          %get3A_737 = arith.constant 0 : i32
          %get3A_738 = tpu.memref_slice %run_scoped3A_4[%rem3A_721, %get3A_735, %get3A_736, %get3A_737] : memref<3x1x1024x1024xf32, #tpu.memory_space<vmem>> -> memref<1x1x1024x1024xf32, #tpu.memory_space<vmem>>
          %get3A_739 = tpu.memref_squeeze %get3A_738 : memref<1x1x1024x1024xf32, #tpu.memory_space<vmem>> -> memref<1x1024x1024xf32, #tpu.memory_space<vmem>>
          %get3A_740 = arith.constant 0 : index
          %get3A_741 = arith.constant 0 : index
          %get3A_742 = arith.constant 0 : index
          %get3A_743 = vector.load %get3A_739[%get3A_740, %get3A_741, %get3A_742] : memref<1x1024x1024xf32, #tpu.memory_space<vmem>>, vector<1x1024x1024xf32>
          %get3A_744 = vector.shape_cast %get3A_743 : vector<1x1024x1024xf32> to vector<1024x1024xf32>
          %dot_general3A = arith.constant dense<0.000000e+00> : vector<256x1024xf32>
          %dot_general3A_745 = tpu.matmul %get3A_734, %get3A_744, %dot_general3A {dimension_numbers = #tpu.dot_dimension_numbers<[1], [1], [0], [0], [0, 0, 1, 0], [], []>, transpose_lhs_hint = false} : vector<256x1024xf32>, vector<1024x1024xf32>, vector<256x1024xf32> -> vector<256x1024xf32>
          %get3A_746 = arith.constant 0 : i32
          %get3A_747 = arith.constant 0 : i32
          %get3A_748 = arith.constant 0 : i32
          %get3A_749 = tpu.memref_slice %run_scoped3A_6[%rem3A_723, %get3A_746, %get3A_747, %get3A_748] : memref<3x1x1024x1024xf32, #tpu.memory_space<vmem>> -> memref<1x1x1024x1024xf32, #tpu.memory_space<vmem>>
          %get3A_750 = tpu.memref_squeeze %get3A_749 : memref<1x1x1024x1024xf32, #tpu.memory_space<vmem>> -> memref<1x1024x1024xf32, #tpu.memory_space<vmem>>
          %get3A_751 = arith.constant 0 : index
          %get3A_752 = arith.constant 0 : index
          %get3A_753 = arith.constant 0 : index
          %get3A_754 = vector.load %get3A_750[%get3A_751, %get3A_752, %get3A_753] : memref<1x1024x1024xf32, #tpu.memory_space<vmem>>, vector<1x1024x1024xf32>
          %get3A_755 = vector.shape_cast %get3A_754 : vector<1x1024x1024xf32> to vector<1024x1024xf32>
          %dot_general3A_756 = arith.constant dense<0.000000e+00> : vector<256x1024xf32>
          %dot_general3A_757 = tpu.matmul %get3A_734, %get3A_755, %dot_general3A_756 {dimension_numbers = #tpu.dot_dimension_numbers<[1], [1], [0], [0], [0, 0, 1, 0], [], []>, transpose_lhs_hint = false} : vector<256x1024xf32>, vector<1024x1024xf32>, vector<256x1024xf32> -> vector<256x1024xf32>
          %logistic3A = arith.negf %dot_general3A_745 : vector<256x1024xf32>
          %logistic3A_758 = math.exp %logistic3A : vector<256x1024xf32>
          %logistic3A_759 = arith.constant 1.000000e+00 : f32
          %logistic3A_760 = vector.broadcast %logistic3A_759 : f32 to vector<256x1024xf32>
          %logistic3A_761 = arith.addf %logistic3A_760, %logistic3A_758 : vector<256x1024xf32>
          %logistic3A_762 = arith.divf %logistic3A_760, %logistic3A_761 : vector<256x1024xf32>
          %mul3A_763 = arith.mulf %dot_general3A_745, %logistic3A_762 : vector<256x1024xf32>
          %mul3A_764 = arith.mulf %mul3A_763, %dot_general3A_757 : vector<256x1024xf32>
          %get3A_765 = arith.constant 0 : i32
          %get3A_766 = arith.constant 0 : i32
          %get3A_767 = arith.constant 0 : i32
          %get3A_768 = tpu.memref_slice %run_scoped3A_8[%rem3A_725, %get3A_765, %get3A_766, %get3A_767] : memref<2x1x1024x1024xf32, #tpu.memory_space<vmem>> -> memref<1x1x1024x1024xf32, #tpu.memory_space<vmem>>
          %get3A_769 = tpu.memref_squeeze %get3A_768 : memref<1x1x1024x1024xf32, #tpu.memory_space<vmem>> -> memref<1x1024x1024xf32, #tpu.memory_space<vmem>>
          %get3A_770 = arith.constant 0 : index
          %get3A_771 = arith.constant 0 : index
          %get3A_772 = arith.constant 0 : index
          %get3A_773 = vector.load %get3A_769[%get3A_770, %get3A_771, %get3A_772] : memref<1x1024x1024xf32, #tpu.memory_space<vmem>>, vector<1x1024x1024xf32>
          %get3A_774 = vector.shape_cast %get3A_773 : vector<1x1024x1024xf32> to vector<1024x1024xf32>
          %dot_general3A_775 = arith.constant dense<0.000000e+00> : vector<256x1024xf32>
          %dot_general3A_776 = tpu.matmul %mul3A_764, %get3A_774, %dot_general3A_775 {dimension_numbers = #tpu.dot_dimension_numbers<[1], [1], [0], [0], [0, 0, 1, 0], [], []>, transpose_lhs_hint = false} : vector<256x1024xf32>, vector<1024x1024xf32>, vector<256x1024xf32> -> vector<256x1024xf32>
          %eq3A_777 = arith.constant 0 : i32
          %eq3A_778 = arith.cmpi eq, %add3A_417, %eq3A_777 : i32
          %convert_element_type3A_779 = arith.extui %eq3A_778 : i1 to i32
          %cond3A_780 = arith.constant 0 : i32
          %cond3A_781 = arith.cmpi ne, %convert_element_type3A_779, %cond3A_780 : i32
          scf.if %cond3A_781 {
            %swap3A = arith.index_cast %mul3A_729 : i32 to index
            %swap3A_1056 = arith.constant 0 : index
            %swap3A_1057 = vector.load %arg6[%swap3A, %swap3A_1056] : memref<6144x1024xf32, #tpu.memory_space<vmem>>, vector<256x1024xf32>
            tpu.vector_store %arg6[%swap3A, %swap3A_1056], %dot_general3A_776 {strides = array<i32>} : memref<6144x1024xf32, #tpu.memory_space<vmem>>, vector<256x1024xf32>,
          } else {
          }
          %gt3A_782 = arith.constant 0 : i32
          %gt3A_783 = arith.cmpi sgt, %add3A_417, %gt3A_782 : i32
          %convert_element_type3A_784 = arith.extui %gt3A_783 : i1 to i32
          %cond3A_785 = arith.constant 0 : i32
          %cond3A_786 = arith.cmpi ne, %convert_element_type3A_784, %cond3A_785 : i32
          scf.if %cond3A_786 {
            %get3A_1056 = arith.index_cast %mul3A_729 : i32 to index
            %get3A_1057 = arith.constant 0 : index
            %get3A_1058 = vector.load %arg6[%get3A_1056, %get3A_1057] : memref<6144x1024xf32, #tpu.memory_space<vmem>>, vector<256x1024xf32>
            %add3A_1059 = arith.addf %get3A_1058, %dot_general3A_776 : vector<256x1024xf32>
            %swap3A = arith.index_cast %mul3A_729 : i32 to index
            %swap3A_1060 = arith.constant 0 : index
            %swap3A_1061 = vector.load %arg6[%swap3A, %swap3A_1060] : memref<6144x1024xf32, #tpu.memory_space<vmem>>, vector<256x1024xf32>
            tpu.vector_store %arg6[%swap3A, %swap3A_1060], %add3A_1059 {strides = array<i32>} : memref<6144x1024xf32, #tpu.memory_space<vmem>>, vector<256x1024xf32>,
          } else {
          }
          %eq3A_787 = arith.constant 3 : i32
          %eq3A_788 = arith.cmpi eq, %add3A_417, %eq3A_787 : i32
          %convert_element_type3A_789 = arith.extui %eq3A_788 : i1 to i32
          %cond3A_790 = arith.constant 0 : i32
          %cond3A_791 = arith.cmpi ne, %convert_element_type3A_789, %cond3A_790 : i32
          scf.if %cond3A_791 {
            %get3A_1056 = arith.index_cast %mul3A_729 : i32 to index
            %get3A_1057 = arith.constant 0 : index
            %get3A_1058 = vector.load %arg6[%get3A_1056, %get3A_1057] : memref<6144x1024xf32, #tpu.memory_space<vmem>>, vector<256x1024xf32>
            %swap3A = arith.index_cast %rem3A_727 : i32 to index
            %swap3A_1059 = arith.constant 0 : index
            %swap3A_1060 = arith.constant 0 : index
            %swap3A_1061 = vector.load %run_scoped3A_10[%swap3A, %swap3A_1059, %swap3A_1060] : memref<2x256x1024xf32, #tpu.memory_space<vmem>>, vector<1x256x1024xf32>
            %swap3A_1062 = vector.shape_cast %swap3A_1061 : vector<1x256x1024xf32> to vector<256x1024xf32>
            %swap3A_1063 = vector.shape_cast %get3A_1058 : vector<256x1024xf32> to vector<1x256x1024xf32>
            tpu.vector_store %run_scoped3A_10[%swap3A, %swap3A_1059, %swap3A_1060], %swap3A_1063 {strides = array<i32>} : memref<2x256x1024xf32, #tpu.memory_space<vmem>>, vector<1x256x1024xf32>,
          } else {
          }
          "tpu.trace_stop"() : () -> ()
          %ne3A_792 = arith.cmpi ne, %add3A_419, %add3A_457 : i32
          %or3A_793 = arith.constant false
          %or3A_794 = arith.ori %or3A_793, %ne3A_792 : i1
          %or3A_795 = arith.constant false
          %or3A_796 = arith.ori %or3A_794, %or3A_795 : i1
          %or3A_797 = arith.ori %or3A_796, %eq3A_415 : i1
          %convert_element_type3A_798 = arith.extui %or3A_797 : i1 to i32
          %cond3A_799 = arith.constant 0 : i32
          %cond3A_800 = arith.cmpi ne, %convert_element_type3A_798, %cond3A_799 : i32
          scf.if %cond3A_800 {
          } else {
          }
          %and3A_801 = arith.constant false
          %and3A_802 = arith.andi %or3A_797, %and3A_801 : i1
          %get3A_803 = arith.constant 0 : index
          %get3A_804 = arith.index_cast %add3A_419 : i32 to index
          %get3A_805 = memref.load %arg0[%get3A_803, %get3A_804] : memref<2x24xi32, #tpu.memory_space<smem>>
          %get3A_806 = arith.constant 0 : index
          %get3A_807 = arith.index_cast %add3A_457 : i32 to index
          %get3A_808 = memref.load %arg0[%get3A_806, %get3A_807] : memref<2x24xi32, #tpu.memory_space<smem>>
          %ne3A_809 = arith.cmpi ne, %get3A_805, %get3A_808 : i32
          %ne3A_810 = arith.cmpi ne, %add3A_417, %add3A_455 : i32
          %or3A_811 = arith.constant false
          %or3A_812 = arith.ori %or3A_811, %ne3A_809 : i1
          %or3A_813 = arith.ori %or3A_812, %ne3A_810 : i1
          %or3A_814 = arith.constant false
          %or3A_815 = arith.ori %or3A_813, %or3A_814 : i1
          %or3A_816 = arith.ori %or3A_815, %eq3A_415 : i1
          %convert_element_type3A_817 = arith.extui %or3A_816 : i1 to i32
          %cond3A_818 = arith.constant 0 : i32
          %cond3A_819 = arith.cmpi ne, %convert_element_type3A_817, %cond3A_818 : i32
          scf.if %cond3A_819 {
          } else {
          }
          %and3A_820 = arith.constant false
          %and3A_821 = arith.andi %or3A_816, %and3A_820 : i1
          %get3A_822 = arith.constant 0 : index
          %get3A_823 = arith.index_cast %add3A_419 : i32 to index
          %get3A_824 = memref.load %arg0[%get3A_822, %get3A_823] : memref<2x24xi32, #tpu.memory_space<smem>>
          %get3A_825 = arith.constant 0 : index
          %get3A_826 = arith.index_cast %add3A_457 : i32 to index
          %get3A_827 = memref.load %arg0[%get3A_825, %get3A_826] : memref<2x24xi32, #tpu.memory_space<smem>>
          %ne3A_828 = arith.cmpi ne, %get3A_824, %get3A_827 : i32
          %ne3A_829 = arith.cmpi ne, %add3A_417, %add3A_455 : i32
          %or3A_830 = arith.constant false
          %or3A_831 = arith.ori %or3A_830, %ne3A_828 : i1
          %or3A_832 = arith.ori %or3A_831, %ne3A_829 : i1
          %or3A_833 = arith.constant false
          %or3A_834 = arith.ori %or3A_832, %or3A_833 : i1
          %or3A_835 = arith.ori %or3A_834, %eq3A_415 : i1
          %convert_element_type3A_836 = arith.extui %or3A_835 : i1 to i32
          %cond3A_837 = arith.constant 0 : i32
          %cond3A_838 = arith.cmpi ne, %convert_element_type3A_836, %cond3A_837 : i32
          scf.if %cond3A_838 {
          } else {
          }
          %and3A_839 = arith.constant false
          %and3A_840 = arith.andi %or3A_835, %and3A_839 : i1
          %get3A_841 = arith.constant 0 : index
          %get3A_842 = arith.index_cast %add3A_419 : i32 to index
          %get3A_843 = memref.load %arg0[%get3A_841, %get3A_842] : memref<2x24xi32, #tpu.memory_space<smem>>
          %get3A_844 = arith.constant 0 : index
          %get3A_845 = arith.index_cast %add3A_457 : i32 to index
          %get3A_846 = memref.load %arg0[%get3A_844, %get3A_845] : memref<2x24xi32, #tpu.memory_space<smem>>
          %ne3A_847 = arith.cmpi ne, %get3A_843, %get3A_846 : i32
          %ne3A_848 = arith.cmpi ne, %add3A_417, %add3A_455 : i32
          %or3A_849 = arith.constant false
          %or3A_850 = arith.ori %or3A_849, %ne3A_847 : i1
          %or3A_851 = arith.constant false
          %or3A_852 = arith.ori %or3A_850, %or3A_851 : i1
          %or3A_853 = arith.ori %or3A_852, %ne3A_848 : i1
          %or3A_854 = arith.ori %or3A_853, %eq3A_415 : i1
          %convert_element_type3A_855 = arith.extui %or3A_854 : i1 to i32
          %cond3A_856 = arith.constant 0 : i32
          %cond3A_857 = arith.cmpi ne, %convert_element_type3A_855, %cond3A_856 : i32
          scf.if %cond3A_857 {
          } else {
          }
          %and3A_858 = arith.constant false
          %and3A_859 = arith.andi %or3A_854, %and3A_858 : i1
          %eq3A_860 = arith.constant 3 : i32
          %eq3A_861 = arith.cmpi eq, %add3A_417, %eq3A_860 : i32
          %jit3A_862 = arith.constant 0 : i32
          %select_n3A_863 = arith.select %eq3A_861, %add3A_419, %jit3A_862 : i32
          %eq3A_864 = arith.constant 3 : i32
          %eq3A_865 = arith.cmpi eq, %add3A_455, %eq3A_864 : i32
          %jit3A_866 = arith.constant 0 : i32
          %select_n3A_867 = arith.select %eq3A_865, %add3A_457, %jit3A_866 : i32
          %ne3A_868 = arith.cmpi ne, %select_n3A_863, %select_n3A_867 : i32
          %or3A_869 = arith.constant false
          %or3A_870 = arith.ori %or3A_869, %ne3A_868 : i1
          %or3A_871 = arith.constant false
          %or3A_872 = arith.ori %or3A_870, %or3A_871 : i1
          %or3A_873 = arith.ori %or3A_872, %eq3A_415 : i1
          %convert_element_type3A_874 = arith.extui %or3A_873 : i1 to i32
          %cond3A_875 = arith.constant 0 : i32
          %cond3A_876 = arith.cmpi ne, %convert_element_type3A_874, %cond3A_875 : i32
          scf.if %cond3A_876 {
            "tpu.trace_start"() <{level = 10 : i32, message = "ep_copy_out"}> : () -> ()
            %rem3A_1056 = arith.constant 2 : i32
            %rem3A_1057 = arith.remui %while3A_405, %rem3A_1056 : i32
            %eq3A_1058 = arith.constant 3 : i32
            %eq3A_1059 = arith.cmpi eq, %add3A_417, %eq3A_1058 : i32
            %jit3A_1060 = arith.constant 0 : i32
            %select_n3A_1061 = arith.select %eq3A_1059, %add3A_419, %jit3A_1060 : i32
            %mul3A_1062 = arith.constant 256 : i32
            %mul3A_1063 = arith.muli %mul3A_1062, %select_n3A_1061 : i32
            %dma_start3A_1064 = tpu.memref_slice %run_scoped3A_11[%rem3A_1057] : memref<2x!tpu.dma_semaphore, #tpu.memory_space<semaphore_mem>> -> memref<1x!tpu.dma_semaphore, #tpu.memory_space<semaphore_mem>>
            %dma_start3A_1065 = tpu.memref_squeeze %dma_start3A_1064 : memref<1x!tpu.dma_semaphore, #tpu.memory_space<semaphore_mem>> -> memref<!tpu.dma_semaphore, #tpu.memory_space<semaphore_mem>>
            %dma_start3A_1066 = arith.constant 0 : i32
            %dma_start3A_1067 = tpu.memref_slice %arg5[%mul3A_1063, %dma_start3A_1066] : memref<6144x1024xf32, #tpu.memory_space<any>> -> memref<256x1024xf32, #tpu.memory_space<any>>
            %dma_start3A_1068 = arith.constant 0 : i32
            %dma_start3A_1069 = arith.constant 0 : i32
            %dma_start3A_1070 = tpu.memref_slice %run_scoped3A_10[%rem3A_1057, %dma_start3A_1068, %dma_start3A_1069] : memref<2x256x1024xf32, #tpu.memory_space<vmem>> -> memref<1x256x1024xf32, #tpu.memory_space<vmem>>
            %dma_start3A_1071 = tpu.memref_squeeze %dma_start3A_1070 : memref<1x256x1024xf32, #tpu.memory_space<vmem>> -> memref<256x1024xf32, #tpu.memory_space<vmem>>
            tpu.enqueue_dma source(%dma_start3A_1071 : memref<256x1024xf32, #tpu.memory_space<vmem>>) target(%dma_start3A_1067 : memref<256x1024xf32, #tpu.memory_space<any>>) target_semaphore(%dma_start3A_1065 : memref<!tpu.dma_semaphore, #tpu.memory_space<semaphore_mem>>)
            "tpu.trace_stop"() : () -> ()
          } else {
          }
          %and3A_877 = arith.constant true
          %and3A_878 = arith.andi %or3A_873, %and3A_877 : i1
          %add3A_879 = arith.constant 1 : i32
          %add3A_880 = arith.addi %while3A_405, %add3A_879 : i32
          %select_n3A_881 = arith.select %and3A_878, %add3A_880, %while3A_405 : i32
          %ne3A_882 = arith.cmpi ne, %add3A_419, %add3A_439 : i32
          %or3A_883 = arith.constant false
          %or3A_884 = arith.ori %or3A_883, %ne3A_882 : i1
          %or3A_885 = arith.constant false
          %or3A_886 = arith.ori %or3A_884, %or3A_885 : i1
          %not3A_887 = arith.constant true
          %not3A_888 = arith.xori %eq3A_412, %not3A_887 : i1
          %and3A_889 = arith.andi %or3A_886, %not3A_888 : i1
          %convert_element_type3A_890 = arith.extui %and3A_889 : i1 to i32
          %cond3A_891 = arith.constant 0 : i32
          %cond3A_892 = arith.cmpi ne, %convert_element_type3A_890, %cond3A_891 : i32
          scf.if %cond3A_892 {
          } else {
          }
          %and3A_893 = arith.constant false
          %and3A_894 = arith.andi %and3A_889, %and3A_893 : i1
          %get3A_895 = arith.constant 0 : index
          %get3A_896 = arith.index_cast %add3A_419 : i32 to index
          %get3A_897 = memref.load %arg0[%get3A_895, %get3A_896] : memref<2x24xi32, #tpu.memory_space<smem>>
          %get3A_898 = arith.constant 0 : index
          %get3A_899 = arith.index_cast %add3A_439 : i32 to index
          %get3A_900 = memref.load %arg0[%get3A_898, %get3A_899] : memref<2x24xi32, #tpu.memory_space<smem>>
          %ne3A_901 = arith.cmpi ne, %get3A_897, %get3A_900 : i32
          %ne3A_902 = arith.cmpi ne, %add3A_417, %add3A_437 : i32
          %or3A_903 = arith.constant false
          %or3A_904 = arith.ori %or3A_903, %ne3A_901 : i1
          %or3A_905 = arith.ori %or3A_904, %ne3A_902 : i1
          %or3A_906 = arith.constant false
          %or3A_907 = arith.ori %or3A_905, %or3A_906 : i1
          %not3A_908 = arith.constant true
          %not3A_909 = arith.xori %eq3A_412, %not3A_908 : i1
          %and3A_910 = arith.andi %or3A_907, %not3A_909 : i1
          %convert_element_type3A_911 = arith.extui %and3A_910 : i1 to i32
          %cond3A_912 = arith.constant 0 : i32
          %cond3A_913 = arith.cmpi ne, %convert_element_type3A_911, %cond3A_912 : i32
          scf.if %cond3A_913 {
          } else {
          }
          %and3A_914 = arith.constant false
          %and3A_915 = arith.andi %and3A_910, %and3A_914 : i1
          %get3A_916 = arith.constant 0 : index
          %get3A_917 = arith.index_cast %add3A_419 : i32 to index
          %get3A_918 = memref.load %arg0[%get3A_916, %get3A_917] : memref<2x24xi32, #tpu.memory_space<smem>>
          %get3A_919 = arith.constant 0 : index
          %get3A_920 = arith.index_cast %add3A_439 : i32 to index
          %get3A_921 = memref.load %arg0[%get3A_919, %get3A_920] : memref<2x24xi32, #tpu.memory_space<smem>>
          %ne3A_922 = arith.cmpi ne, %get3A_918, %get3A_921 : i32
          %ne3A_923 = arith.cmpi ne, %add3A_417, %add3A_437 : i32
          %or3A_924 = arith.constant false
          %or3A_925 = arith.ori %or3A_924, %ne3A_922 : i1
          %or3A_926 = arith.ori %or3A_925, %ne3A_923 : i1
          %or3A_927 = arith.constant false
          %or3A_928 = arith.ori %or3A_926, %or3A_927 : i1
          %not3A_929 = arith.constant true
          %not3A_930 = arith.xori %eq3A_412, %not3A_929 : i1
          %and3A_931 = arith.andi %or3A_928, %not3A_930 : i1
          %convert_element_type3A_932 = arith.extui %and3A_931 : i1 to i32
          %cond3A_933 = arith.constant 0 : i32
          %cond3A_934 = arith.cmpi ne, %convert_element_type3A_932, %cond3A_933 : i32
          scf.if %cond3A_934 {
          } else {
          }
          %and3A_935 = arith.constant false
          %and3A_936 = arith.andi %and3A_931, %and3A_935 : i1
          %get3A_937 = arith.constant 0 : index
          %get3A_938 = arith.index_cast %add3A_419 : i32 to index
          %get3A_939 = memref.load %arg0[%get3A_937, %get3A_938] : memref<2x24xi32, #tpu.memory_space<smem>>
          %get3A_940 = arith.constant 0 : index
          %get3A_941 = arith.index_cast %add3A_439 : i32 to index
          %get3A_942 = memref.load %arg0[%get3A_940, %get3A_941] : memref<2x24xi32, #tpu.memory_space<smem>>
          %ne3A_943 = arith.cmpi ne, %get3A_939, %get3A_942 : i32
          %ne3A_944 = arith.cmpi ne, %add3A_417, %add3A_437 : i32
          %or3A_945 = arith.constant false
          %or3A_946 = arith.ori %or3A_945, %ne3A_943 : i1
          %or3A_947 = arith.constant false
          %or3A_948 = arith.ori %or3A_946, %or3A_947 : i1
          %or3A_949 = arith.ori %or3A_948, %ne3A_944 : i1
          %not3A_950 = arith.constant true
          %not3A_951 = arith.xori %eq3A_412, %not3A_950 : i1
          %and3A_952 = arith.andi %or3A_949, %not3A_951 : i1
          %convert_element_type3A_953 = arith.extui %and3A_952 : i1 to i32
          %cond3A_954 = arith.constant 0 : i32
          %cond3A_955 = arith.cmpi ne, %convert_element_type3A_953, %cond3A_954 : i32
          scf.if %cond3A_955 {
          } else {
          }
          %and3A_956 = arith.constant false
          %and3A_957 = arith.andi %and3A_952, %and3A_956 : i1
          %eq3A_958 = arith.constant 3 : i32
          %eq3A_959 = arith.cmpi eq, %add3A_417, %eq3A_958 : i32
          %jit3A_960 = arith.constant 0 : i32
          %select_n3A_961 = arith.select %eq3A_959, %add3A_419, %jit3A_960 : i32
          %eq3A_962 = arith.constant 3 : i32
          %eq3A_963 = arith.cmpi eq, %add3A_437, %eq3A_962 : i32
          %jit3A_964 = arith.constant 0 : i32
          %select_n3A_965 = arith.select %eq3A_963, %add3A_439, %jit3A_964 : i32
          %ne3A_966 = arith.cmpi ne, %select_n3A_961, %select_n3A_965 : i32
          %or3A_967 = arith.constant false
          %or3A_968 = arith.ori %or3A_967, %ne3A_966 : i1
          %or3A_969 = arith.constant false
          %or3A_970 = arith.ori %or3A_968, %or3A_969 : i1
          %not3A_971 = arith.constant true
          %not3A_972 = arith.xori %eq3A_412, %not3A_971 : i1
          %and3A_973 = arith.andi %or3A_970, %not3A_972 : i1
          %convert_element_type3A_974 = arith.extui %and3A_973 : i1 to i32
          %cond3A_975 = arith.constant 0 : i32
          %cond3A_976 = arith.cmpi ne, %convert_element_type3A_974, %cond3A_975 : i32
          scf.if %cond3A_976 {
            "tpu.trace_start"() <{level = 10 : i32, message = "ep_wait_out"}> : () -> ()
            %rem3A_1056 = arith.constant 2 : i32
            %rem3A_1057 = arith.remui %while3A_406, %rem3A_1056 : i32
            %eq3A_1058 = arith.constant 3 : i32
            %eq3A_1059 = arith.cmpi eq, %add3A_437, %eq3A_1058 : i32
            %jit3A_1060 = arith.constant 0 : i32
            %select_n3A_1061 = arith.select %eq3A_1059, %add3A_439, %jit3A_1060 : i32
            %mul3A_1062 = arith.constant 256 : i32
            %mul3A_1063 = arith.muli %mul3A_1062, %select_n3A_1061 : i32
            %dma_wait3A = tpu.memref_slice %run_scoped3A_11[%rem3A_1057] : memref<2x!tpu.dma_semaphore, #tpu.memory_space<semaphore_mem>> -> memref<1x!tpu.dma_semaphore, #tpu.memory_space<semaphore_mem>>
            %dma_wait3A_1064 = tpu.memref_squeeze %dma_wait3A : memref<1x!tpu.dma_semaphore, #tpu.memory_space<semaphore_mem>> -> memref<!tpu.dma_semaphore, #tpu.memory_space<semaphore_mem>>
            %dma_wait3A_1065 = arith.constant 0 : i32
            %dma_wait3A_1066 = tpu.memref_slice %arg5[%mul3A_1063, %dma_wait3A_1065] : memref<6144x1024xf32, #tpu.memory_space<any>> -> memref<256x1024xf32, #tpu.memory_space<any>>
            %dma_wait3A_1067 = arith.constant 0 : i32
            %dma_wait3A_1068 = arith.constant 0 : i32
            %dma_wait3A_1069 = tpu.memref_slice %run_scoped3A_10[%rem3A_1057, %dma_wait3A_1067, %dma_wait3A_1068] : memref<2x256x1024xf32, #tpu.memory_space<vmem>> -> memref<1x256x1024xf32, #tpu.memory_space<vmem>>
            %dma_wait3A_1070 = tpu.memref_squeeze %dma_wait3A_1069 : memref<1x256x1024xf32, #tpu.memory_space<vmem>> -> memref<256x1024xf32, #tpu.memory_space<vmem>>
            tpu.wait_dma2 semaphore(%dma_wait3A_1064 : memref<!tpu.dma_semaphore, #tpu.memory_space<semaphore_mem>>) src(%dma_wait3A_1070 : memref<256x1024xf32, #tpu.memory_space<vmem>>) dst(%dma_wait3A_1066 : memref<256x1024xf32, #tpu.memory_space<any>>)
            "tpu.trace_stop"() : () -> ()
          } else {
          }
          %and3A_977 = arith.constant true
          %and3A_978 = arith.andi %and3A_973, %and3A_977 : i1
          %add3A_979 = arith.constant 1 : i32
          %add3A_980 = arith.addi %while3A_406, %add3A_979 : i32
          %select_n3A_981 = arith.select %and3A_978, %add3A_980, %while3A_406 : i32
          %ne3A_982 = arith.cmpi ne, %add3A_419, %add3A_457 : i32
          %or3A_983 = arith.constant false
          %or3A_984 = arith.ori %or3A_983, %ne3A_982 : i1
          %or3A_985 = arith.constant false
          %or3A_986 = arith.ori %or3A_984, %or3A_985 : i1
          %or3A_987 = arith.ori %or3A_986, %eq3A_415 : i1
          %add3A_988 = arith.constant 1 : i32
          %add3A_989 = arith.addi %while3A_392, %add3A_988 : i32
          %select_n3A_990 = arith.select %or3A_987, %add3A_989, %while3A_392 : i32
          %get3A_991 = arith.constant 0 : index
          %get3A_992 = arith.index_cast %add3A_419 : i32 to index
          %get3A_993 = memref.load %arg0[%get3A_991, %get3A_992] : memref<2x24xi32, #tpu.memory_space<smem>>
          %get3A_994 = arith.constant 0 : index
          %get3A_995 = arith.index_cast %add3A_457 : i32 to index
          %get3A_996 = memref.load %arg0[%get3A_994, %get3A_995] : memref<2x24xi32, #tpu.memory_space<smem>>
          %ne3A_997 = arith.cmpi ne, %get3A_993, %get3A_996 : i32
          %ne3A_998 = arith.cmpi ne, %add3A_417, %add3A_455 : i32
          %or3A_999 = arith.constant false
          %or3A_1000 = arith.ori %or3A_999, %ne3A_997 : i1
          %or3A_1001 = arith.ori %or3A_1000, %ne3A_998 : i1
          %or3A_1002 = arith.constant false
          %or3A_1003 = arith.ori %or3A_1001, %or3A_1002 : i1
          %or3A_1004 = arith.ori %or3A_1003, %eq3A_415 : i1
          %add3A_1005 = arith.constant 1 : i32
          %add3A_1006 = arith.addi %while3A_394, %add3A_1005 : i32
          %select_n3A_1007 = arith.select %or3A_1004, %add3A_1006, %while3A_394 : i32
          %get3A_1008 = arith.constant 0 : index
          %get3A_1009 = arith.index_cast %add3A_419 : i32 to index
          %get3A_1010 = memref.load %arg0[%get3A_1008, %get3A_1009] : memref<2x24xi32, #tpu.memory_space<smem>>
          %get3A_1011 = arith.constant 0 : index
          %get3A_1012 = arith.index_cast %add3A_457 : i32 to index
          %get3A_1013 = memref.load %arg0[%get3A_1011, %get3A_1012] : memref<2x24xi32, #tpu.memory_space<smem>>
          %ne3A_1014 = arith.cmpi ne, %get3A_1010, %get3A_1013 : i32
          %ne3A_1015 = arith.cmpi ne, %add3A_417, %add3A_455 : i32
          %or3A_1016 = arith.constant false
          %or3A_1017 = arith.ori %or3A_1016, %ne3A_1014 : i1
          %or3A_1018 = arith.ori %or3A_1017, %ne3A_1015 : i1
          %or3A_1019 = arith.constant false
          %or3A_1020 = arith.ori %or3A_1018, %or3A_1019 : i1
          %or3A_1021 = arith.ori %or3A_1020, %eq3A_415 : i1
          %add3A_1022 = arith.constant 1 : i32
          %add3A_1023 = arith.addi %while3A_398, %add3A_1022 : i32
          %select_n3A_1024 = arith.select %or3A_1021, %add3A_1023, %while3A_398 : i32
          %get3A_1025 = arith.constant 0 : index
          %get3A_1026 = arith.index_cast %add3A_419 : i32 to index
          %get3A_1027 = memref.load %arg0[%get3A_1025, %get3A_1026] : memref<2x24xi32, #tpu.memory_space<smem>>
          %get3A_1028 = arith.constant 0 : index
          %get3A_1029 = arith.index_cast %add3A_457 : i32 to index
          %get3A_1030 = memref.load %arg0[%get3A_1028, %get3A_1029] : memref<2x24xi32, #tpu.memory_space<smem>>
          %ne3A_1031 = arith.cmpi ne, %get3A_1027, %get3A_1030 : i32
          %ne3A_1032 = arith.cmpi ne, %add3A_417, %add3A_455 : i32
          %or3A_1033 = arith.constant false
          %or3A_1034 = arith.ori %or3A_1033, %ne3A_1031 : i1
          %or3A_1035 = arith.constant false
          %or3A_1036 = arith.ori %or3A_1034, %or3A_1035 : i1
          %or3A_1037 = arith.ori %or3A_1036, %ne3A_1032 : i1
          %or3A_1038 = arith.ori %or3A_1037, %eq3A_415 : i1
          %add3A_1039 = arith.constant 1 : i32
          %add3A_1040 = arith.addi %while3A_402, %add3A_1039 : i32
          %select_n3A_1041 = arith.select %or3A_1038, %add3A_1040, %while3A_402 : i32
          %add3A_1042 = arith.constant 1 : i32
          %add3A_1043 = arith.addi %while3A_408, %add3A_1042 : i32
          %select_n3A_1044 = arith.constant true
          %select_n3A_1045 = arith.select %select_n3A_1044, %add3A_1043, %while3A_408 : i32
          %eq3A_1046 = arith.cmpi eq, %select_n3A_1045, %get3A_1 : i32
          %select_n3A_1047 = arith.constant 0 : i32
          %select_n3A_1048 = arith.select %eq3A_1046, %select_n3A_1047, %select_n3A_1045 : i32
          %add3A_1049 = arith.constant 1 : i32
          %add3A_1050 = arith.addi %while3A_407, %add3A_1049 : i32
          %select_n3A_1051 = arith.select %eq3A_1046, %add3A_1050, %while3A_407 : i32
          %eq3A_1052 = arith.constant 4 : i32
          %eq3A_1053 = arith.cmpi eq, %select_n3A_1051, %eq3A_1052 : i32
          %select_n3A_1054 = arith.constant 0 : i32
          %select_n3A_1055 = arith.select %eq3A_1053, %select_n3A_1054, %select_n3A_1051 : i32
          scf.yield %select_n3A_509, %select_n3A_990, %while3A_546#4, %select_n3A_1007, %while3A_546#0, %while3A_546#1, %while3A_583#4, %select_n3A_1024, %while3A_583#0, %while3A_583#1, %while3A_620#4, %select_n3A_1041, %while3A_620#0, %while3A_620#1, %select_n3A_881, %select_n3A_981, %select_n3A_1055, %select_n3A_1048 : i32, i32, i32, i32, i32, i32, i32, i32, i32, i32, i32, i32, i32, i32, i32, i32, i32, i32
        }
        %while3A_270 = arith.constant 1 : i32
        %while3A_271:18 = scf.for %while3A_390 = %while3A_267 to %while3A_263 step %while3A_270 iter_args(%while3A_391 = %while3A_269#0, %while3A_392 = %while3A_269#1, %while3A_393 = %while3A_269#2, %while3A_394 = %while3A_269#3, %while3A_395 = %while3A_269#4, %while3A_396 = %while3A_269#5, %while3A_397 = %while3A_269#6, %while3A_398 = %while3A_269#7, %while3A_399 = %while3A_269#8, %while3A_400 = %while3A_269#9, %while3A_401 = %while3A_269#10, %while3A_402 = %while3A_269#11, %while3A_403 = %while3A_269#12, %while3A_404 = %while3A_269#13, %while3A_405 = %while3A_269#14, %while3A_406 = %while3A_269#15, %while3A_407 = %while3A_269#16, %while3A_408 = %while3A_269#17) -> (i32, i32, i32, i32, i32, i32, i32, i32, i32, i32, i32, i32, i32, i32, i32, i32, i32, i32)  : i32 {
          %mul3A_409 = arith.constant 4 : i32
          %mul3A_410 = arith.muli %mul3A_409, %get3A_1 : i32
          %eq3A_411 = arith.constant 0 : i32
          %eq3A_412 = arith.cmpi eq, %while3A_390, %eq3A_411 : i32
          %sub3A_413 = arith.constant 1 : i32
          %sub3A_414 = arith.subi %mul3A_410, %sub3A_413 : i32
          %eq3A_415 = arith.cmpi eq, %while3A_390, %sub3A_414 : i32
          %add3A_416 = arith.constant 0 : i32
          %add3A_417 = arith.addi %while3A_407, %add3A_416 : i32
          %add3A_418 = arith.constant 0 : i32
          %add3A_419 = arith.addi %while3A_408, %add3A_418 : i32
          %sub3A_420 = arith.constant 1 : i32
          %sub3A_421 = arith.subi %while3A_408, %sub3A_420 : i32
          %select_n3A_422 = arith.constant true
          %select_n3A_423 = arith.select %select_n3A_422, %sub3A_421, %while3A_408 : i32
          %eq3A_424 = arith.constant -1 : i32
          %eq3A_425 = arith.cmpi eq, %select_n3A_423, %eq3A_424 : i32
          %sub3A_426 = arith.constant 1 : i32
          %sub3A_427 = arith.subi %get3A_1, %sub3A_426 : i32
          %select_n3A_428 = arith.select %eq3A_425, %sub3A_427, %select_n3A_423 : i32
          %sub3A_429 = arith.constant 1 : i32
          %sub3A_430 = arith.subi %while3A_407, %sub3A_429 : i32
          %select_n3A_431 = arith.select %eq3A_425, %sub3A_430, %while3A_407 : i32
          %eq3A_432 = arith.constant -1 : i32
          %eq3A_433 = arith.cmpi eq, %select_n3A_431, %eq3A_432 : i32
          %select_n3A_434 = arith.constant 3 : i32
          %select_n3A_435 = arith.select %eq3A_433, %select_n3A_434, %select_n3A_431 : i32
          %add3A_436 = arith.constant 0 : i32
          %add3A_437 = arith.addi %select_n3A_435, %add3A_436 : i32
          %add3A_438 = arith.constant 0 : i32
          %add3A_439 = arith.addi %select_n3A_428, %add3A_438 : i32
          %add3A_440 = arith.constant 1 : i32
          %add3A_441 = arith.addi %while3A_408, %add3A_440 : i32
          %select_n3A_442 = arith.constant true
          %select_n3A_443 = arith.select %select_n3A_442, %add3A_441, %while3A_408 : i32
          %eq3A_444 = arith.cmpi eq, %select_n3A_443, %get3A_1 : i32
          %select_n3A_445 = arith.constant 0 : i32
          %select_n3A_446 = arith.select %eq3A_444, %select_n3A_445, %select_n3A_443 : i32
          %add3A_447 = arith.constant 1 : i32
          %add3A_448 = arith.addi %while3A_407, %add3A_447 : i32
          %select_n3A_449 = arith.select %eq3A_444, %add3A_448, %while3A_407 : i32
          %eq3A_450 = arith.constant 4 : i32
          %eq3A_451 = arith.cmpi eq, %select_n3A_449, %eq3A_450 : i32
          %select_n3A_452 = arith.constant 0 : i32
          %select_n3A_453 = arith.select %eq3A_451, %select_n3A_452, %select_n3A_449 : i32
          %add3A_454 = arith.constant 0 : i32
          %add3A_455 = arith.addi %select_n3A_453, %add3A_454 : i32
          %add3A_456 = arith.constant 0 : i32
          %add3A_457 = arith.addi %select_n3A_446, %add3A_456 : i32
          %add3A_458 = arith.constant 1 : i32
          %add3A_459 = arith.addi %select_n3A_446, %add3A_458 : i32
          %select_n3A_460 = arith.constant true
          %select_n3A_461 = arith.select %select_n3A_460, %add3A_459, %select_n3A_446 : i32
          %eq3A_462 = arith.cmpi eq, %select_n3A_461, %get3A_1 : i32
          %select_n3A_463 = arith.constant 0 : i32
          %select_n3A_464 = arith.select %eq3A_462, %select_n3A_463, %select_n3A_461 : i32
          %add3A_465 = arith.constant 1 : i32
          %add3A_466 = arith.addi %select_n3A_453, %add3A_465 : i32
          %select_n3A_467 = arith.select %eq3A_462, %add3A_466, %select_n3A_453 : i32
          %eq3A_468 = arith.constant 4 : i32
          %eq3A_469 = arith.cmpi eq, %select_n3A_467, %eq3A_468 : i32
          %select_n3A_470 = arith.constant 0 : i32
          %select_n3A_471 = arith.select %eq3A_469, %select_n3A_470, %select_n3A_467 : i32
          %add3A_472 = arith.constant 0 : i32
          %add3A_473 = arith.addi %select_n3A_471, %add3A_472 : i32
          %add3A_474 = arith.constant 0 : i32
          %add3A_475 = arith.addi %select_n3A_464, %add3A_474 : i32
          %add3A_476 = arith.constant 1 : i32
          %add3A_477 = arith.addi %select_n3A_464, %add3A_476 : i32
          %select_n3A_478 = arith.constant true
          %select_n3A_479 = arith.select %select_n3A_478, %add3A_477, %select_n3A_464 : i32
          %eq3A_480 = arith.cmpi eq, %select_n3A_479, %get3A_1 : i32
          %select_n3A_481 = arith.constant 0 : i32
          %select_n3A_482 = arith.select %eq3A_480, %select_n3A_481, %select_n3A_479 : i32
          %add3A_483 = arith.constant 1 : i32
          %add3A_484 = arith.addi %select_n3A_471, %add3A_483 : i32
          %select_n3A_485 = arith.select %eq3A_480, %add3A_484, %select_n3A_471 : i32
          %eq3A_486 = arith.constant 4 : i32
          %eq3A_487 = arith.cmpi eq, %select_n3A_485, %eq3A_486 : i32
          %select_n3A_488 = arith.constant 0 : i32
          %select_n3A_489 = arith.select %eq3A_487, %select_n3A_488, %select_n3A_485 : i32
          %add3A_490 = arith.constant 0 : i32
          %add3A_491 = arith.addi %select_n3A_489, %add3A_490 : i32
          %add3A_492 = arith.constant 0 : i32
          %add3A_493 = arith.addi %select_n3A_482, %add3A_492 : i32
          %ne3A = arith.cmpi ne, %add3A_419, %add3A_457 : i32
          %or3A = arith.constant false
          %or3A_494 = arith.ori %or3A, %ne3A : i1
          %or3A_495 = arith.constant false
          %or3A_496 = arith.ori %or3A_494, %or3A_495 : i1
          %sub3A_497 = arith.constant 2 : i32
          %sub3A_498 = arith.subi %mul3A_410, %sub3A_497 : i32
          %add3A_499 = arith.constant 1 : i32
          %add3A_500 = arith.addi %sub3A_498, %add3A_499 : i32
          %ge3A = arith.cmpi sge, %while3A_390, %add3A_500 : i32
          %not3A = arith.constant true
          %not3A_501 = arith.xori %ge3A, %not3A : i1
          %and3A = arith.andi %or3A_496, %not3A_501 : i1
          %convert_element_type3A_502 = arith.extui %and3A : i1 to i32
          %cond3A_503 = arith.constant 0 : i32
          %cond3A_504 = arith.cmpi ne, %convert_element_type3A_502, %cond3A_503 : i32
          scf.if %cond3A_504 {
            "tpu.trace_start"() <{level = 10 : i32, message = "ep_copy_in"}> : () -> ()
            %rem3A_1056 = arith.constant 2 : i32
            %rem3A_1057 = arith.remui %while3A_391, %rem3A_1056 : i32
            %mul3A_1058 = arith.constant 256 : i32
            %mul3A_1059 = arith.muli %mul3A_1058, %add3A_457 : i32
            %dma_start3A_1060 = tpu.memref_slice %run_scoped3A_3[%rem3A_1057] : memref<2x!tpu.dma_semaphore, #tpu.memory_space<semaphore_mem>> -> memref<1x!tpu.dma_semaphore, #tpu.memory_space<semaphore_mem>>
            %dma_start3A_1061 = tpu.memref_squeeze %dma_start3A_1060 : memref<1x!tpu.dma_semaphore, #tpu.memory_space<semaphore_mem>> -> memref<!tpu.dma_semaphore, #tpu.memory_space<semaphore_mem>>
            %dma_start3A_1062 = arith.constant 0 : i32
            %dma_start3A_1063 = arith.constant 0 : i32
            %dma_start3A_1064 = tpu.memref_slice %run_scoped3A[%rem3A_1057, %dma_start3A_1062, %dma_start3A_1063] : memref<2x256x1024xf32, #tpu.memory_space<vmem>> -> memref<1x256x1024xf32, #tpu.memory_space<vmem>>
            %dma_start3A_1065 = tpu.memref_squeeze %dma_start3A_1064 : memref<1x256x1024xf32, #tpu.memory_space<vmem>> -> memref<256x1024xf32, #tpu.memory_space<vmem>>
            %dma_start3A_1066 = arith.constant 0 : i32
            %dma_start3A_1067 = tpu.memref_slice %arg1[%mul3A_1059, %dma_start3A_1066] : memref<6144x1024xf32, #tpu.memory_space<any>> -> memref<256x1024xf32, #tpu.memory_space<any>>
            tpu.enqueue_dma source(%dma_start3A_1067 : memref<256x1024xf32, #tpu.memory_space<any>>) target(%dma_start3A_1065 : memref<256x1024xf32, #tpu.memory_space<vmem>>) target_semaphore(%dma_start3A_1061 : memref<!tpu.dma_semaphore, #tpu.memory_space<semaphore_mem>>)
            "tpu.trace_stop"() : () -> ()
          } else {
          }
          %and3A_505 = arith.constant true
          %and3A_506 = arith.andi %and3A, %and3A_505 : i1
          %add3A_507 = arith.constant 1 : i32
          %add3A_508 = arith.addi %while3A_391, %add3A_507 : i32
          %select_n3A_509 = arith.select %and3A_506, %add3A_508, %while3A_391 : i32
          %get3A_510 = arith.constant 0 : index
          %get3A_511 = arith.index_cast %add3A_457 : i32 to index
          %get3A_512 = memref.load %arg0[%get3A_510, %get3A_511] : memref<2x24xi32, #tpu.memory_space<smem>>
          %get3A_513 = arith.constant 0 : index
          %get3A_514 = arith.index_cast %add3A_475 : i32 to index
          %get3A_515 = memref.load %arg0[%get3A_513, %get3A_514] : memref<2x24xi32, #tpu.memory_space<smem>>
          %ne3A_516 = arith.cmpi ne, %get3A_512, %get3A_515 : i32
          %ne3A_517 = arith.cmpi ne, %add3A_455, %add3A_473 : i32
          %or3A_518 = arith.constant false
          %or3A_519 = arith.ori %or3A_518, %ne3A_516 : i1
          %or3A_520 = arith.ori %or3A_519, %ne3A_517 : i1
          %or3A_521 = arith.constant false
          %or3A_522 = arith.ori %or3A_520, %or3A_521 : i1
          %sub3A_523 = arith.constant 3 : i32
          %sub3A_524 = arith.subi %mul3A_410, %sub3A_523 : i32
          %add3A_525 = arith.constant 1 : i32
          %add3A_526 = arith.addi %sub3A_524, %add3A_525 : i32
          %ge3A_527 = arith.cmpi sge, %while3A_390, %add3A_526 : i32
          %not3A_528 = arith.constant true
          %not3A_529 = arith.xori %ge3A_527, %not3A_528 : i1
          %and3A_530 = arith.andi %or3A_522, %not3A_529 : i1
          %add3A_531 = arith.constant 3 : i32
          %add3A_532 = arith.addi %while3A_394, %add3A_531 : i32
          %add3A_533 = arith.constant 1 : i32
          %add3A_534 = arith.addi %while3A_396, %add3A_533 : i32
          %select_n3A_535 = arith.constant true
          %select_n3A_536 = arith.select %select_n3A_535, %add3A_534, %while3A_396 : i32
          %eq3A_537 = arith.cmpi eq, %select_n3A_536, %get3A_1 : i32
          %select_n3A_538 = arith.constant 0 : i32
          %select_n3A_539 = arith.select %eq3A_537, %select_n3A_538, %select_n3A_536 : i32
          %add3A_540 = arith.constant 1 : i32
          %add3A_541 = arith.addi %while3A_395, %add3A_540 : i32
          %select_n3A_542 = arith.select %eq3A_537, %add3A_541, %while3A_395 : i32
          %select_n3A_543 = arith.constant false
          %select_n3A_544 = arith.constant 0 : i32
          %select_n3A_545 = arith.select %select_n3A_543, %select_n3A_544, %select_n3A_542 : i32
          %while3A_546:5 = scf.while (%while3A_1056 = %while3A_395, %while3A_1057 = %while3A_396, %while3A_1058 = %select_n3A_545, %while3A_1059 = %select_n3A_539, %while3A_1060 = %while3A_393) : (i32, i32, i32, i32, i32) -> (i32, i32, i32, i32, i32) {
            %lt3A_1061 = arith.cmpi ult, %while3A_1060, %add3A_532 : i32
            %lt3A_1062 = arith.constant 4 : i32
            %lt3A_1063 = arith.cmpi slt, %while3A_1058, %lt3A_1062 : i32
            %lt3A_1064 = arith.cmpi slt, %while3A_1059, %get3A_1 : i32
            %and3A_1065 = arith.constant true
            %and3A_1066 = arith.andi %and3A_1065, %lt3A_1063 : i1
            %and3A_1067 = arith.andi %and3A_1066, %lt3A_1064 : i1
            %and3A_1068 = arith.constant true
            %and3A_1069 = arith.andi %and3A_1068, %lt3A_1061 : i1
            %and3A_1070 = arith.andi %and3A_1069, %and3A_1067 : i1
            scf.condition(%and3A_1070) %while3A_1056, %while3A_1057, %while3A_1058, %while3A_1059, %while3A_1060 : i32, i32, i32, i32, i32
          } do {
          ^bb0(%while3A_1056: i32, %while3A_1057: i32, %while3A_1058: i32, %while3A_1059: i32, %while3A_1060: i32):
            %add3A_1061 = arith.constant 0 : i32
            %add3A_1062 = arith.addi %while3A_1056, %add3A_1061 : i32
            %add3A_1063 = arith.constant 0 : i32
            %add3A_1064 = arith.addi %while3A_1057, %add3A_1063 : i32
            %add3A_1065 = arith.constant 0 : i32
            %add3A_1066 = arith.addi %while3A_1058, %add3A_1065 : i32
            %add3A_1067 = arith.constant 0 : i32
            %add3A_1068 = arith.addi %while3A_1059, %add3A_1067 : i32
            %get3A_1069 = arith.constant 0 : index
            %get3A_1070 = arith.index_cast %add3A_1064 : i32 to index
            %get3A_1071 = memref.load %arg0[%get3A_1069, %get3A_1070] : memref<2x24xi32, #tpu.memory_space<smem>>
            %get3A_1072 = arith.constant 0 : index
            %get3A_1073 = arith.index_cast %add3A_1068 : i32 to index
            %get3A_1074 = memref.load %arg0[%get3A_1072, %get3A_1073] : memref<2x24xi32, #tpu.memory_space<smem>>
            %ne3A_1075 = arith.cmpi ne, %get3A_1071, %get3A_1074 : i32
            %ne3A_1076 = arith.cmpi ne, %add3A_1062, %add3A_1066 : i32
            %or3A_1077 = arith.constant false
            %or3A_1078 = arith.ori %or3A_1077, %ne3A_1075 : i1
            %or3A_1079 = arith.ori %or3A_1078, %ne3A_1076 : i1
            %or3A_1080 = arith.constant false
            %or3A_1081 = arith.ori %or3A_1079, %or3A_1080 : i1
            %convert_element_type3A_1082 = arith.extui %or3A_1081 : i1 to i32
            %cond3A_1083 = arith.constant 0 : i32
            %cond3A_1084 = arith.cmpi ne, %convert_element_type3A_1082, %cond3A_1083 : i32
            scf.if %cond3A_1084 {
              %rem3A_1100 = arith.constant 3 : i32
              %rem3A_1101 = arith.remui %while3A_1060, %rem3A_1100 : i32
              %get3A_1102 = arith.constant 0 : index
              %get3A_1103 = arith.index_cast %add3A_1068 : i32 to index
              %get3A_1104 = memref.load %arg0[%get3A_1102, %get3A_1103] : memref<2x24xi32, #tpu.memory_space<smem>>
              %mul3A_1105 = arith.constant 1 : i32
              %mul3A_1106 = arith.muli %mul3A_1105, %get3A_1104 : i32
              %mul3A_1107 = arith.constant 1024 : i32
              %mul3A_1108 = arith.muli %mul3A_1107, %add3A_1066 : i32
              %dma_start3A_1109 = tpu.memref_slice %run_scoped3A_5[%rem3A_1101] : memref<3x!tpu.dma_semaphore, #tpu.memory_space<semaphore_mem>> -> memref<1x!tpu.dma_semaphore, #tpu.memory_space<semaphore_mem>>
              %dma_start3A_1110 = tpu.memref_squeeze %dma_start3A_1109 : memref<1x!tpu.dma_semaphore, #tpu.memory_space<semaphore_mem>> -> memref<!tpu.dma_semaphore, #tpu.memory_space<semaphore_mem>>
              %dma_start3A_1111 = arith.constant 0 : i32
              %dma_start3A_1112 = arith.constant 0 : i32
              %dma_start3A_1113 = arith.constant 0 : i32
              %dma_start3A_1114 = tpu.memref_slice %run_scoped3A_4[%rem3A_1101, %dma_start3A_1111, %dma_start3A_1112, %dma_start3A_1113] : memref<3x1x1024x1024xf32, #tpu.memory_space<vmem>> -> memref<1x1x1024x1024xf32, #tpu.memory_space<vmem>>
              %dma_start3A_1115 = tpu.memref_squeeze %dma_start3A_1114 : memref<1x1x1024x1024xf32, #tpu.memory_space<vmem>> -> memref<1x1024x1024xf32, #tpu.memory_space<vmem>>
              %dma_start3A_1116 = arith.constant 0 : i32
              %dma_start3A_1117 = tpu.memref_slice %arg2[%mul3A_1106, %mul3A_1108, %dma_start3A_1116] : memref<8x4096x1024xf32, #tpu.memory_space<any>> -> memref<1x1024x1024xf32, #tpu.memory_space<any>>
              tpu.enqueue_dma source(%dma_start3A_1117 : memref<1x1024x1024xf32, #tpu.memory_space<any>>) target(%dma_start3A_1115 : memref<1x1024x1024xf32, #tpu.memory_space<vmem>>) target_semaphore(%dma_start3A_1110 : memref<!tpu.dma_semaphore, #tpu.memory_space<semaphore_mem>>)
            } else {
            }
            %convert_element_type3A_1085 = arith.extui %or3A_1081 : i1 to i32
            %add3A_1086 = arith.addi %while3A_1060, %convert_element_type3A_1085 : i32
            %add3A_1087 = arith.constant 1 : i32
            %add3A_1088 = arith.addi %while3A_1059, %add3A_1087 : i32
            %select_n3A_1089 = arith.constant true
            %select_n3A_1090 = arith.select %select_n3A_1089, %add3A_1088, %while3A_1059 : i32
            %eq3A_1091 = arith.cmpi eq, %select_n3A_1090, %get3A_1 : i32
            %select_n3A_1092 = arith.constant 0 : i32
            %select_n3A_1093 = arith.select %eq3A_1091, %select_n3A_1092, %select_n3A_1090 : i32
            %add3A_1094 = arith.constant 1 : i32
            %add3A_1095 = arith.addi %while3A_1058, %add3A_1094 : i32
            %select_n3A_1096 = arith.select %eq3A_1091, %add3A_1095, %while3A_1058 : i32
            %select_n3A_1097 = arith.constant false
            %select_n3A_1098 = arith.constant 0 : i32
            %select_n3A_1099 = arith.select %select_n3A_1097, %select_n3A_1098, %select_n3A_1096 : i32
            scf.yield %while3A_1058, %while3A_1059, %select_n3A_1099, %select_n3A_1093, %add3A_1086 : i32, i32, i32, i32, i32
          }
          %get3A_547 = arith.constant 0 : index
          %get3A_548 = arith.index_cast %add3A_457 : i32 to index
          %get3A_549 = memref.load %arg0[%get3A_547, %get3A_548] : memref<2x24xi32, #tpu.memory_space<smem>>
          %get3A_550 = arith.constant 0 : index
          %get3A_551 = arith.index_cast %add3A_475 : i32 to index
          %get3A_552 = memref.load %arg0[%get3A_550, %get3A_551] : memref<2x24xi32, #tpu.memory_space<smem>>
          %ne3A_553 = arith.cmpi ne, %get3A_549, %get3A_552 : i32
          %ne3A_554 = arith.cmpi ne, %add3A_455, %add3A_473 : i32
          %or3A_555 = arith.constant false
          %or3A_556 = arith.ori %or3A_555, %ne3A_553 : i1
          %or3A_557 = arith.ori %or3A_556, %ne3A_554 : i1
          %or3A_558 = arith.constant false
          %or3A_559 = arith.ori %or3A_557, %or3A_558 : i1
          %sub3A_560 = arith.constant 3 : i32
          %sub3A_561 = arith.subi %mul3A_410, %sub3A_560 : i32
          %add3A_562 = arith.constant 1 : i32
          %add3A_563 = arith.addi %sub3A_561, %add3A_562 : i32
          %ge3A_564 = arith.cmpi sge, %while3A_390, %add3A_563 : i32
          %not3A_565 = arith.constant true
          %not3A_566 = arith.xori %ge3A_564, %not3A_565 : i1
          %and3A_567 = arith.andi %or3A_559, %not3A_566 : i1
          %add3A_568 = arith.constant 3 : i32
          %add3A_569 = arith.addi %while3A_398, %add3A_568 : i32
          %add3A_570 = arith.constant 1 : i32
          %add3A_571 = arith.addi %while3A_400, %add3A_570 : i32
          %select_n3A_572 = arith.constant true
          %select_n3A_573 = arith.select %select_n3A_572, %add3A_571, %while3A_400 : i32
          %eq3A_574 = arith.cmpi eq, %select_n3A_573, %get3A_1 : i32
          %select_n3A_575 = arith.constant 0 : i32
          %select_n3A_576 = arith.select %eq3A_574, %select_n3A_575, %select_n3A_573 : i32
          %add3A_577 = arith.constant 1 : i32
          %add3A_578 = arith.addi %while3A_399, %add3A_577 : i32
          %select_n3A_579 = arith.select %eq3A_574, %add3A_578, %while3A_399 : i32
          %select_n3A_580 = arith.constant false
          %select_n3A_581 = arith.constant 0 : i32
          %select_n3A_582 = arith.select %select_n3A_580, %select_n3A_581, %select_n3A_579 : i32
          %while3A_583:5 = scf.while (%while3A_1056 = %while3A_399, %while3A_1057 = %while3A_400, %while3A_1058 = %select_n3A_582, %while3A_1059 = %select_n3A_576, %while3A_1060 = %while3A_397) : (i32, i32, i32, i32, i32) -> (i32, i32, i32, i32, i32) {
            %lt3A_1061 = arith.cmpi ult, %while3A_1060, %add3A_569 : i32
            %lt3A_1062 = arith.constant 4 : i32
            %lt3A_1063 = arith.cmpi slt, %while3A_1058, %lt3A_1062 : i32
            %lt3A_1064 = arith.cmpi slt, %while3A_1059, %get3A_1 : i32
            %and3A_1065 = arith.constant true
            %and3A_1066 = arith.andi %and3A_1065, %lt3A_1063 : i1
            %and3A_1067 = arith.andi %and3A_1066, %lt3A_1064 : i1
            %and3A_1068 = arith.constant true
            %and3A_1069 = arith.andi %and3A_1068, %lt3A_1061 : i1
            %and3A_1070 = arith.andi %and3A_1069, %and3A_1067 : i1
            scf.condition(%and3A_1070) %while3A_1056, %while3A_1057, %while3A_1058, %while3A_1059, %while3A_1060 : i32, i32, i32, i32, i32
          } do {
          ^bb0(%while3A_1056: i32, %while3A_1057: i32, %while3A_1058: i32, %while3A_1059: i32, %while3A_1060: i32):
            %add3A_1061 = arith.constant 0 : i32
            %add3A_1062 = arith.addi %while3A_1056, %add3A_1061 : i32
            %add3A_1063 = arith.constant 0 : i32
            %add3A_1064 = arith.addi %while3A_1057, %add3A_1063 : i32
            %add3A_1065 = arith.constant 0 : i32
            %add3A_1066 = arith.addi %while3A_1058, %add3A_1065 : i32
            %add3A_1067 = arith.constant 0 : i32
            %add3A_1068 = arith.addi %while3A_1059, %add3A_1067 : i32
            %get3A_1069 = arith.constant 0 : index
            %get3A_1070 = arith.index_cast %add3A_1064 : i32 to index
            %get3A_1071 = memref.load %arg0[%get3A_1069, %get3A_1070] : memref<2x24xi32, #tpu.memory_space<smem>>
            %get3A_1072 = arith.constant 0 : index
            %get3A_1073 = arith.index_cast %add3A_1068 : i32 to index
            %get3A_1074 = memref.load %arg0[%get3A_1072, %get3A_1073] : memref<2x24xi32, #tpu.memory_space<smem>>
            %ne3A_1075 = arith.cmpi ne, %get3A_1071, %get3A_1074 : i32
            %ne3A_1076 = arith.cmpi ne, %add3A_1062, %add3A_1066 : i32
            %or3A_1077 = arith.constant false
            %or3A_1078 = arith.ori %or3A_1077, %ne3A_1075 : i1
            %or3A_1079 = arith.ori %or3A_1078, %ne3A_1076 : i1
            %or3A_1080 = arith.constant false
            %or3A_1081 = arith.ori %or3A_1079, %or3A_1080 : i1
            %convert_element_type3A_1082 = arith.extui %or3A_1081 : i1 to i32
            %cond3A_1083 = arith.constant 0 : i32
            %cond3A_1084 = arith.cmpi ne, %convert_element_type3A_1082, %cond3A_1083 : i32
            scf.if %cond3A_1084 {
              %rem3A_1100 = arith.constant 3 : i32
              %rem3A_1101 = arith.remui %while3A_1060, %rem3A_1100 : i32
              %get3A_1102 = arith.constant 0 : index
              %get3A_1103 = arith.index_cast %add3A_1068 : i32 to index
              %get3A_1104 = memref.load %arg0[%get3A_1102, %get3A_1103] : memref<2x24xi32, #tpu.memory_space<smem>>
              %mul3A_1105 = arith.constant 1 : i32
              %mul3A_1106 = arith.muli %mul3A_1105, %get3A_1104 : i32
              %mul3A_1107 = arith.constant 1024 : i32
              %mul3A_1108 = arith.muli %mul3A_1107, %add3A_1066 : i32
              %dma_start3A_1109 = tpu.memref_slice %run_scoped3A_7[%rem3A_1101] : memref<3x!tpu.dma_semaphore, #tpu.memory_space<semaphore_mem>> -> memref<1x!tpu.dma_semaphore, #tpu.memory_space<semaphore_mem>>
              %dma_start3A_1110 = tpu.memref_squeeze %dma_start3A_1109 : memref<1x!tpu.dma_semaphore, #tpu.memory_space<semaphore_mem>> -> memref<!tpu.dma_semaphore, #tpu.memory_space<semaphore_mem>>
              %dma_start3A_1111 = arith.constant 0 : i32
              %dma_start3A_1112 = arith.constant 0 : i32
              %dma_start3A_1113 = arith.constant 0 : i32
              %dma_start3A_1114 = tpu.memref_slice %run_scoped3A_6[%rem3A_1101, %dma_start3A_1111, %dma_start3A_1112, %dma_start3A_1113] : memref<3x1x1024x1024xf32, #tpu.memory_space<vmem>> -> memref<1x1x1024x1024xf32, #tpu.memory_space<vmem>>
              %dma_start3A_1115 = tpu.memref_squeeze %dma_start3A_1114 : memref<1x1x1024x1024xf32, #tpu.memory_space<vmem>> -> memref<1x1024x1024xf32, #tpu.memory_space<vmem>>
              %dma_start3A_1116 = arith.constant 0 : i32
              %dma_start3A_1117 = tpu.memref_slice %arg3[%mul3A_1106, %mul3A_1108, %dma_start3A_1116] : memref<8x4096x1024xf32, #tpu.memory_space<any>> -> memref<1x1024x1024xf32, #tpu.memory_space<any>>
              tpu.enqueue_dma source(%dma_start3A_1117 : memref<1x1024x1024xf32, #tpu.memory_space<any>>) target(%dma_start3A_1115 : memref<1x1024x1024xf32, #tpu.memory_space<vmem>>) target_semaphore(%dma_start3A_1110 : memref<!tpu.dma_semaphore, #tpu.memory_space<semaphore_mem>>)
            } else {
            }
            %convert_element_type3A_1085 = arith.extui %or3A_1081 : i1 to i32
            %add3A_1086 = arith.addi %while3A_1060, %convert_element_type3A_1085 : i32
            %add3A_1087 = arith.constant 1 : i32
            %add3A_1088 = arith.addi %while3A_1059, %add3A_1087 : i32
            %select_n3A_1089 = arith.constant true
            %select_n3A_1090 = arith.select %select_n3A_1089, %add3A_1088, %while3A_1059 : i32
            %eq3A_1091 = arith.cmpi eq, %select_n3A_1090, %get3A_1 : i32
            %select_n3A_1092 = arith.constant 0 : i32
            %select_n3A_1093 = arith.select %eq3A_1091, %select_n3A_1092, %select_n3A_1090 : i32
            %add3A_1094 = arith.constant 1 : i32
            %add3A_1095 = arith.addi %while3A_1058, %add3A_1094 : i32
            %select_n3A_1096 = arith.select %eq3A_1091, %add3A_1095, %while3A_1058 : i32
            %select_n3A_1097 = arith.constant false
            %select_n3A_1098 = arith.constant 0 : i32
            %select_n3A_1099 = arith.select %select_n3A_1097, %select_n3A_1098, %select_n3A_1096 : i32
            scf.yield %while3A_1058, %while3A_1059, %select_n3A_1099, %select_n3A_1093, %add3A_1086 : i32, i32, i32, i32, i32
          }
          %get3A_584 = arith.constant 0 : index
          %get3A_585 = arith.index_cast %add3A_419 : i32 to index
          %get3A_586 = memref.load %arg0[%get3A_584, %get3A_585] : memref<2x24xi32, #tpu.memory_space<smem>>
          %get3A_587 = arith.constant 0 : index
          %get3A_588 = arith.index_cast %add3A_457 : i32 to index
          %get3A_589 = memref.load %arg0[%get3A_587, %get3A_588] : memref<2x24xi32, #tpu.memory_space<smem>>
          %ne3A_590 = arith.cmpi ne, %get3A_586, %get3A_589 : i32
          %ne3A_591 = arith.cmpi ne, %add3A_417, %add3A_455 : i32
          %or3A_592 = arith.constant false
          %or3A_593 = arith.ori %or3A_592, %ne3A_590 : i1
          %or3A_594 = arith.constant false
          %or3A_595 = arith.ori %or3A_593, %or3A_594 : i1
          %or3A_596 = arith.ori %or3A_595, %ne3A_591 : i1
          %sub3A_597 = arith.constant 2 : i32
          %sub3A_598 = arith.subi %mul3A_410, %sub3A_597 : i32
          %add3A_599 = arith.constant 1 : i32
          %add3A_600 = arith.addi %sub3A_598, %add3A_599 : i32
          %ge3A_601 = arith.cmpi sge, %while3A_390, %add3A_600 : i32
          %not3A_602 = arith.constant true
          %not3A_603 = arith.xori %ge3A_601, %not3A_602 : i1
          %and3A_604 = arith.andi %or3A_596, %not3A_603 : i1
          %add3A_605 = arith.constant 2 : i32
          %add3A_606 = arith.addi %while3A_402, %add3A_605 : i32
          %add3A_607 = arith.constant 1 : i32
          %add3A_608 = arith.addi %while3A_404, %add3A_607 : i32
          %select_n3A_609 = arith.constant true
          %select_n3A_610 = arith.select %select_n3A_609, %add3A_608, %while3A_404 : i32
          %eq3A_611 = arith.cmpi eq, %select_n3A_610, %get3A_1 : i32
          %select_n3A_612 = arith.constant 0 : i32
          %select_n3A_613 = arith.select %eq3A_611, %select_n3A_612, %select_n3A_610 : i32
          %add3A_614 = arith.constant 1 : i32
          %add3A_615 = arith.addi %while3A_403, %add3A_614 : i32
          %select_n3A_616 = arith.select %eq3A_611, %add3A_615, %while3A_403 : i32
          %select_n3A_617 = arith.constant false
          %select_n3A_618 = arith.constant 0 : i32
          %select_n3A_619 = arith.select %select_n3A_617, %select_n3A_618, %select_n3A_616 : i32
          %while3A_620:5 = scf.while (%while3A_1056 = %while3A_403, %while3A_1057 = %while3A_404, %while3A_1058 = %select_n3A_619, %while3A_1059 = %select_n3A_613, %while3A_1060 = %while3A_401) : (i32, i32, i32, i32, i32) -> (i32, i32, i32, i32, i32) {
            %lt3A_1061 = arith.cmpi ult, %while3A_1060, %add3A_606 : i32
            %lt3A_1062 = arith.constant 4 : i32
            %lt3A_1063 = arith.cmpi slt, %while3A_1058, %lt3A_1062 : i32
            %lt3A_1064 = arith.cmpi slt, %while3A_1059, %get3A_1 : i32
            %and3A_1065 = arith.constant true
            %and3A_1066 = arith.andi %and3A_1065, %lt3A_1063 : i1
            %and3A_1067 = arith.andi %and3A_1066, %lt3A_1064 : i1
            %and3A_1068 = arith.constant true
            %and3A_1069 = arith.andi %and3A_1068, %lt3A_1061 : i1
            %and3A_1070 = arith.andi %and3A_1069, %and3A_1067 : i1
            scf.condition(%and3A_1070) %while3A_1056, %while3A_1057, %while3A_1058, %while3A_1059, %while3A_1060 : i32, i32, i32, i32, i32
          } do {
          ^bb0(%while3A_1056: i32, %while3A_1057: i32, %while3A_1058: i32, %while3A_1059: i32, %while3A_1060: i32):
            %add3A_1061 = arith.constant 0 : i32
            %add3A_1062 = arith.addi %while3A_1056, %add3A_1061 : i32
            %add3A_1063 = arith.constant 0 : i32
            %add3A_1064 = arith.addi %while3A_1057, %add3A_1063 : i32
            %add3A_1065 = arith.constant 0 : i32
            %add3A_1066 = arith.addi %while3A_1058, %add3A_1065 : i32
            %add3A_1067 = arith.constant 0 : i32
            %add3A_1068 = arith.addi %while3A_1059, %add3A_1067 : i32
            %get3A_1069 = arith.constant 0 : index
            %get3A_1070 = arith.index_cast %add3A_1064 : i32 to index
            %get3A_1071 = memref.load %arg0[%get3A_1069, %get3A_1070] : memref<2x24xi32, #tpu.memory_space<smem>>
            %get3A_1072 = arith.constant 0 : index
            %get3A_1073 = arith.index_cast %add3A_1068 : i32 to index
            %get3A_1074 = memref.load %arg0[%get3A_1072, %get3A_1073] : memref<2x24xi32, #tpu.memory_space<smem>>
            %ne3A_1075 = arith.cmpi ne, %get3A_1071, %get3A_1074 : i32
            %ne3A_1076 = arith.cmpi ne, %add3A_1062, %add3A_1066 : i32
            %or3A_1077 = arith.constant false
            %or3A_1078 = arith.ori %or3A_1077, %ne3A_1075 : i1
            %or3A_1079 = arith.constant false
            %or3A_1080 = arith.ori %or3A_1078, %or3A_1079 : i1
            %or3A_1081 = arith.ori %or3A_1080, %ne3A_1076 : i1
            %convert_element_type3A_1082 = arith.extui %or3A_1081 : i1 to i32
            %cond3A_1083 = arith.constant 0 : i32
            %cond3A_1084 = arith.cmpi ne, %convert_element_type3A_1082, %cond3A_1083 : i32
            scf.if %cond3A_1084 {
              %rem3A_1100 = arith.constant 2 : i32
              %rem3A_1101 = arith.remui %while3A_1060, %rem3A_1100 : i32
              %get3A_1102 = arith.constant 0 : index
              %get3A_1103 = arith.index_cast %add3A_1068 : i32 to index
              %get3A_1104 = memref.load %arg0[%get3A_1102, %get3A_1103] : memref<2x24xi32, #tpu.memory_space<smem>>
              %mul3A_1105 = arith.constant 1 : i32
              %mul3A_1106 = arith.muli %mul3A_1105, %get3A_1104 : i32
              %mul3A_1107 = arith.constant 1024 : i32
              %mul3A_1108 = arith.muli %mul3A_1107, %add3A_1066 : i32
              %dma_start3A_1109 = tpu.memref_slice %run_scoped3A_9[%rem3A_1101] : memref<2x!tpu.dma_semaphore, #tpu.memory_space<semaphore_mem>> -> memref<1x!tpu.dma_semaphore, #tpu.memory_space<semaphore_mem>>
              %dma_start3A_1110 = tpu.memref_squeeze %dma_start3A_1109 : memref<1x!tpu.dma_semaphore, #tpu.memory_space<semaphore_mem>> -> memref<!tpu.dma_semaphore, #tpu.memory_space<semaphore_mem>>
              %dma_start3A_1111 = arith.constant 0 : i32
              %dma_start3A_1112 = arith.constant 0 : i32
              %dma_start3A_1113 = arith.constant 0 : i32
              %dma_start3A_1114 = tpu.memref_slice %run_scoped3A_8[%rem3A_1101, %dma_start3A_1111, %dma_start3A_1112, %dma_start3A_1113] : memref<2x1x1024x1024xf32, #tpu.memory_space<vmem>> -> memref<1x1x1024x1024xf32, #tpu.memory_space<vmem>>
              %dma_start3A_1115 = tpu.memref_squeeze %dma_start3A_1114 : memref<1x1x1024x1024xf32, #tpu.memory_space<vmem>> -> memref<1x1024x1024xf32, #tpu.memory_space<vmem>>
              %dma_start3A_1116 = arith.constant 0 : i32
              %dma_start3A_1117 = tpu.memref_slice %arg4[%mul3A_1106, %dma_start3A_1116, %mul3A_1108] : memref<8x1024x4096xf32, #tpu.memory_space<any>> -> memref<1x1024x1024xf32, #tpu.memory_space<any>>
              tpu.enqueue_dma source(%dma_start3A_1117 : memref<1x1024x1024xf32, #tpu.memory_space<any>>) target(%dma_start3A_1115 : memref<1x1024x1024xf32, #tpu.memory_space<vmem>>) target_semaphore(%dma_start3A_1110 : memref<!tpu.dma_semaphore, #tpu.memory_space<semaphore_mem>>)
            } else {
            }
            %convert_element_type3A_1085 = arith.extui %or3A_1081 : i1 to i32
            %add3A_1086 = arith.addi %while3A_1060, %convert_element_type3A_1085 : i32
            %add3A_1087 = arith.constant 1 : i32
            %add3A_1088 = arith.addi %while3A_1059, %add3A_1087 : i32
            %select_n3A_1089 = arith.constant true
            %select_n3A_1090 = arith.select %select_n3A_1089, %add3A_1088, %while3A_1059 : i32
            %eq3A_1091 = arith.cmpi eq, %select_n3A_1090, %get3A_1 : i32
            %select_n3A_1092 = arith.constant 0 : i32
            %select_n3A_1093 = arith.select %eq3A_1091, %select_n3A_1092, %select_n3A_1090 : i32
            %add3A_1094 = arith.constant 1 : i32
            %add3A_1095 = arith.addi %while3A_1058, %add3A_1094 : i32
            %select_n3A_1096 = arith.select %eq3A_1091, %add3A_1095, %while3A_1058 : i32
            %select_n3A_1097 = arith.constant false
            %select_n3A_1098 = arith.constant 0 : i32
            %select_n3A_1099 = arith.select %select_n3A_1097, %select_n3A_1098, %select_n3A_1096 : i32
            scf.yield %while3A_1058, %while3A_1059, %select_n3A_1099, %select_n3A_1093, %add3A_1086 : i32, i32, i32, i32, i32
          }
          %eq3A_621 = arith.constant 3 : i32
          %eq3A_622 = arith.cmpi eq, %add3A_417, %eq3A_621 : i32
          %jit3A = arith.constant 0 : i32
          %select_n3A_623 = arith.select %eq3A_622, %add3A_419, %jit3A : i32
          %eq3A_624 = arith.constant 3 : i32
          %eq3A_625 = arith.cmpi eq, %add3A_455, %eq3A_624 : i32
          %jit3A_626 = arith.constant 0 : i32
          %select_n3A_627 = arith.select %eq3A_625, %add3A_457, %jit3A_626 : i32
          %ne3A_628 = arith.cmpi ne, %select_n3A_623, %select_n3A_627 : i32
          %or3A_629 = arith.constant false
          %or3A_630 = arith.ori %or3A_629, %ne3A_628 : i1
          %or3A_631 = arith.constant false
          %or3A_632 = arith.ori %or3A_630, %or3A_631 : i1
          %sub3A_633 = arith.constant 2 : i32
          %sub3A_634 = arith.subi %mul3A_410, %sub3A_633 : i32
          %add3A_635 = arith.constant 1 : i32
          %add3A_636 = arith.addi %sub3A_634, %add3A_635 : i32
          %ge3A_637 = arith.cmpi sge, %while3A_390, %add3A_636 : i32
          %not3A_638 = arith.constant true
          %not3A_639 = arith.xori %ge3A_637, %not3A_638 : i1
          %and3A_640 = arith.andi %or3A_632, %not3A_639 : i1
          %ne3A_641 = arith.cmpi ne, %add3A_419, %add3A_439 : i32
          %or3A_642 = arith.constant false
          %or3A_643 = arith.ori %or3A_642, %ne3A_641 : i1
          %or3A_644 = arith.constant false
          %or3A_645 = arith.ori %or3A_643, %or3A_644 : i1
          %or3A_646 = arith.ori %or3A_645, %eq3A_412 : i1
          %convert_element_type3A_647 = arith.extui %or3A_646 : i1 to i32
          %cond3A_648 = arith.constant 0 : i32
          %cond3A_649 = arith.cmpi ne, %convert_element_type3A_647, %cond3A_648 : i32
          scf.if %cond3A_649 {
            "tpu.trace_start"() <{level = 10 : i32, message = "ep_wait_in"}> : () -> ()
            %mul3A_1056 = arith.constant 256 : i32
            %mul3A_1057 = arith.muli %mul3A_1056, %add3A_419 : i32
            %rem3A_1058 = arith.constant 2 : i32
            %rem3A_1059 = arith.remui %while3A_392, %rem3A_1058 : i32
            %dma_wait3A = tpu.memref_slice %run_scoped3A_3[%rem3A_1059] : memref<2x!tpu.dma_semaphore, #tpu.memory_space<semaphore_mem>> -> memref<1x!tpu.dma_semaphore, #tpu.memory_space<semaphore_mem>>
            %dma_wait3A_1060 = tpu.memref_squeeze %dma_wait3A : memref<1x!tpu.dma_semaphore, #tpu.memory_space<semaphore_mem>> -> memref<!tpu.dma_semaphore, #tpu.memory_space<semaphore_mem>>
            %dma_wait3A_1061 = arith.constant 0 : i32
            %dma_wait3A_1062 = arith.constant 0 : i32
            %dma_wait3A_1063 = tpu.memref_slice %run_scoped3A[%rem3A_1059, %dma_wait3A_1061, %dma_wait3A_1062] : memref<2x256x1024xf32, #tpu.memory_space<vmem>> -> memref<1x256x1024xf32, #tpu.memory_space<vmem>>
            %dma_wait3A_1064 = tpu.memref_squeeze %dma_wait3A_1063 : memref<1x256x1024xf32, #tpu.memory_space<vmem>> -> memref<256x1024xf32, #tpu.memory_space<vmem>>
            %dma_wait3A_1065 = arith.constant 0 : i32
            %dma_wait3A_1066 = tpu.memref_slice %arg1[%mul3A_1057, %dma_wait3A_1065] : memref<6144x1024xf32, #tpu.memory_space<any>> -> memref<256x1024xf32, #tpu.memory_space<any>>
            tpu.wait_dma2 semaphore(%dma_wait3A_1060 : memref<!tpu.dma_semaphore, #tpu.memory_space<semaphore_mem>>) src(%dma_wait3A_1066 : memref<256x1024xf32, #tpu.memory_space<any>>) dst(%dma_wait3A_1064 : memref<256x1024xf32, #tpu.memory_space<vmem>>)
            "tpu.trace_stop"() : () -> ()
          } else {
          }
          %get3A_650 = arith.constant 0 : index
          %get3A_651 = arith.index_cast %add3A_419 : i32 to index
          %get3A_652 = memref.load %arg0[%get3A_650, %get3A_651] : memref<2x24xi32, #tpu.memory_space<smem>>
          %get3A_653 = arith.constant 0 : index
          %get3A_654 = arith.index_cast %add3A_439 : i32 to index
          %get3A_655 = memref.load %arg0[%get3A_653, %get3A_654] : memref<2x24xi32, #tpu.memory_space<smem>>
          %ne3A_656 = arith.cmpi ne, %get3A_652, %get3A_655 : i32
          %ne3A_657 = arith.cmpi ne, %add3A_417, %add3A_437 : i32
          %or3A_658 = arith.constant false
          %or3A_659 = arith.ori %or3A_658, %ne3A_656 : i1
          %or3A_660 = arith.ori %or3A_659, %ne3A_657 : i1
          %or3A_661 = arith.constant false
          %or3A_662 = arith.ori %or3A_660, %or3A_661 : i1
          %or3A_663 = arith.ori %or3A_662, %eq3A_412 : i1
          %convert_element_type3A_664 = arith.extui %or3A_663 : i1 to i32
          %cond3A_665 = arith.constant 0 : i32
          %cond3A_666 = arith.cmpi ne, %convert_element_type3A_664, %cond3A_665 : i32
          scf.if %cond3A_666 {
            "tpu.trace_start"() <{level = 10 : i32, message = "ep_wait_in"}> : () -> ()
            %get3A_1056 = arith.constant 0 : index
            %get3A_1057 = arith.index_cast %add3A_419 : i32 to index
            %get3A_1058 = memref.load %arg0[%get3A_1056, %get3A_1057] : memref<2x24xi32, #tpu.memory_space<smem>>
            %mul3A_1059 = arith.constant 1 : i32
            %mul3A_1060 = arith.muli %mul3A_1059, %get3A_1058 : i32
            %mul3A_1061 = arith.constant 1024 : i32
            %mul3A_1062 = arith.muli %mul3A_1061, %add3A_417 : i32
            %rem3A_1063 = arith.constant 3 : i32
            %rem3A_1064 = arith.remui %while3A_394, %rem3A_1063 : i32
            %dma_wait3A = tpu.memref_slice %run_scoped3A_5[%rem3A_1064] : memref<3x!tpu.dma_semaphore, #tpu.memory_space<semaphore_mem>> -> memref<1x!tpu.dma_semaphore, #tpu.memory_space<semaphore_mem>>
            %dma_wait3A_1065 = tpu.memref_squeeze %dma_wait3A : memref<1x!tpu.dma_semaphore, #tpu.memory_space<semaphore_mem>> -> memref<!tpu.dma_semaphore, #tpu.memory_space<semaphore_mem>>
            %dma_wait3A_1066 = arith.constant 0 : i32
            %dma_wait3A_1067 = arith.constant 0 : i32
            %dma_wait3A_1068 = arith.constant 0 : i32
            %dma_wait3A_1069 = tpu.memref_slice %run_scoped3A_4[%rem3A_1064, %dma_wait3A_1066, %dma_wait3A_1067, %dma_wait3A_1068] : memref<3x1x1024x1024xf32, #tpu.memory_space<vmem>> -> memref<1x1x1024x1024xf32, #tpu.memory_space<vmem>>
            %dma_wait3A_1070 = tpu.memref_squeeze %dma_wait3A_1069 : memref<1x1x1024x1024xf32, #tpu.memory_space<vmem>> -> memref<1x1024x1024xf32, #tpu.memory_space<vmem>>
            %dma_wait3A_1071 = arith.constant 0 : i32
            %dma_wait3A_1072 = tpu.memref_slice %arg2[%mul3A_1060, %mul3A_1062, %dma_wait3A_1071] : memref<8x4096x1024xf32, #tpu.memory_space<any>> -> memref<1x1024x1024xf32, #tpu.memory_space<any>>
            tpu.wait_dma2 semaphore(%dma_wait3A_1065 : memref<!tpu.dma_semaphore, #tpu.memory_space<semaphore_mem>>) src(%dma_wait3A_1072 : memref<1x1024x1024xf32, #tpu.memory_space<any>>) dst(%dma_wait3A_1070 : memref<1x1024x1024xf32, #tpu.memory_space<vmem>>)
            "tpu.trace_stop"() : () -> ()
          } else {
          }
          %get3A_667 = arith.constant 0 : index
          %get3A_668 = arith.index_cast %add3A_419 : i32 to index
          %get3A_669 = memref.load %arg0[%get3A_667, %get3A_668] : memref<2x24xi32, #tpu.memory_space<smem>>
          %get3A_670 = arith.constant 0 : index
          %get3A_671 = arith.index_cast %add3A_439 : i32 to index
          %get3A_672 = memref.load %arg0[%get3A_670, %get3A_671] : memref<2x24xi32, #tpu.memory_space<smem>>
          %ne3A_673 = arith.cmpi ne, %get3A_669, %get3A_672 : i32
          %ne3A_674 = arith.cmpi ne, %add3A_417, %add3A_437 : i32
          %or3A_675 = arith.constant false
          %or3A_676 = arith.ori %or3A_675, %ne3A_673 : i1
          %or3A_677 = arith.ori %or3A_676, %ne3A_674 : i1
          %or3A_678 = arith.constant false
          %or3A_679 = arith.ori %or3A_677, %or3A_678 : i1
          %or3A_680 = arith.ori %or3A_679, %eq3A_412 : i1
          %convert_element_type3A_681 = arith.extui %or3A_680 : i1 to i32
          %cond3A_682 = arith.constant 0 : i32
          %cond3A_683 = arith.cmpi ne, %convert_element_type3A_681, %cond3A_682 : i32
          scf.if %cond3A_683 {
            "tpu.trace_start"() <{level = 10 : i32, message = "ep_wait_in"}> : () -> ()
            %get3A_1056 = arith.constant 0 : index
            %get3A_1057 = arith.index_cast %add3A_419 : i32 to index
            %get3A_1058 = memref.load %arg0[%get3A_1056, %get3A_1057] : memref<2x24xi32, #tpu.memory_space<smem>>
            %mul3A_1059 = arith.constant 1 : i32
            %mul3A_1060 = arith.muli %mul3A_1059, %get3A_1058 : i32
            %mul3A_1061 = arith.constant 1024 : i32
            %mul3A_1062 = arith.muli %mul3A_1061, %add3A_417 : i32
            %rem3A_1063 = arith.constant 3 : i32
            %rem3A_1064 = arith.remui %while3A_398, %rem3A_1063 : i32
            %dma_wait3A = tpu.memref_slice %run_scoped3A_7[%rem3A_1064] : memref<3x!tpu.dma_semaphore, #tpu.memory_space<semaphore_mem>> -> memref<1x!tpu.dma_semaphore, #tpu.memory_space<semaphore_mem>>
            %dma_wait3A_1065 = tpu.memref_squeeze %dma_wait3A : memref<1x!tpu.dma_semaphore, #tpu.memory_space<semaphore_mem>> -> memref<!tpu.dma_semaphore, #tpu.memory_space<semaphore_mem>>
            %dma_wait3A_1066 = arith.constant 0 : i32
            %dma_wait3A_1067 = arith.constant 0 : i32
            %dma_wait3A_1068 = arith.constant 0 : i32
            %dma_wait3A_1069 = tpu.memref_slice %run_scoped3A_6[%rem3A_1064, %dma_wait3A_1066, %dma_wait3A_1067, %dma_wait3A_1068] : memref<3x1x1024x1024xf32, #tpu.memory_space<vmem>> -> memref<1x1x1024x1024xf32, #tpu.memory_space<vmem>>
            %dma_wait3A_1070 = tpu.memref_squeeze %dma_wait3A_1069 : memref<1x1x1024x1024xf32, #tpu.memory_space<vmem>> -> memref<1x1024x1024xf32, #tpu.memory_space<vmem>>
            %dma_wait3A_1071 = arith.constant 0 : i32
            %dma_wait3A_1072 = tpu.memref_slice %arg3[%mul3A_1060, %mul3A_1062, %dma_wait3A_1071] : memref<8x4096x1024xf32, #tpu.memory_space<any>> -> memref<1x1024x1024xf32, #tpu.memory_space<any>>
            tpu.wait_dma2 semaphore(%dma_wait3A_1065 : memref<!tpu.dma_semaphore, #tpu.memory_space<semaphore_mem>>) src(%dma_wait3A_1072 : memref<1x1024x1024xf32, #tpu.memory_space<any>>) dst(%dma_wait3A_1070 : memref<1x1024x1024xf32, #tpu.memory_space<vmem>>)
            "tpu.trace_stop"() : () -> ()
          } else {
          }
          %get3A_684 = arith.constant 0 : index
          %get3A_685 = arith.index_cast %add3A_419 : i32 to index
          %get3A_686 = memref.load %arg0[%get3A_684, %get3A_685] : memref<2x24xi32, #tpu.memory_space<smem>>
          %get3A_687 = arith.constant 0 : index
          %get3A_688 = arith.index_cast %add3A_439 : i32 to index
          %get3A_689 = memref.load %arg0[%get3A_687, %get3A_688] : memref<2x24xi32, #tpu.memory_space<smem>>
          %ne3A_690 = arith.cmpi ne, %get3A_686, %get3A_689 : i32
          %ne3A_691 = arith.cmpi ne, %add3A_417, %add3A_437 : i32
          %or3A_692 = arith.constant false
          %or3A_693 = arith.ori %or3A_692, %ne3A_690 : i1
          %or3A_694 = arith.constant false
          %or3A_695 = arith.ori %or3A_693, %or3A_694 : i1
          %or3A_696 = arith.ori %or3A_695, %ne3A_691 : i1
          %or3A_697 = arith.ori %or3A_696, %eq3A_412 : i1
          %convert_element_type3A_698 = arith.extui %or3A_697 : i1 to i32
          %cond3A_699 = arith.constant 0 : i32
          %cond3A_700 = arith.cmpi ne, %convert_element_type3A_698, %cond3A_699 : i32
          scf.if %cond3A_700 {
            "tpu.trace_start"() <{level = 10 : i32, message = "ep_wait_in"}> : () -> ()
            %get3A_1056 = arith.constant 0 : index
            %get3A_1057 = arith.index_cast %add3A_419 : i32 to index
            %get3A_1058 = memref.load %arg0[%get3A_1056, %get3A_1057] : memref<2x24xi32, #tpu.memory_space<smem>>
            %mul3A_1059 = arith.constant 1 : i32
            %mul3A_1060 = arith.muli %mul3A_1059, %get3A_1058 : i32
            %mul3A_1061 = arith.constant 1024 : i32
            %mul3A_1062 = arith.muli %mul3A_1061, %add3A_417 : i32
            %rem3A_1063 = arith.constant 2 : i32
            %rem3A_1064 = arith.remui %while3A_402, %rem3A_1063 : i32
            %dma_wait3A = tpu.memref_slice %run_scoped3A_9[%rem3A_1064] : memref<2x!tpu.dma_semaphore, #tpu.memory_space<semaphore_mem>> -> memref<1x!tpu.dma_semaphore, #tpu.memory_space<semaphore_mem>>
            %dma_wait3A_1065 = tpu.memref_squeeze %dma_wait3A : memref<1x!tpu.dma_semaphore, #tpu.memory_space<semaphore_mem>> -> memref<!tpu.dma_semaphore, #tpu.memory_space<semaphore_mem>>
            %dma_wait3A_1066 = arith.constant 0 : i32
            %dma_wait3A_1067 = arith.constant 0 : i32
            %dma_wait3A_1068 = arith.constant 0 : i32
            %dma_wait3A_1069 = tpu.memref_slice %run_scoped3A_8[%rem3A_1064, %dma_wait3A_1066, %dma_wait3A_1067, %dma_wait3A_1068] : memref<2x1x1024x1024xf32, #tpu.memory_space<vmem>> -> memref<1x1x1024x1024xf32, #tpu.memory_space<vmem>>
            %dma_wait3A_1070 = tpu.memref_squeeze %dma_wait3A_1069 : memref<1x1x1024x1024xf32, #tpu.memory_space<vmem>> -> memref<1x1024x1024xf32, #tpu.memory_space<vmem>>
            %dma_wait3A_1071 = arith.constant 0 : i32
            %dma_wait3A_1072 = tpu.memref_slice %arg4[%mul3A_1060, %dma_wait3A_1071, %mul3A_1062] : memref<8x1024x4096xf32, #tpu.memory_space<any>> -> memref<1x1024x1024xf32, #tpu.memory_space<any>>
            tpu.wait_dma2 semaphore(%dma_wait3A_1065 : memref<!tpu.dma_semaphore, #tpu.memory_space<semaphore_mem>>) src(%dma_wait3A_1072 : memref<1x1024x1024xf32, #tpu.memory_space<any>>) dst(%dma_wait3A_1070 : memref<1x1024x1024xf32, #tpu.memory_space<vmem>>)
            "tpu.trace_stop"() : () -> ()
          } else {
          }
          %eq3A_701 = arith.constant 3 : i32
          %eq3A_702 = arith.cmpi eq, %add3A_417, %eq3A_701 : i32
          %jit3A_703 = arith.constant 0 : i32
          %select_n3A_704 = arith.select %eq3A_702, %add3A_419, %jit3A_703 : i32
          %eq3A_705 = arith.constant 3 : i32
          %eq3A_706 = arith.cmpi eq, %add3A_437, %eq3A_705 : i32
          %jit3A_707 = arith.constant 0 : i32
          %select_n3A_708 = arith.select %eq3A_706, %add3A_439, %jit3A_707 : i32
          %ne3A_709 = arith.cmpi ne, %select_n3A_704, %select_n3A_708 : i32
          %or3A_710 = arith.constant false
          %or3A_711 = arith.ori %or3A_710, %ne3A_709 : i1
          %or3A_712 = arith.constant false
          %or3A_713 = arith.ori %or3A_711, %or3A_712 : i1
          %or3A_714 = arith.ori %or3A_713, %eq3A_412 : i1
          %convert_element_type3A_715 = arith.extui %or3A_714 : i1 to i32
          %cond3A_716 = arith.constant 0 : i32
          %cond3A_717 = arith.cmpi ne, %convert_element_type3A_715, %cond3A_716 : i32
          scf.if %cond3A_717 {
          } else {
          }
          %rem3A_718 = arith.constant 2 : i32
          %rem3A_719 = arith.remui %while3A_392, %rem3A_718 : i32
          %rem3A_720 = arith.constant 3 : i32
          %rem3A_721 = arith.remui %while3A_394, %rem3A_720 : i32
          %rem3A_722 = arith.constant 3 : i32
          %rem3A_723 = arith.remui %while3A_398, %rem3A_722 : i32
          %rem3A_724 = arith.constant 2 : i32
          %rem3A_725 = arith.remui %while3A_402, %rem3A_724 : i32
          %rem3A_726 = arith.constant 2 : i32
          %rem3A_727 = arith.remui %while3A_405, %rem3A_726 : i32
          "tpu.trace_start"() <{level = 10 : i32, message = "ep_run_kernel"}> : () -> ()
          %mul3A_728 = arith.constant 256 : i32
          %mul3A_729 = arith.muli %add3A_419, %mul3A_728 : i32
          %get3A_730 = arith.index_cast %rem3A_719 : i32 to index
          %get3A_731 = arith.constant 0 : index
          %get3A_732 = arith.constant 0 : index
          %get3A_733 = vector.load %run_scoped3A[%get3A_730, %get3A_731, %get3A_732] : memref<2x256x1024xf32, #tpu.memory_space<vmem>>, vector<1x256x1024xf32>
          %get3A_734 = vector.shape_cast %get3A_733 : vector<1x256x1024xf32> to vector<256x1024xf32>
          %get3A_735 = arith.constant 0 : i32
          %get3A_736 = arith.constant 0 : i32
          %get3A_737 = arith.constant 0 : i32
          %get3A_738 = tpu.memref_slice %run_scoped3A_4[%rem3A_721, %get3A_735, %get3A_736, %get3A_737] : memref<3x1x1024x1024xf32, #tpu.memory_space<vmem>> -> memref<1x1x1024x1024xf32, #tpu.memory_space<vmem>>
          %get3A_739 = tpu.memref_squeeze %get3A_738 : memref<1x1x1024x1024xf32, #tpu.memory_space<vmem>> -> memref<1x1024x1024xf32, #tpu.memory_space<vmem>>
          %get3A_740 = arith.constant 0 : index
          %get3A_741 = arith.constant 0 : index
          %get3A_742 = arith.constant 0 : index
          %get3A_743 = vector.load %get3A_739[%get3A_740, %get3A_741, %get3A_742] : memref<1x1024x1024xf32, #tpu.memory_space<vmem>>, vector<1x1024x1024xf32>
          %get3A_744 = vector.shape_cast %get3A_743 : vector<1x1024x1024xf32> to vector<1024x1024xf32>
          %dot_general3A = arith.constant dense<0.000000e+00> : vector<256x1024xf32>
          %dot_general3A_745 = tpu.matmul %get3A_734, %get3A_744, %dot_general3A {dimension_numbers = #tpu.dot_dimension_numbers<[1], [1], [0], [0], [0, 0, 1, 0], [], []>, transpose_lhs_hint = false} : vector<256x1024xf32>, vector<1024x1024xf32>, vector<256x1024xf32> -> vector<256x1024xf32>
          %get3A_746 = arith.constant 0 : i32
          %get3A_747 = arith.constant 0 : i32
          %get3A_748 = arith.constant 0 : i32
          %get3A_749 = tpu.memref_slice %run_scoped3A_6[%rem3A_723, %get3A_746, %get3A_747, %get3A_748] : memref<3x1x1024x1024xf32, #tpu.memory_space<vmem>> -> memref<1x1x1024x1024xf32, #tpu.memory_space<vmem>>
          %get3A_750 = tpu.memref_squeeze %get3A_749 : memref<1x1x1024x1024xf32, #tpu.memory_space<vmem>> -> memref<1x1024x1024xf32, #tpu.memory_space<vmem>>
          %get3A_751 = arith.constant 0 : index
          %get3A_752 = arith.constant 0 : index
          %get3A_753 = arith.constant 0 : index
          %get3A_754 = vector.load %get3A_750[%get3A_751, %get3A_752, %get3A_753] : memref<1x1024x1024xf32, #tpu.memory_space<vmem>>, vector<1x1024x1024xf32>
          %get3A_755 = vector.shape_cast %get3A_754 : vector<1x1024x1024xf32> to vector<1024x1024xf32>
          %dot_general3A_756 = arith.constant dense<0.000000e+00> : vector<256x1024xf32>
          %dot_general3A_757 = tpu.matmul %get3A_734, %get3A_755, %dot_general3A_756 {dimension_numbers = #tpu.dot_dimension_numbers<[1], [1], [0], [0], [0, 0, 1, 0], [], []>, transpose_lhs_hint = false} : vector<256x1024xf32>, vector<1024x1024xf32>, vector<256x1024xf32> -> vector<256x1024xf32>
          %logistic3A = arith.negf %dot_general3A_745 : vector<256x1024xf32>
          %logistic3A_758 = math.exp %logistic3A : vector<256x1024xf32>
          %logistic3A_759 = arith.constant 1.000000e+00 : f32
          %logistic3A_760 = vector.broadcast %logistic3A_759 : f32 to vector<256x1024xf32>
          %logistic3A_761 = arith.addf %logistic3A_760, %logistic3A_758 : vector<256x1024xf32>
          %logistic3A_762 = arith.divf %logistic3A_760, %logistic3A_761 : vector<256x1024xf32>
          %mul3A_763 = arith.mulf %dot_general3A_745, %logistic3A_762 : vector<256x1024xf32>
          %mul3A_764 = arith.mulf %mul3A_763, %dot_general3A_757 : vector<256x1024xf32>
          %get3A_765 = arith.constant 0 : i32
          %get3A_766 = arith.constant 0 : i32
          %get3A_767 = arith.constant 0 : i32
          %get3A_768 = tpu.memref_slice %run_scoped3A_8[%rem3A_725, %get3A_765, %get3A_766, %get3A_767] : memref<2x1x1024x1024xf32, #tpu.memory_space<vmem>> -> memref<1x1x1024x1024xf32, #tpu.memory_space<vmem>>
          %get3A_769 = tpu.memref_squeeze %get3A_768 : memref<1x1x1024x1024xf32, #tpu.memory_space<vmem>> -> memref<1x1024x1024xf32, #tpu.memory_space<vmem>>
          %get3A_770 = arith.constant 0 : index
          %get3A_771 = arith.constant 0 : index
          %get3A_772 = arith.constant 0 : index
          %get3A_773 = vector.load %get3A_769[%get3A_770, %get3A_771, %get3A_772] : memref<1x1024x1024xf32, #tpu.memory_space<vmem>>, vector<1x1024x1024xf32>
          %get3A_774 = vector.shape_cast %get3A_773 : vector<1x1024x1024xf32> to vector<1024x1024xf32>
          %dot_general3A_775 = arith.constant dense<0.000000e+00> : vector<256x1024xf32>
          %dot_general3A_776 = tpu.matmul %mul3A_764, %get3A_774, %dot_general3A_775 {dimension_numbers = #tpu.dot_dimension_numbers<[1], [1], [0], [0], [0, 0, 1, 0], [], []>, transpose_lhs_hint = false} : vector<256x1024xf32>, vector<1024x1024xf32>, vector<256x1024xf32> -> vector<256x1024xf32>
          %eq3A_777 = arith.constant 0 : i32
          %eq3A_778 = arith.cmpi eq, %add3A_417, %eq3A_777 : i32
          %convert_element_type3A_779 = arith.extui %eq3A_778 : i1 to i32
          %cond3A_780 = arith.constant 0 : i32
          %cond3A_781 = arith.cmpi ne, %convert_element_type3A_779, %cond3A_780 : i32
          scf.if %cond3A_781 {
            %swap3A = arith.index_cast %mul3A_729 : i32 to index
            %swap3A_1056 = arith.constant 0 : index
            %swap3A_1057 = vector.load %arg6[%swap3A, %swap3A_1056] : memref<6144x1024xf32, #tpu.memory_space<vmem>>, vector<256x1024xf32>
            tpu.vector_store %arg6[%swap3A, %swap3A_1056], %dot_general3A_776 {strides = array<i32>} : memref<6144x1024xf32, #tpu.memory_space<vmem>>, vector<256x1024xf32>,
          } else {
          }
          %gt3A_782 = arith.constant 0 : i32
          %gt3A_783 = arith.cmpi sgt, %add3A_417, %gt3A_782 : i32
          %convert_element_type3A_784 = arith.extui %gt3A_783 : i1 to i32
          %cond3A_785 = arith.constant 0 : i32
          %cond3A_786 = arith.cmpi ne, %convert_element_type3A_784, %cond3A_785 : i32
          scf.if %cond3A_786 {
            %get3A_1056 = arith.index_cast %mul3A_729 : i32 to index
            %get3A_1057 = arith.constant 0 : index
            %get3A_1058 = vector.load %arg6[%get3A_1056, %get3A_1057] : memref<6144x1024xf32, #tpu.memory_space<vmem>>, vector<256x1024xf32>
            %add3A_1059 = arith.addf %get3A_1058, %dot_general3A_776 : vector<256x1024xf32>
            %swap3A = arith.index_cast %mul3A_729 : i32 to index
            %swap3A_1060 = arith.constant 0 : index
            %swap3A_1061 = vector.load %arg6[%swap3A, %swap3A_1060] : memref<6144x1024xf32, #tpu.memory_space<vmem>>, vector<256x1024xf32>
            tpu.vector_store %arg6[%swap3A, %swap3A_1060], %add3A_1059 {strides = array<i32>} : memref<6144x1024xf32, #tpu.memory_space<vmem>>, vector<256x1024xf32>,
          } else {
          }
          %eq3A_787 = arith.constant 3 : i32
          %eq3A_788 = arith.cmpi eq, %add3A_417, %eq3A_787 : i32
          %convert_element_type3A_789 = arith.extui %eq3A_788 : i1 to i32
          %cond3A_790 = arith.constant 0 : i32
          %cond3A_791 = arith.cmpi ne, %convert_element_type3A_789, %cond3A_790 : i32
          scf.if %cond3A_791 {
            %get3A_1056 = arith.index_cast %mul3A_729 : i32 to index
            %get3A_1057 = arith.constant 0 : index
            %get3A_1058 = vector.load %arg6[%get3A_1056, %get3A_1057] : memref<6144x1024xf32, #tpu.memory_space<vmem>>, vector<256x1024xf32>
            %swap3A = arith.index_cast %rem3A_727 : i32 to index
            %swap3A_1059 = arith.constant 0 : index
            %swap3A_1060 = arith.constant 0 : index
            %swap3A_1061 = vector.load %run_scoped3A_10[%swap3A, %swap3A_1059, %swap3A_1060] : memref<2x256x1024xf32, #tpu.memory_space<vmem>>, vector<1x256x1024xf32>
            %swap3A_1062 = vector.shape_cast %swap3A_1061 : vector<1x256x1024xf32> to vector<256x1024xf32>
            %swap3A_1063 = vector.shape_cast %get3A_1058 : vector<256x1024xf32> to vector<1x256x1024xf32>
            tpu.vector_store %run_scoped3A_10[%swap3A, %swap3A_1059, %swap3A_1060], %swap3A_1063 {strides = array<i32>} : memref<2x256x1024xf32, #tpu.memory_space<vmem>>, vector<1x256x1024xf32>,
          } else {
          }
          "tpu.trace_stop"() : () -> ()
          %ne3A_792 = arith.cmpi ne, %add3A_419, %add3A_457 : i32
          %or3A_793 = arith.constant false
          %or3A_794 = arith.ori %or3A_793, %ne3A_792 : i1
          %or3A_795 = arith.constant false
          %or3A_796 = arith.ori %or3A_794, %or3A_795 : i1
          %or3A_797 = arith.ori %or3A_796, %eq3A_415 : i1
          %convert_element_type3A_798 = arith.extui %or3A_797 : i1 to i32
          %cond3A_799 = arith.constant 0 : i32
          %cond3A_800 = arith.cmpi ne, %convert_element_type3A_798, %cond3A_799 : i32
          scf.if %cond3A_800 {
          } else {
          }
          %and3A_801 = arith.constant false
          %and3A_802 = arith.andi %or3A_797, %and3A_801 : i1
          %get3A_803 = arith.constant 0 : index
          %get3A_804 = arith.index_cast %add3A_419 : i32 to index
          %get3A_805 = memref.load %arg0[%get3A_803, %get3A_804] : memref<2x24xi32, #tpu.memory_space<smem>>
          %get3A_806 = arith.constant 0 : index
          %get3A_807 = arith.index_cast %add3A_457 : i32 to index
          %get3A_808 = memref.load %arg0[%get3A_806, %get3A_807] : memref<2x24xi32, #tpu.memory_space<smem>>
          %ne3A_809 = arith.cmpi ne, %get3A_805, %get3A_808 : i32
          %ne3A_810 = arith.cmpi ne, %add3A_417, %add3A_455 : i32
          %or3A_811 = arith.constant false
          %or3A_812 = arith.ori %or3A_811, %ne3A_809 : i1
          %or3A_813 = arith.ori %or3A_812, %ne3A_810 : i1
          %or3A_814 = arith.constant false
          %or3A_815 = arith.ori %or3A_813, %or3A_814 : i1
          %or3A_816 = arith.ori %or3A_815, %eq3A_415 : i1
          %convert_element_type3A_817 = arith.extui %or3A_816 : i1 to i32
          %cond3A_818 = arith.constant 0 : i32
          %cond3A_819 = arith.cmpi ne, %convert_element_type3A_817, %cond3A_818 : i32
          scf.if %cond3A_819 {
          } else {
          }
          %and3A_820 = arith.constant false
          %and3A_821 = arith.andi %or3A_816, %and3A_820 : i1
          %get3A_822 = arith.constant 0 : index
          %get3A_823 = arith.index_cast %add3A_419 : i32 to index
          %get3A_824 = memref.load %arg0[%get3A_822, %get3A_823] : memref<2x24xi32, #tpu.memory_space<smem>>
          %get3A_825 = arith.constant 0 : index
          %get3A_826 = arith.index_cast %add3A_457 : i32 to index
          %get3A_827 = memref.load %arg0[%get3A_825, %get3A_826] : memref<2x24xi32, #tpu.memory_space<smem>>
          %ne3A_828 = arith.cmpi ne, %get3A_824, %get3A_827 : i32
          %ne3A_829 = arith.cmpi ne, %add3A_417, %add3A_455 : i32
          %or3A_830 = arith.constant false
          %or3A_831 = arith.ori %or3A_830, %ne3A_828 : i1
          %or3A_832 = arith.ori %or3A_831, %ne3A_829 : i1
          %or3A_833 = arith.constant false
          %or3A_834 = arith.ori %or3A_832, %or3A_833 : i1
          %or3A_835 = arith.ori %or3A_834, %eq3A_415 : i1
          %convert_element_type3A_836 = arith.extui %or3A_835 : i1 to i32
          %cond3A_837 = arith.constant 0 : i32
          %cond3A_838 = arith.cmpi ne, %convert_element_type3A_836, %cond3A_837 : i32
          scf.if %cond3A_838 {
          } else {
          }
          %and3A_839 = arith.constant false
          %and3A_840 = arith.andi %or3A_835, %and3A_839 : i1
          %get3A_841 = arith.constant 0 : index
          %get3A_842 = arith.index_cast %add3A_419 : i32 to index
          %get3A_843 = memref.load %arg0[%get3A_841, %get3A_842] : memref<2x24xi32, #tpu.memory_space<smem>>
          %get3A_844 = arith.constant 0 : index
          %get3A_845 = arith.index_cast %add3A_457 : i32 to index
          %get3A_846 = memref.load %arg0[%get3A_844, %get3A_845] : memref<2x24xi32, #tpu.memory_space<smem>>
          %ne3A_847 = arith.cmpi ne, %get3A_843, %get3A_846 : i32
          %ne3A_848 = arith.cmpi ne, %add3A_417, %add3A_455 : i32
          %or3A_849 = arith.constant false
          %or3A_850 = arith.ori %or3A_849, %ne3A_847 : i1
          %or3A_851 = arith.constant false
          %or3A_852 = arith.ori %or3A_850, %or3A_851 : i1
          %or3A_853 = arith.ori %or3A_852, %ne3A_848 : i1
          %or3A_854 = arith.ori %or3A_853, %eq3A_415 : i1
          %convert_element_type3A_855 = arith.extui %or3A_854 : i1 to i32
          %cond3A_856 = arith.constant 0 : i32
          %cond3A_857 = arith.cmpi ne, %convert_element_type3A_855, %cond3A_856 : i32
          scf.if %cond3A_857 {
          } else {
          }
          %and3A_858 = arith.constant false
          %and3A_859 = arith.andi %or3A_854, %and3A_858 : i1
          %eq3A_860 = arith.constant 3 : i32
          %eq3A_861 = arith.cmpi eq, %add3A_417, %eq3A_860 : i32
          %jit3A_862 = arith.constant 0 : i32
          %select_n3A_863 = arith.select %eq3A_861, %add3A_419, %jit3A_862 : i32
          %eq3A_864 = arith.constant 3 : i32
          %eq3A_865 = arith.cmpi eq, %add3A_455, %eq3A_864 : i32
          %jit3A_866 = arith.constant 0 : i32
          %select_n3A_867 = arith.select %eq3A_865, %add3A_457, %jit3A_866 : i32
          %ne3A_868 = arith.cmpi ne, %select_n3A_863, %select_n3A_867 : i32
          %or3A_869 = arith.constant false
          %or3A_870 = arith.ori %or3A_869, %ne3A_868 : i1
          %or3A_871 = arith.constant false
          %or3A_872 = arith.ori %or3A_870, %or3A_871 : i1
          %or3A_873 = arith.ori %or3A_872, %eq3A_415 : i1
          %convert_element_type3A_874 = arith.extui %or3A_873 : i1 to i32
          %cond3A_875 = arith.constant 0 : i32
          %cond3A_876 = arith.cmpi ne, %convert_element_type3A_874, %cond3A_875 : i32
          scf.if %cond3A_876 {
            "tpu.trace_start"() <{level = 10 : i32, message = "ep_copy_out"}> : () -> ()
            %rem3A_1056 = arith.constant 2 : i32
            %rem3A_1057 = arith.remui %while3A_405, %rem3A_1056 : i32
            %eq3A_1058 = arith.constant 3 : i32
            %eq3A_1059 = arith.cmpi eq, %add3A_417, %eq3A_1058 : i32
            %jit3A_1060 = arith.constant 0 : i32
            %select_n3A_1061 = arith.select %eq3A_1059, %add3A_419, %jit3A_1060 : i32
            %mul3A_1062 = arith.constant 256 : i32
            %mul3A_1063 = arith.muli %mul3A_1062, %select_n3A_1061 : i32
            %dma_start3A_1064 = tpu.memref_slice %run_scoped3A_11[%rem3A_1057] : memref<2x!tpu.dma_semaphore, #tpu.memory_space<semaphore_mem>> -> memref<1x!tpu.dma_semaphore, #tpu.memory_space<semaphore_mem>>
            %dma_start3A_1065 = tpu.memref_squeeze %dma_start3A_1064 : memref<1x!tpu.dma_semaphore, #tpu.memory_space<semaphore_mem>> -> memref<!tpu.dma_semaphore, #tpu.memory_space<semaphore_mem>>
            %dma_start3A_1066 = arith.constant 0 : i32
            %dma_start3A_1067 = tpu.memref_slice %arg5[%mul3A_1063, %dma_start3A_1066] : memref<6144x1024xf32, #tpu.memory_space<any>> -> memref<256x1024xf32, #tpu.memory_space<any>>
            %dma_start3A_1068 = arith.constant 0 : i32
            %dma_start3A_1069 = arith.constant 0 : i32
            %dma_start3A_1070 = tpu.memref_slice %run_scoped3A_10[%rem3A_1057, %dma_start3A_1068, %dma_start3A_1069] : memref<2x256x1024xf32, #tpu.memory_space<vmem>> -> memref<1x256x1024xf32, #tpu.memory_space<vmem>>
            %dma_start3A_1071 = tpu.memref_squeeze %dma_start3A_1070 : memref<1x256x1024xf32, #tpu.memory_space<vmem>> -> memref<256x1024xf32, #tpu.memory_space<vmem>>
            tpu.enqueue_dma source(%dma_start3A_1071 : memref<256x1024xf32, #tpu.memory_space<vmem>>) target(%dma_start3A_1067 : memref<256x1024xf32, #tpu.memory_space<any>>) target_semaphore(%dma_start3A_1065 : memref<!tpu.dma_semaphore, #tpu.memory_space<semaphore_mem>>)
            "tpu.trace_stop"() : () -> ()
          } else {
          }
          %and3A_877 = arith.constant true
          %and3A_878 = arith.andi %or3A_873, %and3A_877 : i1
          %add3A_879 = arith.constant 1 : i32
          %add3A_880 = arith.addi %while3A_405, %add3A_879 : i32
          %select_n3A_881 = arith.select %and3A_878, %add3A_880, %while3A_405 : i32
          %ne3A_882 = arith.cmpi ne, %add3A_419, %add3A_439 : i32
          %or3A_883 = arith.constant false
          %or3A_884 = arith.ori %or3A_883, %ne3A_882 : i1
          %or3A_885 = arith.constant false
          %or3A_886 = arith.ori %or3A_884, %or3A_885 : i1
          %not3A_887 = arith.constant true
          %not3A_888 = arith.xori %eq3A_412, %not3A_887 : i1
          %and3A_889 = arith.andi %or3A_886, %not3A_888 : i1
          %convert_element_type3A_890 = arith.extui %and3A_889 : i1 to i32
          %cond3A_891 = arith.constant 0 : i32
          %cond3A_892 = arith.cmpi ne, %convert_element_type3A_890, %cond3A_891 : i32
          scf.if %cond3A_892 {
          } else {
          }
          %and3A_893 = arith.constant false
          %and3A_894 = arith.andi %and3A_889, %and3A_893 : i1
          %get3A_895 = arith.constant 0 : index
          %get3A_896 = arith.index_cast %add3A_419 : i32 to index
          %get3A_897 = memref.load %arg0[%get3A_895, %get3A_896] : memref<2x24xi32, #tpu.memory_space<smem>>
          %get3A_898 = arith.constant 0 : index
          %get3A_899 = arith.index_cast %add3A_439 : i32 to index
          %get3A_900 = memref.load %arg0[%get3A_898, %get3A_899] : memref<2x24xi32, #tpu.memory_space<smem>>
          %ne3A_901 = arith.cmpi ne, %get3A_897, %get3A_900 : i32
          %ne3A_902 = arith.cmpi ne, %add3A_417, %add3A_437 : i32
          %or3A_903 = arith.constant false
          %or3A_904 = arith.ori %or3A_903, %ne3A_901 : i1
          %or3A_905 = arith.ori %or3A_904, %ne3A_902 : i1
          %or3A_906 = arith.constant false
          %or3A_907 = arith.ori %or3A_905, %or3A_906 : i1
          %not3A_908 = arith.constant true
          %not3A_909 = arith.xori %eq3A_412, %not3A_908 : i1
          %and3A_910 = arith.andi %or3A_907, %not3A_909 : i1
          %convert_element_type3A_911 = arith.extui %and3A_910 : i1 to i32
          %cond3A_912 = arith.constant 0 : i32
          %cond3A_913 = arith.cmpi ne, %convert_element_type3A_911, %cond3A_912 : i32
          scf.if %cond3A_913 {
          } else {
          }
          %and3A_914 = arith.constant false
          %and3A_915 = arith.andi %and3A_910, %and3A_914 : i1
          %get3A_916 = arith.constant 0 : index
          %get3A_917 = arith.index_cast %add3A_419 : i32 to index
          %get3A_918 = memref.load %arg0[%get3A_916, %get3A_917] : memref<2x24xi32, #tpu.memory_space<smem>>
          %get3A_919 = arith.constant 0 : index
          %get3A_920 = arith.index_cast %add3A_439 : i32 to index
          %get3A_921 = memref.load %arg0[%get3A_919, %get3A_920] : memref<2x24xi32, #tpu.memory_space<smem>>
          %ne3A_922 = arith.cmpi ne, %get3A_918, %get3A_921 : i32
          %ne3A_923 = arith.cmpi ne, %add3A_417, %add3A_437 : i32
          %or3A_924 = arith.constant false
          %or3A_925 = arith.ori %or3A_924, %ne3A_922 : i1
          %or3A_926 = arith.ori %or3A_925, %ne3A_923 : i1
          %or3A_927 = arith.constant false
          %or3A_928 = arith.ori %or3A_926, %or3A_927 : i1
          %not3A_929 = arith.constant true
          %not3A_930 = arith.xori %eq3A_412, %not3A_929 : i1
          %and3A_931 = arith.andi %or3A_928, %not3A_930 : i1
          %convert_element_type3A_932 = arith.extui %and3A_931 : i1 to i32
          %cond3A_933 = arith.constant 0 : i32
          %cond3A_934 = arith.cmpi ne, %convert_element_type3A_932, %cond3A_933 : i32
          scf.if %cond3A_934 {
          } else {
          }
          %and3A_935 = arith.constant false
          %and3A_936 = arith.andi %and3A_931, %and3A_935 : i1
          %get3A_937 = arith.constant 0 : index
          %get3A_938 = arith.index_cast %add3A_419 : i32 to index
          %get3A_939 = memref.load %arg0[%get3A_937, %get3A_938] : memref<2x24xi32, #tpu.memory_space<smem>>
          %get3A_940 = arith.constant 0 : index
          %get3A_941 = arith.index_cast %add3A_439 : i32 to index
          %get3A_942 = memref.load %arg0[%get3A_940, %get3A_941] : memref<2x24xi32, #tpu.memory_space<smem>>
          %ne3A_943 = arith.cmpi ne, %get3A_939, %get3A_942 : i32
          %ne3A_944 = arith.cmpi ne, %add3A_417, %add3A_437 : i32
          %or3A_945 = arith.constant false
          %or3A_946 = arith.ori %or3A_945, %ne3A_943 : i1
          %or3A_947 = arith.constant false
          %or3A_948 = arith.ori %or3A_946, %or3A_947 : i1
          %or3A_949 = arith.ori %or3A_948, %ne3A_944 : i1
          %not3A_950 = arith.constant true
          %not3A_951 = arith.xori %eq3A_412, %not3A_950 : i1
          %and3A_952 = arith.andi %or3A_949, %not3A_951 : i1
          %convert_element_type3A_953 = arith.extui %and3A_952 : i1 to i32
          %cond3A_954 = arith.constant 0 : i32
          %cond3A_955 = arith.cmpi ne, %convert_element_type3A_953, %cond3A_954 : i32
          scf.if %cond3A_955 {
          } else {
          }
          %and3A_956 = arith.constant false
          %and3A_957 = arith.andi %and3A_952, %and3A_956 : i1
          %eq3A_958 = arith.constant 3 : i32
          %eq3A_959 = arith.cmpi eq, %add3A_417, %eq3A_958 : i32
          %jit3A_960 = arith.constant 0 : i32
          %select_n3A_961 = arith.select %eq3A_959, %add3A_419, %jit3A_960 : i32
          %eq3A_962 = arith.constant 3 : i32
          %eq3A_963 = arith.cmpi eq, %add3A_437, %eq3A_962 : i32
          %jit3A_964 = arith.constant 0 : i32
          %select_n3A_965 = arith.select %eq3A_963, %add3A_439, %jit3A_964 : i32
          %ne3A_966 = arith.cmpi ne, %select_n3A_961, %select_n3A_965 : i32
          %or3A_967 = arith.constant false
          %or3A_968 = arith.ori %or3A_967, %ne3A_966 : i1
          %or3A_969 = arith.constant false
          %or3A_970 = arith.ori %or3A_968, %or3A_969 : i1
          %not3A_971 = arith.constant true
          %not3A_972 = arith.xori %eq3A_412, %not3A_971 : i1
          %and3A_973 = arith.andi %or3A_970, %not3A_972 : i1
          %convert_element_type3A_974 = arith.extui %and3A_973 : i1 to i32
          %cond3A_975 = arith.constant 0 : i32
          %cond3A_976 = arith.cmpi ne, %convert_element_type3A_974, %cond3A_975 : i32
          scf.if %cond3A_976 {
            "tpu.trace_start"() <{level = 10 : i32, message = "ep_wait_out"}> : () -> ()
            %rem3A_1056 = arith.constant 2 : i32
            %rem3A_1057 = arith.remui %while3A_406, %rem3A_1056 : i32
            %eq3A_1058 = arith.constant 3 : i32
            %eq3A_1059 = arith.cmpi eq, %add3A_437, %eq3A_1058 : i32
            %jit3A_1060 = arith.constant 0 : i32
            %select_n3A_1061 = arith.select %eq3A_1059, %add3A_439, %jit3A_1060 : i32
            %mul3A_1062 = arith.constant 256 : i32
            %mul3A_1063 = arith.muli %mul3A_1062, %select_n3A_1061 : i32
            %dma_wait3A = tpu.memref_slice %run_scoped3A_11[%rem3A_1057] : memref<2x!tpu.dma_semaphore, #tpu.memory_space<semaphore_mem>> -> memref<1x!tpu.dma_semaphore, #tpu.memory_space<semaphore_mem>>
            %dma_wait3A_1064 = tpu.memref_squeeze %dma_wait3A : memref<1x!tpu.dma_semaphore, #tpu.memory_space<semaphore_mem>> -> memref<!tpu.dma_semaphore, #tpu.memory_space<semaphore_mem>>
            %dma_wait3A_1065 = arith.constant 0 : i32
            %dma_wait3A_1066 = tpu.memref_slice %arg5[%mul3A_1063, %dma_wait3A_1065] : memref<6144x1024xf32, #tpu.memory_space<any>> -> memref<256x1024xf32, #tpu.memory_space<any>>
            %dma_wait3A_1067 = arith.constant 0 : i32
            %dma_wait3A_1068 = arith.constant 0 : i32
            %dma_wait3A_1069 = tpu.memref_slice %run_scoped3A_10[%rem3A_1057, %dma_wait3A_1067, %dma_wait3A_1068] : memref<2x256x1024xf32, #tpu.memory_space<vmem>> -> memref<1x256x1024xf32, #tpu.memory_space<vmem>>
            %dma_wait3A_1070 = tpu.memref_squeeze %dma_wait3A_1069 : memref<1x256x1024xf32, #tpu.memory_space<vmem>> -> memref<256x1024xf32, #tpu.memory_space<vmem>>
            tpu.wait_dma2 semaphore(%dma_wait3A_1064 : memref<!tpu.dma_semaphore, #tpu.memory_space<semaphore_mem>>) src(%dma_wait3A_1070 : memref<256x1024xf32, #tpu.memory_space<vmem>>) dst(%dma_wait3A_1066 : memref<256x1024xf32, #tpu.memory_space<any>>)
            "tpu.trace_stop"() : () -> ()
          } else {
          }
          %and3A_977 = arith.constant true
          %and3A_978 = arith.andi %and3A_973, %and3A_977 : i1
          %add3A_979 = arith.constant 1 : i32
          %add3A_980 = arith.addi %while3A_406, %add3A_979 : i32
          %select_n3A_981 = arith.select %and3A_978, %add3A_980, %while3A_406 : i32
          %ne3A_982 = arith.cmpi ne, %add3A_419, %add3A_457 : i32
          %or3A_983 = arith.constant false
          %or3A_984 = arith.ori %or3A_983, %ne3A_982 : i1
          %or3A_985 = arith.constant false
          %or3A_986 = arith.ori %or3A_984, %or3A_985 : i1
          %or3A_987 = arith.ori %or3A_986, %eq3A_415 : i1
          %add3A_988 = arith.constant 1 : i32
          %add3A_989 = arith.addi %while3A_392, %add3A_988 : i32
          %select_n3A_990 = arith.select %or3A_987, %add3A_989, %while3A_392 : i32
          %get3A_991 = arith.constant 0 : index
          %get3A_992 = arith.index_cast %add3A_419 : i32 to index
          %get3A_993 = memref.load %arg0[%get3A_991, %get3A_992] : memref<2x24xi32, #tpu.memory_space<smem>>
          %get3A_994 = arith.constant 0 : index
          %get3A_995 = arith.index_cast %add3A_457 : i32 to index
          %get3A_996 = memref.load %arg0[%get3A_994, %get3A_995] : memref<2x24xi32, #tpu.memory_space<smem>>
          %ne3A_997 = arith.cmpi ne, %get3A_993, %get3A_996 : i32
          %ne3A_998 = arith.cmpi ne, %add3A_417, %add3A_455 : i32
          %or3A_999 = arith.constant false
          %or3A_1000 = arith.ori %or3A_999, %ne3A_997 : i1
          %or3A_1001 = arith.ori %or3A_1000, %ne3A_998 : i1
          %or3A_1002 = arith.constant false
          %or3A_1003 = arith.ori %or3A_1001, %or3A_1002 : i1
          %or3A_1004 = arith.ori %or3A_1003, %eq3A_415 : i1
          %add3A_1005 = arith.constant 1 : i32
          %add3A_1006 = arith.addi %while3A_394, %add3A_1005 : i32
          %select_n3A_1007 = arith.select %or3A_1004, %add3A_1006, %while3A_394 : i32
          %get3A_1008 = arith.constant 0 : index
          %get3A_1009 = arith.index_cast %add3A_419 : i32 to index
          %get3A_1010 = memref.load %arg0[%get3A_1008, %get3A_1009] : memref<2x24xi32, #tpu.memory_space<smem>>
          %get3A_1011 = arith.constant 0 : index
          %get3A_1012 = arith.index_cast %add3A_457 : i32 to index
          %get3A_1013 = memref.load %arg0[%get3A_1011, %get3A_1012] : memref<2x24xi32, #tpu.memory_space<smem>>
          %ne3A_1014 = arith.cmpi ne, %get3A_1010, %get3A_1013 : i32
          %ne3A_1015 = arith.cmpi ne, %add3A_417, %add3A_455 : i32
          %or3A_1016 = arith.constant false
          %or3A_1017 = arith.ori %or3A_1016, %ne3A_1014 : i1
          %or3A_1018 = arith.ori %or3A_1017, %ne3A_1015 : i1
          %or3A_1019 = arith.constant false
          %or3A_1020 = arith.ori %or3A_1018, %or3A_1019 : i1
          %or3A_1021 = arith.ori %or3A_1020, %eq3A_415 : i1
          %add3A_1022 = arith.constant 1 : i32
          %add3A_1023 = arith.addi %while3A_398, %add3A_1022 : i32
          %select_n3A_1024 = arith.select %or3A_1021, %add3A_1023, %while3A_398 : i32
          %get3A_1025 = arith.constant 0 : index
          %get3A_1026 = arith.index_cast %add3A_419 : i32 to index
          %get3A_1027 = memref.load %arg0[%get3A_1025, %get3A_1026] : memref<2x24xi32, #tpu.memory_space<smem>>
          %get3A_1028 = arith.constant 0 : index
          %get3A_1029 = arith.index_cast %add3A_457 : i32 to index
          %get3A_1030 = memref.load %arg0[%get3A_1028, %get3A_1029] : memref<2x24xi32, #tpu.memory_space<smem>>
          %ne3A_1031 = arith.cmpi ne, %get3A_1027, %get3A_1030 : i32
          %ne3A_1032 = arith.cmpi ne, %add3A_417, %add3A_455 : i32
          %or3A_1033 = arith.constant false
          %or3A_1034 = arith.ori %or3A_1033, %ne3A_1031 : i1
          %or3A_1035 = arith.constant false
          %or3A_1036 = arith.ori %or3A_1034, %or3A_1035 : i1
          %or3A_1037 = arith.ori %or3A_1036, %ne3A_1032 : i1
          %or3A_1038 = arith.ori %or3A_1037, %eq3A_415 : i1
          %add3A_1039 = arith.constant 1 : i32
          %add3A_1040 = arith.addi %while3A_402, %add3A_1039 : i32
          %select_n3A_1041 = arith.select %or3A_1038, %add3A_1040, %while3A_402 : i32
          %add3A_1042 = arith.constant 1 : i32
          %add3A_1043 = arith.addi %while3A_408, %add3A_1042 : i32
          %select_n3A_1044 = arith.constant true
          %select_n3A_1045 = arith.select %select_n3A_1044, %add3A_1043, %while3A_408 : i32
          %eq3A_1046 = arith.cmpi eq, %select_n3A_1045, %get3A_1 : i32
          %select_n3A_1047 = arith.constant 0 : i32
          %select_n3A_1048 = arith.select %eq3A_1046, %select_n3A_1047, %select_n3A_1045 : i32
          %add3A_1049 = arith.constant 1 : i32
          %add3A_1050 = arith.addi %while3A_407, %add3A_1049 : i32
          %select_n3A_1051 = arith.select %eq3A_1046, %add3A_1050, %while3A_407 : i32
          %eq3A_1052 = arith.constant 4 : i32
          %eq3A_1053 = arith.cmpi eq, %select_n3A_1051, %eq3A_1052 : i32
          %select_n3A_1054 = arith.constant 0 : i32
          %select_n3A_1055 = arith.select %eq3A_1053, %select_n3A_1054, %select_n3A_1051 : i32
          scf.yield %select_n3A_509, %select_n3A_990, %while3A_546#4, %select_n3A_1007, %while3A_546#0, %while3A_546#1, %while3A_583#4, %select_n3A_1024, %while3A_583#0, %while3A_583#1, %while3A_620#4, %select_n3A_1041, %while3A_620#0, %while3A_620#1, %select_n3A_881, %select_n3A_981, %select_n3A_1055, %select_n3A_1048 : i32, i32, i32, i32, i32, i32, i32, i32, i32, i32, i32, i32, i32, i32, i32, i32, i32, i32
        }
        %sub3A_272 = arith.constant 1 : i32
        %sub3A_273 = arith.subi %while3A_271#17, %sub3A_272 : i32
        %select_n3A_274 = arith.constant true
        %select_n3A_275 = arith.select %select_n3A_274, %sub3A_273, %while3A_271#17 : i32
        %eq3A_276 = arith.constant -1 : i32
        %eq3A_277 = arith.cmpi eq, %select_n3A_275, %eq3A_276 : i32
        %sub3A_278 = arith.constant 1 : i32
        %sub3A_279 = arith.subi %get3A_1, %sub3A_278 : i32
        %select_n3A_280 = arith.select %eq3A_277, %sub3A_279, %select_n3A_275 : i32
        %sub3A_281 = arith.constant 1 : i32
        %sub3A_282 = arith.subi %while3A_271#16, %sub3A_281 : i32
        %select_n3A_283 = arith.select %eq3A_277, %sub3A_282, %while3A_271#16 : i32
        %eq3A_284 = arith.constant -1 : i32
        %eq3A_285 = arith.cmpi eq, %select_n3A_283, %eq3A_284 : i32
        %select_n3A_286 = arith.constant 3 : i32
        %select_n3A_287 = arith.select %eq3A_285, %select_n3A_286, %select_n3A_283 : i32
        %sub3A_288 = arith.constant 1 : i32
        %sub3A_289 = arith.subi %mul3A_2, %sub3A_288 : i32
        %mul3A_290 = arith.constant 4 : i32
        %mul3A_291 = arith.muli %mul3A_290, %get3A_1 : i32
        %eq3A_292 = arith.constant 0 : i32
        %eq3A_293 = arith.cmpi eq, %sub3A_289, %eq3A_292 : i32
        %sub3A_294 = arith.constant 1 : i32
        %sub3A_295 = arith.subi %mul3A_291, %sub3A_294 : i32
        %eq3A_296 = arith.cmpi eq, %sub3A_289, %sub3A_295 : i32
        %add3A_297 = arith.constant 0 : i32
        %add3A_298 = arith.addi %select_n3A_287, %add3A_297 : i32
        %add3A_299 = arith.constant 0 : i32
        %add3A_300 = arith.addi %select_n3A_280, %add3A_299 : i32
        %sub3A_301 = arith.constant 1 : i32
        %sub3A_302 = arith.subi %select_n3A_280, %sub3A_301 : i32
        %select_n3A_303 = arith.constant true
        %select_n3A_304 = arith.select %select_n3A_303, %sub3A_302, %select_n3A_280 : i32
        %eq3A_305 = arith.constant -1 : i32
        %eq3A_306 = arith.cmpi eq, %select_n3A_304, %eq3A_305 : i32
        %sub3A_307 = arith.constant 1 : i32
        %sub3A_308 = arith.subi %get3A_1, %sub3A_307 : i32
        %select_n3A_309 = arith.select %eq3A_306, %sub3A_308, %select_n3A_304 : i32
        %sub3A_310 = arith.constant 1 : i32
        %sub3A_311 = arith.subi %select_n3A_287, %sub3A_310 : i32
        %select_n3A_312 = arith.select %eq3A_306, %sub3A_311, %select_n3A_287 : i32
        %eq3A_313 = arith.constant -1 : i32
        %eq3A_314 = arith.cmpi eq, %select_n3A_312, %eq3A_313 : i32
        %select_n3A_315 = arith.constant 3 : i32
        %select_n3A_316 = arith.select %eq3A_314, %select_n3A_315, %select_n3A_312 : i32
        %add3A_317 = arith.constant 0 : i32
        %add3A_318 = arith.addi %select_n3A_316, %add3A_317 : i32
        %add3A_319 = arith.constant 0 : i32
        %add3A_320 = arith.addi %select_n3A_309, %add3A_319 : i32
        %add3A_321 = arith.constant 1 : i32
        %add3A_322 = arith.addi %select_n3A_280, %add3A_321 : i32
        %select_n3A_323 = arith.constant true
        %select_n3A_324 = arith.select %select_n3A_323, %add3A_322, %select_n3A_280 : i32
        %eq3A_325 = arith.cmpi eq, %select_n3A_324, %get3A_1 : i32
        %select_n3A_326 = arith.constant 0 : i32
        %select_n3A_327 = arith.select %eq3A_325, %select_n3A_326, %select_n3A_324 : i32
        %add3A_328 = arith.constant 1 : i32
        %add3A_329 = arith.addi %select_n3A_287, %add3A_328 : i32
        %select_n3A_330 = arith.select %eq3A_325, %add3A_329, %select_n3A_287 : i32
        %eq3A_331 = arith.constant 4 : i32
        %eq3A_332 = arith.cmpi eq, %select_n3A_330, %eq3A_331 : i32
        %select_n3A_333 = arith.constant 0 : i32
        %select_n3A_334 = arith.select %eq3A_332, %select_n3A_333, %select_n3A_330 : i32
        %add3A_335 = arith.constant 0 : i32
        %add3A_336 = arith.addi %select_n3A_334, %add3A_335 : i32
        %add3A_337 = arith.constant 0 : i32
        %add3A_338 = arith.addi %select_n3A_327, %add3A_337 : i32
        %add3A_339 = arith.constant 1 : i32
        %add3A_340 = arith.addi %select_n3A_327, %add3A_339 : i32
        %select_n3A_341 = arith.constant true
        %select_n3A_342 = arith.select %select_n3A_341, %add3A_340, %select_n3A_327 : i32
        %eq3A_343 = arith.cmpi eq, %select_n3A_342, %get3A_1 : i32
        %select_n3A_344 = arith.constant 0 : i32
        %select_n3A_345 = arith.select %eq3A_343, %select_n3A_344, %select_n3A_342 : i32
        %add3A_346 = arith.constant 1 : i32
        %add3A_347 = arith.addi %select_n3A_334, %add3A_346 : i32
        %select_n3A_348 = arith.select %eq3A_343, %add3A_347, %select_n3A_334 : i32
        %eq3A_349 = arith.constant 4 : i32
        %eq3A_350 = arith.cmpi eq, %select_n3A_348, %eq3A_349 : i32
        %select_n3A_351 = arith.constant 0 : i32
        %select_n3A_352 = arith.select %eq3A_350, %select_n3A_351, %select_n3A_348 : i32
        %add3A_353 = arith.constant 0 : i32
        %add3A_354 = arith.addi %select_n3A_352, %add3A_353 : i32
        %add3A_355 = arith.constant 0 : i32
        %add3A_356 = arith.addi %select_n3A_345, %add3A_355 : i32
        %add3A_357 = arith.constant 1 : i32
        %add3A_358 = arith.addi %select_n3A_345, %add3A_357 : i32
        %select_n3A_359 = arith.constant true
        %select_n3A_360 = arith.select %select_n3A_359, %add3A_358, %select_n3A_345 : i32
        %eq3A_361 = arith.cmpi eq, %select_n3A_360, %get3A_1 : i32
        %select_n3A_362 = arith.constant 0 : i32
        %select_n3A_363 = arith.select %eq3A_361, %select_n3A_362, %select_n3A_360 : i32
        %add3A_364 = arith.constant 1 : i32
        %add3A_365 = arith.addi %select_n3A_352, %add3A_364 : i32
        %select_n3A_366 = arith.select %eq3A_361, %add3A_365, %select_n3A_352 : i32
        %eq3A_367 = arith.constant 4 : i32
        %eq3A_368 = arith.cmpi eq, %select_n3A_366, %eq3A_367 : i32
        %select_n3A_369 = arith.constant 0 : i32
        %select_n3A_370 = arith.select %eq3A_368, %select_n3A_369, %select_n3A_366 : i32
        %add3A_371 = arith.constant 0 : i32
        %add3A_372 = arith.addi %select_n3A_370, %add3A_371 : i32
        %add3A_373 = arith.constant 0 : i32
        %add3A_374 = arith.addi %select_n3A_363, %add3A_373 : i32
        %convert_element_type3A_375 = arith.extui %eq3A_296 : i1 to i32
        %cond3A_376 = arith.constant 0 : i32
        %cond3A_377 = arith.cmpi ne, %convert_element_type3A_375, %cond3A_376 : i32
        scf.if %cond3A_377 {
        } else {
        }
        %convert_element_type3A_378 = arith.extui %eq3A_296 : i1 to i32
        %cond3A_379 = arith.constant 0 : i32
        %cond3A_380 = arith.cmpi ne, %convert_element_type3A_378, %cond3A_379 : i32
        scf.if %cond3A_380 {
        } else {
        }
        %convert_element_type3A_381 = arith.extui %eq3A_296 : i1 to i32
        %cond3A_382 = arith.constant 0 : i32
        %cond3A_383 = arith.cmpi ne, %convert_element_type3A_381, %cond3A_382 : i32
        scf.if %cond3A_383 {
        } else {
        }
        %convert_element_type3A_384 = arith.extui %eq3A_296 : i1 to i32
        %cond3A_385 = arith.constant 0 : i32
        %cond3A_386 = arith.cmpi ne, %convert_element_type3A_384, %cond3A_385 : i32
        scf.if %cond3A_386 {
        } else {
        }
        %convert_element_type3A_387 = arith.extui %eq3A_296 : i1 to i32
        %cond3A_388 = arith.constant 0 : i32
        %cond3A_389 = arith.cmpi ne, %convert_element_type3A_387, %cond3A_388 : i32
        scf.if %cond3A_389 {
          "tpu.trace_start"() <{level = 10 : i32, message = "ep_finalize"}> : () -> ()
          %rem3A_390 = arith.constant 2 : i32
          %rem3A_391 = arith.remui %while3A_271#15, %rem3A_390 : i32
          %eq3A_392 = arith.constant 3 : i32
          %eq3A_393 = arith.cmpi eq, %add3A_298, %eq3A_392 : i32
          %jit3A = arith.constant 0 : i32
          %select_n3A_394 = arith.select %eq3A_393, %add3A_300, %jit3A : i32
          %mul3A_395 = arith.constant 256 : i32
          %mul3A_396 = arith.muli %mul3A_395, %select_n3A_394 : i32
          %dma_wait3A = tpu.memref_slice %run_scoped3A_11[%rem3A_391] : memref<2x!tpu.dma_semaphore, #tpu.memory_space<semaphore_mem>> -> memref<1x!tpu.dma_semaphore, #tpu.memory_space<semaphore_mem>>
          %dma_wait3A_397 = tpu.memref_squeeze %dma_wait3A : memref<1x!tpu.dma_semaphore, #tpu.memory_space<semaphore_mem>> -> memref<!tpu.dma_semaphore, #tpu.memory_space<semaphore_mem>>
          %dma_wait3A_398 = arith.constant 0 : i32
          %dma_wait3A_399 = tpu.memref_slice %arg5[%mul3A_396, %dma_wait3A_398] : memref<6144x1024xf32, #tpu.memory_space<any>> -> memref<256x1024xf32, #tpu.memory_space<any>>
          %dma_wait3A_400 = arith.constant 0 : i32
          %dma_wait3A_401 = arith.constant 0 : i32
          %dma_wait3A_402 = tpu.memref_slice %run_scoped3A_10[%rem3A_391, %dma_wait3A_400, %dma_wait3A_401] : memref<2x256x1024xf32, #tpu.memory_space<vmem>> -> memref<1x256x1024xf32, #tpu.memory_space<vmem>>
          %dma_wait3A_403 = tpu.memref_squeeze %dma_wait3A_402 : memref<1x256x1024xf32, #tpu.memory_space<vmem>> -> memref<256x1024xf32, #tpu.memory_space<vmem>>
          tpu.wait_dma2 semaphore(%dma_wait3A_397 : memref<!tpu.dma_semaphore, #tpu.memory_space<semaphore_mem>>) src(%dma_wait3A_403 : memref<256x1024xf32, #tpu.memory_space<vmem>>) dst(%dma_wait3A_399 : memref<256x1024xf32, #tpu.memory_space<any>>)
          "tpu.trace_stop"() : () -> ()
        } else {
        }
      } else {
      }
      tpu.yield
    }) : () -> ()
    return
  }
}

</mosaic_0001>

<sc_bundles>
// kernel: kernel.6.cloned.1.call-start
scs
__scs_entry_jumppad:
0x0: {  	(pc) =	sbr.rel $0x88, $3  }
0x1: {  	(tag) =	ssettag $0x0;
	lr =	simm.s32 $0x1  }
0x2: {  	[smem:$0x3F9C] =	sst lr;
	_ =	strace $0xD0000000  }
0x3: {  	_ = 	snop  }
0x4: {  	_ = 	snop  }
0x5: {  	_ = 	snop  }
0x6: {  	_ = 	snop  }
0x7: {  	_ = 	snop  }
__scs_overlays_trampoline_lowered:
0x8: {  	[smem:$0x3FAB] =	sst s0  }
0x9: {  	[smem:$0x3FAC] =	sst s1  }
0xa: {  	[smem:$0x3FAD] =	sst s2  }
0xb: {  	[smem:$0x3FAE] =	sst s3  }
0xc: {  	[smem:$0x3FAF] =	sst s4  }
0xd: {  	[smem:$0x3FB0] =	sst s5  }
0xe: {  	[smem:$0x3FB1] =	sst s6  }
0xf: {  	[smem:$0x3FB2] =	sst s7  }
0x10: {  	[smem:$0x3FB3] =	sst s8  }
0x11: {  	[smem:$0x3FB4] =	sst s9;
	s0 =	simm.s32 @!p0 $0x0  }
0x12: {  	s1 =	sld [smem:$0x3F9A];
	s0 =	simm.s32 @p0 $0x1  }
0x13: {  	[smem:$0x3FB5] =	sst s0;
	s0 =	simm.s32 @!p1 $0x0  }
0x14: {  	s2 =	sld [smem:$0x3F99];
	s0 =	simm.s32 @p1 $0x1  }
0x15: {  	[smem:$0x3FB6] =	sst s0;
	s0 =	simm.s32 @!p2 $0x0  }
0x16: {  	s3 =	sld [smem:$0x3FDB];
	s0 =	simm.s32 @p2 $0x1  }
0x17: {  	s4 =	simm.s32 $0x1BF5;
	[smem:$0x3FB8] =	sst s0  }
0x18: {  	s0 =	sld [smem:$0x3F9B];
	_ =	swait.ge [sflag:s4], $0x0  }
0x19: {  	s7 =	sld [smem:$0x3F9C]  }
0x1a: {  	s8 =	sadd.s32 $0xFFFFE003, lr  }
0x1b: {  	s9 =	sadd.s32 $0xFFFFFEF7, lr;
	s5 =	simm.s32 $0xFFFFFFFF;
	p2 =	slt.u32 s8, $0xFFFFF086  }
0x1c: {  	p1 =	slt.u32 s9, $0xF7A;
	s5 =	simm.s32 @!p2 $0x0  }
0x1d: {  	s5 =	simm.s32 @p1 $0x1;
	p0 =	seq.s32 s7, s2  }
0x1e: {  	s7 =	smul.u32 @!p0 $0xF7A, s2;
	p2 =	seq.s32 @!p0 s5, $0x0  }
0x1f: {  	s9 =	smul.u32 $0xF7A, s1;
	s8 =	simm.s32 @!p0 $0x1BF5;
	p2 =	por !p2, p0  }
0x20: {  	[sflag:s8] =	ssyncset.s32 @!p0 $0xFFFFF086;
	s6 =	sadd.s32 @!p0 s3, s7;
	s7 =	simm.s32 @!p0 $0x108  }
0x21: {  	s3 =	sadd.s32 s3, s9;
	s6 =	sadd.s32 @!p0 $0x88, s6;
	s7 =	simm.s32 @p2 $0x1082  }
0x22: {  	[simem:s7], [sflag:s8] =	dma.local @!p0 [hbm:s6], $0xF7A  }
0x23: {  	s9 =	sor.u32 $0xD0000000, s2;
	s6 =	simm.s32 $0x108;
	_ =	swait.ge @!p0 [sflag:s8], $0x0  }
0x24: {  	s3 =	sadd.s32 $0x88, s3;
	s6 =	simm.s32 @!p1 $0x1082;
	[sflag:s4] =	ssyncset.s32 $0xFFFFF086  }
0x25: {  	[simem:s6], [sflag:s4] =	dma.local [hbm:s3], $0xF7A  }
0x26: {  	[smem:$0x3F9C] =	sst s1;
	(tag) =	ssettag s2;
	_ =	strace s9  }
0x27: {  	s1 =	sld [smem:$0x3FAC]  }
0x28: {  	s2 =	sld [smem:$0x3FAD]  }
0x29: {  	s4 =	sld [smem:$0x3FAF]  }
0x2a: {  	p0 =	seq.s32 s5, $0x0;
	s5 =	sld [smem:$0x3FB0]  }
0x2b: {  	s6 =	sld [smem:$0x3FB1]  }
0x2c: {  	s7 =	sld [smem:$0x3FB2]  }
0x2d: {  	s3 =	simm.s32 $0x108;
	s8 =	sld [smem:$0x3FB3]  }
0x2e: {  	s3 =	simm.s32 @!p0 $0x1082;
	s9 =	sld [smem:$0x3FB4]  }
0x2f: {  	lr =	sadd.s32 s0, s3;
	s0 =	sld [smem:$0x3FAB]  }
0x30: {  	s3 =	sld [smem:$0x3FAE]  }
0x31: {  	[smem:$0x3FB7] =	sst s10  }
0x32: {  	s10 =	sld [smem:$0x3FB5];
	_ =	sdelay $0x3  }
0x33: {  	p0 =	seq.s32 s10, $0x1;
	s10 =	sld [smem:$0x3FB7];
	_ =	sdelay $0x3  }
0x34: {  	[smem:$0x3FB7] =	sst s10  }
0x35: {  	s10 =	sld [smem:$0x3FB6];
	_ =	sdelay $0x3  }
0x36: {  	p1 =	seq.s32 s10, $0x1;
	s10 =	sld [smem:$0x3FB7];
	_ =	sdelay $0x3  }
0x37: {  	[smem:$0x3FB7] =	sst s10  }
0x38: {  	s10 =	sld [smem:$0x3FB8]  }
0x39: {  	_ = 	snop;
	(pc) =	sbr.ind lr, $3  }
0x3a: {  	_ = 	snop  }
0x3b: {  	_ = 	snop  }
0x3c: {  	p2 =	seq.s32 s10, $0x1;
	s10 =	sld [smem:$0x3FB7]  }
0x3d: {  	_ =	shalt  }
0x3e: {  	_ =	shalt  }
0x3f: {  	_ =	shalt  }
0x40: {  	_ =	shalt  }
0x41: {  	_ =	shalt  }
0x42: {  	_ =	shalt  }
0x43: {  	_ =	shalt  }
0x44: {  	_ =	shalt  }
0x45: {  	_ =	shalt  }
0x46: {  	_ =	shalt  }
0x47: {  	_ =	shalt  }
0x48: {  	_ =	shalt  }
0x49: {  	_ =	shalt  }
0x4a: {  	_ =	shalt  }
0x4b: {  	_ =	shalt  }
0x4c: {  	_ =	shalt  }
0x4d: {  	_ =	shalt  }
0x4e: {  	_ =	shalt  }
0x4f: {  	_ =	shalt  }
0x50: {  	_ =	shalt  }
0x51: {  	_ =	shalt  }
0x52: {  	_ =	shalt  }
0x53: {  	_ =	shalt  }
0x54: {  	_ =	shalt  }
0x55: {  	_ =	shalt  }
0x56: {  	_ =	shalt  }
0x57: {  	_ =	shalt  }
0x58: {  	_ =	shalt  }
0x59: {  	_ =	shalt  }
0x5a: {  	_ =	shalt  }
0x5b: {  	_ =	shalt  }
0x5c: {  	_ =	shalt  }
0x5d: {  	_ =	shalt  }
0x5e: {  	_ =	shalt  }
0x5f: {  	_ =	shalt  }
0x60: {  	_ =	shalt  }
0x61: {  	_ =	shalt  }
0x62: {  	_ =	shalt  }
0x63: {  	_ =	shalt  }
0x64: {  	_ =	shalt  }
0x65: {  	_ =	shalt  }
0x66: {  	_ =	shalt  }
0x67: {  	_ =	shalt  }
0x68: {  	_ =	shalt  }
0x69: {  	_ =	shalt  }
0x6a: {  	_ =	shalt  }
0x6b: {  	_ =	shalt  }
0x6c: {  	_ =	shalt  }
0x6d: {  	_ =	shalt  }
0x6e: {  	_ =	shalt  }
0x6f: {  	_ =	shalt  }
0x70: {  	_ =	shalt  }
0x71: {  	_ =	shalt  }
0x72: {  	_ =	shalt  }
0x73: {  	_ =	shalt  }
0x74: {  	_ =	shalt  }
0x75: {  	_ =	shalt  }
0x76: {  	_ =	shalt  }
0x77: {  	_ =	shalt  }
0x78: {  	_ =	shalt  }
0x79: {  	_ =	shalt  }
0x7a: {  	_ =	shalt  }
0x7b: {  	_ =	shalt  }
0x7c: {  	_ =	shalt  }
0x7d: {  	_ =	shalt  }
0x7e: {  	_ =	shalt  }
0x7f: {  	_ =	shalt  }
0x80: {  	_ =	shalt  }
0x81: {  	_ =	shalt  }
0x82: {  	_ =	shalt  }
0x83: {  	_ =	shalt  }
0x84: {  	_ =	shalt  }
0x85: {  	_ =	shalt  }
0x86: {  	_ =	shalt  }
0x87: {  	_ =	shalt  }
.Lfunc_end0:
.L_simem_size_0:
called_computation_lowered:
.L_overlay_start_0:
0x88: {  	s2 =	sld [smem:$0x3FD9]  }
0x89: {  	s3 =	sld [smem:$0x3FFE];
	_ =	sdelay $0x1  }
0x8a: {  	s1 =	srdreg.scid  }
0x8b: {  	s0 =	sand.u32 $0x1, s1  }
0x8c: {  	s17 =	sshll.u32 s0, $0xA;
	s2 =	sadd.s32 s3, s2  }
0x8d: {  	s2 =	sadd.s32 s2, s17  }
0x8e: {  	[smem:$0x3FC3] =	sst s2  }
0x8f: {  	_ = 	snop  }
0x90: {  	s2 =	sld [smem:$0x3FC9];
	(tm) =	ssettm $0x1  }
0x91: {  	s18 =	sld [smem:$0x3FFB];
	_ =	sdelay $0x3  }
0x92: {  	_ =	strace s18  }
0x93: {  	s3 =	sld [smem:$0x3FFC];
	_ =	sdelay $0x3  }
0x94: {  	_ =	strace s3  }
0x95: {  	s3 =	sld [smem:$0x3FFD];
	_ =	sdelay $0x3  }
0x96: {  	_ =	strace s3  }
0x97: {  	_ =	strace $0x8FFFFFFF  }
0x98: {  	s19 =	sld [smem:$0x3FDB];
	_ =	sdelay $0x1  }
0x99: {  	s4 =	simm.s32 $_scs_section_size  }
0x9a: {  	s5 =	simm.s32 $_size__tile_overlayer_lowered;
	s6 =	simm.s32 $_tile_overlayer_lowered  }
0x9b: {  	s22 =	simm.s32 $0x1BFF;
	s21 =	sshll.u32 s6, $0x1;
	s3 =	sadd.s32 s4, s19  }
0x9c: {  	s7 =	simm.s32 $0x0;
	s20 =	sshll.u32 s5, $0x1;
	s5 =	sadd.s32 s21, s3  }
0x9d: {  	[timem:s7], [sflag:s22] =	dma.local [hbm:s5], s20  }
0x9e: {  	_ =	swait.ge [sflag:s22], s20  }
0x9f: {  	s4 =	ssub.s32 $0x0, s20;
	[sflag:s22] =	ssyncset.done $0x0  }
0xa0: {  	[sflag:s22] =	ssyncadd.s32 s4;
	_ =	sdelay $0x1  }
0xa1: {  	s23 =	simm.s32 $0x1B8B  }
0xa2: {  	_ =	swait.ge [sflag:s23], $0x1  }
0xa3: {  	[sflag:s23] =	ssyncset.done $0x0  }
0xa4: {  	s25 =	simm.s32 $0x1B8E;
	s24 =	sld [smem:$0x3FFE];
	[sflag:s23] =	ssyncadd.s32 $0xFFFFFFFF  }
0xa5: {  	s26 =	simm.s32 $execute0_lowered;
	[smem:$0x3FD2] =	sst s25  }
0xa6: {  	s5 =	sshll.u32 s26, $0x1;
	_ =	strace $0x80000046;
	[dreg:$0x1] =	wrdreg $0xFFFFFFFF  }
0xa7: {  	s28 =	simm.s32 $_size_execute0_lowered;
	s3 =	sadd.s32 s3, s5;
	[dreg:$0x0] =	wrdreg $0x0  }
0xa8: {  	s5 =	sshll.u32 s28, $0x1;
	[dreg:$0x2] =	wrdreg s3  }
0xa9: {  	[dreg:$0x3] =	wrdreg s5  }
0xaa: {  	[dreg:$0x4] =	wrdreg $0xC0  }
0xab: {  	_ =	task [dreg:s7], $0x5FFFF  }
0xac: {  	[dreg:$0x1] =	wrdreg $0xFFFFFFFF  }
0xad: {  	[dreg:$0x0] =	wrdreg $0x60  }
0xae: {  	[dreg:$0x2] =	wrdreg s2  }
0xaf: {  	[dreg:$0x3] =	wrdreg s24  }
0xb0: {  	[dreg:$0x4] =	wrdreg $0x9  }
0xb1: {  	_ =	task.clear_ibuf [dreg:s7], $0x5FFFF;
	_ =	strace $0x90000046  }
0xb2: {  	s29 =	simm.s32 $0x9;
	_ =	strace $0x80000048  }
0xb3: {  	_ =	swait.ge [sflag:s29], $0x1  }
0xb4: {  	[sflag:s29] =	ssyncadd.s32 $0xFFFFFFFF  }
0xb5: {  	_ =	strace $0x90000048  }
0xb6: {  	_ =	sfence  }
0xb7: {  	s30 =	sld [smem:$0x0];
	_ =	sdelay $0x2  }
0xb8: {  	s31 =	sshll.u32 s1, $0xD;
	s1 =	sshrl.u32 s1, $0x2  }
0xb9: {  	s3 =	sand.u32 $0x4000, s31;
	s1 =	sadd.s32 s1, s30  }
0xba: {  	s0 =	sor.u32 s3, s0;
	s1 =	sshll.u32 s1, $0x11  }
0xbb: {  	s0 =	sor.u32 s1, s0  }
0xbc: {  	s0 =	sadd.s32 $0x8F2B, s0  }
0xbd: {  	[sflag:s0] =	ssyncadd.remote.s32 $0x1  }
0xbe: {  	_ =	sfence.sel $0xFFFF  }
0xbf: {  	[dreg:$0x0] =	wrdreg $0xFFFFFFFF;
	(pc) =	sbr.abs _section_cstart, $3  }
0xc0: {  	[dreg:$0x1] =	wrdreg $0xFFFFFFFF  }
0xc1: {  	_ =	task.clear_ibuf [dreg:s7], $0x2FFFF;
	_ =	strace $0x9FFFFFFF  }
0xc2: {  	(tm) =	ssettm $0x7FFFFFFF  }
0xc3: {  	_ =	shalt  }
tec
execute0_lowered:
.L_overlay_start_1:
0x0: {  	(tag) =	ssettag $0x1  }
0x1: {  	s0 =	srdreg.scid  }
0x2: {  	s1 =	rddreg [dreg:$0x0];
	s2 =	stileid.u32  }
0x3: {  	s6 =	rddreg [dreg:$0x1];
	s26 =	simm.s32 $0x80;
	s8 =	simm.s32 $0x2  }
0x4: {  	s18 =	simm.s32 $0x100;
	s21 =	simm.s32 $0x1900;
	s22 =	simm.s32 $0x2100  }
0x5: {  	s23 =	simm.s32 $0x2900;
	s24 =	simm.s32 $0x3100;
	s28 =	simm.s32 $0x4900  }
0x6: {  	s29 =	simm.s32 $0x5100;
	s30 =	simm.s32 $0x5900;
	s31 =	simm.s32 $0x6100  }
0x7: {  	s10 =	simm.s32 $0x7900;
	s11 =	simm.s32 $0x8100;
	s12 =	simm.s32 $0x8900  }
0x8: {  	s13 =	simm.s32 $0x9100;
	s14 =	simm.s32 $0x9900;
	s15 =	simm.s32 $0xA100  }
0x9: {  	s16 =	simm.s32 $0xA900;
	s17 =	simm.s32 $0xB100;
	s9 =	simm.s32 $0xB900  }
0xa: {  	s0 =	sand.u32 $0x1, s0;
	s3 =	sshll.u32 s2, $0x7;
	s2 =	simm.s32 $0x0  }
0xb: {  	s4 =	sshll.u32 s0, $0x6;
	[smem:$0x7FF] =	sst s2;
	s0 =	ssub.s32 $0x2, s0  }
0xc: {  	s4 =	sor.u32 s4, s3;
	_ =	strace $0x80000047;
	s25 =	sshrl.u32 s0, $0x1  }
0xd: {  	[dreg:$0x6] =	wrdreg s26;
	s3 =	sshrl.u32 s4, $0x3;
	s4 =	sshll.u32 s4, $0x7  }
0xe: {  	s26 =	simm.s32 $0x4100;
	s5 =	sadd.s32 s3, s6;
	s1 =	sadd.s32 s1, s4  }
0xf: {  	s0 =	ssub.s32 s0, s25;
	s7 =	sadd.s32 $0x10A00, s5;
	[dreg:$0x5] =	wrdreg s1  }
0x10: {  	v2 =	vlaneseq.u32;
	s25 =	simm.s32 $0x3900;
	s5 =	sadd.s32 $0x10C00, s5;
	[dreg:$0x3] =	wrdreg s7  }
0x11: {  	vm0 =	vmmov $0xffff;
	v1 =	vshrl.u32 v2, $0x3;
	s3 =	sadd.s32 $0x10E00, s6;
	s4 =	sadd.s32 $0x10F00, s6;
	[dreg:$0x4] =	wrdreg s5  }
0x12: {  	v0 =	vand.u32 $0x7, v2;
	v2 =	vor.u32 $0x8, v2;
	v1 =	vmul.u32 $0x8, v1;
	s5 =	sadd.s32 $0x11000, s6;
	s6 =	sadd.s32 $0x11100, s6;
	s7 =	smax.u32 s0, $0x1  }
.LBB2_1:
0x13: {  	s19 =	rddreg [dreg:$0x3]  }
0x14: {  	[tilespmem:s2], [sflag:$0x2] =	stream.linear.gather [hbm4b:s19+s2], $0x40, $0x38;
	[tilespmem:$0x10100] =	vst v63  }
0x15: {  	_ =	swait.ge [sflag:s8], $0x40  }
0x16: {  	s0 =	rddreg [dreg:$0x4];
	[sflag:s8] =	ssyncset.done $0x0  }
0x17: {  	s20 =	rddreg [dreg:$0x6];
	[sflag:s8] =	ssyncadd.s32 $0xFFFFFFC0  }
0x18: {  	[tilespmem:s20], [sflag:$0x2] =	stream.linear.gather [hbm4b:s0+s2], $0x40, $0x38;
	[tilespmem:$0x10100] =	vst v63  }
0x19: {  	_ =	swait.ge [sflag:s8], $0x40  }
0x1a: {  	[sflag:s8] =	ssyncset.done $0x0  }
0x1b: {  	s1 =	rddreg [dreg:$0x5];
	[sflag:s8] =	ssyncadd.s32 $0xFFFFFFC0  }
0x1c: {  	[tilespmem:s18], [sflag:$0x2] =	stream.linear.gather [hbm4b:s1+s2], $0x10000, $0x38;
	[tilespmem:$0x10100] =	vst v63  }
0x1d: {  	_ =	swait.ge [sflag:s8], $0x10000  }
0x1e: {  	[sflag:s8] =	ssyncset.done $0x0  }
0x1f: {  	[sflag:s8] =	ssyncadd.s32 $0xFFFF0000  }
0x20: {  	v3 =	vld [tilespmem:$0x0];
	_ =	sdelay $0x4  }
0x21: {  	v4 =	vshll.u32 v3, $0x3  }
0x22: {  	v3 =	vand.u32 $0x7, v3;
	v4 =	vand.u32 $0xFFFFFFC0, v4  }
0x23: {  	v3 =	vor.u32 v3, v4  }
0x24: {  	v4 =	vperm.xlane v3, v0;
	_ =	sdelay $0x1  }
0x25: {  	v4 =	vadd.s32 v1, v4;
	_ =	sdelay $0x4  }
0x26: {  	[hbm4b:s3+s2] =	stream.indirect_vreg.scatter [tilespmem:s18], [sflag:$0x1], $0x80, v4, vm0, $0xb8;
	[tilespmem:$0x10100] =	vst v63  }
0x27: {  	s19 =	simm.s32 $0x900;
	v3 =	vperm.xlane v3, v2  }
0x28: {  	[hbm4b:s4+s2] =	stream.indirect_vreg.scatter [tilespmem:s19], [sflag:$0x1], $0x80, v4, vm0, $0xb8;
	[tilespmem:$0x10100] =	vst v63  }
0x29: {  	s20 =	simm.s32 $0x1100;
	v3 =	vadd.s32 v1, v3  }
0x2a: {  	[hbm4b:s5+s2] =	stream.indirect_vreg.scatter [tilespmem:s20], [sflag:$0x1], $0x80, v4, vm0, $0xb8;
	[tilespmem:$0x10100] =	vst v63  }
0x2b: {  	_ = 	snop  }
0x2c: {  	[hbm4b:s6+s2] =	stream.indirect_vreg.scatter [tilespmem:s21], [sflag:$0x1], $0x80, v4, vm0, $0xb8;
	[tilespmem:$0x10100] =	vst v63  }
0x2d: {  	_ = 	snop  }
0x2e: {  	[hbm4b:s3+s2] =	stream.indirect_vreg.scatter [tilespmem:s22], [sflag:$0x1], $0x80, v3, vm0, $0xb8;
	[tilespmem:$0x10100] =	vst v63  }
0x2f: {  	_ = 	snop  }
0x30: {  	[hbm4b:s4+s2] =	stream.indirect_vreg.scatter [tilespmem:s23], [sflag:$0x1], $0x80, v3, vm0, $0xb8;
	[tilespmem:$0x10100] =	vst v63  }
0x31: {  	_ = 	snop  }
0x32: {  	[hbm4b:s5+s2] =	stream.indirect_vreg.scatter [tilespmem:s24], [sflag:$0x1], $0x80, v3, vm0, $0xb8;
	[tilespmem:$0x10100] =	vst v63  }
0x33: {  	_ = 	snop  }
0x34: {  	[hbm4b:s6+s2] =	stream.indirect_vreg.scatter [tilespmem:s25], [sflag:$0x1], $0x80, v3, vm0, $0xb8;
	[tilespmem:$0x10100] =	vst v63  }
0x35: {  	v3 =	vld [tilespmem:$0x10];
	_ =	sdelay $0x4  }
0x36: {  	v57 =	vshll.u32 v3, $0x3  }
0x37: {  	v3 =	vand.u32 $0x7, v3;
	v4 =	vand.u32 $0xFFFFFFC0, v57  }
0x38: {  	v3 =	vor.u32 v3, v4  }
0x39: {  	v4 =	vperm.xlane v3, v0;
	_ =	sdelay $0x1  }
0x3a: {  	v4 =	vadd.s32 v1, v4;
	_ =	sdelay $0x4  }
0x3b: {  	[hbm4b:s3+s2] =	stream.indirect_vreg.scatter [tilespmem:s26], [sflag:$0x1], $0x80, v4, vm0, $0xb8;
	[tilespmem:$0x10100] =	vst v63  }
0x3c: {  	v3 =	vperm.xlane v3, v2  }
0x3d: {  	[hbm4b:s4+s2] =	stream.indirect_vreg.scatter [tilespmem:s28], [sflag:$0x1], $0x80, v4, vm0, $0xb8;
	[tilespmem:$0x10100] =	vst v63  }
0x3e: {  	v3 =	vadd.s32 v1, v3  }
0x3f: {  	[hbm4b:s5+s2] =	stream.indirect_vreg.scatter [tilespmem:s29], [sflag:$0x1], $0x80, v4, vm0, $0xb8;
	[tilespmem:$0x10100] =	vst v63  }
0x40: {  	_ = 	snop  }
0x41: {  	[hbm4b:s6+s2] =	stream.indirect_vreg.scatter [tilespmem:s30], [sflag:$0x1], $0x80, v4, vm0, $0xb8;
	[tilespmem:$0x10100] =	vst v63  }
0x42: {  	_ = 	snop  }
0x43: {  	[hbm4b:s3+s2] =	stream.indirect_vreg.scatter [tilespmem:s31], [sflag:$0x1], $0x80, v3, vm0, $0xb8;
	[tilespmem:$0x10100] =	vst v63  }
0x44: {  	s1 =	simm.s32 $0x6900  }
0x45: {  	[hbm4b:s4+s2] =	stream.indirect_vreg.scatter [tilespmem:s1], [sflag:$0x1], $0x80, v3, vm0, $0xb8;
	[tilespmem:$0x10100] =	vst v63  }
0x46: {  	s0 =	simm.s32 $0x7100  }
0x47: {  	[hbm4b:s5+s2] =	stream.indirect_vreg.scatter [tilespmem:s0], [sflag:$0x1], $0x80, v3, vm0, $0xb8;
	[tilespmem:$0x10100] =	vst v63  }
0x48: {  	_ = 	snop  }
0x49: {  	[hbm4b:s6+s2] =	stream.indirect_vreg.scatter [tilespmem:s10], [sflag:$0x1], $0x80, v3, vm0, $0xb8;
	[tilespmem:$0x10100] =	vst v63  }
0x4a: {  	v3 =	vld [tilespmem:$0x20];
	_ =	sdelay $0x4  }
0x4b: {  	v58 =	vshll.u32 v3, $0x3  }
0x4c: {  	v3 =	vand.u32 $0x7, v3;
	v4 =	vand.u32 $0xFFFFFFC0, v58  }
0x4d: {  	v3 =	vor.u32 v3, v4  }
0x4e: {  	v4 =	vperm.xlane v3, v0;
	_ =	sdelay $0x1  }
0x4f: {  	v4 =	vadd.s32 v1, v4;
	_ =	sdelay $0x4  }
0x50: {  	[hbm4b:s3+s2] =	stream.indirect_vreg.scatter [tilespmem:s11], [sflag:$0x1], $0x80, v4, vm0, $0xb8;
	[tilespmem:$0x10100] =	vst v63  }
0x51: {  	v3 =	vperm.xlane v3, v2  }
0x52: {  	[hbm4b:s4+s2] =	stream.indirect_vreg.scatter [tilespmem:s12], [sflag:$0x1], $0x80, v4, vm0, $0xb8;
	[tilespmem:$0x10100] =	vst v63  }
0x53: {  	v3 =	vadd.s32 v1, v3  }
0x54: {  	[hbm4b:s5+s2] =	stream.indirect_vreg.scatter [tilespmem:s13], [sflag:$0x1], $0x80, v4, vm0, $0xb8;
	[tilespmem:$0x10100] =	vst v63  }
0x55: {  	_ = 	snop  }
0x56: {  	[hbm4b:s6+s2] =	stream.indirect_vreg.scatter [tilespmem:s14], [sflag:$0x1], $0x80, v4, vm0, $0xb8;
	[tilespmem:$0x10100] =	vst v63  }
0x57: {  	_ = 	snop  }
0x58: {  	[hbm4b:s3+s2] =	stream.indirect_vreg.scatter [tilespmem:s15], [sflag:$0x1], $0x80, v3, vm0, $0xb8;
	[tilespmem:$0x10100] =	vst v63  }
0x59: {  	_ = 	snop  }
0x5a: {  	[hbm4b:s4+s2] =	stream.indirect_vreg.scatter [tilespmem:s16], [sflag:$0x1], $0x80, v3, vm0, $0xb8;
	[tilespmem:$0x10100] =	vst v63  }
0x5b: {  	_ = 	snop  }
0x5c: {  	[hbm4b:s5+s2] =	stream.indirect_vreg.scatter [tilespmem:s17], [sflag:$0x1], $0x80, v3, vm0, $0xb8;
	[tilespmem:$0x10100] =	vst v63  }
0x5d: {  	_ = 	snop  }
0x5e: {  	[hbm4b:s6+s2] =	stream.indirect_vreg.scatter [tilespmem:s9], [sflag:$0x1], $0x80, v3, vm0, $0xb8;
	[tilespmem:$0x10100] =	vst v63  }
0x5f: {  	v3 =	vld [tilespmem:$0x30];
	_ =	sdelay $0x4  }
0x60: {  	v59 =	vshll.u32 v3, $0x3  }
0x61: {  	v3 =	vand.u32 $0x7, v3;
	v4 =	vand.u32 $0xFFFFFFC0, v59  }
0x62: {  	v3 =	vor.u32 v3, v4  }
0x63: {  	v4 =	vperm.xlane v3, v0;
	_ =	sdelay $0x1  }
0x64: {  	v4 =	vadd.s32 v1, v4;
	_ =	sdelay $0x3  }
0x65: {  	s0 =	simm.s32 $0xC100  }
0x66: {  	[hbm4b:s3+s2] =	stream.indirect_vreg.scatter [tilespmem:s0], [sflag:$0x1], $0x80, v4, vm0, $0xb8;
	[tilespmem:$0x10100] =	vst v63  }
0x67: {  	v3 =	vperm.xlane v3, v2;
	s0 =	simm.s32 $0xC900  }
0x68: {  	[hbm4b:s4+s2] =	stream.indirect_vreg.scatter [tilespmem:s0], [sflag:$0x1], $0x80, v4, vm0, $0xb8;
	[tilespmem:$0x10100] =	vst v63  }
0x69: {  	v3 =	vadd.s32 v1, v3;
	s0 =	simm.s32 $0xD100  }
0x6a: {  	[hbm4b:s5+s2] =	stream.indirect_vreg.scatter [tilespmem:s0], [sflag:$0x1], $0x80, v4, vm0, $0xb8;
	[tilespmem:$0x10100] =	vst v63  }
0x6b: {  	s0 =	simm.s32 $0xD900  }
0x6c: {  	[hbm4b:s6+s2] =	stream.indirect_vreg.scatter [tilespmem:s0], [sflag:$0x1], $0x80, v4, vm0, $0xb8;
	[tilespmem:$0x10100] =	vst v63  }
0x6d: {  	s0 =	simm.s32 $0xE100  }
0x6e: {  	[hbm4b:s3+s2] =	stream.indirect_vreg.scatter [tilespmem:s0], [sflag:$0x1], $0x80, v3, vm0, $0xb8;
	[tilespmem:$0x10100] =	vst v63  }
0x6f: {  	s0 =	simm.s32 $0xE900  }
0x70: {  	[hbm4b:s4+s2] =	stream.indirect_vreg.scatter [tilespmem:s0], [sflag:$0x1], $0x80, v3, vm0, $0xb8;
	[tilespmem:$0x10100] =	vst v63  }
0x71: {  	s0 =	simm.s32 $0xF100  }
0x72: {  	[hbm4b:s5+s2] =	stream.indirect_vreg.scatter [tilespmem:s0], [sflag:$0x1], $0x80, v3, vm0, $0xb8;
	[tilespmem:$0x10100] =	vst v63  }
0x73: {  	s0 =	simm.s32 $0xF900  }
0x74: {  	[hbm4b:s6+s2] =	stream.indirect_vreg.scatter [tilespmem:s0], [sflag:$0x1], $0x80, v3, vm0, $0xb8;
	[tilespmem:$0x10100] =	vst v63  }
0x75: {  	v3 =	vld [tilespmem:$0x80];
	_ =	sdelay $0x4  }
0x76: {  	v60 =	vshll.u32 v3, $0x3  }
0x77: {  	v3 =	vand.u32 $0x7, v3;
	v4 =	vand.u32 $0xFFFFFFC0, v60  }
0x78: {  	v3 =	vor.u32 v3, v4  }
0x79: {  	v4 =	vperm.xlane v3, v0;
	_ =	sdelay $0x1  }
0x7a: {  	v4 =	vadd.s32 v1, v4;
	_ =	sdelay $0x4  }
0x7b: {  	[hbm4b:s3+s2] =	stream.indirect_vreg.scatter [tilespmem:s18], [sflag:$0x1], $0x80, v4, vm0, $0xb8;
	[tilespmem:$0x10100] =	vst v63  }
0x7c: {  	v3 =	vperm.xlane v3, v2  }
0x7d: {  	[hbm4b:s4+s2] =	stream.indirect_vreg.scatter [tilespmem:s19], [sflag:$0x1], $0x80, v4, vm0, $0xb8;
	[tilespmem:$0x10100] =	vst v63  }
0x7e: {  	v3 =	vadd.s32 v1, v3  }
0x7f: {  	[hbm4b:s5+s2] =	stream.indirect_vreg.scatter [tilespmem:s20], [sflag:$0x1], $0x80, v4, vm0, $0xb8;
	[tilespmem:$0x10100] =	vst v63  }
0x80: {  	_ = 	snop  }
0x81: {  	[hbm4b:s6+s2] =	stream.indirect_vreg.scatter [tilespmem:s21], [sflag:$0x1], $0x80, v4, vm0, $0xb8;
	[tilespmem:$0x10100] =	vst v63  }
0x82: {  	_ = 	snop  }
0x83: {  	[hbm4b:s3+s2] =	stream.indirect_vreg.scatter [tilespmem:s22], [sflag:$0x1], $0x80, v3, vm0, $0xb8;
	[tilespmem:$0x10100] =	vst v63  }
0x84: {  	_ = 	snop  }
0x85: {  	[hbm4b:s4+s2] =	stream.indirect_vreg.scatter [tilespmem:s23], [sflag:$0x1], $0x80, v3, vm0, $0xb8;
	[tilespmem:$0x10100] =	vst v63  }
0x86: {  	_ = 	snop  }
0x87: {  	[hbm4b:s5+s2] =	stream.indirect_vreg.scatter [tilespmem:s24], [sflag:$0x1], $0x80, v3, vm0, $0xb8;
	[tilespmem:$0x10100] =	vst v63  }
0x88: {  	_ = 	snop  }
0x89: {  	[hbm4b:s6+s2] =	stream.indirect_vreg.scatter [tilespmem:s25], [sflag:$0x1], $0x80, v3, vm0, $0xb8;
	[tilespmem:$0x10100] =	vst v63  }
0x8a: {  	v3 =	vld [tilespmem:$0x90];
	_ =	sdelay $0x4  }
0x8b: {  	v61 =	vshll.u32 v3, $0x3  }
0x8c: {  	v3 =	vand.u32 $0x7, v3;
	v4 =	vand.u32 $0xFFFFFFC0, v61  }
0x8d: {  	v3 =	vor.u32 v3, v4  }
0x8e: {  	v4 =	vperm.xlane v3, v0;
	_ =	sdelay $0x1  }
0x8f: {  	v4 =	vadd.s32 v1, v4;
	_ =	sdelay $0x4  }
0x90: {  	[hbm4b:s3+s2] =	stream.indirect_vreg.scatter [tilespmem:s26], [sflag:$0x1], $0x80, v4, vm0, $0xb8;
	[tilespmem:$0x10100] =	vst v63  }
0x91: {  	v3 =	vperm.xlane v3, v2  }
0x92: {  	[hbm4b:s4+s2] =	stream.indirect_vreg.scatter [tilespmem:s28], [sflag:$0x1], $0x80, v4, vm0, $0xb8;
	[tilespmem:$0x10100] =	vst v63  }
0x93: {  	v3 =	vadd.s32 v1, v3  }
0x94: {  	[hbm4b:s5+s2] =	stream.indirect_vreg.scatter [tilespmem:s29], [sflag:$0x1], $0x80, v4, vm0, $0xb8;
	[tilespmem:$0x10100] =	vst v63  }
0x95: {  	_ = 	snop  }
0x96: {  	[hbm4b:s6+s2] =	stream.indirect_vreg.scatter [tilespmem:s30], [sflag:$0x1], $0x80, v4, vm0, $0xb8;
	[tilespmem:$0x10100] =	vst v63  }
0x97: {  	_ = 	snop  }
0x98: {  	[hbm4b:s3+s2] =	stream.indirect_vreg.scatter [tilespmem:s31], [sflag:$0x1], $0x80, v3, vm0, $0xb8;
	[tilespmem:$0x10100] =	vst v63  }
0x99: {  	_ = 	snop  }
0x9a: {  	[hbm4b:s4+s2] =	stream.indirect_vreg.scatter [tilespmem:s1], [sflag:$0x1], $0x80, v3, vm0, $0xb8;
	[tilespmem:$0x10100] =	vst v63  }
0x9b: {  	s20 =	simm.s32 $0x7100  }
0x9c: {  	[hbm4b:s5+s2] =	stream.indirect_vreg.scatter [tilespmem:s20], [sflag:$0x1], $0x80, v3, vm0, $0xb8;
	[tilespmem:$0x10100] =	vst v63  }
0x9d: {  	_ = 	snop  }
0x9e: {  	[hbm4b:s6+s2] =	stream.indirect_vreg.scatter [tilespmem:s10], [sflag:$0x1], $0x80, v3, vm0, $0xb8;
	[tilespmem:$0x10100] =	vst v63  }
0x9f: {  	v3 =	vld [tilespmem:$0xA0];
	_ =	sdelay $0x4  }
0xa0: {  	v62 =	vshll.u32 v3, $0x3  }
0xa1: {  	v3 =	vand.u32 $0x7, v3;
	v4 =	vand.u32 $0xFFFFFFC0, v62  }
0xa2: {  	v3 =	vor.u32 v3, v4  }
0xa3: {  	v4 =	vperm.xlane v3, v0;
	_ =	sdelay $0x1  }
0xa4: {  	v4 =	vadd.s32 v1, v4;
	_ =	sdelay $0x4  }
0xa5: {  	[hbm4b:s3+s2] =	stream.indirect_vreg.scatter [tilespmem:s11], [sflag:$0x1], $0x80, v4, vm0, $0xb8;
	[tilespmem:$0x10100] =	vst v63  }
0xa6: {  	v3 =	vperm.xlane v3, v2  }
0xa7: {  	[hbm4b:s4+s2] =	stream.indirect_vreg.scatter [tilespmem:s12], [sflag:$0x1], $0x80, v4, vm0, $0xb8;
	[tilespmem:$0x10100] =	vst v63  }
0xa8: {  	v3 =	vadd.s32 v1, v3  }
0xa9: {  	[hbm4b:s5+s2] =	stream.indirect_vreg.scatter [tilespmem:s13], [sflag:$0x1], $0x80, v4, vm0, $0xb8;
	[tilespmem:$0x10100] =	vst v63  }
0xaa: {  	_ = 	snop  }
0xab: {  	[hbm4b:s6+s2] =	stream.indirect_vreg.scatter [tilespmem:s14], [sflag:$0x1], $0x80, v4, vm0, $0xb8;
	[tilespmem:$0x10100] =	vst v63  }
0xac: {  	_ = 	snop  }
0xad: {  	[hbm4b:s3+s2] =	stream.indirect_vreg.scatter [tilespmem:s15], [sflag:$0x1], $0x80, v3, vm0, $0xb8;
	[tilespmem:$0x10100] =	vst v63  }
0xae: {  	_ = 	snop  }
0xaf: {  	[hbm4b:s4+s2] =	stream.indirect_vreg.scatter [tilespmem:s16], [sflag:$0x1], $0x80, v3, vm0, $0xb8;
	[tilespmem:$0x10100] =	vst v63  }
0xb0: {  	_ = 	snop  }
0xb1: {  	[hbm4b:s5+s2] =	stream.indirect_vreg.scatter [tilespmem:s17], [sflag:$0x1], $0x80, v3, vm0, $0xb8;
	[tilespmem:$0x10100] =	vst v63  }
0xb2: {  	_ = 	snop  }
0xb3: {  	[hbm4b:s6+s2] =	stream.indirect_vreg.scatter [tilespmem:s9], [sflag:$0x1], $0x80, v3, vm0, $0xb8;
	[tilespmem:$0x10100] =	vst v63  }
0xb4: {  	v3 =	vld [tilespmem:$0xB0];
	_ =	sdelay $0x4  }
0xb5: {  	v63 =	vshll.u32 v3, $0x3  }
0xb6: {  	v3 =	vand.u32 $0x7, v3;
	v4 =	vand.u32 $0xFFFFFFC0, v63  }
0xb7: {  	v3 =	vor.u32 v3, v4  }
0xb8: {  	v4 =	vperm.xlane v3, v0;
	_ =	sdelay $0x1  }
0xb9: {  	v4 =	vadd.s32 v1, v4;
	_ =	sdelay $0x3  }
0xba: {  	s19 =	simm.s32 $0xC100  }
0xbb: {  	[hbm4b:s3+s2] =	stream.indirect_vreg.scatter [tilespmem:s19], [sflag:$0x1], $0x80, v4, vm0, $0xb8;
	[tilespmem:$0x10100] =	vst v63  }
0xbc: {  	s20 =	simm.s32 $0xC900;
	v3 =	vperm.xlane v3, v2  }
0xbd: {  	[hbm4b:s4+s2] =	stream.indirect_vreg.scatter [tilespmem:s20], [sflag:$0x1], $0x80, v4, vm0, $0xb8;
	[tilespmem:$0x10100] =	vst v63  }
0xbe: {  	v3 =	vadd.s32 v1, v3;
	s19 =	simm.s32 $0xD100  }
0xbf: {  	[hbm4b:s5+s2] =	stream.indirect_vreg.scatter [tilespmem:s19], [sflag:$0x1], $0x80, v4, vm0, $0xb8;
	[tilespmem:$0x10100] =	vst v63  }
0xc0: {  	s20 =	simm.s32 $0xD900  }
0xc1: {  	[hbm4b:s6+s2] =	stream.indirect_vreg.scatter [tilespmem:s20], [sflag:$0x1], $0x80, v4, vm0, $0xb8;
	[tilespmem:$0x10100] =	vst v63  }
0xc2: {  	s19 =	simm.s32 $0xE100  }
0xc3: {  	[hbm4b:s3+s2] =	stream.indirect_vreg.scatter [tilespmem:s19], [sflag:$0x1], $0x80, v3, vm0, $0xb8;
	[tilespmem:$0x10100] =	vst v63  }
0xc4: {  	s20 =	simm.s32 $0xE900  }
0xc5: {  	[hbm4b:s4+s2] =	stream.indirect_vreg.scatter [tilespmem:s20], [sflag:$0x1], $0x80, v3, vm0, $0xb8;
	[tilespmem:$0x10100] =	vst v63  }
0xc6: {  	s19 =	simm.s32 $0xF100  }
0xc7: {  	[hbm4b:s5+s2] =	stream.indirect_vreg.scatter [tilespmem:s19], [sflag:$0x1], $0x80, v3, vm0, $0xb8;
	[tilespmem:$0x10100] =	vst v63  }
0xc8: {  	s20 =	simm.s32 $0x1  }
0xc9: {  	[hbm4b:s6+s2] =	stream.indirect_vreg.scatter [tilespmem:s0], [sflag:$0x1], $0x80, v3, vm0, $0xb8;
	[tilespmem:$0x10100] =	vst v63  }
0xca: {  	p0 =	sne.s32 s7, $0x1;
	_ =	swait.ge [sflag:s20], $0x10000  }
.Ltmp0:
0xcb: {  	[sflag:s20] =	ssyncset.done $0x0;
	(pc) =	sbr.rel @p0 .LBB2_1-.Ltmp0, $4  }
0xcc: {  	[sflag:s20] =	ssyncadd.s32 $0xFFFF0000  }
0xcd: {  	_ =	swait.ge [sflag:s20], $0x10000  }
0xce: {  	[sflag:s20] =	ssyncset.done $0x0  }
0xcf: {  	s7 =	sadd.s32 $0xFFFFFFFF, s7;
	[sflag:s20] =	ssyncadd.s32 $0xFFFF0000  }
0xd0: {  	_ =	sfence.sel $0x180000  }
0xd1: {  	[bflag:$0x0] =	sbarrier.arrive $0xFFFF  }
0xd2: {  	_ =	strace $0x90000047  }
0xd3: {  	s0 =	stileid.u32;
	[bflag:$0x2] =	sbarrier.arrive $0xFFFF  }
0xd4: {  	p0 =	sne.s32 s0, $0x0;
	s0 =	rddreg [dreg:$0x2]  }
0xd5: {  	s0 =	sadd.s32 @!p0 $0x100000, s0  }
0xd6: {  	[sflag:s0] =	ssyncadd.tile.s32 @!p0 $0x1;
	_ =	shalt  }
.Lfunc_end2:
_tile_overlayer_lowered:
.L_overlay_start_2:
0xd7: {  	(tag) =	ssettag $0x2  }
0xd8: {  	s0 =	rddreg [dreg:$0x0];
	s2 =	stileid.u32  }
0xd9: {  	s1 =	rddreg [dreg:$0x1];
	p0 =	sne.s32 s2, $0x0  }
0xda: {  	s3 =	rddreg [dreg:$0x2];
	[bflag:$0x3] =	sbarrier.arrive $0xFFFF;
	s2 =	simm.s32 @!p0 $0x1C02  }
0xdb: {  	[timem:s3], [sflag:s2] =	dma.local @!p0 [hbm:s0], s1  }
0xdc: {  	s0 =	simm.s32 @!p0 $0x2  }
0xdd: {  	_ =	swait.ge @!p0 [sflag:s0], s1  }
0xde: {  	s1 =	ssub.s32 @!p0 $0x0, s1;
	[sflag:s0] =	ssyncset.done @!p0 $0x0  }
0xdf: {  	[sflag:s0] =	ssyncadd.s32 @!p0 s1  }
0xe0: {  	[bflag:$0x3] =	sbarrier.arrive $0xFFFF  }
0xe1: {  	_ =	shalt  }

// kernel: kernel.9.cloned.1.call-start
scs
__scs_entry_jumppad:
0x0: {  	(pc) =	sbr.rel $0x88, $3  }
0x1: {  	(tag) =	ssettag $0x0;
	lr =	simm.s32 $0x1  }
0x2: {  	[smem:$0x3F9C] =	sst lr;
	_ =	strace $0xD0000000  }
0x3: {  	_ = 	snop  }
0x4: {  	_ = 	snop  }
0x5: {  	_ = 	snop  }
0x6: {  	_ = 	snop  }
0x7: {  	_ = 	snop  }
__scs_overlays_trampoline_lowered:
0x8: {  	[smem:$0x3FAB] =	sst s0  }
0x9: {  	[smem:$0x3FAC] =	sst s1  }
0xa: {  	[smem:$0x3FAD] =	sst s2  }
0xb: {  	[smem:$0x3FAE] =	sst s3  }
0xc: {  	[smem:$0x3FAF] =	sst s4  }
0xd: {  	[smem:$0x3FB0] =	sst s5  }
0xe: {  	[smem:$0x3FB1] =	sst s6  }
0xf: {  	[smem:$0x3FB2] =	sst s7  }
0x10: {  	[smem:$0x3FB3] =	sst s8  }
0x11: {  	[smem:$0x3FB4] =	sst s9;
	s0 =	simm.s32 @!p0 $0x0  }
0x12: {  	s1 =	sld [smem:$0x3F9A];
	s0 =	simm.s32 @p0 $0x1  }
0x13: {  	[smem:$0x3FB5] =	sst s0;
	s0 =	simm.s32 @!p1 $0x0  }
0x14: {  	s2 =	sld [smem:$0x3F99];
	s0 =	simm.s32 @p1 $0x1  }
0x15: {  	[smem:$0x3FB6] =	sst s0;
	s0 =	simm.s32 @!p2 $0x0  }
0x16: {  	s3 =	sld [smem:$0x3FDB];
	s0 =	simm.s32 @p2 $0x1  }
0x17: {  	s4 =	simm.s32 $0x1BF5;
	[smem:$0x3FB8] =	sst s0  }
0x18: {  	s0 =	sld [smem:$0x3F9B];
	_ =	swait.ge [sflag:s4], $0x0  }
0x19: {  	s7 =	sld [smem:$0x3F9C]  }
0x1a: {  	s8 =	sadd.s32 $0xFFFFE003, lr  }
0x1b: {  	s9 =	sadd.s32 $0xFFFFFEF7, lr;
	s5 =	simm.s32 $0xFFFFFFFF;
	p2 =	slt.u32 s8, $0xFFFFF086  }
0x1c: {  	p1 =	slt.u32 s9, $0xF7A;
	s5 =	simm.s32 @!p2 $0x0  }
0x1d: {  	s5 =	simm.s32 @p1 $0x1;
	p0 =	seq.s32 s7, s2  }
0x1e: {  	s7 =	smul.u32 @!p0 $0xF7A, s2;
	p2 =	seq.s32 @!p0 s5, $0x0  }
0x1f: {  	s9 =	smul.u32 $0xF7A, s1;
	s8 =	simm.s32 @!p0 $0x1BF5;
	p2 =	por !p2, p0  }
0x20: {  	[sflag:s8] =	ssyncset.s32 @!p0 $0xFFFFF086;
	s6 =	sadd.s32 @!p0 s3, s7;
	s7 =	simm.s32 @!p0 $0x108  }
0x21: {  	s3 =	sadd.s32 s3, s9;
	s6 =	sadd.s32 @!p0 $0x88, s6;
	s7 =	simm.s32 @p2 $0x1082  }
0x22: {  	[simem:s7], [sflag:s8] =	dma.local @!p0 [hbm:s6], $0xF7A  }
0x23: {  	s9 =	sor.u32 $0xD0000000, s2;
	s6 =	simm.s32 $0x108;
	_ =	swait.ge @!p0 [sflag:s8], $0x0  }
0x24: {  	s3 =	sadd.s32 $0x88, s3;
	s6 =	simm.s32 @!p1 $0x1082;
	[sflag:s4] =	ssyncset.s32 $0xFFFFF086  }
0x25: {  	[simem:s6], [sflag:s4] =	dma.local [hbm:s3], $0xF7A  }
0x26: {  	[smem:$0x3F9C] =	sst s1;
	(tag) =	ssettag s2;
	_ =	strace s9  }
0x27: {  	s1 =	sld [smem:$0x3FAC]  }
0x28: {  	s2 =	sld [smem:$0x3FAD]  }
0x29: {  	s4 =	sld [smem:$0x3FAF]  }
0x2a: {  	p0 =	seq.s32 s5, $0x0;
	s5 =	sld [smem:$0x3FB0]  }
0x2b: {  	s6 =	sld [smem:$0x3FB1]  }
0x2c: {  	s7 =	sld [smem:$0x3FB2]  }
0x2d: {  	s3 =	simm.s32 $0x108;
	s8 =	sld [smem:$0x3FB3]  }
0x2e: {  	s3 =	simm.s32 @!p0 $0x1082;
	s9 =	sld [smem:$0x3FB4]  }
0x2f: {  	lr =	sadd.s32 s0, s3;
	s0 =	sld [smem:$0x3FAB]  }
0x30: {  	s3 =	sld [smem:$0x3FAE]  }
0x31: {  	[smem:$0x3FB7] =	sst s10  }
0x32: {  	s10 =	sld [smem:$0x3FB5];
	_ =	sdelay $0x3  }
0x33: {  	p0 =	seq.s32 s10, $0x1;
	s10 =	sld [smem:$0x3FB7];
	_ =	sdelay $0x3  }
0x34: {  	[smem:$0x3FB7] =	sst s10  }
0x35: {  	s10 =	sld [smem:$0x3FB6];
	_ =	sdelay $0x3  }
0x36: {  	p1 =	seq.s32 s10, $0x1;
	s10 =	sld [smem:$0x3FB7];
	_ =	sdelay $0x3  }
0x37: {  	[smem:$0x3FB7] =	sst s10  }
0x38: {  	s10 =	sld [smem:$0x3FB8]  }
0x39: {  	_ = 	snop;
	(pc) =	sbr.ind lr, $3  }
0x3a: {  	_ = 	snop  }
0x3b: {  	_ = 	snop  }
0x3c: {  	p2 =	seq.s32 s10, $0x1;
	s10 =	sld [smem:$0x3FB7]  }
0x3d: {  	_ =	shalt  }
0x3e: {  	_ =	shalt  }
0x3f: {  	_ =	shalt  }
0x40: {  	_ =	shalt  }
0x41: {  	_ =	shalt  }
0x42: {  	_ =	shalt  }
0x43: {  	_ =	shalt  }
0x44: {  	_ =	shalt  }
0x45: {  	_ =	shalt  }
0x46: {  	_ =	shalt  }
0x47: {  	_ =	shalt  }
0x48: {  	_ =	shalt  }
0x49: {  	_ =	shalt  }
0x4a: {  	_ =	shalt  }
0x4b: {  	_ =	shalt  }
0x4c: {  	_ =	shalt  }
0x4d: {  	_ =	shalt  }
0x4e: {  	_ =	shalt  }
0x4f: {  	_ =	shalt  }
0x50: {  	_ =	shalt  }
0x51: {  	_ =	shalt  }
0x52: {  	_ =	shalt  }
0x53: {  	_ =	shalt  }
0x54: {  	_ =	shalt  }
0x55: {  	_ =	shalt  }
0x56: {  	_ =	shalt  }
0x57: {  	_ =	shalt  }
0x58: {  	_ =	shalt  }
0x59: {  	_ =	shalt  }
0x5a: {  	_ =	shalt  }
0x5b: {  	_ =	shalt  }
0x5c: {  	_ =	shalt  }
0x5d: {  	_ =	shalt  }
0x5e: {  	_ =	shalt  }
0x5f: {  	_ =	shalt  }
0x60: {  	_ =	shalt  }
0x61: {  	_ =	shalt  }
0x62: {  	_ =	shalt  }
0x63: {  	_ =	shalt  }
0x64: {  	_ =	shalt  }
0x65: {  	_ =	shalt  }
0x66: {  	_ =	shalt  }
0x67: {  	_ =	shalt  }
0x68: {  	_ =	shalt  }
0x69: {  	_ =	shalt  }
0x6a: {  	_ =	shalt  }
0x6b: {  	_ =	shalt  }
0x6c: {  	_ =	shalt  }
0x6d: {  	_ =	shalt  }
0x6e: {  	_ =	shalt  }
0x6f: {  	_ =	shalt  }
0x70: {  	_ =	shalt  }
0x71: {  	_ =	shalt  }
0x72: {  	_ =	shalt  }
0x73: {  	_ =	shalt  }
0x74: {  	_ =	shalt  }
0x75: {  	_ =	shalt  }
0x76: {  	_ =	shalt  }
0x77: {  	_ =	shalt  }
0x78: {  	_ =	shalt  }
0x79: {  	_ =	shalt  }
0x7a: {  	_ =	shalt  }
0x7b: {  	_ =	shalt  }
0x7c: {  	_ =	shalt  }
0x7d: {  	_ =	shalt  }
0x7e: {  	_ =	shalt  }
0x7f: {  	_ =	shalt  }
0x80: {  	_ =	shalt  }
0x81: {  	_ =	shalt  }
0x82: {  	_ =	shalt  }
0x83: {  	_ =	shalt  }
0x84: {  	_ =	shalt  }
0x85: {  	_ =	shalt  }
0x86: {  	_ =	shalt  }
0x87: {  	_ =	shalt  }
.Lfunc_end0:
.L_simem_size_0:
called_computation.1_lowered:
.L_overlay_start_0:
0x88: {  	s2 =	sld [smem:$0x3FD9]  }
0x89: {  	s3 =	sld [smem:$0x3FFE];
	_ =	sdelay $0x1  }
0x8a: {  	s1 =	srdreg.scid  }
0x8b: {  	s0 =	sand.u32 $0x1, s1  }
0x8c: {  	s17 =	sshll.u32 s0, $0xA;
	s2 =	sadd.s32 s3, s2  }
0x8d: {  	s2 =	sadd.s32 s2, s17  }
0x8e: {  	[smem:$0x3FC3] =	sst s2  }
0x8f: {  	_ = 	snop  }
0x90: {  	s2 =	sld [smem:$0x3FD0];
	(tm) =	ssettm $0x1  }
0x91: {  	s18 =	sld [smem:$0x3FFB];
	_ =	sdelay $0x3  }
0x92: {  	_ =	strace s18  }
0x93: {  	s3 =	sld [smem:$0x3FFC];
	_ =	sdelay $0x3  }
0x94: {  	_ =	strace s3  }
0x95: {  	s3 =	sld [smem:$0x3FFD];
	_ =	sdelay $0x3  }
0x96: {  	_ =	strace s3  }
0x97: {  	_ =	strace $0x8FFFFFFF  }
0x98: {  	s19 =	sld [smem:$0x3FDB];
	_ =	sdelay $0x1  }
0x99: {  	s4 =	simm.s32 $_scs_section_size  }
0x9a: {  	s5 =	simm.s32 $_size__tile_overlayer_lowered;
	s6 =	simm.s32 $_tile_overlayer_lowered  }
0x9b: {  	s22 =	simm.s32 $0x1BFF;
	s21 =	sshll.u32 s6, $0x1;
	s3 =	sadd.s32 s4, s19  }
0x9c: {  	s7 =	simm.s32 $0x0;
	s20 =	sshll.u32 s5, $0x1;
	s5 =	sadd.s32 s21, s3  }
0x9d: {  	[timem:s7], [sflag:s22] =	dma.local [hbm:s5], s20  }
0x9e: {  	_ =	swait.ge [sflag:s22], s20  }
0x9f: {  	s4 =	ssub.s32 $0x0, s20;
	[sflag:s22] =	ssyncset.done $0x0  }
0xa0: {  	[sflag:s22] =	ssyncadd.s32 s4;
	_ =	sdelay $0x1  }
0xa1: {  	s23 =	simm.s32 $0x1B8B  }
0xa2: {  	_ =	swait.ge [sflag:s23], $0x1  }
0xa3: {  	[sflag:s23] =	ssyncset.done $0x0  }
0xa4: {  	s25 =	simm.s32 $0x1B8E;
	s24 =	sld [smem:$0x3FFE];
	[sflag:s23] =	ssyncadd.s32 $0xFFFFFFFF  }
0xa5: {  	s26 =	simm.s32 $execute0_lowered;
	[smem:$0x3FD2] =	sst s25  }
0xa6: {  	s5 =	sshll.u32 s26, $0x1;
	_ =	strace $0x80000049;
	[dreg:$0x1] =	wrdreg $0xFFFFFFFF  }
0xa7: {  	s28 =	simm.s32 $_size_execute0_lowered;
	s3 =	sadd.s32 s3, s5;
	[dreg:$0x0] =	wrdreg $0x0  }
0xa8: {  	s5 =	sshll.u32 s28, $0x1;
	[dreg:$0x2] =	wrdreg s3  }
0xa9: {  	[dreg:$0x3] =	wrdreg s5  }
0xaa: {  	[dreg:$0x4] =	wrdreg $0xC0  }
0xab: {  	_ =	task [dreg:s7], $0x5FFFF  }
0xac: {  	[dreg:$0x1] =	wrdreg $0xFFFFFFFF  }
0xad: {  	[dreg:$0x0] =	wrdreg $0x60  }
0xae: {  	[dreg:$0x2] =	wrdreg s24  }
0xaf: {  	[dreg:$0x3] =	wrdreg s2  }
0xb0: {  	[dreg:$0x4] =	wrdreg $0x9  }
0xb1: {  	_ =	task.clear_ibuf [dreg:s7], $0x5FFFF;
	_ =	strace $0x90000049  }
0xb2: {  	s29 =	simm.s32 $0x9;
	_ =	strace $0x8000004B  }
0xb3: {  	_ =	swait.ge [sflag:s29], $0x1  }
0xb4: {  	[sflag:s29] =	ssyncadd.s32 $0xFFFFFFFF  }
0xb5: {  	_ =	strace $0x9000004B  }
0xb6: {  	_ =	sfence  }
0xb7: {  	s30 =	sld [smem:$0x0];
	_ =	sdelay $0x2  }
0xb8: {  	s31 =	sshll.u32 s1, $0xD;
	s1 =	sshrl.u32 s1, $0x2  }
0xb9: {  	s3 =	sand.u32 $0x4000, s31;
	s1 =	sadd.s32 s1, s30  }
0xba: {  	s0 =	sor.u32 s3, s0;
	s1 =	sshll.u32 s1, $0x11  }
0xbb: {  	s0 =	sor.u32 s1, s0  }
0xbc: {  	s0 =	sadd.s32 $0x8F2B, s0  }
0xbd: {  	[sflag:s0] =	ssyncadd.remote.s32 $0x1  }
0xbe: {  	_ =	sfence.sel $0xFFFF  }
0xbf: {  	[dreg:$0x0] =	wrdreg $0xFFFFFFFF;
	(pc) =	sbr.abs _section_cstart, $3  }
0xc0: {  	[dreg:$0x1] =	wrdreg $0xFFFFFFFF  }
0xc1: {  	_ =	task.clear_ibuf [dreg:s7], $0x2FFFF;
	_ =	strace $0x9FFFFFFF  }
0xc2: {  	(tm) =	ssettm $0x7FFFFFFF  }
0xc3: {  	_ =	shalt  }
tec
execute0_lowered:
.L_overlay_start_1:
0x0: {  	(tag) =	ssettag $0x1  }
0x1: {  	s0 =	rddreg [dreg:$0x0]  }
0x2: {  	s1 =	rddreg [dreg:$0x1];
	s3 =	srdreg.scid  }
0x3: {  	s2 =	simm.s32 $0x0;
	s5 =	stileid.u32;
	s16 =	simm.s32 $0x3  }
0x4: {  	s12 =	simm.s32 $0x10900;
	s13 =	simm.s32 $0x11900;
	s28 =	simm.s32 $0x12100  }
0x5: {  	s14 =	simm.s32 $0x12900;
	s15 =	simm.s32 $0x13100;
	s29 =	simm.s32 $0x13900  }
0x6: {  	s30 =	simm.s32 $0x14100;
	s31 =	simm.s32 $0x2;
	s4 =	sand.u32 $0x1, s3  }
0x7: {  	[smem:$0x7FF] =	sst s2;
	s5 =	sshll.u32 s5, $0x7;
	s3 =	sadd.s32 $0xD0E00, s0  }
0x8: {  	s9 =	sadd.s32 $0xD1000, s0;
	s6 =	sshll.u32 s4, $0x6;
	s4 =	ssub.s32 $0x2, s4  }
0x9: {  	s11 =	sadd.s32 $0xD1100, s0;
	s5 =	sor.u32 s6, s5;
	s8 =	sshrl.u32 s4, $0x1  }
0xa: {  	_ =	strace $0x8000004A;
	s6 =	sshrl.u32 s5, $0x3;
	s4 =	ssub.s32 s4, s8  }
0xb: {  	s7 =	sshll.u32 s5, $0x4;
	s6 =	sadd.s32 s6, s0;
	s26 =	smax.u32 s4, $0x1  }
0xc: {  	s5 =	sshll.u32 s5, $0x7;
	s20 =	sadd.s32 $0x10A00, s6;
	[dreg:$0xa] =	wrdreg s26  }
0xd: {  	s7 =	sadd.s32 s7, s0;
	s6 =	sadd.s32 $0x10C00, s6;
	[dreg:$0x3] =	wrdreg s20  }
0xe: {  	s8 =	sadd.s32 $0xD0F00, s0;
	s21 =	sadd.s32 $0xA00, s7;
	[dreg:$0x4] =	wrdreg s6  }
0xf: {  	s10 =	sadd.s32 s1, s5;
	s22 =	sadd.s32 $0x8A00, s7;
	[dreg:$0x5] =	wrdreg s21  }
0x10: {  	s4 =	simm.s32 $0x1;
	s23 =	sadd.s32 $0x800, s10;
	[dreg:$0x6] =	wrdreg s22  }
0x11: {  	s0 =	simm.s32 $0x0;
	s24 =	sadd.s32 $0x1000, s10;
	[dreg:$0x7] =	wrdreg s23  }
0x12: {  	v2 =	vlaneseq.u32;
	s25 =	sadd.s32 $0x1800, s10;
	s26 =	simm.s32 $0x11100;
	[dreg:$0x8] =	wrdreg s24  }
0x13: {  	vm0 =	vmmov $0xffff;
	v1 =	vshrl.u32 v2, $0x3;
	[dreg:$0x9] =	wrdreg s25;
	s21 =	simm.s32 $0x4100;
	s22 =	simm.s32 $0xA900  }
0x14: {  	v0 =	vand.u32 $0x7, v2;
	v2 =	vor.u32 $0x8, v2;
	v1 =	vmul.u32 $0x8, v1;
	s23 =	simm.s32 $0xB100;
	s24 =	simm.s32 $0xB900;
	s25 =	simm.s32 $0x10100  }
.LBB2_1:
0x15: {  	s1 =	rddreg [dreg:$0x3]  }
0x16: {  	[tilespmem:s2], [sflag:$0x3] =	stream.linear.gather [hbm4b:s1+s2], $0x40, $0x38;
	[tilespmem:$0x18100] =	vst v63  }
0x17: {  	_ =	swait.ge [sflag:s16], $0x40  }
0x18: {  	[sflag:s16] =	ssyncset.done $0x0  }
0x19: {  	s5 =	simm.s32 $0x80;
	s20 =	rddreg [dreg:$0x4];
	[sflag:s16] =	ssyncadd.s32 $0xFFFFFFC0  }
0x1a: {  	[tilespmem:s5], [sflag:$0x3] =	stream.linear.gather [hbm4b:s20+s2], $0x40, $0x38;
	[tilespmem:$0x18100] =	vst v63  }
0x1b: {  	_ =	swait.ge [sflag:s16], $0x40  }
0x1c: {  	[sflag:s16] =	ssyncset.done $0x0  }
0x1d: {  	s7 =	simm.s32 $0x100;
	s6 =	rddreg [dreg:$0x5];
	[sflag:s16] =	ssyncadd.s32 $0xFFFFFFC0  }
0x1e: {  	[tilespmem:s7], [sflag:$0x3] =	stream.linear.gather [hbm4b:s6+s2], $0x2000, $0x38;
	[tilespmem:$0x18100] =	vst v63  }
0x1f: {  	_ =	swait.ge [sflag:s16], $0x2000  }
0x20: {  	[sflag:s16] =	ssyncset.done $0x0  }
0x21: {  	s18 =	simm.s32 $0x2100;
	s17 =	rddreg [dreg:$0x6];
	[sflag:s16] =	ssyncadd.s32 $0xFFFFE000  }
0x22: {  	[tilespmem:s18], [sflag:$0x3] =	stream.linear.gather [hbm4b:s17+s2], $0x2000, $0x38;
	[tilespmem:$0x18100] =	vst v63  }
0x23: {  	_ =	swait.ge [sflag:s16], $0x2000  }
0x24: {  	[sflag:s16] =	ssyncset.done $0x0  }
0x25: {  	[sflag:s16] =	ssyncadd.s32 $0xFFFFE000  }
0x26: {  	v3 =	vld [tilespmem:$0x0];
	_ =	sdelay $0x4  }
0x27: {  	v4 =	vshll.u32 v3, $0x3  }
0x28: {  	v3 =	vand.u32 $0x7, v3;
	v4 =	vand.u32 $0xFFFFFFC0, v4  }
0x29: {  	v3 =	vor.u32 v3, v4  }
0x2a: {  	v4 =	vperm.xlane v3, v0;
	_ =	sdelay $0x1  }
0x2b: {  	v4 =	vadd.s32 v1, v4;
	_ =	sdelay $0x4  }
0x2c: {  	[tilespmem:s21], [sflag:$0x1] =	stream.indirect_vreg.gather [hbm4b:s3+s2], $0x80, v4, vm0, $0xb8;
	[tilespmem:$0x18100] =	vst v63  }
0x2d: {  	s19 =	simm.s32 $0x4900;
	v3 =	vperm.xlane v3, v2  }
0x2e: {  	[tilespmem:s19], [sflag:$0x1] =	stream.indirect_vreg.gather [hbm4b:s8+s2], $0x80, v4, vm0, $0xb8;
	[tilespmem:$0x18100] =	vst v63  }
0x2f: {  	s20 =	simm.s32 $0x5100;
	v3 =	vadd.s32 v1, v3  }
0x30: {  	[tilespmem:s20], [sflag:$0x1] =	stream.indirect_vreg.gather [hbm4b:s9+s2], $0x80, v4, vm0, $0xb8;
	[tilespmem:$0x18100] =	vst v63  }
0x31: {  	s5 =	simm.s32 $0x5900  }
0x32: {  	[tilespmem:s5], [sflag:$0x1] =	stream.indirect_vreg.gather [hbm4b:s11+s2], $0x80, v4, vm0, $0xb8;
	[tilespmem:$0x18100] =	vst v63  }
0x33: {  	s6 =	simm.s32 $0x6100  }
0x34: {  	[tilespmem:s6], [sflag:$0x1] =	stream.indirect_vreg.gather [hbm4b:s3+s2], $0x80, v3, vm0, $0xb8;
	[tilespmem:$0x18100] =	vst v63  }
0x35: {  	s7 =	simm.s32 $0x6900  }
0x36: {  	[tilespmem:s7], [sflag:$0x1] =	stream.indirect_vreg.gather [hbm4b:s8+s2], $0x80, v3, vm0, $0xb8;
	[tilespmem:$0x18100] =	vst v63  }
0x37: {  	s17 =	simm.s32 $0x7100  }
0x38: {  	[tilespmem:s17], [sflag:$0x1] =	stream.indirect_vreg.gather [hbm4b:s9+s2], $0x80, v3, vm0, $0xb8;
	[tilespmem:$0x18100] =	vst v63  }
0x39: {  	s18 =	simm.s32 $0x7900  }
0x3a: {  	[tilespmem:s18], [sflag:$0x1] =	stream.indirect_vreg.gather [hbm4b:s11+s2], $0x80, v3, vm0, $0xb8;
	[tilespmem:$0x18100] =	vst v63  }
0x3b: {  	v3 =	vld [tilespmem:$0x80];
	_ =	sdelay $0x4  }
0x3c: {  	v4 =	vshll.u32 v3, $0x3  }
0x3d: {  	v3 =	vand.u32 $0x7, v3;
	v4 =	vand.u32 $0xFFFFFFC0, v4  }
0x3e: {  	v3 =	vor.u32 v3, v4  }
0x3f: {  	v4 =	vperm.xlane v3, v0;
	_ =	sdelay $0x1  }
0x40: {  	v4 =	vadd.s32 v1, v4;
	_ =	sdelay $0x3  }
0x41: {  	s19 =	simm.s32 $0xC100  }
0x42: {  	[tilespmem:s19], [sflag:$0x1] =	stream.indirect_vreg.gather [hbm4b:s3+s2], $0x80, v4, vm0, $0xb8;
	[tilespmem:$0x18100] =	vst v63  }
0x43: {  	s20 =	simm.s32 $0xC900;
	v3 =	vperm.xlane v3, v2  }
0x44: {  	[tilespmem:s20], [sflag:$0x1] =	stream.indirect_vreg.gather [hbm4b:s8+s2], $0x80, v4, vm0, $0xb8;
	[tilespmem:$0x18100] =	vst v63  }
0x45: {  	s5 =	simm.s32 $0xD100;
	v3 =	vadd.s32 v1, v3  }
0x46: {  	[tilespmem:s5], [sflag:$0x1] =	stream.indirect_vreg.gather [hbm4b:s9+s2], $0x80, v4, vm0, $0xb8;
	[tilespmem:$0x18100] =	vst v63  }
0x47: {  	s6 =	simm.s32 $0xD900  }
0x48: {  	[tilespmem:s6], [sflag:$0x1] =	stream.indirect_vreg.gather [hbm4b:s11+s2], $0x80, v4, vm0, $0xb8;
	[tilespmem:$0x18100] =	vst v63  }
0x49: {  	s7 =	simm.s32 $0xE100  }
0x4a: {  	[tilespmem:s7], [sflag:$0x1] =	stream.indirect_vreg.gather [hbm4b:s3+s2], $0x80, v3, vm0, $0xb8;
	[tilespmem:$0x18100] =	vst v63  }
0x4b: {  	s17 =	simm.s32 $0xE900  }
0x4c: {  	[tilespmem:s17], [sflag:$0x1] =	stream.indirect_vreg.gather [hbm4b:s8+s2], $0x80, v3, vm0, $0xb8;
	[tilespmem:$0x18100] =	vst v63  }
0x4d: {  	s18 =	simm.s32 $0xF100  }
0x4e: {  	[tilespmem:s18], [sflag:$0x1] =	stream.indirect_vreg.gather [hbm4b:s9+s2], $0x80, v3, vm0, $0xb8;
	[tilespmem:$0x18100] =	vst v63  }
0x4f: {  	s19 =	simm.s32 $0xF900  }
0x50: {  	[tilespmem:s19], [sflag:$0x1] =	stream.indirect_vreg.gather [hbm4b:s11+s2], $0x80, v3, vm0, $0xb8;
	[tilespmem:$0x18100] =	vst v63  }
0x51: {  	_ =	swait.ge [sflag:s4], $0x4000  }
0x52: {  	[sflag:s4] =	ssyncset.done $0x0  }
0x53: {  	[sflag:s4] =	ssyncadd.s32 $0xFFFFC000  }
0x54: {  	_ =	swait.ge [sflag:s4], $0x4000  }
0x55: {  	[sflag:s4] =	ssyncset.done $0x0  }
0x56: {  	[sflag:s4] =	ssyncadd.s32 $0xFFFFC000  }
0x57: {  	v3 =	vld [tilespmem:$0x10];
	_ =	sdelay $0x4  }
0x58: {  	v4 =	vshll.u32 v3, $0x3  }
0x59: {  	v3 =	vand.u32 $0x7, v3;
	v4 =	vand.u32 $0xFFFFFFC0, v4  }
0x5a: {  	v3 =	vor.u32 v3, v4  }
0x5b: {  	v4 =	vperm.xlane v3, v0;
	_ =	sdelay $0x1  }
0x5c: {  	v4 =	vadd.s32 v1, v4;
	_ =	sdelay $0x3  }
0x5d: {  	s20 =	simm.s32 $0x8100  }
0x5e: {  	[tilespmem:s20], [sflag:$0x2] =	stream.indirect_vreg.gather [hbm4b:s3+s2], $0x80, v4, vm0, $0xb8;
	[tilespmem:$0x18100] =	vst v63  }
0x5f: {  	s5 =	simm.s32 $0x8900;
	v3 =	vperm.xlane v3, v2  }
0x60: {  	[tilespmem:s5], [sflag:$0x2] =	stream.indirect_vreg.gather [hbm4b:s8+s2], $0x80, v4, vm0, $0xb8;
	[tilespmem:$0x18100] =	vst v63  }
0x61: {  	s6 =	simm.s32 $0x9100;
	v3 =	vadd.s32 v1, v3  }
0x62: {  	[tilespmem:s6], [sflag:$0x2] =	stream.indirect_vreg.gather [hbm4b:s9+s2], $0x80, v4, vm0, $0xb8;
	[tilespmem:$0x18100] =	vst v63  }
0x63: {  	s7 =	simm.s32 $0x9900  }
0x64: {  	[tilespmem:s7], [sflag:$0x2] =	stream.indirect_vreg.gather [hbm4b:s11+s2], $0x80, v4, vm0, $0xb8;
	[tilespmem:$0x18100] =	vst v63  }
0x65: {  	s17 =	simm.s32 $0xA100  }
0x66: {  	[tilespmem:s17], [sflag:$0x2] =	stream.indirect_vreg.gather [hbm4b:s3+s2], $0x80, v3, vm0, $0xb8;
	[tilespmem:$0x18100] =	vst v63  }
0x67: {  	_ = 	snop  }
0x68: {  	[tilespmem:s22], [sflag:$0x2] =	stream.indirect_vreg.gather [hbm4b:s8+s2], $0x80, v3, vm0, $0xb8;
	[tilespmem:$0x18100] =	vst v63  }
0x69: {  	_ = 	snop  }
0x6a: {  	[tilespmem:s23], [sflag:$0x2] =	stream.indirect_vreg.gather [hbm4b:s9+s2], $0x80, v3, vm0, $0xb8;
	[tilespmem:$0x18100] =	vst v63  }
0x6b: {  	_ = 	snop  }
0x6c: {  	[tilespmem:s24], [sflag:$0x2] =	stream.indirect_vreg.gather [hbm4b:s11+s2], $0x80, v3, vm0, $0xb8;
	[tilespmem:$0x18100] =	vst v63  }
0x6d: {  	v3 =	vld [tilespmem:$0x90];
	_ =	sdelay $0x4  }
0x6e: {  	v4 =	vshll.u32 v3, $0x3  }
0x6f: {  	v3 =	vand.u32 $0x7, v3;
	v4 =	vand.u32 $0xFFFFFFC0, v4  }
0x70: {  	v3 =	vor.u32 v3, v4  }
0x71: {  	v4 =	vperm.xlane v3, v0;
	_ =	sdelay $0x1  }
0x72: {  	v4 =	vadd.s32 v1, v4;
	_ =	sdelay $0x4  }
0x73: {  	[tilespmem:s25], [sflag:$0x2] =	stream.indirect_vreg.gather [hbm4b:s3+s2], $0x80, v4, vm0, $0xb8;
	[tilespmem:$0x18100] =	vst v63  }
0x74: {  	v3 =	vperm.xlane v3, v2  }
0x75: {  	[tilespmem:s12], [sflag:$0x2] =	stream.indirect_vreg.gather [hbm4b:s8+s2], $0x80, v4, vm0, $0xb8;
	[tilespmem:$0x18100] =	vst v63  }
0x76: {  	v3 =	vadd.s32 v1, v3  }
0x77: {  	[tilespmem:s26], [sflag:$0x2] =	stream.indirect_vreg.gather [hbm4b:s9+s2], $0x80, v4, vm0, $0xb8;
	[tilespmem:$0x18100] =	vst v63  }
0x78: {  	_ = 	snop  }
0x79: {  	[tilespmem:s13], [sflag:$0x2] =	stream.indirect_vreg.gather [hbm4b:s11+s2], $0x80, v4, vm0, $0xb8;
	[tilespmem:$0x18100] =	vst v63  }
0x7a: {  	_ = 	snop  }
0x7b: {  	[tilespmem:s28], [sflag:$0x2] =	stream.indirect_vreg.gather [hbm4b:s3+s2], $0x80, v3, vm0, $0xb8;
	[tilespmem:$0x18100] =	vst v63  }
0x7c: {  	_ = 	snop  }
0x7d: {  	[tilespmem:s14], [sflag:$0x2] =	stream.indirect_vreg.gather [hbm4b:s8+s2], $0x80, v3, vm0, $0xb8;
	[tilespmem:$0x18100] =	vst v63  }
0x7e: {  	_ = 	snop  }
0x7f: {  	[tilespmem:s15], [sflag:$0x2] =	stream.indirect_vreg.gather [hbm4b:s9+s2], $0x80, v3, vm0, $0xb8;
	[tilespmem:$0x18100] =	vst v63  }
0x80: {  	s18 =	sand.u32 $0x780, s2;
	s19 =	sand.u32 $0x2000, s2;
	s6 =	sand.u32 $0x1C00, s2  }
0x81: {  	[tilespmem:s29], [sflag:$0x2] =	stream.indirect_vreg.gather [hbm4b:s11+s2], $0x80, v3, vm0, $0xb8;
	[tilespmem:$0x18100] =	vst v63  }
0x82: {  	s20 =	sand.u32 $0x380, s2;
	s1 =	sor.u32 s6, s19;
	v3 =	vld [tilespmem:s18+$0x100]  }
0x83: {  	s1 =	sor.u32 s20, s1;
	v4 =	vld [tilespmem:s18+$0x2100]  }
0x84: {  	v5 =	vld [tilespmem:s1+$0x4170]  }
0x85: {  	v6 =	vld [tilespmem:s1+$0xC170]  }
0x86: {  	v7 =	vld [tilespmem:s1+$0x4100]  }
0x87: {  	v8 =	vld [tilespmem:s1+$0xC100]  }
0x88: {  	v9 =	vld [tilespmem:s1+$0x4110]  }
0x89: {  	v10 =	vld [tilespmem:s1+$0xC110]  }
0x8a: {  	v11 =	vld [tilespmem:s1+$0x4120]  }
0x8b: {  	v12 =	vld [tilespmem:s1+$0xC120]  }
0x8c: {  	v13 =	vld [tilespmem:s1+$0x4130];
	v5 =	vmul.f32 v5, v3;
	v6 =	vmul.f32 v6, v4  }
0x8d: {  	v15 =	vld [tilespmem:s1+$0xC130];
	v7 =	vmul.f32 v7, v3;
	v14 =	vmul.f32 v8, v4  }
0x8e: {  	v9 =	vmul.f32 v9, v3;
	v10 =	vmul.f32 v10, v4;
	v8 =	vld [tilespmem:s1+$0x4140];
	v6 =	vadd.f32 v6, v5  }
0x8f: {  	v7 =	vadd.f32 v14, v7;
	v5 =	vld [tilespmem:s1+$0xC140]  }
0x90: {  	v11 =	vmul.f32 v11, v3;
	v12 =	vmul.f32 v12, v4;
	v9 =	vadd.f32 v10, v9;
	[tilespmem:s1+$0x14170] =	vst v6;
	v6 =	vld [tilespmem:s1+$0x4150]  }
0x91: {  	s5 =	simm.s32 $0x10;
	[tilespmem:s1+$0x14100] =	vst v7;
	v7 =	vld [tilespmem:s1+$0xC150]  }
0x92: {  	s19 =	simm.s32 $0x80;
	s17 =	simm.s32 $0x0;
	s18 =	simm.s32 $0x400;
	v10 =	vmul.f32 v13, v3;
	v11 =	vadd.f32 v12, v11;
	v12 =	vmul.f32 v15, v4;
	[tilespmem:s1+$0x14110] =	vst v9;
	v9 =	vld [tilespmem:s1+$0x4160]  }
.LBB2_2:
0x93: {  	s6 =	sand.u32 $0x780, s5;
	s7 =	sand.u32 $0x2000, s19;
	s20 =	sand.u32 $0x1C00, s18;
	v8 =	vmul.f32 v8, v3;
	v13 =	vld [tilespmem:s1+$0xC160]  }
0x94: {  	s17 =	sadd.s32 $0x8, s17;
	v14 =	vld [tilespmem:s6+$0x100];
	s7 =	sor.u32 s20, s7;
	s20 =	sand.u32 $0x380, s5;
	[tilespmem:s1+$0x14120] =	vst v11;
	v10 =	vadd.f32 v12, v10;
	v5 =	vmul.f32 v5, v4  }
0x95: {  	p0 =	slt.u32 s17, $0x3F8;
	s7 =	sor.u32 s20, s7;
	v11 =	vld [tilespmem:s6+$0x2100];
	v6 =	vmul.f32 v6, v3  }
0x96: {  	v12 =	vld [tilespmem:s7+$0x4170];
	[tilespmem:s1+$0x14130] =	vst v10;
	v5 =	vadd.f32 v5, v8;
	v7 =	vmul.f32 v7, v4  }
0x97: {  	v8 =	vld [tilespmem:s7+$0xC170];
	v9 =	vmul.f32 v9, v3  }
0x98: {  	v10 =	vld [tilespmem:s7+$0x4100];
	[tilespmem:s1+$0x14140] =	vst v5;
	v5 =	vadd.f32 v7, v6;
	v13 =	vmul.f32 v13, v4  }
0x99: {  	v6 =	vld [tilespmem:s7+$0xC100];
	v3 =	vmov v14  }
0x9a: {  	v7 =	vld [tilespmem:s7+$0x4110];
	[tilespmem:s1+$0x14150] =	vst v5;
	v5 =	vadd.f32 v13, v9;
	v4 =	vmov v11  }
0x9b: {  	v9 =	vld [tilespmem:s7+$0xC110]  }
0x9c: {  	v12 =	vmul.f32 v12, v3;
	v11 =	vld [tilespmem:s7+$0x4120];
	v8 =	vmul.f32 v8, v4;
	[tilespmem:s1+$0x14160] =	vst v5;
	s1 =	smov.u32 s7  }
0x9d: {  	v5 =	vmul.f32 v10, v3;
	v10 =	vld [tilespmem:s1+$0xC120]  }
0x9e: {  	v6 =	vmul.f32 v6, v4;
	v13 =	vld [tilespmem:s1+$0x4130];
	v12 =	vadd.f32 v8, v12  }
0x9f: {  	v7 =	vmul.f32 v7, v3;
	v14 =	vld [tilespmem:s1+$0xC130]  }
.Ltmp0:
0xa0: {  	v6 =	vadd.f32 v6, v5;
	v9 =	vmul.f32 v9, v4;
	v8 =	vld [tilespmem:s1+$0x4140];
	[tilespmem:s1+$0x14170] =	vst v12;
	(pc) =	sbr.rel @p0 .LBB2_2-.Ltmp0, $4  }
0xa1: {  	v11 =	vmul.f32 v11, v3;
	v5 =	vld [tilespmem:s1+$0xC140]  }
0xa2: {  	[tilespmem:s1+$0x14100] =	vst v6;
	v9 =	vadd.f32 v9, v7;
	v12 =	vmul.f32 v10, v4;
	v6 =	vld [tilespmem:s1+$0x4150]  }
0xa3: {  	v10 =	vmul.f32 v13, v3;
	v7 =	vld [tilespmem:s1+$0xC150]  }
0xa4: {  	s18 =	sadd.s32 $0x400, s18;
	s19 =	sadd.s32 $0x80, s19;
	s5 =	sadd.s32 $0x10, s5;
	[tilespmem:s1+$0x14110] =	vst v9;
	v11 =	vadd.f32 v12, v11;
	v12 =	vmul.f32 v14, v4;
	v9 =	vld [tilespmem:s1+$0x4160]  }
0xa5: {  	v13 =	vld [tilespmem:s1+$0xC160];
	_ =	sdelay $0x2  }
0xa6: {  	v8 =	vmul.f32 v8, v3;
	v5 =	vmul.f32 v5, v4  }
0xa7: {  	v10 =	vadd.f32 v12, v10;
	v6 =	vmul.f32 v6, v3;
	v7 =	vmul.f32 v7, v4  }
0xa8: {  	[tilespmem:s1+$0x14120] =	vst v11;
	v5 =	vadd.f32 v5, v8;
	v3 =	vmul.f32 v9, v3;
	v4 =	vmul.f32 v13, v4  }
0xa9: {  	[tilespmem:s1+$0x14130] =	vst v10;
	v6 =	vadd.f32 v7, v6  }
0xaa: {  	[tilespmem:s1+$0x14140] =	vst v5;
	v3 =	vadd.f32 v4, v3  }
0xab: {  	[tilespmem:s1+$0x14150] =	vst v6  }
0xac: {  	[tilespmem:s1+$0x14160] =	vst v3;
	s1 =	simm.s32 $0x0  }
0xad: {  	[hbm4b:s10+s1] =	stream.linear.scatter [tilespmem:s30], [sflag:$0x3], $0x4000, $0x38;
	[tilespmem:$0x18100] =	vst v63  }
0xae: {  	_ =	swait.ge [sflag:s16], $0x4000  }
0xaf: {  	[sflag:s16] =	ssyncset.done $0x0  }
0xb0: {  	[sflag:s16] =	ssyncadd.s32 $0xFFFFC000  }
0xb1: {  	_ =	swait.ge [sflag:s31], $0x4000  }
0xb2: {  	[sflag:s31] =	ssyncset.done $0x0  }
0xb3: {  	[sflag:s31] =	ssyncadd.s32 $0xFFFFC000  }
0xb4: {  	_ =	swait.ge [sflag:s31], $0x4000  }
0xb5: {  	[sflag:s31] =	ssyncset.done $0x0  }
0xb6: {  	[sflag:s31] =	ssyncadd.s32 $0xFFFFC000  }
0xb7: {  	v3 =	vld [tilespmem:$0x20];
	_ =	sdelay $0x4  }
0xb8: {  	v4 =	vshll.u32 v3, $0x3  }
0xb9: {  	v3 =	vand.u32 $0x7, v3;
	v4 =	vand.u32 $0xFFFFFFC0, v4  }
0xba: {  	v3 =	vor.u32 v3, v4  }
0xbb: {  	v4 =	vperm.xlane v3, v0;
	_ =	sdelay $0x1  }
0xbc: {  	v4 =	vadd.s32 v1, v4;
	_ =	sdelay $0x4  }
0xbd: {  	[tilespmem:s21], [sflag:$0x1] =	stream.indirect_vreg.gather [hbm4b:s3+s1], $0x80, v4, vm0, $0xb8;
	[tilespmem:$0x18100] =	vst v63  }
0xbe: {  	s5 =	simm.s32 $0x4900;
	v3 =	vperm.xlane v3, v2  }
0xbf: {  	[tilespmem:s5], [sflag:$0x1] =	stream.indirect_vreg.gather [hbm4b:s8+s1], $0x80, v4, vm0, $0xb8;
	[tilespmem:$0x18100] =	vst v63  }
0xc0: {  	v3 =	vadd.s32 v1, v3;
	s21 =	simm.s32 $0x5100  }
0xc1: {  	[tilespmem:s21], [sflag:$0x1] =	stream.indirect_vreg.gather [hbm4b:s9+s1], $0x80, v4, vm0, $0xb8;
	[tilespmem:$0x18100] =	vst v63  }
0xc2: {  	s6 =	simm.s32 $0x5900  }
0xc3: {  	[tilespmem:s6], [sflag:$0x1] =	stream.indirect_vreg.gather [hbm4b:s11+s1], $0x80, v4, vm0, $0xb8;
	[tilespmem:$0x18100] =	vst v63  }
0xc4: {  	s7 =	simm.s32 $0x6100  }
0xc5: {  	[tilespmem:s7], [sflag:$0x1] =	stream.indirect_vreg.gather [hbm4b:s3+s1], $0x80, v3, vm0, $0xb8;
	[tilespmem:$0x18100] =	vst v63  }
0xc6: {  	s17 =	simm.s32 $0x6900  }
0xc7: {  	[tilespmem:s17], [sflag:$0x1] =	stream.indirect_vreg.gather [hbm4b:s8+s1], $0x80, v3, vm0, $0xb8;
	[tilespmem:$0x18100] =	vst v63  }
0xc8: {  	s18 =	simm.s32 $0x7100  }
0xc9: {  	[tilespmem:s18], [sflag:$0x1] =	stream.indirect_vreg.gather [hbm4b:s9+s1], $0x80, v3, vm0, $0xb8;
	[tilespmem:$0x18100] =	vst v63  }
0xca: {  	s19 =	simm.s32 $0x7900  }
0xcb: {  	[tilespmem:s19], [sflag:$0x1] =	stream.indirect_vreg.gather [hbm4b:s11+s1], $0x80, v3, vm0, $0xb8;
	[tilespmem:$0x18100] =	vst v63  }
0xcc: {  	v3 =	vld [tilespmem:$0xA0];
	_ =	sdelay $0x4  }
0xcd: {  	v4 =	vshll.u32 v3, $0x3  }
0xce: {  	v3 =	vand.u32 $0x7, v3;
	v4 =	vand.u32 $0xFFFFFFC0, v4  }
0xcf: {  	v3 =	vor.u32 v3, v4  }
0xd0: {  	v4 =	vperm.xlane v3, v0;
	_ =	sdelay $0x1  }
0xd1: {  	v4 =	vadd.s32 v1, v4;
	_ =	sdelay $0x3  }
0xd2: {  	s20 =	simm.s32 $0xC100  }
0xd3: {  	[tilespmem:s20], [sflag:$0x1] =	stream.indirect_vreg.gather [hbm4b:s3+s1], $0x80, v4, vm0, $0xb8;
	[tilespmem:$0x18100] =	vst v63  }
0xd4: {  	s21 =	simm.s32 $0xC900;
	v3 =	vperm.xlane v3, v2  }
0xd5: {  	[tilespmem:s21], [sflag:$0x1] =	stream.indirect_vreg.gather [hbm4b:s8+s1], $0x80, v4, vm0, $0xb8;
	[tilespmem:$0x18100] =	vst v63  }
0xd6: {  	s6 =	simm.s32 $0xD100;
	v3 =	vadd.s32 v1, v3  }
0xd7: {  	[tilespmem:s6], [sflag:$0x1] =	stream.indirect_vreg.gather [hbm4b:s9+s1], $0x80, v4, vm0, $0xb8;
	[tilespmem:$0x18100] =	vst v63  }
0xd8: {  	s7 =	simm.s32 $0xD900  }
0xd9: {  	[tilespmem:s7], [sflag:$0x1] =	stream.indirect_vreg.gather [hbm4b:s11+s1], $0x80, v4, vm0, $0xb8;
	[tilespmem:$0x18100] =	vst v63  }
0xda: {  	s17 =	simm.s32 $0xE100  }
0xdb: {  	[tilespmem:s17], [sflag:$0x1] =	stream.indirect_vreg.gather [hbm4b:s3+s1], $0x80, v3, vm0, $0xb8;
	[tilespmem:$0x18100] =	vst v63  }
0xdc: {  	s18 =	simm.s32 $0xE900  }
0xdd: {  	[tilespmem:s18], [sflag:$0x1] =	stream.indirect_vreg.gather [hbm4b:s8+s1], $0x80, v3, vm0, $0xb8;
	[tilespmem:$0x18100] =	vst v63  }
0xde: {  	s19 =	simm.s32 $0xF100;
	s20 =	simm.s32 $0xF900  }
0xdf: {  	[tilespmem:s19], [sflag:$0x1] =	stream.indirect_vreg.gather [hbm4b:s9+s1], $0x80, v3, vm0, $0xb8;
	[tilespmem:$0x18100] =	vst v63  }
0xe0: {  	s21 =	sand.u32 $0x780, s1;
	s6 =	sand.u32 $0x2000, s1;
	s7 =	sand.u32 $0x1C00, s1  }
0xe1: {  	[tilespmem:s20], [sflag:$0x1] =	stream.indirect_vreg.gather [hbm4b:s11+s1], $0x80, v3, vm0, $0xb8;
	[tilespmem:$0x18100] =	vst v63  }
0xe2: {  	s6 =	sor.u32 s7, s6;
	s1 =	sand.u32 $0x380, s1;
	v3 =	vld [tilespmem:s21+$0x900]  }
0xe3: {  	s1 =	sor.u32 s1, s6;
	v4 =	vld [tilespmem:s21+$0x2900]  }
0xe4: {  	v5 =	vld [tilespmem:s1+$0x8170]  }
0xe5: {  	v6 =	vld [tilespmem:s1+$0x10170]  }
0xe6: {  	v7 =	vld [tilespmem:s1+$0x8100]  }
0xe7: {  	v8 =	vld [tilespmem:s1+$0x10100]  }
0xe8: {  	v9 =	vld [tilespmem:s1+$0x8110]  }
0xe9: {  	v10 =	vld [tilespmem:s1+$0x10110]  }
0xea: {  	v11 =	vld [tilespmem:s1+$0x8120]  }
0xeb: {  	v12 =	vld [tilespmem:s1+$0x10120]  }
0xec: {  	v13 =	vld [tilespmem:s1+$0x8130];
	v5 =	vmul.f32 v5, v3;
	v6 =	vmul.f32 v6, v4  }
0xed: {  	v14 =	vld [tilespmem:s1+$0x10130];
	v7 =	vmul.f32 v7, v3;
	v8 =	vmul.f32 v8, v4  }
0xee: {  	v9 =	vmul.f32 v9, v3;
	v10 =	vmul.f32 v10, v4;
	v15 =	vadd.f32 v6, v5;
	v6 =	vld [tilespmem:s1+$0x8140]  }
0xef: {  	s17 =	sadd.s32 $0x14100, s1;
	v8 =	vadd.f32 v8, v7;
	v5 =	vld [tilespmem:s1+$0x10140]  }
0xf0: {  	v11 =	vmul.f32 v11, v3;
	v12 =	vmul.f32 v12, v4;
	v9 =	vadd.f32 v10, v9;
	v7 =	vld [tilespmem:s1+$0x8150];
	[tilespmem:s17+$0x70] =	vst v15  }
0xf1: {  	s5 =	simm.s32 $0x80;
	[tilespmem:s1+$0x14100] =	vst v8;
	v8 =	vld [tilespmem:s1+$0x10150]  }
0xf2: {  	s18 =	simm.s32 $0x0;
	s19 =	simm.s32 $0x400;
	s6 =	simm.s32 $0x10;
	v10 =	vmul.f32 v13, v3;
	v11 =	vadd.f32 v12, v11;
	v12 =	vmul.f32 v14, v4;
	[tilespmem:s17+$0x10] =	vst v9;
	v9 =	vld [tilespmem:s1+$0x8160]  }
.LBB2_4:
0xf3: {  	s7 =	sand.u32 $0x780, s6;
	s20 =	sand.u32 $0x2000, s5;
	s21 =	sand.u32 $0x1C00, s19;
	v6 =	vmul.f32 v6, v3;
	v13 =	vld [tilespmem:s1+$0x10160]  }
0xf4: {  	s18 =	sadd.s32 $0x8, s18;
	v14 =	vld [tilespmem:s7+$0x900];
	s1 =	sor.u32 s21, s20;
	s20 =	sand.u32 $0x380, s6;
	[tilespmem:s17+$0x20] =	vst v11;
	v10 =	vadd.f32 v12, v10;
	v5 =	vmul.f32 v5, v4  }
0xf5: {  	p0 =	slt.u32 s18, $0x3F8;
	s1 =	sor.u32 s20, s1;
	v11 =	vld [tilespmem:s7+$0x2900];
	v7 =	vmul.f32 v7, v3  }
0xf6: {  	v12 =	vld [tilespmem:s1+$0x8170];
	[tilespmem:s17+$0x30] =	vst v10;
	v5 =	vadd.f32 v5, v6;
	v6 =	vmul.f32 v8, v4  }
0xf7: {  	v8 =	vld [tilespmem:s1+$0x10170];
	v9 =	vmul.f32 v9, v3  }
0xf8: {  	v10 =	vld [tilespmem:s1+$0x8100];
	[tilespmem:s17+$0x40] =	vst v5;
	v5 =	vadd.f32 v6, v7;
	v13 =	vmul.f32 v13, v4  }
0xf9: {  	v6 =	vld [tilespmem:s1+$0x10100];
	v3 =	vmov v14  }
0xfa: {  	v7 =	vld [tilespmem:s1+$0x8110];
	[tilespmem:s17+$0x50] =	vst v5;
	v5 =	vadd.f32 v13, v9;
	v4 =	vmov v11  }
0xfb: {  	v9 =	vld [tilespmem:s1+$0x10110]  }
0xfc: {  	v12 =	vmul.f32 v12, v3;
	v11 =	vld [tilespmem:s1+$0x8120];
	v8 =	vmul.f32 v8, v4;
	[tilespmem:s17+$0x60] =	vst v5  }
0xfd: {  	v5 =	vmul.f32 v10, v3;
	v10 =	vld [tilespmem:s1+$0x10120]  }
0xfe: {  	v6 =	vmul.f32 v6, v4;
	v13 =	vld [tilespmem:s1+$0x8130];
	v8 =	vadd.f32 v8, v12  }
0xff: {  	s17 =	sadd.s32 $0x14100, s1;
	v7 =	vmul.f32 v7, v3;
	v12 =	vld [tilespmem:s1+$0x10130]  }
.Ltmp1:
0x100: {  	v14 =	vadd.f32 v6, v5;
	v9 =	vmul.f32 v9, v4;
	v6 =	vld [tilespmem:s1+$0x8140];
	[tilespmem:s17+$0x70] =	vst v8;
	(pc) =	sbr.rel @p0 .LBB2_4-.Ltmp1, $4  }
0x101: {  	v11 =	vmul.f32 v11, v3;
	v5 =	vld [tilespmem:s1+$0x10140]  }
0x102: {  	[tilespmem:s1+$0x14100] =	vst v14;
	v9 =	vadd.f32 v9, v7;
	v14 =	vmul.f32 v10, v4;
	v7 =	vld [tilespmem:s1+$0x8150]  }
0x103: {  	v10 =	vmul.f32 v13, v3;
	v8 =	vld [tilespmem:s1+$0x10150]  }
0x104: {  	s19 =	sadd.s32 $0x400, s19;
	s5 =	sadd.s32 $0x80, s5;
	s6 =	sadd.s32 $0x10, s6;
	[tilespmem:s17+$0x10] =	vst v9;
	v11 =	vadd.f32 v14, v11;
	v12 =	vmul.f32 v12, v4;
	v9 =	vld [tilespmem:s1+$0x8160]  }
0x105: {  	v13 =	vld [tilespmem:s1+$0x10160];
	_ =	sdelay $0x2  }
0x106: {  	v6 =	vmul.f32 v6, v3;
	v5 =	vmul.f32 v5, v4  }
0x107: {  	v10 =	vadd.f32 v12, v10;
	v7 =	vmul.f32 v7, v3;
	v8 =	vmul.f32 v8, v4  }
0x108: {  	[tilespmem:s17+$0x20] =	vst v11;
	v5 =	vadd.f32 v5, v6;
	v3 =	vmul.f32 v9, v3;
	v4 =	vmul.f32 v13, v4  }
0x109: {  	[tilespmem:s17+$0x30] =	vst v10;
	v6 =	vadd.f32 v8, v7  }
0x10a: {  	[tilespmem:s17+$0x40] =	vst v5;
	v3 =	vadd.f32 v4, v3  }
0x10b: {  	[tilespmem:s17+$0x50] =	vst v6  }
0x10c: {  	[tilespmem:s17+$0x60] =	vst v3  }
0x10d: {  	s1 =	simm.s32 $0x0;
	s5 =	rddreg [dreg:$0x7]  }
0x10e: {  	[hbm4b:s5+s1] =	stream.linear.scatter [tilespmem:s30], [sflag:$0x3], $0x4000, $0x38;
	[tilespmem:$0x18100] =	vst v63  }
0x10f: {  	_ =	swait.ge [sflag:s16], $0x4000  }
0x110: {  	[sflag:s16] =	ssyncset.done $0x0  }
0x111: {  	[sflag:s16] =	ssyncadd.s32 $0xFFFFC000  }
0x112: {  	_ =	swait.ge [sflag:s4], $0x4000  }
0x113: {  	[sflag:s4] =	ssyncset.done $0x0  }
0x114: {  	[sflag:s4] =	ssyncadd.s32 $0xFFFFC000  }
0x115: {  	_ =	swait.ge [sflag:s4], $0x4000  }
0x116: {  	[sflag:s4] =	ssyncset.done $0x0  }
0x117: {  	[sflag:s4] =	ssyncadd.s32 $0xFFFFC000  }
0x118: {  	v3 =	vld [tilespmem:$0x30];
	_ =	sdelay $0x4  }
0x119: {  	v4 =	vshll.u32 v3, $0x3  }
0x11a: {  	v3 =	vand.u32 $0x7, v3;
	v4 =	vand.u32 $0xFFFFFFC0, v4  }
0x11b: {  	v3 =	vor.u32 v3, v4  }
0x11c: {  	v4 =	vperm.xlane v3, v0;
	_ =	sdelay $0x1  }
0x11d: {  	v4 =	vadd.s32 v1, v4;
	_ =	sdelay $0x3  }
0x11e: {  	s7 =	simm.s32 $0x8100  }
0x11f: {  	[tilespmem:s7], [sflag:$0x2] =	stream.indirect_vreg.gather [hbm4b:s3+s1], $0x80, v4, vm0, $0xb8;
	[tilespmem:$0x18100] =	vst v63  }
0x120: {  	s17 =	simm.s32 $0x8900;
	v3 =	vperm.xlane v3, v2  }
0x121: {  	[tilespmem:s17], [sflag:$0x2] =	stream.indirect_vreg.gather [hbm4b:s8+s1], $0x80, v4, vm0, $0xb8;
	[tilespmem:$0x18100] =	vst v63  }
0x122: {  	s18 =	simm.s32 $0x9100;
	v3 =	vadd.s32 v1, v3  }
0x123: {  	[tilespmem:s18], [sflag:$0x2] =	stream.indirect_vreg.gather [hbm4b:s9+s1], $0x80, v4, vm0, $0xb8;
	[tilespmem:$0x18100] =	vst v63  }
0x124: {  	s19 =	simm.s32 $0x9900  }
0x125: {  	[tilespmem:s19], [sflag:$0x2] =	stream.indirect_vreg.gather [hbm4b:s11+s1], $0x80, v4, vm0, $0xb8;
	[tilespmem:$0x18100] =	vst v63  }
0x126: {  	s20 =	simm.s32 $0xA100  }
0x127: {  	[tilespmem:s20], [sflag:$0x2] =	stream.indirect_vreg.gather [hbm4b:s3+s1], $0x80, v3, vm0, $0xb8;
	[tilespmem:$0x18100] =	vst v63  }
0x128: {  	_ = 	snop  }
0x129: {  	[tilespmem:s22], [sflag:$0x2] =	stream.indirect_vreg.gather [hbm4b:s8+s1], $0x80, v3, vm0, $0xb8;
	[tilespmem:$0x18100] =	vst v63  }
0x12a: {  	_ = 	snop  }
0x12b: {  	[tilespmem:s23], [sflag:$0x2] =	stream.indirect_vreg.gather [hbm4b:s9+s1], $0x80, v3, vm0, $0xb8;
	[tilespmem:$0x18100] =	vst v63  }
0x12c: {  	_ = 	snop  }
0x12d: {  	[tilespmem:s24], [sflag:$0x2] =	stream.indirect_vreg.gather [hbm4b:s11+s1], $0x80, v3, vm0, $0xb8;
	[tilespmem:$0x18100] =	vst v63  }
0x12e: {  	v3 =	vld [tilespmem:$0xB0];
	_ =	sdelay $0x4  }
0x12f: {  	v4 =	vshll.u32 v3, $0x3  }
0x130: {  	v3 =	vand.u32 $0x7, v3;
	v4 =	vand.u32 $0xFFFFFFC0, v4  }
0x131: {  	v3 =	vor.u32 v3, v4  }
0x132: {  	v4 =	vperm.xlane v3, v0;
	_ =	sdelay $0x1  }
0x133: {  	v4 =	vadd.s32 v1, v4;
	_ =	sdelay $0x4  }
0x134: {  	[tilespmem:s25], [sflag:$0x2] =	stream.indirect_vreg.gather [hbm4b:s3+s1], $0x80, v4, vm0, $0xb8;
	[tilespmem:$0x18100] =	vst v63  }
0x135: {  	v3 =	vperm.xlane v3, v2  }
0x136: {  	[tilespmem:s12], [sflag:$0x2] =	stream.indirect_vreg.gather [hbm4b:s8+s1], $0x80, v4, vm0, $0xb8;
	[tilespmem:$0x18100] =	vst v63  }
0x137: {  	v3 =	vadd.s32 v1, v3  }
0x138: {  	[tilespmem:s26], [sflag:$0x2] =	stream.indirect_vreg.gather [hbm4b:s9+s1], $0x80, v4, vm0, $0xb8;
	[tilespmem:$0x18100] =	vst v63  }
0x139: {  	_ = 	snop  }
0x13a: {  	[tilespmem:s13], [sflag:$0x2] =	stream.indirect_vreg.gather [hbm4b:s11+s1], $0x80, v4, vm0, $0xb8;
	[tilespmem:$0x18100] =	vst v63  }
0x13b: {  	_ = 	snop  }
0x13c: {  	[tilespmem:s28], [sflag:$0x2] =	stream.indirect_vreg.gather [hbm4b:s3+s1], $0x80, v3, vm0, $0xb8;
	[tilespmem:$0x18100] =	vst v63  }
0x13d: {  	_ = 	snop  }
0x13e: {  	[tilespmem:s14], [sflag:$0x2] =	stream.indirect_vreg.gather [hbm4b:s8+s1], $0x80, v3, vm0, $0xb8;
	[tilespmem:$0x18100] =	vst v63  }
0x13f: {  	_ = 	snop  }
0x140: {  	[tilespmem:s15], [sflag:$0x2] =	stream.indirect_vreg.gather [hbm4b:s9+s1], $0x80, v3, vm0, $0xb8;
	[tilespmem:$0x18100] =	vst v63  }
0x141: {  	s21 =	sand.u32 $0x780, s1;
	s6 =	sand.u32 $0x2000, s1;
	s7 =	sand.u32 $0x1C00, s1  }
0x142: {  	[tilespmem:s29], [sflag:$0x2] =	stream.indirect_vreg.gather [hbm4b:s11+s1], $0x80, v3, vm0, $0xb8;
	[tilespmem:$0x18100] =	vst v63  }
0x143: {  	s6 =	sor.u32 s7, s6;
	s1 =	sand.u32 $0x380, s1;
	v3 =	vld [tilespmem:s21+$0x1100]  }
0x144: {  	s1 =	sor.u32 s1, s6;
	v4 =	vld [tilespmem:s21+$0x3100]  }
0x145: {  	v5 =	vld [tilespmem:s1+$0x4170]  }
0x146: {  	v6 =	vld [tilespmem:s1+$0xC170]  }
0x147: {  	v7 =	vld [tilespmem:s1+$0x4100]  }
0x148: {  	v8 =	vld [tilespmem:s1+$0xC100]  }
0x149: {  	v9 =	vld [tilespmem:s1+$0x4110]  }
0x14a: {  	v10 =	vld [tilespmem:s1+$0xC110]  }
0x14b: {  	v11 =	vld [tilespmem:s1+$0x4120]  }
0x14c: {  	v12 =	vld [tilespmem:s1+$0xC120]  }
0x14d: {  	v13 =	vld [tilespmem:s1+$0x4130];
	v5 =	vmul.f32 v5, v3;
	v6 =	vmul.f32 v6, v4  }
0x14e: {  	v15 =	vld [tilespmem:s1+$0xC130];
	v7 =	vmul.f32 v7, v3;
	v14 =	vmul.f32 v8, v4  }
0x14f: {  	v9 =	vmul.f32 v9, v3;
	v10 =	vmul.f32 v10, v4;
	v8 =	vld [tilespmem:s1+$0x4140];
	v6 =	vadd.f32 v6, v5  }
0x150: {  	v7 =	vadd.f32 v14, v7;
	v5 =	vld [tilespmem:s1+$0xC140]  }
0x151: {  	v11 =	vmul.f32 v11, v3;
	v12 =	vmul.f32 v12, v4;
	v9 =	vadd.f32 v10, v9;
	[tilespmem:s1+$0x14170] =	vst v6;
	v6 =	vld [tilespmem:s1+$0x4150]  }
0x152: {  	s5 =	simm.s32 $0x80;
	[tilespmem:s1+$0x14100] =	vst v7;
	v7 =	vld [tilespmem:s1+$0xC150]  }
0x153: {  	s17 =	simm.s32 $0x0;
	s18 =	simm.s32 $0x400;
	s6 =	simm.s32 $0x10;
	v10 =	vmul.f32 v13, v3;
	v11 =	vadd.f32 v12, v11;
	v12 =	vmul.f32 v15, v4;
	[tilespmem:s1+$0x14110] =	vst v9;
	v9 =	vld [tilespmem:s1+$0x4160]  }
.LBB2_6:
0x154: {  	s7 =	sand.u32 $0x780, s6;
	s19 =	sand.u32 $0x2000, s5;
	s20 =	sand.u32 $0x1C00, s18;
	v8 =	vmul.f32 v8, v3;
	v13 =	vld [tilespmem:s1+$0xC160]  }
0x155: {  	s17 =	sadd.s32 $0x8, s17;
	v14 =	vld [tilespmem:s7+$0x1100];
	s19 =	sor.u32 s20, s19;
	s20 =	sand.u32 $0x380, s6;
	[tilespmem:s1+$0x14120] =	vst v11;
	v10 =	vadd.f32 v12, v10;
	v5 =	vmul.f32 v5, v4  }
0x156: {  	p0 =	slt.u32 s17, $0x3F8;
	s19 =	sor.u32 s20, s19;
	v11 =	vld [tilespmem:s7+$0x3100];
	v6 =	vmul.f32 v6, v3  }
0x157: {  	v12 =	vld [tilespmem:s19+$0x4170];
	[tilespmem:s1+$0x14130] =	vst v10;
	v5 =	vadd.f32 v5, v8;
	v7 =	vmul.f32 v7, v4  }
0x158: {  	v8 =	vld [tilespmem:s19+$0xC170];
	v9 =	vmul.f32 v9, v3  }
0x159: {  	v10 =	vld [tilespmem:s19+$0x4100];
	[tilespmem:s1+$0x14140] =	vst v5;
	v5 =	vadd.f32 v7, v6;
	v13 =	vmul.f32 v13, v4  }
0x15a: {  	v6 =	vld [tilespmem:s19+$0xC100];
	v3 =	vmov v14  }
0x15b: {  	v7 =	vld [tilespmem:s19+$0x4110];
	[tilespmem:s1+$0x14150] =	vst v5;
	v5 =	vadd.f32 v13, v9;
	v4 =	vmov v11  }
0x15c: {  	v9 =	vld [tilespmem:s19+$0xC110]  }
0x15d: {  	v12 =	vmul.f32 v12, v3;
	v11 =	vld [tilespmem:s19+$0x4120];
	v8 =	vmul.f32 v8, v4;
	[tilespmem:s1+$0x14160] =	vst v5;
	s1 =	smov.u32 s19  }
0x15e: {  	v5 =	vmul.f32 v10, v3;
	v10 =	vld [tilespmem:s1+$0xC120]  }
0x15f: {  	v6 =	vmul.f32 v6, v4;
	v13 =	vld [tilespmem:s1+$0x4130];
	v12 =	vadd.f32 v8, v12  }
0x160: {  	v7 =	vmul.f32 v7, v3;
	v14 =	vld [tilespmem:s1+$0xC130]  }
.Ltmp2:
0x161: {  	v6 =	vadd.f32 v6, v5;
	v9 =	vmul.f32 v9, v4;
	v8 =	vld [tilespmem:s1+$0x4140];
	[tilespmem:s1+$0x14170] =	vst v12;
	(pc) =	sbr.rel @p0 .LBB2_6-.Ltmp2, $4  }
0x162: {  	v11 =	vmul.f32 v11, v3;
	v5 =	vld [tilespmem:s1+$0xC140]  }
0x163: {  	[tilespmem:s1+$0x14100] =	vst v6;
	v9 =	vadd.f32 v9, v7;
	v12 =	vmul.f32 v10, v4;
	v6 =	vld [tilespmem:s1+$0x4150]  }
0x164: {  	v10 =	vmul.f32 v13, v3;
	v7 =	vld [tilespmem:s1+$0xC150]  }
0x165: {  	s18 =	sadd.s32 $0x400, s18;
	s5 =	sadd.s32 $0x80, s5;
	s6 =	sadd.s32 $0x10, s6;
	[tilespmem:s1+$0x14110] =	vst v9;
	v11 =	vadd.f32 v12, v11;
	v12 =	vmul.f32 v14, v4;
	v9 =	vld [tilespmem:s1+$0x4160]  }
0x166: {  	v13 =	vld [tilespmem:s1+$0xC160];
	_ =	sdelay $0x2  }
0x167: {  	v8 =	vmul.f32 v8, v3;
	v5 =	vmul.f32 v5, v4  }
0x168: {  	v10 =	vadd.f32 v12, v10;
	v6 =	vmul.f32 v6, v3;
	v7 =	vmul.f32 v7, v4  }
0x169: {  	[tilespmem:s1+$0x14120] =	vst v11;
	v5 =	vadd.f32 v5, v8;
	v3 =	vmul.f32 v9, v3;
	v4 =	vmul.f32 v13, v4  }
0x16a: {  	[tilespmem:s1+$0x14130] =	vst v10;
	v6 =	vadd.f32 v7, v6  }
0x16b: {  	[tilespmem:s1+$0x14140] =	vst v5;
	v3 =	vadd.f32 v4, v3  }
0x16c: {  	[tilespmem:s1+$0x14150] =	vst v6  }
0x16d: {  	[tilespmem:s1+$0x14160] =	vst v3  }
0x16e: {  	s20 =	simm.s32 $0x0;
	s5 =	rddreg [dreg:$0x8]  }
0x16f: {  	[hbm4b:s5+s20] =	stream.linear.scatter [tilespmem:s30], [sflag:$0x3], $0x4000, $0x38;
	[tilespmem:$0x18100] =	vst v63  }
0x170: {  	_ =	swait.ge [sflag:s16], $0x4000  }
0x171: {  	[sflag:s16] =	ssyncset.done $0x0  }
0x172: {  	[sflag:s16] =	ssyncadd.s32 $0xFFFFC000  }
0x173: {  	_ =	swait.ge [sflag:s31], $0x4000  }
0x174: {  	[sflag:s31] =	ssyncset.done $0x0  }
0x175: {  	[sflag:s31] =	ssyncadd.s32 $0xFFFFC000  }
0x176: {  	_ =	swait.ge [sflag:s31], $0x4000  }
0x177: {  	s21 =	sand.u32 $0x780, s20;
	[sflag:s31] =	ssyncset.done $0x0  }
0x178: {  	s6 =	sand.u32 $0x2000, s20;
	s7 =	sand.u32 $0x1C00, s20;
	[sflag:s31] =	ssyncadd.s32 $0xFFFFC000  }
0x179: {  	s6 =	sor.u32 s7, s6;
	s1 =	sand.u32 $0x380, s20;
	v3 =	vld [tilespmem:s21+$0x1900]  }
0x17a: {  	s1 =	sor.u32 s1, s6;
	v4 =	vld [tilespmem:s21+$0x3900]  }
0x17b: {  	v5 =	vld [tilespmem:s1+$0x8170]  }
0x17c: {  	v6 =	vld [tilespmem:s1+$0x10170]  }
0x17d: {  	v7 =	vld [tilespmem:s1+$0x8100]  }
0x17e: {  	v8 =	vld [tilespmem:s1+$0x10100]  }
0x17f: {  	v9 =	vld [tilespmem:s1+$0x8110]  }
0x180: {  	v10 =	vld [tilespmem:s1+$0x10110]  }
0x181: {  	v11 =	vld [tilespmem:s1+$0x8120]  }
0x182: {  	v12 =	vld [tilespmem:s1+$0x10120]  }
0x183: {  	v13 =	vld [tilespmem:s1+$0x8130];
	v5 =	vmul.f32 v5, v3;
	v6 =	vmul.f32 v6, v4  }
0x184: {  	v14 =	vld [tilespmem:s1+$0x10130];
	v7 =	vmul.f32 v7, v3;
	v8 =	vmul.f32 v8, v4  }
0x185: {  	v9 =	vmul.f32 v9, v3;
	v10 =	vmul.f32 v10, v4;
	v15 =	vadd.f32 v6, v5;
	v6 =	vld [tilespmem:s1+$0x8140]  }
0x186: {  	s17 =	sadd.s32 $0x14100, s1;
	v8 =	vadd.f32 v8, v7;
	v5 =	vld [tilespmem:s1+$0x10140]  }
0x187: {  	v11 =	vmul.f32 v11, v3;
	v12 =	vmul.f32 v12, v4;
	v9 =	vadd.f32 v10, v9;
	v7 =	vld [tilespmem:s1+$0x8150];
	[tilespmem:s17+$0x70] =	vst v15  }
0x188: {  	s18 =	simm.s32 $0x0;
	[tilespmem:s1+$0x14100] =	vst v8;
	v8 =	vld [tilespmem:s1+$0x10150]  }
0x189: {  	s19 =	simm.s32 $0x400;
	s6 =	simm.s32 $0x10;
	s5 =	simm.s32 $0x80;
	v10 =	vmul.f32 v13, v3;
	v11 =	vadd.f32 v12, v11;
	v12 =	vmul.f32 v14, v4;
	[tilespmem:s17+$0x10] =	vst v9;
	v9 =	vld [tilespmem:s1+$0x8160]  }
.LBB2_8:
0x18a: {  	s7 =	sand.u32 $0x780, s6;
	s20 =	sand.u32 $0x2000, s5;
	s21 =	sand.u32 $0x1C00, s19;
	v6 =	vmul.f32 v6, v3;
	v13 =	vld [tilespmem:s1+$0x10160]  }
0x18b: {  	s18 =	sadd.s32 $0x8, s18;
	v14 =	vld [tilespmem:s7+$0x1900];
	s1 =	sor.u32 s21, s20;
	s20 =	sand.u32 $0x380, s6;
	[tilespmem:s17+$0x20] =	vst v11;
	v10 =	vadd.f32 v12, v10;
	v5 =	vmul.f32 v5, v4  }
0x18c: {  	p0 =	slt.u32 s18, $0x3F8;
	s1 =	sor.u32 s20, s1;
	v11 =	vld [tilespmem:s7+$0x3900];
	v7 =	vmul.f32 v7, v3  }
0x18d: {  	v12 =	vld [tilespmem:s1+$0x8170];
	[tilespmem:s17+$0x30] =	vst v10;
	v5 =	vadd.f32 v5, v6;
	v6 =	vmul.f32 v8, v4  }
0x18e: {  	v8 =	vld [tilespmem:s1+$0x10170];
	v9 =	vmul.f32 v9, v3  }
0x18f: {  	v10 =	vld [tilespmem:s1+$0x8100];
	[tilespmem:s17+$0x40] =	vst v5;
	v5 =	vadd.f32 v6, v7;
	v13 =	vmul.f32 v13, v4  }
0x190: {  	v6 =	vld [tilespmem:s1+$0x10100];
	v3 =	vmov v14  }
0x191: {  	v7 =	vld [tilespmem:s1+$0x8110];
	[tilespmem:s17+$0x50] =	vst v5;
	v5 =	vadd.f32 v13, v9;
	v4 =	vmov v11  }
0x192: {  	v9 =	vld [tilespmem:s1+$0x10110]  }
0x193: {  	v12 =	vmul.f32 v12, v3;
	v11 =	vld [tilespmem:s1+$0x8120];
	v8 =	vmul.f32 v8, v4;
	[tilespmem:s17+$0x60] =	vst v5  }
0x194: {  	v5 =	vmul.f32 v10, v3;
	v10 =	vld [tilespmem:s1+$0x10120]  }
0x195: {  	v6 =	vmul.f32 v6, v4;
	v13 =	vld [tilespmem:s1+$0x8130];
	v8 =	vadd.f32 v8, v12  }
0x196: {  	s17 =	sadd.s32 $0x14100, s1;
	v7 =	vmul.f32 v7, v3;
	v12 =	vld [tilespmem:s1+$0x10130]  }
.Ltmp3:
0x197: {  	v14 =	vadd.f32 v6, v5;
	v9 =	vmul.f32 v9, v4;
	v6 =	vld [tilespmem:s1+$0x8140];
	[tilespmem:s17+$0x70] =	vst v8;
	(pc) =	sbr.rel @p0 .LBB2_8-.Ltmp3, $4  }
0x198: {  	v11 =	vmul.f32 v11, v3;
	v5 =	vld [tilespmem:s1+$0x10140]  }
0x199: {  	[tilespmem:s1+$0x14100] =	vst v14;
	v9 =	vadd.f32 v9, v7;
	v14 =	vmul.f32 v10, v4;
	v7 =	vld [tilespmem:s1+$0x8150]  }
0x19a: {  	v10 =	vmul.f32 v13, v3;
	v8 =	vld [tilespmem:s1+$0x10150]  }
0x19b: {  	s19 =	sadd.s32 $0x400, s19;
	s5 =	sadd.s32 $0x80, s5;
	s6 =	sadd.s32 $0x10, s6;
	[tilespmem:s17+$0x10] =	vst v9;
	v11 =	vadd.f32 v14, v11;
	v12 =	vmul.f32 v12, v4;
	v9 =	vld [tilespmem:s1+$0x8160]  }
0x19c: {  	v13 =	vld [tilespmem:s1+$0x10160];
	_ =	sdelay $0x2  }
0x19d: {  	v6 =	vmul.f32 v6, v3;
	v5 =	vmul.f32 v5, v4  }
0x19e: {  	v10 =	vadd.f32 v12, v10;
	v7 =	vmul.f32 v7, v3;
	v8 =	vmul.f32 v8, v4  }
0x19f: {  	[tilespmem:s17+$0x20] =	vst v11;
	v5 =	vadd.f32 v5, v6;
	v3 =	vmul.f32 v9, v3;
	v62 =	vmul.f32 v13, v4  }
0x1a0: {  	[tilespmem:s17+$0x30] =	vst v10;
	v63 =	vadd.f32 v8, v7  }
0x1a1: {  	[tilespmem:s17+$0x40] =	vst v5;
	v3 =	vadd.f32 v62, v3  }
0x1a2: {  	[tilespmem:s17+$0x50] =	vst v63  }
0x1a3: {  	[tilespmem:s17+$0x60] =	vst v3  }
0x1a4: {  	s20 =	rddreg [dreg:$0x9]  }
0x1a5: {  	[hbm4b:s20+s2] =	stream.linear.scatter [tilespmem:s30], [sflag:$0x3], $0x4000, $0x38;
	[tilespmem:$0x18100] =	vst v63  }
0x1a6: {  	_ =	swait.ge [sflag:s16], $0x4000  }
0x1a7: {  	s0 =	sadd.s32 $0x1, s0;
	s21 =	rddreg [dreg:$0xa]  }
0x1a8: {  	p0 =	sne.s32 s0, s21  }
.Ltmp4:
0x1a9: {  	_ = 	snop;
	(pc) =	sbr.rel @p0 .LBB2_1-.Ltmp4, $3  }
0x1aa: {  	_ =	sdelay $0x1  }
0x1ab: {  	[sflag:s16] =	ssyncset.done $0x0  }
0x1ac: {  	[sflag:s16] =	ssyncadd.s32 $0xFFFFC000;
	s21 =	simm.s32 $0x4100  }
0x1ad: {  	_ =	sfence.sel $0x180000  }
0x1ae: {  	[bflag:$0x0] =	sbarrier.arrive $0xFFFF  }
0x1af: {  	_ =	strace $0x9000004A  }
0x1b0: {  	s0 =	stileid.u32;
	[bflag:$0x2] =	sbarrier.arrive $0xFFFF  }
0x1b1: {  	p0 =	sne.s32 s0, $0x0;
	s0 =	rddreg [dreg:$0x2]  }
0x1b2: {  	s0 =	sadd.s32 @!p0 $0x100000, s0  }
0x1b3: {  	[sflag:s0] =	ssyncadd.tile.s32 @!p0 $0x1;
	_ =	shalt  }
.Lfunc_end2:
_tile_overlayer_lowered:
.L_overlay_start_2:
0x1b4: {  	(tag) =	ssettag $0x2  }
0x1b5: {  	s0 =	rddreg [dreg:$0x0];
	s2 =	stileid.u32  }
0x1b6: {  	s1 =	rddreg [dreg:$0x1];
	p0 =	sne.s32 s2, $0x0  }
0x1b7: {  	s3 =	rddreg [dreg:$0x2];
	[bflag:$0x3] =	sbarrier.arrive $0xFFFF;
	s2 =	simm.s32 @!p0 $0x1C03  }
0x1b8: {  	[timem:s3], [sflag:s2] =	dma.local @!p0 [hbm:s0], s1  }
0x1b9: {  	s0 =	simm.s32 @!p0 $0x3  }
0x1ba: {  	_ =	swait.ge @!p0 [sflag:s0], s1  }
0x1bb: {  	s1 =	ssub.s32 @!p0 $0x0, s1;
	[sflag:s0] =	ssyncset.done @!p0 $0x0  }
0x1bc: {  	[sflag:s0] =	ssyncadd.s32 @!p0 s1  }
0x1bd: {  	[bflag:$0x3] =	sbarrier.arrive $0xFFFF  }
0x1be: {  	_ =	shalt  }

</sc_bundles>
